<compile_context>
chip_gen: v7x
topology: tpu7x:2x2x1
jax: 0.10.2.dev20260603
libtpu: 0.0.44.dev20260713+nightly
codegen_flags: <defaults>
</compile_context>

<pallas_src>
import functools

import jax
import jax.numpy as jnp
from jax import lax
from jax.experimental import pallas as pl
from jax.experimental.pallas import tpu as pltpu
from jax.experimental.pallas import tpu_sc as plsc

_N = 65536
_D = 64
_NNZ = 4194304
_NC = 2
_NS = 16
_NW = _NC * _NS
_EW = _NNZ // _NW
_C = 256
_G = 128
_NCHUNK = _EW // _C

_mesh = plsc.VectorSubcoreMesh(core_axis_name="c", subcore_axis_name="s")


@functools.partial(
    pl.kernel,
    out_type=jax.ShapeDtypeStruct((_NW, 16), jnp.float32),
    mesh=_mesh,
    compiler_params=pltpu.CompilerParams(use_tc_tiling_on_sc=False),
    scratch_types=[
        pltpu.VMEM((2, _C), jnp.int32),
        pltpu.VMEM((2, _C), jnp.int32),
        pltpu.VMEM((2, _C + 16), jnp.float32),
        pltpu.VMEM((2, _C, _D), jnp.float32),
        pltpu.VMEM((2, _C, _D), jnp.float32),
        pltpu.VMEM((16,), jnp.float32),
        pltpu.SemaphoreType.DMA,
        pltpu.SemaphoreType.DMA,
        pltpu.SemaphoreType.DMA,
    ],
)
def _edge_dot_sum(x_hbm, vals_hbm, rows_hbm, cols_hbm, out_hbm,
                  idxr_v, idxc_v, vals_v, xr_v, xc_v, accv,
                  sem_i, sem_v, sem_g):
    wid = lax.axis_index("s") * _NC + lax.axis_index("c")
    ew_base = wid * _EW

    def fire_idx(g, s):
        base = ew_base + g * _C
        pltpu.async_copy(rows_hbm.at[pl.ds(base, _C)], idxr_v.at[s], sem_i)
        pltpu.async_copy(cols_hbm.at[pl.ds(base, _C)], idxc_v.at[s], sem_i)

    def wait_idx(s):
        pltpu.make_async_copy(rows_hbm.at[pl.ds(0, _C)], idxr_v.at[s],
                              sem_i).wait()
        pltpu.make_async_copy(cols_hbm.at[pl.ds(0, _C)], idxc_v.at[s],
                              sem_i).wait()

    def fire_vals(g, s):
        base = ew_base + g * _C
        pltpu.async_copy(vals_hbm.at[pl.ds(base, _C)],
                         vals_v.at[s, pl.ds(0, _C)], sem_v)

    def wait_vals(s):
        pltpu.make_async_copy(vals_hbm.at[pl.ds(0, _C)],
                              vals_v.at[s, pl.ds(0, _C)], sem_v).wait()

    def fire_gather(s):
        for h in range(_C // _G):
            sl = pl.ds(h * _G, _G)
            pltpu.async_copy(x_hbm.at[idxr_v.at[s, sl]], xr_v.at[s, sl],
                             sem_g)
            pltpu.async_copy(x_hbm.at[idxc_v.at[s, sl]], xc_v.at[s, sl],
                             sem_g)

    def wait_gather(s):
        for h in range(_C // _G):
            sl = pl.ds(h * _G, _G)
            pltpu.make_async_copy(x_hbm.at[idxr_v.at[s, sl]],
                                  xr_v.at[s, sl], sem_g).wait()
            pltpu.make_async_copy(x_hbm.at[idxc_v.at[s, sl]],
                                  xc_v.at[s, sl], sem_g).wait()

    def compute(s, acc):
        @plsc.parallel_loop(0, _C // 16, carry=acc, unroll=2)
        def group_body(gg, acc):
            acc = list(acc)
            vals16 = vals_v[s, pl.ds(gg * 16, 16)]
            dn = lax.GatherDimensionNumbers(offset_dims=(),
                                            collapsed_slice_dims=(0,),
                                            start_index_map=(0,))
            vvs = [lax.gather(vals16, jnp.full((16, 1), j, jnp.int32), dn,
                              (1,),
                              mode=lax.GatherScatterMode.PROMISE_IN_BOUNDS)
                   for j in range(16)]
            for j in range(16):
                e = gg * 16 + j
                t01 = (xr_v[s, e, pl.ds(0, 16)] * xc_v[s, e, pl.ds(0, 16)]
                       + xr_v[s, e, pl.ds(16, 16)] * xc_v[s, e, pl.ds(16, 16)])
                t23 = (xr_v[s, e, pl.ds(32, 16)] * xc_v[s, e, pl.ds(32, 16)]
                       + xr_v[s, e, pl.ds(48, 16)] * xc_v[s, e, pl.ds(48, 16)])
                acc[j % 4] = acc[j % 4] + (t01 + t23) * vvs[j]
            return tuple(acc)

        return group_body

    base0 = ew_base
    pltpu.sync_copy(rows_hbm.at[pl.ds(base0, _C)], idxr_v.at[0])
    pltpu.sync_copy(cols_hbm.at[pl.ds(base0, _C)], idxc_v.at[0])
    fire_gather(0)
    fire_idx(1, 1)
    fire_vals(0, 0)

    zero = jnp.zeros((16,), jnp.float32)

    def pair_body(gp, carry):
        glob, comp = carry
        last = gp < _NCHUNK // 2 - 1
        for sb in range(2):
            g = 2 * gp + sb
            other = 1 - sb
            if sb == 0:
                wait_idx(other)
                fire_gather(other)
            else:
                @pl.when(last)
                def _():
                    wait_idx(other)
                    fire_gather(other)
            wait_gather(sb)

            @pl.when(last)
            def _():
                fire_idx(g + 2, sb)

            if sb == 0:
                fire_vals(g + 1, other)
            else:
                @pl.when(last)
                def _():
                    fire_vals(g + 1, other)
            wait_vals(sb)
            part = compute(sb, (zero, zero, zero, zero))
            glob_n, comp_n = [], []
            for q in range(4):
                y = part[q] - comp[q]
                t = glob[q] + y
                comp_n.append((t - glob[q]) - y)
                glob_n.append(t)
            glob, comp = tuple(glob_n), tuple(comp_n)
        return (glob, comp)

    zeros4 = (zero, zero, zero, zero)
    glob, comp = lax.fori_loop(0, _NCHUNK // 2, pair_body, (zeros4, zeros4))
    accv[...] = ((glob[0] - comp[0]) + (glob[1] - comp[1])) + \
                ((glob[2] - comp[2]) + (glob[3] - comp[3]))
    pltpu.sync_copy(accv, out_hbm.at[wid])


def kernel(x, vals, rows, cols):
    part = _edge_dot_sum(x, vals, rows.astype(jnp.int32),
                         cols.astype(jnp.int32))
    return jnp.sum(part) / _NNZ

# --- scband reference (transcript-rebuilt; emitter-appended) ---
"""Pipeline reference for scband-informfor-attacker-22909355557426 (READ-ONLY COPY).

The authoritative reference and input builder live on the scoring server;
editing this copy changes nothing except your own understanding.
"""

import jax, jax.numpy as jnp
import numpy as np

N = 65536
D = 64
NNZ = 4194304  # n*n*density = 65536^2 * 0.001 (rounded to 4M-ish power-of-two)


def setup_inputs(seed: int = 0) -> dict:
    key = jax.random.key(seed)
    k1, k2, k3, k4 = jax.random.split(key, 4)
    x = jax.random.normal(k1, (N, D), dtype=jnp.float32)
    # Sparse similarity Laplacian in COO form (module state, built in __init__)
    rows = jax.random.randint(k2, (NNZ,), 0, N)
    cols = jax.random.randint(k3, (NNZ,), 0, N)
    vals = jax.random.normal(k4, (NNZ,), dtype=jnp.float32)
    return {"x": x, "vals": vals, "rows": rows, "cols": cols}


def reference(x, vals, rows, cols):
    # torch.sparse.mm(L, x): SpMM via gather (x[cols]) + scatter-add over rows
    Lx = jax.ops.segment_sum(vals[:, None] * jnp.take(x, cols, axis=0), rows, num_segments=N)
    # torch.mm(x^T, Lx) then torch.trace(.) == sum(x * Lx)
    quad = x.T @ Lx
    bias = jnp.trace(quad) / NNZ
    return bias

if __name__ == "__main__":
    import jax
    _d = setup_inputs()
    print(jax.jit(kernel)(*tuple(_d.values())))

</pallas_src>

<mosaic_0001>
#map = affine_map<(d0, d1) -> (0, 0)>
#map1 = affine_map<(d0, d1) -> (0)>
module attributes {stable_mosaic.version = 14 : i64} {
  func.func @_edge_dot_sum(%arg0: i32, %arg1: i32, %arg2: memref<65536x64xf32, #tpu.memory_space<hbm>>, %arg3: memref<4194304xf32, #tpu.memory_space<hbm>>, %arg4: memref<4194304xi32, #tpu.memory_space<hbm>>, %arg5: memref<4194304xi32, #tpu.memory_space<hbm>>, %arg6: memref<32x16xf32, #tpu.memory_space<hbm>>, %arg7: memref<2x256xi32, #tpu.memory_space<vmem>>, %arg8: memref<2x256xi32, #tpu.memory_space<vmem>>, %arg9: memref<2x272xf32, #tpu.memory_space<vmem>>, %arg10: memref<2x256x64xf32, #tpu.memory_space<vmem>>, %arg11: memref<2x256x64xf32, #tpu.memory_space<vmem>>, %arg12: memref<16xf32, #tpu.memory_space<vmem>>, %arg13: memref<!tpu.dma_semaphore, #tpu.memory_space<semaphore_mem>>, %arg14: memref<!tpu.dma_semaphore, #tpu.memory_space<semaphore_mem>>, %arg15: memref<!tpu.dma_semaphore, #tpu.memory_space<semaphore_mem>>) attributes {dimension_semantics = [#tpu.dimension_semantics<core_parallel>, #tpu.dimension_semantics<subcore_parallel>], iteration_bounds = array<i64: 2, 16>, scalar_prefetch = 0 : i64, scratch_operands = 9 : i64, tpu.core_type = #tpu.core_type<sc_vector_subcore>, window_params = [{transform_indices = #map}, {transform_indices = #map1}, {transform_indices = #map1}, {transform_indices = #map1}, {transform_indices = #map}]} {
    %mul3A = arith.constant 2 : i32
    %mul3A_0 = arith.muli %arg1, %mul3A : i32
    %add3A = arith.addi %mul3A_0, %arg0 : i32
    %mul3A_1 = arith.constant 131072 : i32
    %mul3A_2 = arith.muli %add3A, %mul3A_1 : i32
    %run_scoped3A = arith.constant 0 : i32
    "tpu.region"() ({
      %run_scoped3A_97 = tpu.sem_alloc : memref<!tpu.dma_semaphore, #tpu.memory_space<semaphore_mem>>
      %dma_start3A_98 = arith.constant 0 : i32
      %dma_start3A_99 = tpu.memref_slice %arg7[%run_scoped3A, %dma_start3A_98] : memref<2x256xi32, #tpu.memory_space<vmem>> -> memref<1x256xi32, #tpu.memory_space<vmem>>
      %dma_start3A_100 = tpu.memref_squeeze %dma_start3A_99 : memref<1x256xi32, #tpu.memory_space<vmem>> -> memref<256xi32, #tpu.memory_space<vmem>>
      %dma_start3A_101 = tpu.memref_slice %arg4[%mul3A_2] : memref<4194304xi32, #tpu.memory_space<hbm>> -> memref<256xi32, #tpu.memory_space<hbm>>
      %dma_start3A_102 = arith.constant 0 : i32
      %dma_start3A_103 = tpu.memref_slice %arg7[%run_scoped3A, %dma_start3A_102] : memref<2x256xi32, #tpu.memory_space<vmem>> -> memref<1x256xi32, #tpu.memory_space<vmem>>
      %dma_start3A_104 = tpu.memref_squeeze %dma_start3A_103 : memref<1x256xi32, #tpu.memory_space<vmem>> -> memref<256xi32, #tpu.memory_space<vmem>>
      %dma_start3A_105 = tpu.memref_slice %arg4[%mul3A_2] : memref<4194304xi32, #tpu.memory_space<hbm>> -> memref<256xi32, #tpu.memory_space<hbm>>
      tpu.enqueue_dma source(%dma_start3A_105 : memref<256xi32, #tpu.memory_space<hbm>>) target(%dma_start3A_104 : memref<256xi32, #tpu.memory_space<vmem>>) target_semaphore(%run_scoped3A_97 : memref<!tpu.dma_semaphore, #tpu.memory_space<semaphore_mem>>)
      %dma_wait3A = arith.constant 0 : i32
      %dma_wait3A_106 = tpu.memref_slice %arg7[%run_scoped3A, %dma_wait3A] : memref<2x256xi32, #tpu.memory_space<vmem>> -> memref<1x256xi32, #tpu.memory_space<vmem>>
      %dma_wait3A_107 = tpu.memref_squeeze %dma_wait3A_106 : memref<1x256xi32, #tpu.memory_space<vmem>> -> memref<256xi32, #tpu.memory_space<vmem>>
      %dma_wait3A_108 = tpu.memref_slice %arg4[%mul3A_2] : memref<4194304xi32, #tpu.memory_space<hbm>> -> memref<256xi32, #tpu.memory_space<hbm>>
      %dma_wait3A_109 = arith.constant 0 : i32
      %dma_wait3A_110 = tpu.memref_slice %arg7[%run_scoped3A, %dma_wait3A_109] : memref<2x256xi32, #tpu.memory_space<vmem>> -> memref<1x256xi32, #tpu.memory_space<vmem>>
      %dma_wait3A_111 = tpu.memref_squeeze %dma_wait3A_110 : memref<1x256xi32, #tpu.memory_space<vmem>> -> memref<256xi32, #tpu.memory_space<vmem>>
      %dma_wait3A_112 = tpu.memref_slice %arg4[%mul3A_2] : memref<4194304xi32, #tpu.memory_space<hbm>> -> memref<256xi32, #tpu.memory_space<hbm>>
      tpu.wait_dma2 semaphore(%run_scoped3A_97 : memref<!tpu.dma_semaphore, #tpu.memory_space<semaphore_mem>>) src(%dma_wait3A_112 : memref<256xi32, #tpu.memory_space<hbm>>) dst(%dma_wait3A_111 : memref<256xi32, #tpu.memory_space<vmem>>)
      tpu.yield
    }) : () -> ()
    %run_scoped3A_3 = arith.constant 0 : i32
    "tpu.region"() ({
      %run_scoped3A_97 = tpu.sem_alloc : memref<!tpu.dma_semaphore, #tpu.memory_space<semaphore_mem>>
      %dma_start3A_98 = arith.constant 0 : i32
      %dma_start3A_99 = tpu.memref_slice %arg8[%run_scoped3A_3, %dma_start3A_98] : memref<2x256xi32, #tpu.memory_space<vmem>> -> memref<1x256xi32, #tpu.memory_space<vmem>>
      %dma_start3A_100 = tpu.memref_squeeze %dma_start3A_99 : memref<1x256xi32, #tpu.memory_space<vmem>> -> memref<256xi32, #tpu.memory_space<vmem>>
      %dma_start3A_101 = tpu.memref_slice %arg5[%mul3A_2] : memref<4194304xi32, #tpu.memory_space<hbm>> -> memref<256xi32, #tpu.memory_space<hbm>>
      %dma_start3A_102 = arith.constant 0 : i32
      %dma_start3A_103 = tpu.memref_slice %arg8[%run_scoped3A_3, %dma_start3A_102] : memref<2x256xi32, #tpu.memory_space<vmem>> -> memref<1x256xi32, #tpu.memory_space<vmem>>
      %dma_start3A_104 = tpu.memref_squeeze %dma_start3A_103 : memref<1x256xi32, #tpu.memory_space<vmem>> -> memref<256xi32, #tpu.memory_space<vmem>>
      %dma_start3A_105 = tpu.memref_slice %arg5[%mul3A_2] : memref<4194304xi32, #tpu.memory_space<hbm>> -> memref<256xi32, #tpu.memory_space<hbm>>
      tpu.enqueue_dma source(%dma_start3A_105 : memref<256xi32, #tpu.memory_space<hbm>>) target(%dma_start3A_104 : memref<256xi32, #tpu.memory_space<vmem>>) target_semaphore(%run_scoped3A_97 : memref<!tpu.dma_semaphore, #tpu.memory_space<semaphore_mem>>)
      %dma_wait3A = arith.constant 0 : i32
      %dma_wait3A_106 = tpu.memref_slice %arg8[%run_scoped3A_3, %dma_wait3A] : memref<2x256xi32, #tpu.memory_space<vmem>> -> memref<1x256xi32, #tpu.memory_space<vmem>>
      %dma_wait3A_107 = tpu.memref_squeeze %dma_wait3A_106 : memref<1x256xi32, #tpu.memory_space<vmem>> -> memref<256xi32, #tpu.memory_space<vmem>>
      %dma_wait3A_108 = tpu.memref_slice %arg5[%mul3A_2] : memref<4194304xi32, #tpu.memory_space<hbm>> -> memref<256xi32, #tpu.memory_space<hbm>>
      %dma_wait3A_109 = arith.constant 0 : i32
      %dma_wait3A_110 = tpu.memref_slice %arg8[%run_scoped3A_3, %dma_wait3A_109] : memref<2x256xi32, #tpu.memory_space<vmem>> -> memref<1x256xi32, #tpu.memory_space<vmem>>
      %dma_wait3A_111 = tpu.memref_squeeze %dma_wait3A_110 : memref<1x256xi32, #tpu.memory_space<vmem>> -> memref<256xi32, #tpu.memory_space<vmem>>
      %dma_wait3A_112 = tpu.memref_slice %arg5[%mul3A_2] : memref<4194304xi32, #tpu.memory_space<hbm>> -> memref<256xi32, #tpu.memory_space<hbm>>
      tpu.wait_dma2 semaphore(%run_scoped3A_97 : memref<!tpu.dma_semaphore, #tpu.memory_space<semaphore_mem>>) src(%dma_wait3A_112 : memref<256xi32, #tpu.memory_space<hbm>>) dst(%dma_wait3A_111 : memref<256xi32, #tpu.memory_space<vmem>>)
      tpu.yield
    }) : () -> ()
    %dma_start3A = arith.constant 0 : i32
    %dma_start3A_4 = arith.constant 0 : i32
    %dma_start3A_5 = arith.constant 0 : i32
    %dma_start3A_6 = arith.constant 0 : i32
    %dma_start3A_7 = tpu.memref_slice %arg10[%dma_start3A_4, %dma_start3A_5, %dma_start3A_6] : memref<2x256x64xf32, #tpu.memory_space<vmem>> -> memref<1x128x64xf32, #tpu.memory_space<vmem>>
    %dma_start3A_8 = tpu.memref_squeeze %dma_start3A_7 : memref<1x128x64xf32, #tpu.memory_space<vmem>> -> memref<128x64xf32, #tpu.memory_space<vmem>>
    %dma_start3A_9 = arith.constant 0 : i32
    %dma_start3A_10 = tpu.memref_slice %arg7[%dma_start3A, %dma_start3A_9] : memref<2x256xi32, #tpu.memory_space<vmem>> -> memref<1x128xi32, #tpu.memory_space<vmem>>
    %dma_start3A_11 = tpu.memref_squeeze %dma_start3A_10 : memref<1x128xi32, #tpu.memory_space<vmem>> -> memref<128xi32, #tpu.memory_space<vmem>>
    %dma_start3A_12 = arith.constant 0 : i32
    %dma_start3A_13 = arith.constant 0 : i32
    %dma_start3A_14 = tpu.memref_slice %arg2[%dma_start3A_12, %dma_start3A_13] : memref<65536x64xf32, #tpu.memory_space<hbm>> -> memref<65536x64xf32, #tpu.memory_space<hbm>>
    tpu.enqueue_indirect_dma source(%dma_start3A_14 : memref<65536x64xf32, #tpu.memory_space<hbm>>) target(%dma_start3A_8 : memref<128x64xf32, #tpu.memory_space<vmem>>) offsets(%dma_start3A_11 : memref<128xi32, #tpu.memory_space<vmem>>) semaphore(%arg15 : memref<!tpu.dma_semaphore, #tpu.memory_space<semaphore_mem>>)
    %dma_start3A_15 = arith.constant 0 : i32
    %dma_start3A_16 = arith.constant 0 : i32
    %dma_start3A_17 = arith.constant 0 : i32
    %dma_start3A_18 = arith.constant 0 : i32
    %dma_start3A_19 = tpu.memref_slice %arg11[%dma_start3A_16, %dma_start3A_17, %dma_start3A_18] : memref<2x256x64xf32, #tpu.memory_space<vmem>> -> memref<1x128x64xf32, #tpu.memory_space<vmem>>
    %dma_start3A_20 = tpu.memref_squeeze %dma_start3A_19 : memref<1x128x64xf32, #tpu.memory_space<vmem>> -> memref<128x64xf32, #tpu.memory_space<vmem>>
    %dma_start3A_21 = arith.constant 0 : i32
    %dma_start3A_22 = tpu.memref_slice %arg8[%dma_start3A_15, %dma_start3A_21] : memref<2x256xi32, #tpu.memory_space<vmem>> -> memref<1x128xi32, #tpu.memory_space<vmem>>
    %dma_start3A_23 = tpu.memref_squeeze %dma_start3A_22 : memref<1x128xi32, #tpu.memory_space<vmem>> -> memref<128xi32, #tpu.memory_space<vmem>>
    %dma_start3A_24 = arith.constant 0 : i32
    %dma_start3A_25 = arith.constant 0 : i32
    %dma_start3A_26 = tpu.memref_slice %arg2[%dma_start3A_24, %dma_start3A_25] : memref<65536x64xf32, #tpu.memory_space<hbm>> -> memref<65536x64xf32, #tpu.memory_space<hbm>>
    tpu.enqueue_indirect_dma source(%dma_start3A_26 : memref<65536x64xf32, #tpu.memory_space<hbm>>) target(%dma_start3A_20 : memref<128x64xf32, #tpu.memory_space<vmem>>) offsets(%dma_start3A_23 : memref<128xi32, #tpu.memory_space<vmem>>) semaphore(%arg15 : memref<!tpu.dma_semaphore, #tpu.memory_space<semaphore_mem>>)
    %dma_start3A_27 = arith.constant 0 : i32
    %dma_start3A_28 = arith.constant 0 : i32
    %dma_start3A_29 = arith.constant 128 : i32
    %dma_start3A_30 = arith.constant 0 : i32
    %dma_start3A_31 = tpu.memref_slice %arg10[%dma_start3A_28, %dma_start3A_29, %dma_start3A_30] : memref<2x256x64xf32, #tpu.memory_space<vmem>> -> memref<1x128x64xf32, #tpu.memory_space<vmem>>
    %dma_start3A_32 = tpu.memref_squeeze %dma_start3A_31 : memref<1x128x64xf32, #tpu.memory_space<vmem>> -> memref<128x64xf32, #tpu.memory_space<vmem>>
    %dma_start3A_33 = arith.constant 128 : i32
    %dma_start3A_34 = tpu.memref_slice %arg7[%dma_start3A_27, %dma_start3A_33] : memref<2x256xi32, #tpu.memory_space<vmem>> -> memref<1x128xi32, #tpu.memory_space<vmem>>
    %dma_start3A_35 = tpu.memref_squeeze %dma_start3A_34 : memref<1x128xi32, #tpu.memory_space<vmem>> -> memref<128xi32, #tpu.memory_space<vmem>>
    %dma_start3A_36 = arith.constant 0 : i32
    %dma_start3A_37 = arith.constant 0 : i32
    %dma_start3A_38 = tpu.memref_slice %arg2[%dma_start3A_36, %dma_start3A_37] : memref<65536x64xf32, #tpu.memory_space<hbm>> -> memref<65536x64xf32, #tpu.memory_space<hbm>>
    tpu.enqueue_indirect_dma source(%dma_start3A_38 : memref<65536x64xf32, #tpu.memory_space<hbm>>) target(%dma_start3A_32 : memref<128x64xf32, #tpu.memory_space<vmem>>) offsets(%dma_start3A_35 : memref<128xi32, #tpu.memory_space<vmem>>) semaphore(%arg15 : memref<!tpu.dma_semaphore, #tpu.memory_space<semaphore_mem>>)
    %dma_start3A_39 = arith.constant 0 : i32
    %dma_start3A_40 = arith.constant 0 : i32
    %dma_start3A_41 = arith.constant 128 : i32
    %dma_start3A_42 = arith.constant 0 : i32
    %dma_start3A_43 = tpu.memref_slice %arg11[%dma_start3A_40, %dma_start3A_41, %dma_start3A_42] : memref<2x256x64xf32, #tpu.memory_space<vmem>> -> memref<1x128x64xf32, #tpu.memory_space<vmem>>
    %dma_start3A_44 = tpu.memref_squeeze %dma_start3A_43 : memref<1x128x64xf32, #tpu.memory_space<vmem>> -> memref<128x64xf32, #tpu.memory_space<vmem>>
    %dma_start3A_45 = arith.constant 128 : i32
    %dma_start3A_46 = tpu.memref_slice %arg8[%dma_start3A_39, %dma_start3A_45] : memref<2x256xi32, #tpu.memory_space<vmem>> -> memref<1x128xi32, #tpu.memory_space<vmem>>
    %dma_start3A_47 = tpu.memref_squeeze %dma_start3A_46 : memref<1x128xi32, #tpu.memory_space<vmem>> -> memref<128xi32, #tpu.memory_space<vmem>>
    %dma_start3A_48 = arith.constant 0 : i32
    %dma_start3A_49 = arith.constant 0 : i32
    %dma_start3A_50 = tpu.memref_slice %arg2[%dma_start3A_48, %dma_start3A_49] : memref<65536x64xf32, #tpu.memory_space<hbm>> -> memref<65536x64xf32, #tpu.memory_space<hbm>>
    tpu.enqueue_indirect_dma source(%dma_start3A_50 : memref<65536x64xf32, #tpu.memory_space<hbm>>) target(%dma_start3A_44 : memref<128x64xf32, #tpu.memory_space<vmem>>) offsets(%dma_start3A_47 : memref<128xi32, #tpu.memory_space<vmem>>) semaphore(%arg15 : memref<!tpu.dma_semaphore, #tpu.memory_space<semaphore_mem>>)
    %add3A_51 = arith.constant 256 : i32
    %add3A_52 = arith.addi %mul3A_2, %add3A_51 : i32
    %dma_start3A_53 = arith.constant 1 : i32
    %dma_start3A_54 = arith.constant 0 : i32
    %dma_start3A_55 = tpu.memref_slice %arg7[%dma_start3A_53, %dma_start3A_54] : memref<2x256xi32, #tpu.memory_space<vmem>> -> memref<1x256xi32, #tpu.memory_space<vmem>>
    %dma_start3A_56 = tpu.memref_squeeze %dma_start3A_55 : memref<1x256xi32, #tpu.memory_space<vmem>> -> memref<256xi32, #tpu.memory_space<vmem>>
    %dma_start3A_57 = tpu.memref_slice %arg4[%add3A_52] : memref<4194304xi32, #tpu.memory_space<hbm>> -> memref<256xi32, #tpu.memory_space<hbm>>
    %dma_start3A_58 = arith.constant 0 : i32
    %dma_start3A_59 = tpu.memref_slice %arg7[%dma_start3A_53, %dma_start3A_58] : memref<2x256xi32, #tpu.memory_space<vmem>> -> memref<1x256xi32, #tpu.memory_space<vmem>>
    %dma_start3A_60 = tpu.memref_squeeze %dma_start3A_59 : memref<1x256xi32, #tpu.memory_space<vmem>> -> memref<256xi32, #tpu.memory_space<vmem>>
    %dma_start3A_61 = tpu.memref_slice %arg4[%add3A_52] : memref<4194304xi32, #tpu.memory_space<hbm>> -> memref<256xi32, #tpu.memory_space<hbm>>
    tpu.enqueue_dma source(%dma_start3A_61 : memref<256xi32, #tpu.memory_space<hbm>>) target(%dma_start3A_60 : memref<256xi32, #tpu.memory_space<vmem>>) target_semaphore(%arg13 : memref<!tpu.dma_semaphore, #tpu.memory_space<semaphore_mem>>)
    %dma_start3A_62 = arith.constant 1 : i32
    %dma_start3A_63 = arith.constant 0 : i32
    %dma_start3A_64 = tpu.memref_slice %arg8[%dma_start3A_62, %dma_start3A_63] : memref<2x256xi32, #tpu.memory_space<vmem>> -> memref<1x256xi32, #tpu.memory_space<vmem>>
    %dma_start3A_65 = tpu.memref_squeeze %dma_start3A_64 : memref<1x256xi32, #tpu.memory_space<vmem>> -> memref<256xi32, #tpu.memory_space<vmem>>
    %dma_start3A_66 = tpu.memref_slice %arg5[%add3A_52] : memref<4194304xi32, #tpu.memory_space<hbm>> -> memref<256xi32, #tpu.memory_space<hbm>>
    %dma_start3A_67 = arith.constant 0 : i32
    %dma_start3A_68 = tpu.memref_slice %arg8[%dma_start3A_62, %dma_start3A_67] : memref<2x256xi32, #tpu.memory_space<vmem>> -> memref<1x256xi32, #tpu.memory_space<vmem>>
    %dma_start3A_69 = tpu.memref_squeeze %dma_start3A_68 : memref<1x256xi32, #tpu.memory_space<vmem>> -> memref<256xi32, #tpu.memory_space<vmem>>
    %dma_start3A_70 = tpu.memref_slice %arg5[%add3A_52] : memref<4194304xi32, #tpu.memory_space<hbm>> -> memref<256xi32, #tpu.memory_space<hbm>>
    tpu.enqueue_dma source(%dma_start3A_70 : memref<256xi32, #tpu.memory_space<hbm>>) target(%dma_start3A_69 : memref<256xi32, #tpu.memory_space<vmem>>) target_semaphore(%arg13 : memref<!tpu.dma_semaphore, #tpu.memory_space<semaphore_mem>>)
    %add3A_71 = arith.constant 0 : i32
    %add3A_72 = arith.addi %mul3A_2, %add3A_71 : i32
    %dma_start3A_73 = arith.constant 0 : i32
    %dma_start3A_74 = arith.constant 0 : i32
    %dma_start3A_75 = tpu.memref_slice %arg9[%dma_start3A_73, %dma_start3A_74] : memref<2x272xf32, #tpu.memory_space<vmem>> -> memref<1x256xf32, #tpu.memory_space<vmem>>
    %dma_start3A_76 = tpu.memref_squeeze %dma_start3A_75 : memref<1x256xf32, #tpu.memory_space<vmem>> -> memref<256xf32, #tpu.memory_space<vmem>>
    %dma_start3A_77 = tpu.memref_slice %arg3[%add3A_72] : memref<4194304xf32, #tpu.memory_space<hbm>> -> memref<256xf32, #tpu.memory_space<hbm>>
    %dma_start3A_78 = arith.constant 0 : i32
    %dma_start3A_79 = tpu.memref_slice %arg9[%dma_start3A_73, %dma_start3A_78] : memref<2x272xf32, #tpu.memory_space<vmem>> -> memref<1x256xf32, #tpu.memory_space<vmem>>
    %dma_start3A_80 = tpu.memref_squeeze %dma_start3A_79 : memref<1x256xf32, #tpu.memory_space<vmem>> -> memref<256xf32, #tpu.memory_space<vmem>>
    %dma_start3A_81 = tpu.memref_slice %arg3[%add3A_72] : memref<4194304xf32, #tpu.memory_space<hbm>> -> memref<256xf32, #tpu.memory_space<hbm>>
    tpu.enqueue_dma source(%dma_start3A_81 : memref<256xf32, #tpu.memory_space<hbm>>) target(%dma_start3A_80 : memref<256xf32, #tpu.memory_space<vmem>>) target_semaphore(%arg14 : memref<!tpu.dma_semaphore, #tpu.memory_space<semaphore_mem>>)
    %broadcast_in_dim3A = arith.constant 0.000000e+00 : f32
    %broadcast_in_dim3A_82 = vector.broadcast %broadcast_in_dim3A : f32 to vector<16xf32>
    %scan3A = arith.constant 0 : i32
    %scan3A_83 = arith.constant 256 : i32
    %scan3A_84 = arith.addi %scan3A, %scan3A_83 : i32
    %scan3A_85 = arith.constant 1 : i32
    %scan3A_86:8 = scf.for %scan3A_97 = %scan3A to %scan3A_84 step %scan3A_85 iter_args(%scan3A_98 = %broadcast_in_dim3A_82, %scan3A_99 = %broadcast_in_dim3A_82, %scan3A_100 = %broadcast_in_dim3A_82, %scan3A_101 = %broadcast_in_dim3A_82, %scan3A_102 = %broadcast_in_dim3A_82, %scan3A_103 = %broadcast_in_dim3A_82, %scan3A_104 = %broadcast_in_dim3A_82, %scan3A_105 = %broadcast_in_dim3A_82) -> (vector<16xf32>, vector<16xf32>, vector<16xf32>, vector<16xf32>, vector<16xf32>, vector<16xf32>, vector<16xf32>, vector<16xf32>)  : i32 {
      %lt3A = arith.constant 255 : i32
      %lt3A_106 = arith.cmpi slt, %scan3A_97, %lt3A : i32
      %mul3A_107 = arith.constant 2 : i32
      %mul3A_108 = arith.muli %mul3A_107, %scan3A_97 : i32
      %add3A_109 = arith.constant 0 : i32
      %add3A_110 = arith.addi %mul3A_108, %add3A_109 : i32
      %dma_wait3A = arith.constant 1 : i32
      %dma_wait3A_111 = arith.constant 0 : i32
      %dma_wait3A_112 = tpu.memref_slice %arg7[%dma_wait3A, %dma_wait3A_111] : memref<2x256xi32, #tpu.memory_space<vmem>> -> memref<1x256xi32, #tpu.memory_space<vmem>>
      %dma_wait3A_113 = tpu.memref_squeeze %dma_wait3A_112 : memref<1x256xi32, #tpu.memory_space<vmem>> -> memref<256xi32, #tpu.memory_space<vmem>>
      %dma_wait3A_114 = arith.constant 0 : i32
      %dma_wait3A_115 = tpu.memref_slice %arg4[%dma_wait3A_114] : memref<4194304xi32, #tpu.memory_space<hbm>> -> memref<256xi32, #tpu.memory_space<hbm>>
      %dma_wait3A_116 = arith.constant 0 : i32
      %dma_wait3A_117 = tpu.memref_slice %arg7[%dma_wait3A, %dma_wait3A_116] : memref<2x256xi32, #tpu.memory_space<vmem>> -> memref<1x256xi32, #tpu.memory_space<vmem>>
      %dma_wait3A_118 = tpu.memref_squeeze %dma_wait3A_117 : memref<1x256xi32, #tpu.memory_space<vmem>> -> memref<256xi32, #tpu.memory_space<vmem>>
      %dma_wait3A_119 = arith.constant 0 : i32
      %dma_wait3A_120 = tpu.memref_slice %arg4[%dma_wait3A_119] : memref<4194304xi32, #tpu.memory_space<hbm>> -> memref<256xi32, #tpu.memory_space<hbm>>
      tpu.wait_dma2 semaphore(%arg13 : memref<!tpu.dma_semaphore, #tpu.memory_space<semaphore_mem>>) src(%dma_wait3A_120 : memref<256xi32, #tpu.memory_space<hbm>>) dst(%dma_wait3A_118 : memref<256xi32, #tpu.memory_space<vmem>>)
      %dma_wait3A_121 = arith.constant 1 : i32
      %dma_wait3A_122 = arith.constant 0 : i32
      %dma_wait3A_123 = tpu.memref_slice %arg8[%dma_wait3A_121, %dma_wait3A_122] : memref<2x256xi32, #tpu.memory_space<vmem>> -> memref<1x256xi32, #tpu.memory_space<vmem>>
      %dma_wait3A_124 = tpu.memref_squeeze %dma_wait3A_123 : memref<1x256xi32, #tpu.memory_space<vmem>> -> memref<256xi32, #tpu.memory_space<vmem>>
      %dma_wait3A_125 = arith.constant 0 : i32
      %dma_wait3A_126 = tpu.memref_slice %arg5[%dma_wait3A_125] : memref<4194304xi32, #tpu.memory_space<hbm>> -> memref<256xi32, #tpu.memory_space<hbm>>
      %dma_wait3A_127 = arith.constant 0 : i32
      %dma_wait3A_128 = tpu.memref_slice %arg8[%dma_wait3A_121, %dma_wait3A_127] : memref<2x256xi32, #tpu.memory_space<vmem>> -> memref<1x256xi32, #tpu.memory_space<vmem>>
      %dma_wait3A_129 = tpu.memref_squeeze %dma_wait3A_128 : memref<1x256xi32, #tpu.memory_space<vmem>> -> memref<256xi32, #tpu.memory_space<vmem>>
      %dma_wait3A_130 = arith.constant 0 : i32
      %dma_wait3A_131 = tpu.memref_slice %arg5[%dma_wait3A_130] : memref<4194304xi32, #tpu.memory_space<hbm>> -> memref<256xi32, #tpu.memory_space<hbm>>
      tpu.wait_dma2 semaphore(%arg13 : memref<!tpu.dma_semaphore, #tpu.memory_space<semaphore_mem>>) src(%dma_wait3A_131 : memref<256xi32, #tpu.memory_space<hbm>>) dst(%dma_wait3A_129 : memref<256xi32, #tpu.memory_space<vmem>>)
      %dma_start3A_132 = arith.constant 1 : i32
      %dma_start3A_133 = arith.constant 1 : i32
      %dma_start3A_134 = arith.constant 0 : i32
      %dma_start3A_135 = arith.constant 0 : i32
      %dma_start3A_136 = tpu.memref_slice %arg10[%dma_start3A_133, %dma_start3A_134, %dma_start3A_135] : memref<2x256x64xf32, #tpu.memory_space<vmem>> -> memref<1x128x64xf32, #tpu.memory_space<vmem>>
      %dma_start3A_137 = tpu.memref_squeeze %dma_start3A_136 : memref<1x128x64xf32, #tpu.memory_space<vmem>> -> memref<128x64xf32, #tpu.memory_space<vmem>>
      %dma_start3A_138 = arith.constant 0 : i32
      %dma_start3A_139 = tpu.memref_slice %arg7[%dma_start3A_132, %dma_start3A_138] : memref<2x256xi32, #tpu.memory_space<vmem>> -> memref<1x128xi32, #tpu.memory_space<vmem>>
      %dma_start3A_140 = tpu.memref_squeeze %dma_start3A_139 : memref<1x128xi32, #tpu.memory_space<vmem>> -> memref<128xi32, #tpu.memory_space<vmem>>
      %dma_start3A_141 = arith.constant 0 : i32
      %dma_start3A_142 = arith.constant 0 : i32
      %dma_start3A_143 = tpu.memref_slice %arg2[%dma_start3A_141, %dma_start3A_142] : memref<65536x64xf32, #tpu.memory_space<hbm>> -> memref<65536x64xf32, #tpu.memory_space<hbm>>
      tpu.enqueue_indirect_dma source(%dma_start3A_143 : memref<65536x64xf32, #tpu.memory_space<hbm>>) target(%dma_start3A_137 : memref<128x64xf32, #tpu.memory_space<vmem>>) offsets(%dma_start3A_140 : memref<128xi32, #tpu.memory_space<vmem>>) semaphore(%arg15 : memref<!tpu.dma_semaphore, #tpu.memory_space<semaphore_mem>>)
      %dma_start3A_144 = arith.constant 1 : i32
      %dma_start3A_145 = arith.constant 1 : i32
      %dma_start3A_146 = arith.constant 0 : i32
      %dma_start3A_147 = arith.constant 0 : i32
      %dma_start3A_148 = tpu.memref_slice %arg11[%dma_start3A_145, %dma_start3A_146, %dma_start3A_147] : memref<2x256x64xf32, #tpu.memory_space<vmem>> -> memref<1x128x64xf32, #tpu.memory_space<vmem>>
      %dma_start3A_149 = tpu.memref_squeeze %dma_start3A_148 : memref<1x128x64xf32, #tpu.memory_space<vmem>> -> memref<128x64xf32, #tpu.memory_space<vmem>>
      %dma_start3A_150 = arith.constant 0 : i32
      %dma_start3A_151 = tpu.memref_slice %arg8[%dma_start3A_144, %dma_start3A_150] : memref<2x256xi32, #tpu.memory_space<vmem>> -> memref<1x128xi32, #tpu.memory_space<vmem>>
      %dma_start3A_152 = tpu.memref_squeeze %dma_start3A_151 : memref<1x128xi32, #tpu.memory_space<vmem>> -> memref<128xi32, #tpu.memory_space<vmem>>
      %dma_start3A_153 = arith.constant 0 : i32
      %dma_start3A_154 = arith.constant 0 : i32
      %dma_start3A_155 = tpu.memref_slice %arg2[%dma_start3A_153, %dma_start3A_154] : memref<65536x64xf32, #tpu.memory_space<hbm>> -> memref<65536x64xf32, #tpu.memory_space<hbm>>
      tpu.enqueue_indirect_dma source(%dma_start3A_155 : memref<65536x64xf32, #tpu.memory_space<hbm>>) target(%dma_start3A_149 : memref<128x64xf32, #tpu.memory_space<vmem>>) offsets(%dma_start3A_152 : memref<128xi32, #tpu.memory_space<vmem>>) semaphore(%arg15 : memref<!tpu.dma_semaphore, #tpu.memory_space<semaphore_mem>>)
      %dma_start3A_156 = arith.constant 1 : i32
      %dma_start3A_157 = arith.constant 1 : i32
      %dma_start3A_158 = arith.constant 128 : i32
      %dma_start3A_159 = arith.constant 0 : i32
      %dma_start3A_160 = tpu.memref_slice %arg10[%dma_start3A_157, %dma_start3A_158, %dma_start3A_159] : memref<2x256x64xf32, #tpu.memory_space<vmem>> -> memref<1x128x64xf32, #tpu.memory_space<vmem>>
      %dma_start3A_161 = tpu.memref_squeeze %dma_start3A_160 : memref<1x128x64xf32, #tpu.memory_space<vmem>> -> memref<128x64xf32, #tpu.memory_space<vmem>>
      %dma_start3A_162 = arith.constant 128 : i32
      %dma_start3A_163 = tpu.memref_slice %arg7[%dma_start3A_156, %dma_start3A_162] : memref<2x256xi32, #tpu.memory_space<vmem>> -> memref<1x128xi32, #tpu.memory_space<vmem>>
      %dma_start3A_164 = tpu.memref_squeeze %dma_start3A_163 : memref<1x128xi32, #tpu.memory_space<vmem>> -> memref<128xi32, #tpu.memory_space<vmem>>
      %dma_start3A_165 = arith.constant 0 : i32
      %dma_start3A_166 = arith.constant 0 : i32
      %dma_start3A_167 = tpu.memref_slice %arg2[%dma_start3A_165, %dma_start3A_166] : memref<65536x64xf32, #tpu.memory_space<hbm>> -> memref<65536x64xf32, #tpu.memory_space<hbm>>
      tpu.enqueue_indirect_dma source(%dma_start3A_167 : memref<65536x64xf32, #tpu.memory_space<hbm>>) target(%dma_start3A_161 : memref<128x64xf32, #tpu.memory_space<vmem>>) offsets(%dma_start3A_164 : memref<128xi32, #tpu.memory_space<vmem>>) semaphore(%arg15 : memref<!tpu.dma_semaphore, #tpu.memory_space<semaphore_mem>>)
      %dma_start3A_168 = arith.constant 1 : i32
      %dma_start3A_169 = arith.constant 1 : i32
      %dma_start3A_170 = arith.constant 128 : i32
      %dma_start3A_171 = arith.constant 0 : i32
      %dma_start3A_172 = tpu.memref_slice %arg11[%dma_start3A_169, %dma_start3A_170, %dma_start3A_171] : memref<2x256x64xf32, #tpu.memory_space<vmem>> -> memref<1x128x64xf32, #tpu.memory_space<vmem>>
      %dma_start3A_173 = tpu.memref_squeeze %dma_start3A_172 : memref<1x128x64xf32, #tpu.memory_space<vmem>> -> memref<128x64xf32, #tpu.memory_space<vmem>>
      %dma_start3A_174 = arith.constant 128 : i32
      %dma_start3A_175 = tpu.memref_slice %arg8[%dma_start3A_168, %dma_start3A_174] : memref<2x256xi32, #tpu.memory_space<vmem>> -> memref<1x128xi32, #tpu.memory_space<vmem>>
      %dma_start3A_176 = tpu.memref_squeeze %dma_start3A_175 : memref<1x128xi32, #tpu.memory_space<vmem>> -> memref<128xi32, #tpu.memory_space<vmem>>
      %dma_start3A_177 = arith.constant 0 : i32
      %dma_start3A_178 = arith.constant 0 : i32
      %dma_start3A_179 = tpu.memref_slice %arg2[%dma_start3A_177, %dma_start3A_178] : memref<65536x64xf32, #tpu.memory_space<hbm>> -> memref<65536x64xf32, #tpu.memory_space<hbm>>
      tpu.enqueue_indirect_dma source(%dma_start3A_179 : memref<65536x64xf32, #tpu.memory_space<hbm>>) target(%dma_start3A_173 : memref<128x64xf32, #tpu.memory_space<vmem>>) offsets(%dma_start3A_176 : memref<128xi32, #tpu.memory_space<vmem>>) semaphore(%arg15 : memref<!tpu.dma_semaphore, #tpu.memory_space<semaphore_mem>>)
      %dma_wait3A_180 = arith.constant 0 : i32
      %dma_wait3A_181 = arith.constant 0 : i32
      %dma_wait3A_182 = arith.constant 0 : i32
      %dma_wait3A_183 = arith.constant 0 : i32
      %dma_wait3A_184 = tpu.memref_slice %arg10[%dma_wait3A_181, %dma_wait3A_182, %dma_wait3A_183] : memref<2x256x64xf32, #tpu.memory_space<vmem>> -> memref<1x128x64xf32, #tpu.memory_space<vmem>>
      %dma_wait3A_185 = tpu.memref_squeeze %dma_wait3A_184 : memref<1x128x64xf32, #tpu.memory_space<vmem>> -> memref<128x64xf32, #tpu.memory_space<vmem>>
      %dma_wait3A_186 = arith.constant 0 : i32
      %dma_wait3A_187 = tpu.memref_slice %arg7[%dma_wait3A_180, %dma_wait3A_186] : memref<2x256xi32, #tpu.memory_space<vmem>> -> memref<1x128xi32, #tpu.memory_space<vmem>>
      %dma_wait3A_188 = tpu.memref_squeeze %dma_wait3A_187 : memref<1x128xi32, #tpu.memory_space<vmem>> -> memref<128xi32, #tpu.memory_space<vmem>>
      %dma_wait3A_189 = arith.constant 0 : i32
      %dma_wait3A_190 = arith.constant 0 : i32
      %dma_wait3A_191 = tpu.memref_slice %arg2[%dma_wait3A_189, %dma_wait3A_190] : memref<65536x64xf32, #tpu.memory_space<hbm>> -> memref<65536x64xf32, #tpu.memory_space<hbm>>
      tpu.wait_indirect_dma semaphore(%arg15 : memref<!tpu.dma_semaphore, #tpu.memory_space<semaphore_mem>>) src(%dma_wait3A_191 : memref<65536x64xf32, #tpu.memory_space<hbm>>) dst(%dma_wait3A_185 : memref<128x64xf32, #tpu.memory_space<vmem>>)
      %dma_wait3A_192 = arith.constant 0 : i32
      %dma_wait3A_193 = arith.constant 0 : i32
      %dma_wait3A_194 = arith.constant 0 : i32
      %dma_wait3A_195 = arith.constant 0 : i32
      %dma_wait3A_196 = tpu.memref_slice %arg11[%dma_wait3A_193, %dma_wait3A_194, %dma_wait3A_195] : memref<2x256x64xf32, #tpu.memory_space<vmem>> -> memref<1x128x64xf32, #tpu.memory_space<vmem>>
      %dma_wait3A_197 = tpu.memref_squeeze %dma_wait3A_196 : memref<1x128x64xf32, #tpu.memory_space<vmem>> -> memref<128x64xf32, #tpu.memory_space<vmem>>
      %dma_wait3A_198 = arith.constant 0 : i32
      %dma_wait3A_199 = tpu.memref_slice %arg8[%dma_wait3A_192, %dma_wait3A_198] : memref<2x256xi32, #tpu.memory_space<vmem>> -> memref<1x128xi32, #tpu.memory_space<vmem>>
      %dma_wait3A_200 = tpu.memref_squeeze %dma_wait3A_199 : memref<1x128xi32, #tpu.memory_space<vmem>> -> memref<128xi32, #tpu.memory_space<vmem>>
      %dma_wait3A_201 = arith.constant 0 : i32
      %dma_wait3A_202 = arith.constant 0 : i32
      %dma_wait3A_203 = tpu.memref_slice %arg2[%dma_wait3A_201, %dma_wait3A_202] : memref<65536x64xf32, #tpu.memory_space<hbm>> -> memref<65536x64xf32, #tpu.memory_space<hbm>>
      tpu.wait_indirect_dma semaphore(%arg15 : memref<!tpu.dma_semaphore, #tpu.memory_space<semaphore_mem>>) src(%dma_wait3A_203 : memref<65536x64xf32, #tpu.memory_space<hbm>>) dst(%dma_wait3A_197 : memref<128x64xf32, #tpu.memory_space<vmem>>)
      %dma_wait3A_204 = arith.constant 0 : i32
      %dma_wait3A_205 = arith.constant 0 : i32
      %dma_wait3A_206 = arith.constant 128 : i32
      %dma_wait3A_207 = arith.constant 0 : i32
      %dma_wait3A_208 = tpu.memref_slice %arg10[%dma_wait3A_205, %dma_wait3A_206, %dma_wait3A_207] : memref<2x256x64xf32, #tpu.memory_space<vmem>> -> memref<1x128x64xf32, #tpu.memory_space<vmem>>
      %dma_wait3A_209 = tpu.memref_squeeze %dma_wait3A_208 : memref<1x128x64xf32, #tpu.memory_space<vmem>> -> memref<128x64xf32, #tpu.memory_space<vmem>>
      %dma_wait3A_210 = arith.constant 128 : i32
      %dma_wait3A_211 = tpu.memref_slice %arg7[%dma_wait3A_204, %dma_wait3A_210] : memref<2x256xi32, #tpu.memory_space<vmem>> -> memref<1x128xi32, #tpu.memory_space<vmem>>
      %dma_wait3A_212 = tpu.memref_squeeze %dma_wait3A_211 : memref<1x128xi32, #tpu.memory_space<vmem>> -> memref<128xi32, #tpu.memory_space<vmem>>
      %dma_wait3A_213 = arith.constant 0 : i32
      %dma_wait3A_214 = arith.constant 0 : i32
      %dma_wait3A_215 = tpu.memref_slice %arg2[%dma_wait3A_213, %dma_wait3A_214] : memref<65536x64xf32, #tpu.memory_space<hbm>> -> memref<65536x64xf32, #tpu.memory_space<hbm>>
      tpu.wait_indirect_dma semaphore(%arg15 : memref<!tpu.dma_semaphore, #tpu.memory_space<semaphore_mem>>) src(%dma_wait3A_215 : memref<65536x64xf32, #tpu.memory_space<hbm>>) dst(%dma_wait3A_209 : memref<128x64xf32, #tpu.memory_space<vmem>>)
      %dma_wait3A_216 = arith.constant 0 : i32
      %dma_wait3A_217 = arith.constant 0 : i32
      %dma_wait3A_218 = arith.constant 128 : i32
      %dma_wait3A_219 = arith.constant 0 : i32
      %dma_wait3A_220 = tpu.memref_slice %arg11[%dma_wait3A_217, %dma_wait3A_218, %dma_wait3A_219] : memref<2x256x64xf32, #tpu.memory_space<vmem>> -> memref<1x128x64xf32, #tpu.memory_space<vmem>>
      %dma_wait3A_221 = tpu.memref_squeeze %dma_wait3A_220 : memref<1x128x64xf32, #tpu.memory_space<vmem>> -> memref<128x64xf32, #tpu.memory_space<vmem>>
      %dma_wait3A_222 = arith.constant 128 : i32
      %dma_wait3A_223 = tpu.memref_slice %arg8[%dma_wait3A_216, %dma_wait3A_222] : memref<2x256xi32, #tpu.memory_space<vmem>> -> memref<1x128xi32, #tpu.memory_space<vmem>>
      %dma_wait3A_224 = tpu.memref_squeeze %dma_wait3A_223 : memref<1x128xi32, #tpu.memory_space<vmem>> -> memref<128xi32, #tpu.memory_space<vmem>>
      %dma_wait3A_225 = arith.constant 0 : i32
      %dma_wait3A_226 = arith.constant 0 : i32
      %dma_wait3A_227 = tpu.memref_slice %arg2[%dma_wait3A_225, %dma_wait3A_226] : memref<65536x64xf32, #tpu.memory_space<hbm>> -> memref<65536x64xf32, #tpu.memory_space<hbm>>
      tpu.wait_indirect_dma semaphore(%arg15 : memref<!tpu.dma_semaphore, #tpu.memory_space<semaphore_mem>>) src(%dma_wait3A_227 : memref<65536x64xf32, #tpu.memory_space<hbm>>) dst(%dma_wait3A_221 : memref<128x64xf32, #tpu.memory_space<vmem>>)
      %convert_element_type3A = arith.extui %lt3A_106 : i1 to i32
      %cond3A = arith.constant 0 : i32
      %cond3A_228 = arith.cmpi ne, %convert_element_type3A, %cond3A : i32
      scf.if %cond3A_228 {
        %add3A_365 = arith.constant 2 : i32
        %add3A_366 = arith.addi %add3A_110, %add3A_365 : i32
        %mul3A_367 = arith.constant 256 : i32
        %mul3A_368 = arith.muli %add3A_366, %mul3A_367 : i32
        %add3A_369 = arith.addi %mul3A_2, %mul3A_368 : i32
        %dma_start3A_370 = arith.constant 0 : i32
        %dma_start3A_371 = arith.constant 0 : i32
        %dma_start3A_372 = tpu.memref_slice %arg7[%dma_start3A_370, %dma_start3A_371] : memref<2x256xi32, #tpu.memory_space<vmem>> -> memref<1x256xi32, #tpu.memory_space<vmem>>
        %dma_start3A_373 = tpu.memref_squeeze %dma_start3A_372 : memref<1x256xi32, #tpu.memory_space<vmem>> -> memref<256xi32, #tpu.memory_space<vmem>>
        %dma_start3A_374 = tpu.memref_slice %arg4[%add3A_369] : memref<4194304xi32, #tpu.memory_space<hbm>> -> memref<256xi32, #tpu.memory_space<hbm>>
        %dma_start3A_375 = arith.constant 0 : i32
        %dma_start3A_376 = tpu.memref_slice %arg7[%dma_start3A_370, %dma_start3A_375] : memref<2x256xi32, #tpu.memory_space<vmem>> -> memref<1x256xi32, #tpu.memory_space<vmem>>
        %dma_start3A_377 = tpu.memref_squeeze %dma_start3A_376 : memref<1x256xi32, #tpu.memory_space<vmem>> -> memref<256xi32, #tpu.memory_space<vmem>>
        %dma_start3A_378 = tpu.memref_slice %arg4[%add3A_369] : memref<4194304xi32, #tpu.memory_space<hbm>> -> memref<256xi32, #tpu.memory_space<hbm>>
        tpu.enqueue_dma source(%dma_start3A_378 : memref<256xi32, #tpu.memory_space<hbm>>) target(%dma_start3A_377 : memref<256xi32, #tpu.memory_space<vmem>>) target_semaphore(%arg13 : memref<!tpu.dma_semaphore, #tpu.memory_space<semaphore_mem>>)
        %dma_start3A_379 = arith.constant 0 : i32
        %dma_start3A_380 = arith.constant 0 : i32
        %dma_start3A_381 = tpu.memref_slice %arg8[%dma_start3A_379, %dma_start3A_380] : memref<2x256xi32, #tpu.memory_space<vmem>> -> memref<1x256xi32, #tpu.memory_space<vmem>>
        %dma_start3A_382 = tpu.memref_squeeze %dma_start3A_381 : memref<1x256xi32, #tpu.memory_space<vmem>> -> memref<256xi32, #tpu.memory_space<vmem>>
        %dma_start3A_383 = tpu.memref_slice %arg5[%add3A_369] : memref<4194304xi32, #tpu.memory_space<hbm>> -> memref<256xi32, #tpu.memory_space<hbm>>
        %dma_start3A_384 = arith.constant 0 : i32
        %dma_start3A_385 = tpu.memref_slice %arg8[%dma_start3A_379, %dma_start3A_384] : memref<2x256xi32, #tpu.memory_space<vmem>> -> memref<1x256xi32, #tpu.memory_space<vmem>>
        %dma_start3A_386 = tpu.memref_squeeze %dma_start3A_385 : memref<1x256xi32, #tpu.memory_space<vmem>> -> memref<256xi32, #tpu.memory_space<vmem>>
        %dma_start3A_387 = tpu.memref_slice %arg5[%add3A_369] : memref<4194304xi32, #tpu.memory_space<hbm>> -> memref<256xi32, #tpu.memory_space<hbm>>
        tpu.enqueue_dma source(%dma_start3A_387 : memref<256xi32, #tpu.memory_space<hbm>>) target(%dma_start3A_386 : memref<256xi32, #tpu.memory_space<vmem>>) target_semaphore(%arg13 : memref<!tpu.dma_semaphore, #tpu.memory_space<semaphore_mem>>)
      } else {
      }
      %add3A_229 = arith.constant 1 : i32
      %add3A_230 = arith.addi %add3A_110, %add3A_229 : i32
      %mul3A_231 = arith.constant 256 : i32
      %mul3A_232 = arith.muli %add3A_230, %mul3A_231 : i32
      %add3A_233 = arith.addi %mul3A_2, %mul3A_232 : i32
      %dma_start3A_234 = arith.constant 1 : i32
      %dma_start3A_235 = arith.constant 0 : i32
      %dma_start3A_236 = tpu.memref_slice %arg9[%dma_start3A_234, %dma_start3A_235] : memref<2x272xf32, #tpu.memory_space<vmem>> -> memref<1x256xf32, #tpu.memory_space<vmem>>
      %dma_start3A_237 = tpu.memref_squeeze %dma_start3A_236 : memref<1x256xf32, #tpu.memory_space<vmem>> -> memref<256xf32, #tpu.memory_space<vmem>>
      %dma_start3A_238 = tpu.memref_slice %arg3[%add3A_233] : memref<4194304xf32, #tpu.memory_space<hbm>> -> memref<256xf32, #tpu.memory_space<hbm>>
      %dma_start3A_239 = arith.constant 0 : i32
      %dma_start3A_240 = tpu.memref_slice %arg9[%dma_start3A_234, %dma_start3A_239] : memref<2x272xf32, #tpu.memory_space<vmem>> -> memref<1x256xf32, #tpu.memory_space<vmem>>
      %dma_start3A_241 = tpu.memref_squeeze %dma_start3A_240 : memref<1x256xf32, #tpu.memory_space<vmem>> -> memref<256xf32, #tpu.memory_space<vmem>>
      %dma_start3A_242 = tpu.memref_slice %arg3[%add3A_233] : memref<4194304xf32, #tpu.memory_space<hbm>> -> memref<256xf32, #tpu.memory_space<hbm>>
      tpu.enqueue_dma source(%dma_start3A_242 : memref<256xf32, #tpu.memory_space<hbm>>) target(%dma_start3A_241 : memref<256xf32, #tpu.memory_space<vmem>>) target_semaphore(%arg14 : memref<!tpu.dma_semaphore, #tpu.memory_space<semaphore_mem>>)
      %dma_wait3A_243 = arith.constant 0 : i32
      %dma_wait3A_244 = arith.constant 0 : i32
      %dma_wait3A_245 = tpu.memref_slice %arg9[%dma_wait3A_243, %dma_wait3A_244] : memref<2x272xf32, #tpu.memory_space<vmem>> -> memref<1x256xf32, #tpu.memory_space<vmem>>
      %dma_wait3A_246 = tpu.memref_squeeze %dma_wait3A_245 : memref<1x256xf32, #tpu.memory_space<vmem>> -> memref<256xf32, #tpu.memory_space<vmem>>
      %dma_wait3A_247 = arith.constant 0 : i32
      %dma_wait3A_248 = tpu.memref_slice %arg3[%dma_wait3A_247] : memref<4194304xf32, #tpu.memory_space<hbm>> -> memref<256xf32, #tpu.memory_space<hbm>>
      %dma_wait3A_249 = arith.constant 0 : i32
      %dma_wait3A_250 = tpu.memref_slice %arg9[%dma_wait3A_243, %dma_wait3A_249] : memref<2x272xf32, #tpu.memory_space<vmem>> -> memref<1x256xf32, #tpu.memory_space<vmem>>
      %dma_wait3A_251 = tpu.memref_squeeze %dma_wait3A_250 : memref<1x256xf32, #tpu.memory_space<vmem>> -> memref<256xf32, #tpu.memory_space<vmem>>
      %dma_wait3A_252 = arith.constant 0 : i32
      %dma_wait3A_253 = tpu.memref_slice %arg3[%dma_wait3A_252] : memref<4194304xf32, #tpu.memory_space<hbm>> -> memref<256xf32, #tpu.memory_space<hbm>>
      tpu.wait_dma2 semaphore(%arg14 : memref<!tpu.dma_semaphore, #tpu.memory_space<semaphore_mem>>) src(%dma_wait3A_253 : memref<256xf32, #tpu.memory_space<hbm>>) dst(%dma_wait3A_251 : memref<256xf32, #tpu.memory_space<vmem>>)
      %parallel_loop3A = arith.constant 0 : i32
      %parallel_loop3A_254 = arith.constant 16 : i32
      %parallel_loop3A_255 = arith.constant 1 : i32
      %parallel_loop3A_256:4 = scf.for %parallel_loop3A_365 = %parallel_loop3A to %parallel_loop3A_254 step %parallel_loop3A_255 iter_args(%parallel_loop3A_366 = %broadcast_in_dim3A_82, %parallel_loop3A_367 = %broadcast_in_dim3A_82, %parallel_loop3A_368 = %broadcast_in_dim3A_82, %parallel_loop3A_369 = %broadcast_in_dim3A_82) -> (vector<16xf32>, vector<16xf32>, vector<16xf32>, vector<16xf32>)  : i32 {
        %parallel_loop3A_370 = arith.constant 16 : i32
        %parallel_loop3A_371 = arith.muli %parallel_loop3A_365, %parallel_loop3A_370 : i32
        %parallel_loop3A_372 = arith.constant 0 : i32
        %parallel_loop3A_373 = arith.index_cast %parallel_loop3A_372 : i32 to index
        %parallel_loop3A_374 = arith.index_cast %parallel_loop3A_371 : i32 to index
        %parallel_loop3A_375 = tpu.vector_load %arg9[%parallel_loop3A_373, %parallel_loop3A_374] {strides = array<i32>} : memref<2x272xf32, #tpu.memory_space<vmem>>, vector<1x16xf32>,
        %parallel_loop3A_376 = vector.shape_cast %parallel_loop3A_375 : vector<1x16xf32> to vector<16xf32>
        %parallel_loop3A_377 = arith.constant 0 : i32
        %parallel_loop3A_378 = vector.broadcast %parallel_loop3A_377 : i32 to vector<16x1xi32>
        %parallel_loop3A_379 = vector.shape_cast %parallel_loop3A_378 : vector<16x1xi32> to vector<16xi32>
        %parallel_loop3A_380 = tpu.dynamic_gather %parallel_loop3A_376[%parallel_loop3A_379] in [0] : vector<16xf32>, vector<16xi32> -> vector<16xf32>
        %parallel_loop3A_381 = arith.constant 1 : i32
        %parallel_loop3A_382 = vector.broadcast %parallel_loop3A_381 : i32 to vector<16x1xi32>
        %parallel_loop3A_383 = vector.shape_cast %parallel_loop3A_382 : vector<16x1xi32> to vector<16xi32>
        %parallel_loop3A_384 = tpu.dynamic_gather %parallel_loop3A_376[%parallel_loop3A_383] in [0] : vector<16xf32>, vector<16xi32> -> vector<16xf32>
        %parallel_loop3A_385 = arith.constant 2 : i32
        %parallel_loop3A_386 = vector.broadcast %parallel_loop3A_385 : i32 to vector<16x1xi32>
        %parallel_loop3A_387 = vector.shape_cast %parallel_loop3A_386 : vector<16x1xi32> to vector<16xi32>
        %parallel_loop3A_388 = tpu.dynamic_gather %parallel_loop3A_376[%parallel_loop3A_387] in [0] : vector<16xf32>, vector<16xi32> -> vector<16xf32>
        %parallel_loop3A_389 = arith.constant 3 : i32
        %parallel_loop3A_390 = vector.broadcast %parallel_loop3A_389 : i32 to vector<16x1xi32>
        %parallel_loop3A_391 = vector.shape_cast %parallel_loop3A_390 : vector<16x1xi32> to vector<16xi32>
        %parallel_loop3A_392 = tpu.dynamic_gather %parallel_loop3A_376[%parallel_loop3A_391] in [0] : vector<16xf32>, vector<16xi32> -> vector<16xf32>
        %parallel_loop3A_393 = arith.constant 4 : i32
        %parallel_loop3A_394 = vector.broadcast %parallel_loop3A_393 : i32 to vector<16x1xi32>
        %parallel_loop3A_395 = vector.shape_cast %parallel_loop3A_394 : vector<16x1xi32> to vector<16xi32>
        %parallel_loop3A_396 = tpu.dynamic_gather %parallel_loop3A_376[%parallel_loop3A_395] in [0] : vector<16xf32>, vector<16xi32> -> vector<16xf32>
        %parallel_loop3A_397 = arith.constant 5 : i32
        %parallel_loop3A_398 = vector.broadcast %parallel_loop3A_397 : i32 to vector<16x1xi32>
        %parallel_loop3A_399 = vector.shape_cast %parallel_loop3A_398 : vector<16x1xi32> to vector<16xi32>
        %parallel_loop3A_400 = tpu.dynamic_gather %parallel_loop3A_376[%parallel_loop3A_399] in [0] : vector<16xf32>, vector<16xi32> -> vector<16xf32>
        %parallel_loop3A_401 = arith.constant 6 : i32
        %parallel_loop3A_402 = vector.broadcast %parallel_loop3A_401 : i32 to vector<16x1xi32>
        %parallel_loop3A_403 = vector.shape_cast %parallel_loop3A_402 : vector<16x1xi32> to vector<16xi32>
        %parallel_loop3A_404 = tpu.dynamic_gather %parallel_loop3A_376[%parallel_loop3A_403] in [0] : vector<16xf32>, vector<16xi32> -> vector<16xf32>
        %parallel_loop3A_405 = arith.constant 7 : i32
        %parallel_loop3A_406 = vector.broadcast %parallel_loop3A_405 : i32 to vector<16x1xi32>
        %parallel_loop3A_407 = vector.shape_cast %parallel_loop3A_406 : vector<16x1xi32> to vector<16xi32>
        %parallel_loop3A_408 = tpu.dynamic_gather %parallel_loop3A_376[%parallel_loop3A_407] in [0] : vector<16xf32>, vector<16xi32> -> vector<16xf32>
        %parallel_loop3A_409 = arith.constant 8 : i32
        %parallel_loop3A_410 = vector.broadcast %parallel_loop3A_409 : i32 to vector<16x1xi32>
        %parallel_loop3A_411 = vector.shape_cast %parallel_loop3A_410 : vector<16x1xi32> to vector<16xi32>
        %parallel_loop3A_412 = tpu.dynamic_gather %parallel_loop3A_376[%parallel_loop3A_411] in [0] : vector<16xf32>, vector<16xi32> -> vector<16xf32>
        %parallel_loop3A_413 = arith.constant 9 : i32
        %parallel_loop3A_414 = vector.broadcast %parallel_loop3A_413 : i32 to vector<16x1xi32>
        %parallel_loop3A_415 = vector.shape_cast %parallel_loop3A_414 : vector<16x1xi32> to vector<16xi32>
        %parallel_loop3A_416 = tpu.dynamic_gather %parallel_loop3A_376[%parallel_loop3A_415] in [0] : vector<16xf32>, vector<16xi32> -> vector<16xf32>
        %parallel_loop3A_417 = arith.constant 10 : i32
        %parallel_loop3A_418 = vector.broadcast %parallel_loop3A_417 : i32 to vector<16x1xi32>
        %parallel_loop3A_419 = vector.shape_cast %parallel_loop3A_418 : vector<16x1xi32> to vector<16xi32>
        %parallel_loop3A_420 = tpu.dynamic_gather %parallel_loop3A_376[%parallel_loop3A_419] in [0] : vector<16xf32>, vector<16xi32> -> vector<16xf32>
        %parallel_loop3A_421 = arith.constant 11 : i32
        %parallel_loop3A_422 = vector.broadcast %parallel_loop3A_421 : i32 to vector<16x1xi32>
        %parallel_loop3A_423 = vector.shape_cast %parallel_loop3A_422 : vector<16x1xi32> to vector<16xi32>
        %parallel_loop3A_424 = tpu.dynamic_gather %parallel_loop3A_376[%parallel_loop3A_423] in [0] : vector<16xf32>, vector<16xi32> -> vector<16xf32>
        %parallel_loop3A_425 = arith.constant 12 : i32
        %parallel_loop3A_426 = vector.broadcast %parallel_loop3A_425 : i32 to vector<16x1xi32>
        %parallel_loop3A_427 = vector.shape_cast %parallel_loop3A_426 : vector<16x1xi32> to vector<16xi32>
        %parallel_loop3A_428 = tpu.dynamic_gather %parallel_loop3A_376[%parallel_loop3A_427] in [0] : vector<16xf32>, vector<16xi32> -> vector<16xf32>
        %parallel_loop3A_429 = arith.constant 13 : i32
        %parallel_loop3A_430 = vector.broadcast %parallel_loop3A_429 : i32 to vector<16x1xi32>
        %parallel_loop3A_431 = vector.shape_cast %parallel_loop3A_430 : vector<16x1xi32> to vector<16xi32>
        %parallel_loop3A_432 = tpu.dynamic_gather %parallel_loop3A_376[%parallel_loop3A_431] in [0] : vector<16xf32>, vector<16xi32> -> vector<16xf32>
        %parallel_loop3A_433 = arith.constant 14 : i32
        %parallel_loop3A_434 = vector.broadcast %parallel_loop3A_433 : i32 to vector<16x1xi32>
        %parallel_loop3A_435 = vector.shape_cast %parallel_loop3A_434 : vector<16x1xi32> to vector<16xi32>
        %parallel_loop3A_436 = tpu.dynamic_gather %parallel_loop3A_376[%parallel_loop3A_435] in [0] : vector<16xf32>, vector<16xi32> -> vector<16xf32>
        %parallel_loop3A_437 = arith.constant 15 : i32
        %parallel_loop3A_438 = vector.broadcast %parallel_loop3A_437 : i32 to vector<16x1xi32>
        %parallel_loop3A_439 = vector.shape_cast %parallel_loop3A_438 : vector<16x1xi32> to vector<16xi32>
        %parallel_loop3A_440 = tpu.dynamic_gather %parallel_loop3A_376[%parallel_loop3A_439] in [0] : vector<16xf32>, vector<16xi32> -> vector<16xf32>
        %parallel_loop3A_441 = arith.constant 16 : i32
        %parallel_loop3A_442 = arith.muli %parallel_loop3A_365, %parallel_loop3A_441 : i32
        %parallel_loop3A_443 = arith.constant 0 : i32
        %parallel_loop3A_444 = arith.addi %parallel_loop3A_442, %parallel_loop3A_443 : i32
        %parallel_loop3A_445 = arith.constant 0 : i32
        %parallel_loop3A_446 = arith.index_cast %parallel_loop3A_445 : i32 to index
        %parallel_loop3A_447 = arith.index_cast %parallel_loop3A_444 : i32 to index
        %parallel_loop3A_448 = arith.constant 0 : index
        %parallel_loop3A_449 = tpu.vector_load %arg10[%parallel_loop3A_446, %parallel_loop3A_447, %parallel_loop3A_448] {strides = array<i32>} : memref<2x256x64xf32, #tpu.memory_space<vmem>>, vector<1x1x16xf32>,
        %parallel_loop3A_450 = vector.shape_cast %parallel_loop3A_449 : vector<1x1x16xf32> to vector<16xf32>
        %parallel_loop3A_451 = arith.constant 0 : i32
        %parallel_loop3A_452 = arith.index_cast %parallel_loop3A_451 : i32 to index
        %parallel_loop3A_453 = arith.index_cast %parallel_loop3A_444 : i32 to index
        %parallel_loop3A_454 = arith.constant 0 : index
        %parallel_loop3A_455 = tpu.vector_load %arg11[%parallel_loop3A_452, %parallel_loop3A_453, %parallel_loop3A_454] {strides = array<i32>} : memref<2x256x64xf32, #tpu.memory_space<vmem>>, vector<1x1x16xf32>,
        %parallel_loop3A_456 = vector.shape_cast %parallel_loop3A_455 : vector<1x1x16xf32> to vector<16xf32>
        %parallel_loop3A_457 = arith.mulf %parallel_loop3A_450, %parallel_loop3A_456 : vector<16xf32>
        %parallel_loop3A_458 = arith.constant 0 : i32
        %parallel_loop3A_459 = arith.index_cast %parallel_loop3A_458 : i32 to index
        %parallel_loop3A_460 = arith.index_cast %parallel_loop3A_444 : i32 to index
        %parallel_loop3A_461 = arith.constant 16 : index
        %parallel_loop3A_462 = tpu.vector_load %arg10[%parallel_loop3A_459, %parallel_loop3A_460, %parallel_loop3A_461] {strides = array<i32>} : memref<2x256x64xf32, #tpu.memory_space<vmem>>, vector<1x1x16xf32>,
        %parallel_loop3A_463 = vector.shape_cast %parallel_loop3A_462 : vector<1x1x16xf32> to vector<16xf32>
        %parallel_loop3A_464 = arith.constant 0 : i32
        %parallel_loop3A_465 = arith.index_cast %parallel_loop3A_464 : i32 to index
        %parallel_loop3A_466 = arith.index_cast %parallel_loop3A_444 : i32 to index
        %parallel_loop3A_467 = arith.constant 16 : index
        %parallel_loop3A_468 = tpu.vector_load %arg11[%parallel_loop3A_465, %parallel_loop3A_466, %parallel_loop3A_467] {strides = array<i32>} : memref<2x256x64xf32, #tpu.memory_space<vmem>>, vector<1x1x16xf32>,
        %parallel_loop3A_469 = vector.shape_cast %parallel_loop3A_468 : vector<1x1x16xf32> to vector<16xf32>
        %parallel_loop3A_470 = arith.mulf %parallel_loop3A_463, %parallel_loop3A_469 : vector<16xf32>
        %parallel_loop3A_471 = arith.addf %parallel_loop3A_457, %parallel_loop3A_470 : vector<16xf32>
        %parallel_loop3A_472 = arith.constant 0 : i32
        %parallel_loop3A_473 = arith.index_cast %parallel_loop3A_472 : i32 to index
        %parallel_loop3A_474 = arith.index_cast %parallel_loop3A_444 : i32 to index
        %parallel_loop3A_475 = arith.constant 32 : index
        %parallel_loop3A_476 = tpu.vector_load %arg10[%parallel_loop3A_473, %parallel_loop3A_474, %parallel_loop3A_475] {strides = array<i32>} : memref<2x256x64xf32, #tpu.memory_space<vmem>>, vector<1x1x16xf32>,
        %parallel_loop3A_477 = vector.shape_cast %parallel_loop3A_476 : vector<1x1x16xf32> to vector<16xf32>
        %parallel_loop3A_478 = arith.constant 0 : i32
        %parallel_loop3A_479 = arith.index_cast %parallel_loop3A_478 : i32 to index
        %parallel_loop3A_480 = arith.index_cast %parallel_loop3A_444 : i32 to index
        %parallel_loop3A_481 = arith.constant 32 : index
        %parallel_loop3A_482 = tpu.vector_load %arg11[%parallel_loop3A_479, %parallel_loop3A_480, %parallel_loop3A_481] {strides = array<i32>} : memref<2x256x64xf32, #tpu.memory_space<vmem>>, vector<1x1x16xf32>,
        %parallel_loop3A_483 = vector.shape_cast %parallel_loop3A_482 : vector<1x1x16xf32> to vector<16xf32>
        %parallel_loop3A_484 = arith.mulf %parallel_loop3A_477, %parallel_loop3A_483 : vector<16xf32>
        %parallel_loop3A_485 = arith.constant 0 : i32
        %parallel_loop3A_486 = arith.index_cast %parallel_loop3A_485 : i32 to index
        %parallel_loop3A_487 = arith.index_cast %parallel_loop3A_444 : i32 to index
        %parallel_loop3A_488 = arith.constant 48 : index
        %parallel_loop3A_489 = tpu.vector_load %arg10[%parallel_loop3A_486, %parallel_loop3A_487, %parallel_loop3A_488] {strides = array<i32>} : memref<2x256x64xf32, #tpu.memory_space<vmem>>, vector<1x1x16xf32>,
        %parallel_loop3A_490 = vector.shape_cast %parallel_loop3A_489 : vector<1x1x16xf32> to vector<16xf32>
        %parallel_loop3A_491 = arith.constant 0 : i32
        %parallel_loop3A_492 = arith.index_cast %parallel_loop3A_491 : i32 to index
        %parallel_loop3A_493 = arith.index_cast %parallel_loop3A_444 : i32 to index
        %parallel_loop3A_494 = arith.constant 48 : index
        %parallel_loop3A_495 = tpu.vector_load %arg11[%parallel_loop3A_492, %parallel_loop3A_493, %parallel_loop3A_494] {strides = array<i32>} : memref<2x256x64xf32, #tpu.memory_space<vmem>>, vector<1x1x16xf32>,
        %parallel_loop3A_496 = vector.shape_cast %parallel_loop3A_495 : vector<1x1x16xf32> to vector<16xf32>
        %parallel_loop3A_497 = arith.mulf %parallel_loop3A_490, %parallel_loop3A_496 : vector<16xf32>
        %parallel_loop3A_498 = arith.addf %parallel_loop3A_484, %parallel_loop3A_497 : vector<16xf32>
        %parallel_loop3A_499 = arith.addf %parallel_loop3A_471, %parallel_loop3A_498 : vector<16xf32>
        %parallel_loop3A_500 = arith.mulf %parallel_loop3A_499, %parallel_loop3A_380 : vector<16xf32>
        %parallel_loop3A_501 = arith.addf %parallel_loop3A_366, %parallel_loop3A_500 : vector<16xf32>
        %parallel_loop3A_502 = arith.constant 16 : i32
        %parallel_loop3A_503 = arith.muli %parallel_loop3A_365, %parallel_loop3A_502 : i32
        %parallel_loop3A_504 = arith.constant 1 : i32
        %parallel_loop3A_505 = arith.addi %parallel_loop3A_503, %parallel_loop3A_504 : i32
        %parallel_loop3A_506 = arith.constant 0 : i32
        %parallel_loop3A_507 = arith.index_cast %parallel_loop3A_506 : i32 to index
        %parallel_loop3A_508 = arith.index_cast %parallel_loop3A_505 : i32 to index
        %parallel_loop3A_509 = arith.constant 0 : index
        %parallel_loop3A_510 = tpu.vector_load %arg10[%parallel_loop3A_507, %parallel_loop3A_508, %parallel_loop3A_509] {strides = array<i32>} : memref<2x256x64xf32, #tpu.memory_space<vmem>>, vector<1x1x16xf32>,
        %parallel_loop3A_511 = vector.shape_cast %parallel_loop3A_510 : vector<1x1x16xf32> to vector<16xf32>
        %parallel_loop3A_512 = arith.constant 0 : i32
        %parallel_loop3A_513 = arith.index_cast %parallel_loop3A_512 : i32 to index
        %parallel_loop3A_514 = arith.index_cast %parallel_loop3A_505 : i32 to index
        %parallel_loop3A_515 = arith.constant 0 : index
        %parallel_loop3A_516 = tpu.vector_load %arg11[%parallel_loop3A_513, %parallel_loop3A_514, %parallel_loop3A_515] {strides = array<i32>} : memref<2x256x64xf32, #tpu.memory_space<vmem>>, vector<1x1x16xf32>,
        %parallel_loop3A_517 = vector.shape_cast %parallel_loop3A_516 : vector<1x1x16xf32> to vector<16xf32>
        %parallel_loop3A_518 = arith.mulf %parallel_loop3A_511, %parallel_loop3A_517 : vector<16xf32>
        %parallel_loop3A_519 = arith.constant 0 : i32
        %parallel_loop3A_520 = arith.index_cast %parallel_loop3A_519 : i32 to index
        %parallel_loop3A_521 = arith.index_cast %parallel_loop3A_505 : i32 to index
        %parallel_loop3A_522 = arith.constant 16 : index
        %parallel_loop3A_523 = tpu.vector_load %arg10[%parallel_loop3A_520, %parallel_loop3A_521, %parallel_loop3A_522] {strides = array<i32>} : memref<2x256x64xf32, #tpu.memory_space<vmem>>, vector<1x1x16xf32>,
        %parallel_loop3A_524 = vector.shape_cast %parallel_loop3A_523 : vector<1x1x16xf32> to vector<16xf32>
        %parallel_loop3A_525 = arith.constant 0 : i32
        %parallel_loop3A_526 = arith.index_cast %parallel_loop3A_525 : i32 to index
        %parallel_loop3A_527 = arith.index_cast %parallel_loop3A_505 : i32 to index
        %parallel_loop3A_528 = arith.constant 16 : index
        %parallel_loop3A_529 = tpu.vector_load %arg11[%parallel_loop3A_526, %parallel_loop3A_527, %parallel_loop3A_528] {strides = array<i32>} : memref<2x256x64xf32, #tpu.memory_space<vmem>>, vector<1x1x16xf32>,
        %parallel_loop3A_530 = vector.shape_cast %parallel_loop3A_529 : vector<1x1x16xf32> to vector<16xf32>
        %parallel_loop3A_531 = arith.mulf %parallel_loop3A_524, %parallel_loop3A_530 : vector<16xf32>
        %parallel_loop3A_532 = arith.addf %parallel_loop3A_518, %parallel_loop3A_531 : vector<16xf32>
        %parallel_loop3A_533 = arith.constant 0 : i32
        %parallel_loop3A_534 = arith.index_cast %parallel_loop3A_533 : i32 to index
        %parallel_loop3A_535 = arith.index_cast %parallel_loop3A_505 : i32 to index
        %parallel_loop3A_536 = arith.constant 32 : index
        %parallel_loop3A_537 = tpu.vector_load %arg10[%parallel_loop3A_534, %parallel_loop3A_535, %parallel_loop3A_536] {strides = array<i32>} : memref<2x256x64xf32, #tpu.memory_space<vmem>>, vector<1x1x16xf32>,
        %parallel_loop3A_538 = vector.shape_cast %parallel_loop3A_537 : vector<1x1x16xf32> to vector<16xf32>
        %parallel_loop3A_539 = arith.constant 0 : i32
        %parallel_loop3A_540 = arith.index_cast %parallel_loop3A_539 : i32 to index
        %parallel_loop3A_541 = arith.index_cast %parallel_loop3A_505 : i32 to index
        %parallel_loop3A_542 = arith.constant 32 : index
        %parallel_loop3A_543 = tpu.vector_load %arg11[%parallel_loop3A_540, %parallel_loop3A_541, %parallel_loop3A_542] {strides = array<i32>} : memref<2x256x64xf32, #tpu.memory_space<vmem>>, vector<1x1x16xf32>,
        %parallel_loop3A_544 = vector.shape_cast %parallel_loop3A_543 : vector<1x1x16xf32> to vector<16xf32>
        %parallel_loop3A_545 = arith.mulf %parallel_loop3A_538, %parallel_loop3A_544 : vector<16xf32>
        %parallel_loop3A_546 = arith.constant 0 : i32
        %parallel_loop3A_547 = arith.index_cast %parallel_loop3A_546 : i32 to index
        %parallel_loop3A_548 = arith.index_cast %parallel_loop3A_505 : i32 to index
        %parallel_loop3A_549 = arith.constant 48 : index
        %parallel_loop3A_550 = tpu.vector_load %arg10[%parallel_loop3A_547, %parallel_loop3A_548, %parallel_loop3A_549] {strides = array<i32>} : memref<2x256x64xf32, #tpu.memory_space<vmem>>, vector<1x1x16xf32>,
        %parallel_loop3A_551 = vector.shape_cast %parallel_loop3A_550 : vector<1x1x16xf32> to vector<16xf32>
        %parallel_loop3A_552 = arith.constant 0 : i32
        %parallel_loop3A_553 = arith.index_cast %parallel_loop3A_552 : i32 to index
        %parallel_loop3A_554 = arith.index_cast %parallel_loop3A_505 : i32 to index
        %parallel_loop3A_555 = arith.constant 48 : index
        %parallel_loop3A_556 = tpu.vector_load %arg11[%parallel_loop3A_553, %parallel_loop3A_554, %parallel_loop3A_555] {strides = array<i32>} : memref<2x256x64xf32, #tpu.memory_space<vmem>>, vector<1x1x16xf32>,
        %parallel_loop3A_557 = vector.shape_cast %parallel_loop3A_556 : vector<1x1x16xf32> to vector<16xf32>
        %parallel_loop3A_558 = arith.mulf %parallel_loop3A_551, %parallel_loop3A_557 : vector<16xf32>
        %parallel_loop3A_559 = arith.addf %parallel_loop3A_545, %parallel_loop3A_558 : vector<16xf32>
        %parallel_loop3A_560 = arith.addf %parallel_loop3A_532, %parallel_loop3A_559 : vector<16xf32>
        %parallel_loop3A_561 = arith.mulf %parallel_loop3A_560, %parallel_loop3A_384 : vector<16xf32>
        %parallel_loop3A_562 = arith.addf %parallel_loop3A_367, %parallel_loop3A_561 : vector<16xf32>
        %parallel_loop3A_563 = arith.constant 16 : i32
        %parallel_loop3A_564 = arith.muli %parallel_loop3A_365, %parallel_loop3A_563 : i32
        %parallel_loop3A_565 = arith.constant 2 : i32
        %parallel_loop3A_566 = arith.addi %parallel_loop3A_564, %parallel_loop3A_565 : i32
        %parallel_loop3A_567 = arith.constant 0 : i32
        %parallel_loop3A_568 = arith.index_cast %parallel_loop3A_567 : i32 to index
        %parallel_loop3A_569 = arith.index_cast %parallel_loop3A_566 : i32 to index
        %parallel_loop3A_570 = arith.constant 0 : index
        %parallel_loop3A_571 = tpu.vector_load %arg10[%parallel_loop3A_568, %parallel_loop3A_569, %parallel_loop3A_570] {strides = array<i32>} : memref<2x256x64xf32, #tpu.memory_space<vmem>>, vector<1x1x16xf32>,
        %parallel_loop3A_572 = vector.shape_cast %parallel_loop3A_571 : vector<1x1x16xf32> to vector<16xf32>
        %parallel_loop3A_573 = arith.constant 0 : i32
        %parallel_loop3A_574 = arith.index_cast %parallel_loop3A_573 : i32 to index
        %parallel_loop3A_575 = arith.index_cast %parallel_loop3A_566 : i32 to index
        %parallel_loop3A_576 = arith.constant 0 : index
        %parallel_loop3A_577 = tpu.vector_load %arg11[%parallel_loop3A_574, %parallel_loop3A_575, %parallel_loop3A_576] {strides = array<i32>} : memref<2x256x64xf32, #tpu.memory_space<vmem>>, vector<1x1x16xf32>,
        %parallel_loop3A_578 = vector.shape_cast %parallel_loop3A_577 : vector<1x1x16xf32> to vector<16xf32>
        %parallel_loop3A_579 = arith.mulf %parallel_loop3A_572, %parallel_loop3A_578 : vector<16xf32>
        %parallel_loop3A_580 = arith.constant 0 : i32
        %parallel_loop3A_581 = arith.index_cast %parallel_loop3A_580 : i32 to index
        %parallel_loop3A_582 = arith.index_cast %parallel_loop3A_566 : i32 to index
        %parallel_loop3A_583 = arith.constant 16 : index
        %parallel_loop3A_584 = tpu.vector_load %arg10[%parallel_loop3A_581, %parallel_loop3A_582, %parallel_loop3A_583] {strides = array<i32>} : memref<2x256x64xf32, #tpu.memory_space<vmem>>, vector<1x1x16xf32>,
        %parallel_loop3A_585 = vector.shape_cast %parallel_loop3A_584 : vector<1x1x16xf32> to vector<16xf32>
        %parallel_loop3A_586 = arith.constant 0 : i32
        %parallel_loop3A_587 = arith.index_cast %parallel_loop3A_586 : i32 to index
        %parallel_loop3A_588 = arith.index_cast %parallel_loop3A_566 : i32 to index
        %parallel_loop3A_589 = arith.constant 16 : index
        %parallel_loop3A_590 = tpu.vector_load %arg11[%parallel_loop3A_587, %parallel_loop3A_588, %parallel_loop3A_589] {strides = array<i32>} : memref<2x256x64xf32, #tpu.memory_space<vmem>>, vector<1x1x16xf32>,
        %parallel_loop3A_591 = vector.shape_cast %parallel_loop3A_590 : vector<1x1x16xf32> to vector<16xf32>
        %parallel_loop3A_592 = arith.mulf %parallel_loop3A_585, %parallel_loop3A_591 : vector<16xf32>
        %parallel_loop3A_593 = arith.addf %parallel_loop3A_579, %parallel_loop3A_592 : vector<16xf32>
        %parallel_loop3A_594 = arith.constant 0 : i32
        %parallel_loop3A_595 = arith.index_cast %parallel_loop3A_594 : i32 to index
        %parallel_loop3A_596 = arith.index_cast %parallel_loop3A_566 : i32 to index
        %parallel_loop3A_597 = arith.constant 32 : index
        %parallel_loop3A_598 = tpu.vector_load %arg10[%parallel_loop3A_595, %parallel_loop3A_596, %parallel_loop3A_597] {strides = array<i32>} : memref<2x256x64xf32, #tpu.memory_space<vmem>>, vector<1x1x16xf32>,
        %parallel_loop3A_599 = vector.shape_cast %parallel_loop3A_598 : vector<1x1x16xf32> to vector<16xf32>
        %parallel_loop3A_600 = arith.constant 0 : i32
        %parallel_loop3A_601 = arith.index_cast %parallel_loop3A_600 : i32 to index
        %parallel_loop3A_602 = arith.index_cast %parallel_loop3A_566 : i32 to index
        %parallel_loop3A_603 = arith.constant 32 : index
        %parallel_loop3A_604 = tpu.vector_load %arg11[%parallel_loop3A_601, %parallel_loop3A_602, %parallel_loop3A_603] {strides = array<i32>} : memref<2x256x64xf32, #tpu.memory_space<vmem>>, vector<1x1x16xf32>,
        %parallel_loop3A_605 = vector.shape_cast %parallel_loop3A_604 : vector<1x1x16xf32> to vector<16xf32>
        %parallel_loop3A_606 = arith.mulf %parallel_loop3A_599, %parallel_loop3A_605 : vector<16xf32>
        %parallel_loop3A_607 = arith.constant 0 : i32
        %parallel_loop3A_608 = arith.index_cast %parallel_loop3A_607 : i32 to index
        %parallel_loop3A_609 = arith.index_cast %parallel_loop3A_566 : i32 to index
        %parallel_loop3A_610 = arith.constant 48 : index
        %parallel_loop3A_611 = tpu.vector_load %arg10[%parallel_loop3A_608, %parallel_loop3A_609, %parallel_loop3A_610] {strides = array<i32>} : memref<2x256x64xf32, #tpu.memory_space<vmem>>, vector<1x1x16xf32>,
        %parallel_loop3A_612 = vector.shape_cast %parallel_loop3A_611 : vector<1x1x16xf32> to vector<16xf32>
        %parallel_loop3A_613 = arith.constant 0 : i32
        %parallel_loop3A_614 = arith.index_cast %parallel_loop3A_613 : i32 to index
        %parallel_loop3A_615 = arith.index_cast %parallel_loop3A_566 : i32 to index
        %parallel_loop3A_616 = arith.constant 48 : index
        %parallel_loop3A_617 = tpu.vector_load %arg11[%parallel_loop3A_614, %parallel_loop3A_615, %parallel_loop3A_616] {strides = array<i32>} : memref<2x256x64xf32, #tpu.memory_space<vmem>>, vector<1x1x16xf32>,
        %parallel_loop3A_618 = vector.shape_cast %parallel_loop3A_617 : vector<1x1x16xf32> to vector<16xf32>
        %parallel_loop3A_619 = arith.mulf %parallel_loop3A_612, %parallel_loop3A_618 : vector<16xf32>
        %parallel_loop3A_620 = arith.addf %parallel_loop3A_606, %parallel_loop3A_619 : vector<16xf32>
        %parallel_loop3A_621 = arith.addf %parallel_loop3A_593, %parallel_loop3A_620 : vector<16xf32>
        %parallel_loop3A_622 = arith.mulf %parallel_loop3A_621, %parallel_loop3A_388 : vector<16xf32>
        %parallel_loop3A_623 = arith.addf %parallel_loop3A_368, %parallel_loop3A_622 : vector<16xf32>
        %parallel_loop3A_624 = arith.constant 16 : i32
        %parallel_loop3A_625 = arith.muli %parallel_loop3A_365, %parallel_loop3A_624 : i32
        %parallel_loop3A_626 = arith.constant 3 : i32
        %parallel_loop3A_627 = arith.addi %parallel_loop3A_625, %parallel_loop3A_626 : i32
        %parallel_loop3A_628 = arith.constant 0 : i32
        %parallel_loop3A_629 = arith.index_cast %parallel_loop3A_628 : i32 to index
        %parallel_loop3A_630 = arith.index_cast %parallel_loop3A_627 : i32 to index
        %parallel_loop3A_631 = arith.constant 0 : index
        %parallel_loop3A_632 = tpu.vector_load %arg10[%parallel_loop3A_629, %parallel_loop3A_630, %parallel_loop3A_631] {strides = array<i32>} : memref<2x256x64xf32, #tpu.memory_space<vmem>>, vector<1x1x16xf32>,
        %parallel_loop3A_633 = vector.shape_cast %parallel_loop3A_632 : vector<1x1x16xf32> to vector<16xf32>
        %parallel_loop3A_634 = arith.constant 0 : i32
        %parallel_loop3A_635 = arith.index_cast %parallel_loop3A_634 : i32 to index
        %parallel_loop3A_636 = arith.index_cast %parallel_loop3A_627 : i32 to index
        %parallel_loop3A_637 = arith.constant 0 : index
        %parallel_loop3A_638 = tpu.vector_load %arg11[%parallel_loop3A_635, %parallel_loop3A_636, %parallel_loop3A_637] {strides = array<i32>} : memref<2x256x64xf32, #tpu.memory_space<vmem>>, vector<1x1x16xf32>,
        %parallel_loop3A_639 = vector.shape_cast %parallel_loop3A_638 : vector<1x1x16xf32> to vector<16xf32>
        %parallel_loop3A_640 = arith.mulf %parallel_loop3A_633, %parallel_loop3A_639 : vector<16xf32>
        %parallel_loop3A_641 = arith.constant 0 : i32
        %parallel_loop3A_642 = arith.index_cast %parallel_loop3A_641 : i32 to index
        %parallel_loop3A_643 = arith.index_cast %parallel_loop3A_627 : i32 to index
        %parallel_loop3A_644 = arith.constant 16 : index
        %parallel_loop3A_645 = tpu.vector_load %arg10[%parallel_loop3A_642, %parallel_loop3A_643, %parallel_loop3A_644] {strides = array<i32>} : memref<2x256x64xf32, #tpu.memory_space<vmem>>, vector<1x1x16xf32>,
        %parallel_loop3A_646 = vector.shape_cast %parallel_loop3A_645 : vector<1x1x16xf32> to vector<16xf32>
        %parallel_loop3A_647 = arith.constant 0 : i32
        %parallel_loop3A_648 = arith.index_cast %parallel_loop3A_647 : i32 to index
        %parallel_loop3A_649 = arith.index_cast %parallel_loop3A_627 : i32 to index
        %parallel_loop3A_650 = arith.constant 16 : index
        %parallel_loop3A_651 = tpu.vector_load %arg11[%parallel_loop3A_648, %parallel_loop3A_649, %parallel_loop3A_650] {strides = array<i32>} : memref<2x256x64xf32, #tpu.memory_space<vmem>>, vector<1x1x16xf32>,
        %parallel_loop3A_652 = vector.shape_cast %parallel_loop3A_651 : vector<1x1x16xf32> to vector<16xf32>
        %parallel_loop3A_653 = arith.mulf %parallel_loop3A_646, %parallel_loop3A_652 : vector<16xf32>
        %parallel_loop3A_654 = arith.addf %parallel_loop3A_640, %parallel_loop3A_653 : vector<16xf32>
        %parallel_loop3A_655 = arith.constant 0 : i32
        %parallel_loop3A_656 = arith.index_cast %parallel_loop3A_655 : i32 to index
        %parallel_loop3A_657 = arith.index_cast %parallel_loop3A_627 : i32 to index
        %parallel_loop3A_658 = arith.constant 32 : index
        %parallel_loop3A_659 = tpu.vector_load %arg10[%parallel_loop3A_656, %parallel_loop3A_657, %parallel_loop3A_658] {strides = array<i32>} : memref<2x256x64xf32, #tpu.memory_space<vmem>>, vector<1x1x16xf32>,
        %parallel_loop3A_660 = vector.shape_cast %parallel_loop3A_659 : vector<1x1x16xf32> to vector<16xf32>
        %parallel_loop3A_661 = arith.constant 0 : i32
        %parallel_loop3A_662 = arith.index_cast %parallel_loop3A_661 : i32 to index
        %parallel_loop3A_663 = arith.index_cast %parallel_loop3A_627 : i32 to index
        %parallel_loop3A_664 = arith.constant 32 : index
        %parallel_loop3A_665 = tpu.vector_load %arg11[%parallel_loop3A_662, %parallel_loop3A_663, %parallel_loop3A_664] {strides = array<i32>} : memref<2x256x64xf32, #tpu.memory_space<vmem>>, vector<1x1x16xf32>,
        %parallel_loop3A_666 = vector.shape_cast %parallel_loop3A_665 : vector<1x1x16xf32> to vector<16xf32>
        %parallel_loop3A_667 = arith.mulf %parallel_loop3A_660, %parallel_loop3A_666 : vector<16xf32>
        %parallel_loop3A_668 = arith.constant 0 : i32
        %parallel_loop3A_669 = arith.index_cast %parallel_loop3A_668 : i32 to index
        %parallel_loop3A_670 = arith.index_cast %parallel_loop3A_627 : i32 to index
        %parallel_loop3A_671 = arith.constant 48 : index
        %parallel_loop3A_672 = tpu.vector_load %arg10[%parallel_loop3A_669, %parallel_loop3A_670, %parallel_loop3A_671] {strides = array<i32>} : memref<2x256x64xf32, #tpu.memory_space<vmem>>, vector<1x1x16xf32>,
        %parallel_loop3A_673 = vector.shape_cast %parallel_loop3A_672 : vector<1x1x16xf32> to vector<16xf32>
        %parallel_loop3A_674 = arith.constant 0 : i32
        %parallel_loop3A_675 = arith.index_cast %parallel_loop3A_674 : i32 to index
        %parallel_loop3A_676 = arith.index_cast %parallel_loop3A_627 : i32 to index
        %parallel_loop3A_677 = arith.constant 48 : index
        %parallel_loop3A_678 = tpu.vector_load %arg11[%parallel_loop3A_675, %parallel_loop3A_676, %parallel_loop3A_677] {strides = array<i32>} : memref<2x256x64xf32, #tpu.memory_space<vmem>>, vector<1x1x16xf32>,
        %parallel_loop3A_679 = vector.shape_cast %parallel_loop3A_678 : vector<1x1x16xf32> to vector<16xf32>
        %parallel_loop3A_680 = arith.mulf %parallel_loop3A_673, %parallel_loop3A_679 : vector<16xf32>
        %parallel_loop3A_681 = arith.addf %parallel_loop3A_667, %parallel_loop3A_680 : vector<16xf32>
        %parallel_loop3A_682 = arith.addf %parallel_loop3A_654, %parallel_loop3A_681 : vector<16xf32>
        %parallel_loop3A_683 = arith.mulf %parallel_loop3A_682, %parallel_loop3A_392 : vector<16xf32>
        %parallel_loop3A_684 = arith.addf %parallel_loop3A_369, %parallel_loop3A_683 : vector<16xf32>
        %parallel_loop3A_685 = arith.constant 16 : i32
        %parallel_loop3A_686 = arith.muli %parallel_loop3A_365, %parallel_loop3A_685 : i32
        %parallel_loop3A_687 = arith.constant 4 : i32
        %parallel_loop3A_688 = arith.addi %parallel_loop3A_686, %parallel_loop3A_687 : i32
        %parallel_loop3A_689 = arith.constant 0 : i32
        %parallel_loop3A_690 = arith.index_cast %parallel_loop3A_689 : i32 to index
        %parallel_loop3A_691 = arith.index_cast %parallel_loop3A_688 : i32 to index
        %parallel_loop3A_692 = arith.constant 0 : index
        %parallel_loop3A_693 = tpu.vector_load %arg10[%parallel_loop3A_690, %parallel_loop3A_691, %parallel_loop3A_692] {strides = array<i32>} : memref<2x256x64xf32, #tpu.memory_space<vmem>>, vector<1x1x16xf32>,
        %parallel_loop3A_694 = vector.shape_cast %parallel_loop3A_693 : vector<1x1x16xf32> to vector<16xf32>
        %parallel_loop3A_695 = arith.constant 0 : i32
        %parallel_loop3A_696 = arith.index_cast %parallel_loop3A_695 : i32 to index
        %parallel_loop3A_697 = arith.index_cast %parallel_loop3A_688 : i32 to index
        %parallel_loop3A_698 = arith.constant 0 : index
        %parallel_loop3A_699 = tpu.vector_load %arg11[%parallel_loop3A_696, %parallel_loop3A_697, %parallel_loop3A_698] {strides = array<i32>} : memref<2x256x64xf32, #tpu.memory_space<vmem>>, vector<1x1x16xf32>,
        %parallel_loop3A_700 = vector.shape_cast %parallel_loop3A_699 : vector<1x1x16xf32> to vector<16xf32>
        %parallel_loop3A_701 = arith.mulf %parallel_loop3A_694, %parallel_loop3A_700 : vector<16xf32>
        %parallel_loop3A_702 = arith.constant 0 : i32
        %parallel_loop3A_703 = arith.index_cast %parallel_loop3A_702 : i32 to index
        %parallel_loop3A_704 = arith.index_cast %parallel_loop3A_688 : i32 to index
        %parallel_loop3A_705 = arith.constant 16 : index
        %parallel_loop3A_706 = tpu.vector_load %arg10[%parallel_loop3A_703, %parallel_loop3A_704, %parallel_loop3A_705] {strides = array<i32>} : memref<2x256x64xf32, #tpu.memory_space<vmem>>, vector<1x1x16xf32>,
        %parallel_loop3A_707 = vector.shape_cast %parallel_loop3A_706 : vector<1x1x16xf32> to vector<16xf32>
        %parallel_loop3A_708 = arith.constant 0 : i32
        %parallel_loop3A_709 = arith.index_cast %parallel_loop3A_708 : i32 to index
        %parallel_loop3A_710 = arith.index_cast %parallel_loop3A_688 : i32 to index
        %parallel_loop3A_711 = arith.constant 16 : index
        %parallel_loop3A_712 = tpu.vector_load %arg11[%parallel_loop3A_709, %parallel_loop3A_710, %parallel_loop3A_711] {strides = array<i32>} : memref<2x256x64xf32, #tpu.memory_space<vmem>>, vector<1x1x16xf32>,
        %parallel_loop3A_713 = vector.shape_cast %parallel_loop3A_712 : vector<1x1x16xf32> to vector<16xf32>
        %parallel_loop3A_714 = arith.mulf %parallel_loop3A_707, %parallel_loop3A_713 : vector<16xf32>
        %parallel_loop3A_715 = arith.addf %parallel_loop3A_701, %parallel_loop3A_714 : vector<16xf32>
        %parallel_loop3A_716 = arith.constant 0 : i32
        %parallel_loop3A_717 = arith.index_cast %parallel_loop3A_716 : i32 to index
        %parallel_loop3A_718 = arith.index_cast %parallel_loop3A_688 : i32 to index
        %parallel_loop3A_719 = arith.constant 32 : index
        %parallel_loop3A_720 = tpu.vector_load %arg10[%parallel_loop3A_717, %parallel_loop3A_718, %parallel_loop3A_719] {strides = array<i32>} : memref<2x256x64xf32, #tpu.memory_space<vmem>>, vector<1x1x16xf32>,
        %parallel_loop3A_721 = vector.shape_cast %parallel_loop3A_720 : vector<1x1x16xf32> to vector<16xf32>
        %parallel_loop3A_722 = arith.constant 0 : i32
        %parallel_loop3A_723 = arith.index_cast %parallel_loop3A_722 : i32 to index
        %parallel_loop3A_724 = arith.index_cast %parallel_loop3A_688 : i32 to index
        %parallel_loop3A_725 = arith.constant 32 : index
        %parallel_loop3A_726 = tpu.vector_load %arg11[%parallel_loop3A_723, %parallel_loop3A_724, %parallel_loop3A_725] {strides = array<i32>} : memref<2x256x64xf32, #tpu.memory_space<vmem>>, vector<1x1x16xf32>,
        %parallel_loop3A_727 = vector.shape_cast %parallel_loop3A_726 : vector<1x1x16xf32> to vector<16xf32>
        %parallel_loop3A_728 = arith.mulf %parallel_loop3A_721, %parallel_loop3A_727 : vector<16xf32>
        %parallel_loop3A_729 = arith.constant 0 : i32
        %parallel_loop3A_730 = arith.index_cast %parallel_loop3A_729 : i32 to index
        %parallel_loop3A_731 = arith.index_cast %parallel_loop3A_688 : i32 to index
        %parallel_loop3A_732 = arith.constant 48 : index
        %parallel_loop3A_733 = tpu.vector_load %arg10[%parallel_loop3A_730, %parallel_loop3A_731, %parallel_loop3A_732] {strides = array<i32>} : memref<2x256x64xf32, #tpu.memory_space<vmem>>, vector<1x1x16xf32>,
        %parallel_loop3A_734 = vector.shape_cast %parallel_loop3A_733 : vector<1x1x16xf32> to vector<16xf32>
        %parallel_loop3A_735 = arith.constant 0 : i32
        %parallel_loop3A_736 = arith.index_cast %parallel_loop3A_735 : i32 to index
        %parallel_loop3A_737 = arith.index_cast %parallel_loop3A_688 : i32 to index
        %parallel_loop3A_738 = arith.constant 48 : index
        %parallel_loop3A_739 = tpu.vector_load %arg11[%parallel_loop3A_736, %parallel_loop3A_737, %parallel_loop3A_738] {strides = array<i32>} : memref<2x256x64xf32, #tpu.memory_space<vmem>>, vector<1x1x16xf32>,
        %parallel_loop3A_740 = vector.shape_cast %parallel_loop3A_739 : vector<1x1x16xf32> to vector<16xf32>
        %parallel_loop3A_741 = arith.mulf %parallel_loop3A_734, %parallel_loop3A_740 : vector<16xf32>
        %parallel_loop3A_742 = arith.addf %parallel_loop3A_728, %parallel_loop3A_741 : vector<16xf32>
        %parallel_loop3A_743 = arith.addf %parallel_loop3A_715, %parallel_loop3A_742 : vector<16xf32>
        %parallel_loop3A_744 = arith.mulf %parallel_loop3A_743, %parallel_loop3A_396 : vector<16xf32>
        %parallel_loop3A_745 = arith.addf %parallel_loop3A_501, %parallel_loop3A_744 : vector<16xf32>
        %parallel_loop3A_746 = arith.constant 16 : i32
        %parallel_loop3A_747 = arith.muli %parallel_loop3A_365, %parallel_loop3A_746 : i32
        %parallel_loop3A_748 = arith.constant 5 : i32
        %parallel_loop3A_749 = arith.addi %parallel_loop3A_747, %parallel_loop3A_748 : i32
        %parallel_loop3A_750 = arith.constant 0 : i32
        %parallel_loop3A_751 = arith.index_cast %parallel_loop3A_750 : i32 to index
        %parallel_loop3A_752 = arith.index_cast %parallel_loop3A_749 : i32 to index
        %parallel_loop3A_753 = arith.constant 0 : index
        %parallel_loop3A_754 = tpu.vector_load %arg10[%parallel_loop3A_751, %parallel_loop3A_752, %parallel_loop3A_753] {strides = array<i32>} : memref<2x256x64xf32, #tpu.memory_space<vmem>>, vector<1x1x16xf32>,
        %parallel_loop3A_755 = vector.shape_cast %parallel_loop3A_754 : vector<1x1x16xf32> to vector<16xf32>
        %parallel_loop3A_756 = arith.constant 0 : i32
        %parallel_loop3A_757 = arith.index_cast %parallel_loop3A_756 : i32 to index
        %parallel_loop3A_758 = arith.index_cast %parallel_loop3A_749 : i32 to index
        %parallel_loop3A_759 = arith.constant 0 : index
        %parallel_loop3A_760 = tpu.vector_load %arg11[%parallel_loop3A_757, %parallel_loop3A_758, %parallel_loop3A_759] {strides = array<i32>} : memref<2x256x64xf32, #tpu.memory_space<vmem>>, vector<1x1x16xf32>,
        %parallel_loop3A_761 = vector.shape_cast %parallel_loop3A_760 : vector<1x1x16xf32> to vector<16xf32>
        %parallel_loop3A_762 = arith.mulf %parallel_loop3A_755, %parallel_loop3A_761 : vector<16xf32>
        %parallel_loop3A_763 = arith.constant 0 : i32
        %parallel_loop3A_764 = arith.index_cast %parallel_loop3A_763 : i32 to index
        %parallel_loop3A_765 = arith.index_cast %parallel_loop3A_749 : i32 to index
        %parallel_loop3A_766 = arith.constant 16 : index
        %parallel_loop3A_767 = tpu.vector_load %arg10[%parallel_loop3A_764, %parallel_loop3A_765, %parallel_loop3A_766] {strides = array<i32>} : memref<2x256x64xf32, #tpu.memory_space<vmem>>, vector<1x1x16xf32>,
        %parallel_loop3A_768 = vector.shape_cast %parallel_loop3A_767 : vector<1x1x16xf32> to vector<16xf32>
        %parallel_loop3A_769 = arith.constant 0 : i32
        %parallel_loop3A_770 = arith.index_cast %parallel_loop3A_769 : i32 to index
        %parallel_loop3A_771 = arith.index_cast %parallel_loop3A_749 : i32 to index
        %parallel_loop3A_772 = arith.constant 16 : index
        %parallel_loop3A_773 = tpu.vector_load %arg11[%parallel_loop3A_770, %parallel_loop3A_771, %parallel_loop3A_772] {strides = array<i32>} : memref<2x256x64xf32, #tpu.memory_space<vmem>>, vector<1x1x16xf32>,
        %parallel_loop3A_774 = vector.shape_cast %parallel_loop3A_773 : vector<1x1x16xf32> to vector<16xf32>
        %parallel_loop3A_775 = arith.mulf %parallel_loop3A_768, %parallel_loop3A_774 : vector<16xf32>
        %parallel_loop3A_776 = arith.addf %parallel_loop3A_762, %parallel_loop3A_775 : vector<16xf32>
        %parallel_loop3A_777 = arith.constant 0 : i32
        %parallel_loop3A_778 = arith.index_cast %parallel_loop3A_777 : i32 to index
        %parallel_loop3A_779 = arith.index_cast %parallel_loop3A_749 : i32 to index
        %parallel_loop3A_780 = arith.constant 32 : index
        %parallel_loop3A_781 = tpu.vector_load %arg10[%parallel_loop3A_778, %parallel_loop3A_779, %parallel_loop3A_780] {strides = array<i32>} : memref<2x256x64xf32, #tpu.memory_space<vmem>>, vector<1x1x16xf32>,
        %parallel_loop3A_782 = vector.shape_cast %parallel_loop3A_781 : vector<1x1x16xf32> to vector<16xf32>
        %parallel_loop3A_783 = arith.constant 0 : i32
        %parallel_loop3A_784 = arith.index_cast %parallel_loop3A_783 : i32 to index
        %parallel_loop3A_785 = arith.index_cast %parallel_loop3A_749 : i32 to index
        %parallel_loop3A_786 = arith.constant 32 : index
        %parallel_loop3A_787 = tpu.vector_load %arg11[%parallel_loop3A_784, %parallel_loop3A_785, %parallel_loop3A_786] {strides = array<i32>} : memref<2x256x64xf32, #tpu.memory_space<vmem>>, vector<1x1x16xf32>,
        %parallel_loop3A_788 = vector.shape_cast %parallel_loop3A_787 : vector<1x1x16xf32> to vector<16xf32>
        %parallel_loop3A_789 = arith.mulf %parallel_loop3A_782, %parallel_loop3A_788 : vector<16xf32>
        %parallel_loop3A_790 = arith.constant 0 : i32
        %parallel_loop3A_791 = arith.index_cast %parallel_loop3A_790 : i32 to index
        %parallel_loop3A_792 = arith.index_cast %parallel_loop3A_749 : i32 to index
        %parallel_loop3A_793 = arith.constant 48 : index
        %parallel_loop3A_794 = tpu.vector_load %arg10[%parallel_loop3A_791, %parallel_loop3A_792, %parallel_loop3A_793] {strides = array<i32>} : memref<2x256x64xf32, #tpu.memory_space<vmem>>, vector<1x1x16xf32>,
        %parallel_loop3A_795 = vector.shape_cast %parallel_loop3A_794 : vector<1x1x16xf32> to vector<16xf32>
        %parallel_loop3A_796 = arith.constant 0 : i32
        %parallel_loop3A_797 = arith.index_cast %parallel_loop3A_796 : i32 to index
        %parallel_loop3A_798 = arith.index_cast %parallel_loop3A_749 : i32 to index
        %parallel_loop3A_799 = arith.constant 48 : index
        %parallel_loop3A_800 = tpu.vector_load %arg11[%parallel_loop3A_797, %parallel_loop3A_798, %parallel_loop3A_799] {strides = array<i32>} : memref<2x256x64xf32, #tpu.memory_space<vmem>>, vector<1x1x16xf32>,
        %parallel_loop3A_801 = vector.shape_cast %parallel_loop3A_800 : vector<1x1x16xf32> to vector<16xf32>
        %parallel_loop3A_802 = arith.mulf %parallel_loop3A_795, %parallel_loop3A_801 : vector<16xf32>
        %parallel_loop3A_803 = arith.addf %parallel_loop3A_789, %parallel_loop3A_802 : vector<16xf32>
        %parallel_loop3A_804 = arith.addf %parallel_loop3A_776, %parallel_loop3A_803 : vector<16xf32>
        %parallel_loop3A_805 = arith.mulf %parallel_loop3A_804, %parallel_loop3A_400 : vector<16xf32>
        %parallel_loop3A_806 = arith.addf %parallel_loop3A_562, %parallel_loop3A_805 : vector<16xf32>
        %parallel_loop3A_807 = arith.constant 16 : i32
        %parallel_loop3A_808 = arith.muli %parallel_loop3A_365, %parallel_loop3A_807 : i32
        %parallel_loop3A_809 = arith.constant 6 : i32
        %parallel_loop3A_810 = arith.addi %parallel_loop3A_808, %parallel_loop3A_809 : i32
        %parallel_loop3A_811 = arith.constant 0 : i32
        %parallel_loop3A_812 = arith.index_cast %parallel_loop3A_811 : i32 to index
        %parallel_loop3A_813 = arith.index_cast %parallel_loop3A_810 : i32 to index
        %parallel_loop3A_814 = arith.constant 0 : index
        %parallel_loop3A_815 = tpu.vector_load %arg10[%parallel_loop3A_812, %parallel_loop3A_813, %parallel_loop3A_814] {strides = array<i32>} : memref<2x256x64xf32, #tpu.memory_space<vmem>>, vector<1x1x16xf32>,
        %parallel_loop3A_816 = vector.shape_cast %parallel_loop3A_815 : vector<1x1x16xf32> to vector<16xf32>
        %parallel_loop3A_817 = arith.constant 0 : i32
        %parallel_loop3A_818 = arith.index_cast %parallel_loop3A_817 : i32 to index
        %parallel_loop3A_819 = arith.index_cast %parallel_loop3A_810 : i32 to index
        %parallel_loop3A_820 = arith.constant 0 : index
        %parallel_loop3A_821 = tpu.vector_load %arg11[%parallel_loop3A_818, %parallel_loop3A_819, %parallel_loop3A_820] {strides = array<i32>} : memref<2x256x64xf32, #tpu.memory_space<vmem>>, vector<1x1x16xf32>,
        %parallel_loop3A_822 = vector.shape_cast %parallel_loop3A_821 : vector<1x1x16xf32> to vector<16xf32>
        %parallel_loop3A_823 = arith.mulf %parallel_loop3A_816, %parallel_loop3A_822 : vector<16xf32>
        %parallel_loop3A_824 = arith.constant 0 : i32
        %parallel_loop3A_825 = arith.index_cast %parallel_loop3A_824 : i32 to index
        %parallel_loop3A_826 = arith.index_cast %parallel_loop3A_810 : i32 to index
        %parallel_loop3A_827 = arith.constant 16 : index
        %parallel_loop3A_828 = tpu.vector_load %arg10[%parallel_loop3A_825, %parallel_loop3A_826, %parallel_loop3A_827] {strides = array<i32>} : memref<2x256x64xf32, #tpu.memory_space<vmem>>, vector<1x1x16xf32>,
        %parallel_loop3A_829 = vector.shape_cast %parallel_loop3A_828 : vector<1x1x16xf32> to vector<16xf32>
        %parallel_loop3A_830 = arith.constant 0 : i32
        %parallel_loop3A_831 = arith.index_cast %parallel_loop3A_830 : i32 to index
        %parallel_loop3A_832 = arith.index_cast %parallel_loop3A_810 : i32 to index
        %parallel_loop3A_833 = arith.constant 16 : index
        %parallel_loop3A_834 = tpu.vector_load %arg11[%parallel_loop3A_831, %parallel_loop3A_832, %parallel_loop3A_833] {strides = array<i32>} : memref<2x256x64xf32, #tpu.memory_space<vmem>>, vector<1x1x16xf32>,
        %parallel_loop3A_835 = vector.shape_cast %parallel_loop3A_834 : vector<1x1x16xf32> to vector<16xf32>
        %parallel_loop3A_836 = arith.mulf %parallel_loop3A_829, %parallel_loop3A_835 : vector<16xf32>
        %parallel_loop3A_837 = arith.addf %parallel_loop3A_823, %parallel_loop3A_836 : vector<16xf32>
        %parallel_loop3A_838 = arith.constant 0 : i32
        %parallel_loop3A_839 = arith.index_cast %parallel_loop3A_838 : i32 to index
        %parallel_loop3A_840 = arith.index_cast %parallel_loop3A_810 : i32 to index
        %parallel_loop3A_841 = arith.constant 32 : index
        %parallel_loop3A_842 = tpu.vector_load %arg10[%parallel_loop3A_839, %parallel_loop3A_840, %parallel_loop3A_841] {strides = array<i32>} : memref<2x256x64xf32, #tpu.memory_space<vmem>>, vector<1x1x16xf32>,
        %parallel_loop3A_843 = vector.shape_cast %parallel_loop3A_842 : vector<1x1x16xf32> to vector<16xf32>
        %parallel_loop3A_844 = arith.constant 0 : i32
        %parallel_loop3A_845 = arith.index_cast %parallel_loop3A_844 : i32 to index
        %parallel_loop3A_846 = arith.index_cast %parallel_loop3A_810 : i32 to index
        %parallel_loop3A_847 = arith.constant 32 : index
        %parallel_loop3A_848 = tpu.vector_load %arg11[%parallel_loop3A_845, %parallel_loop3A_846, %parallel_loop3A_847] {strides = array<i32>} : memref<2x256x64xf32, #tpu.memory_space<vmem>>, vector<1x1x16xf32>,
        %parallel_loop3A_849 = vector.shape_cast %parallel_loop3A_848 : vector<1x1x16xf32> to vector<16xf32>
        %parallel_loop3A_850 = arith.mulf %parallel_loop3A_843, %parallel_loop3A_849 : vector<16xf32>
        %parallel_loop3A_851 = arith.constant 0 : i32
        %parallel_loop3A_852 = arith.index_cast %parallel_loop3A_851 : i32 to index
        %parallel_loop3A_853 = arith.index_cast %parallel_loop3A_810 : i32 to index
        %parallel_loop3A_854 = arith.constant 48 : index
        %parallel_loop3A_855 = tpu.vector_load %arg10[%parallel_loop3A_852, %parallel_loop3A_853, %parallel_loop3A_854] {strides = array<i32>} : memref<2x256x64xf32, #tpu.memory_space<vmem>>, vector<1x1x16xf32>,
        %parallel_loop3A_856 = vector.shape_cast %parallel_loop3A_855 : vector<1x1x16xf32> to vector<16xf32>
        %parallel_loop3A_857 = arith.constant 0 : i32
        %parallel_loop3A_858 = arith.index_cast %parallel_loop3A_857 : i32 to index
        %parallel_loop3A_859 = arith.index_cast %parallel_loop3A_810 : i32 to index
        %parallel_loop3A_860 = arith.constant 48 : index
        %parallel_loop3A_861 = tpu.vector_load %arg11[%parallel_loop3A_858, %parallel_loop3A_859, %parallel_loop3A_860] {strides = array<i32>} : memref<2x256x64xf32, #tpu.memory_space<vmem>>, vector<1x1x16xf32>,
        %parallel_loop3A_862 = vector.shape_cast %parallel_loop3A_861 : vector<1x1x16xf32> to vector<16xf32>
        %parallel_loop3A_863 = arith.mulf %parallel_loop3A_856, %parallel_loop3A_862 : vector<16xf32>
        %parallel_loop3A_864 = arith.addf %parallel_loop3A_850, %parallel_loop3A_863 : vector<16xf32>
        %parallel_loop3A_865 = arith.addf %parallel_loop3A_837, %parallel_loop3A_864 : vector<16xf32>
        %parallel_loop3A_866 = arith.mulf %parallel_loop3A_865, %parallel_loop3A_404 : vector<16xf32>
        %parallel_loop3A_867 = arith.addf %parallel_loop3A_623, %parallel_loop3A_866 : vector<16xf32>
        %parallel_loop3A_868 = arith.constant 16 : i32
        %parallel_loop3A_869 = arith.muli %parallel_loop3A_365, %parallel_loop3A_868 : i32
        %parallel_loop3A_870 = arith.constant 7 : i32
        %parallel_loop3A_871 = arith.addi %parallel_loop3A_869, %parallel_loop3A_870 : i32
        %parallel_loop3A_872 = arith.constant 0 : i32
        %parallel_loop3A_873 = arith.index_cast %parallel_loop3A_872 : i32 to index
        %parallel_loop3A_874 = arith.index_cast %parallel_loop3A_871 : i32 to index
        %parallel_loop3A_875 = arith.constant 0 : index
        %parallel_loop3A_876 = tpu.vector_load %arg10[%parallel_loop3A_873, %parallel_loop3A_874, %parallel_loop3A_875] {strides = array<i32>} : memref<2x256x64xf32, #tpu.memory_space<vmem>>, vector<1x1x16xf32>,
        %parallel_loop3A_877 = vector.shape_cast %parallel_loop3A_876 : vector<1x1x16xf32> to vector<16xf32>
        %parallel_loop3A_878 = arith.constant 0 : i32
        %parallel_loop3A_879 = arith.index_cast %parallel_loop3A_878 : i32 to index
        %parallel_loop3A_880 = arith.index_cast %parallel_loop3A_871 : i32 to index
        %parallel_loop3A_881 = arith.constant 0 : index
        %parallel_loop3A_882 = tpu.vector_load %arg11[%parallel_loop3A_879, %parallel_loop3A_880, %parallel_loop3A_881] {strides = array<i32>} : memref<2x256x64xf32, #tpu.memory_space<vmem>>, vector<1x1x16xf32>,
        %parallel_loop3A_883 = vector.shape_cast %parallel_loop3A_882 : vector<1x1x16xf32> to vector<16xf32>
        %parallel_loop3A_884 = arith.mulf %parallel_loop3A_877, %parallel_loop3A_883 : vector<16xf32>
        %parallel_loop3A_885 = arith.constant 0 : i32
        %parallel_loop3A_886 = arith.index_cast %parallel_loop3A_885 : i32 to index
        %parallel_loop3A_887 = arith.index_cast %parallel_loop3A_871 : i32 to index
        %parallel_loop3A_888 = arith.constant 16 : index
        %parallel_loop3A_889 = tpu.vector_load %arg10[%parallel_loop3A_886, %parallel_loop3A_887, %parallel_loop3A_888] {strides = array<i32>} : memref<2x256x64xf32, #tpu.memory_space<vmem>>, vector<1x1x16xf32>,
        %parallel_loop3A_890 = vector.shape_cast %parallel_loop3A_889 : vector<1x1x16xf32> to vector<16xf32>
        %parallel_loop3A_891 = arith.constant 0 : i32
        %parallel_loop3A_892 = arith.index_cast %parallel_loop3A_891 : i32 to index
        %parallel_loop3A_893 = arith.index_cast %parallel_loop3A_871 : i32 to index
        %parallel_loop3A_894 = arith.constant 16 : index
        %parallel_loop3A_895 = tpu.vector_load %arg11[%parallel_loop3A_892, %parallel_loop3A_893, %parallel_loop3A_894] {strides = array<i32>} : memref<2x256x64xf32, #tpu.memory_space<vmem>>, vector<1x1x16xf32>,
        %parallel_loop3A_896 = vector.shape_cast %parallel_loop3A_895 : vector<1x1x16xf32> to vector<16xf32>
        %parallel_loop3A_897 = arith.mulf %parallel_loop3A_890, %parallel_loop3A_896 : vector<16xf32>
        %parallel_loop3A_898 = arith.addf %parallel_loop3A_884, %parallel_loop3A_897 : vector<16xf32>
        %parallel_loop3A_899 = arith.constant 0 : i32
        %parallel_loop3A_900 = arith.index_cast %parallel_loop3A_899 : i32 to index
        %parallel_loop3A_901 = arith.index_cast %parallel_loop3A_871 : i32 to index
        %parallel_loop3A_902 = arith.constant 32 : index
        %parallel_loop3A_903 = tpu.vector_load %arg10[%parallel_loop3A_900, %parallel_loop3A_901, %parallel_loop3A_902] {strides = array<i32>} : memref<2x256x64xf32, #tpu.memory_space<vmem>>, vector<1x1x16xf32>,
        %parallel_loop3A_904 = vector.shape_cast %parallel_loop3A_903 : vector<1x1x16xf32> to vector<16xf32>
        %parallel_loop3A_905 = arith.constant 0 : i32
        %parallel_loop3A_906 = arith.index_cast %parallel_loop3A_905 : i32 to index
        %parallel_loop3A_907 = arith.index_cast %parallel_loop3A_871 : i32 to index
        %parallel_loop3A_908 = arith.constant 32 : index
        %parallel_loop3A_909 = tpu.vector_load %arg11[%parallel_loop3A_906, %parallel_loop3A_907, %parallel_loop3A_908] {strides = array<i32>} : memref<2x256x64xf32, #tpu.memory_space<vmem>>, vector<1x1x16xf32>,
        %parallel_loop3A_910 = vector.shape_cast %parallel_loop3A_909 : vector<1x1x16xf32> to vector<16xf32>
        %parallel_loop3A_911 = arith.mulf %parallel_loop3A_904, %parallel_loop3A_910 : vector<16xf32>
        %parallel_loop3A_912 = arith.constant 0 : i32
        %parallel_loop3A_913 = arith.index_cast %parallel_loop3A_912 : i32 to index
        %parallel_loop3A_914 = arith.index_cast %parallel_loop3A_871 : i32 to index
        %parallel_loop3A_915 = arith.constant 48 : index
        %parallel_loop3A_916 = tpu.vector_load %arg10[%parallel_loop3A_913, %parallel_loop3A_914, %parallel_loop3A_915] {strides = array<i32>} : memref<2x256x64xf32, #tpu.memory_space<vmem>>, vector<1x1x16xf32>,
        %parallel_loop3A_917 = vector.shape_cast %parallel_loop3A_916 : vector<1x1x16xf32> to vector<16xf32>
        %parallel_loop3A_918 = arith.constant 0 : i32
        %parallel_loop3A_919 = arith.index_cast %parallel_loop3A_918 : i32 to index
        %parallel_loop3A_920 = arith.index_cast %parallel_loop3A_871 : i32 to index
        %parallel_loop3A_921 = arith.constant 48 : index
        %parallel_loop3A_922 = tpu.vector_load %arg11[%parallel_loop3A_919, %parallel_loop3A_920, %parallel_loop3A_921] {strides = array<i32>} : memref<2x256x64xf32, #tpu.memory_space<vmem>>, vector<1x1x16xf32>,
        %parallel_loop3A_923 = vector.shape_cast %parallel_loop3A_922 : vector<1x1x16xf32> to vector<16xf32>
        %parallel_loop3A_924 = arith.mulf %parallel_loop3A_917, %parallel_loop3A_923 : vector<16xf32>
        %parallel_loop3A_925 = arith.addf %parallel_loop3A_911, %parallel_loop3A_924 : vector<16xf32>
        %parallel_loop3A_926 = arith.addf %parallel_loop3A_898, %parallel_loop3A_925 : vector<16xf32>
        %parallel_loop3A_927 = arith.mulf %parallel_loop3A_926, %parallel_loop3A_408 : vector<16xf32>
        %parallel_loop3A_928 = arith.addf %parallel_loop3A_684, %parallel_loop3A_927 : vector<16xf32>
        %parallel_loop3A_929 = arith.constant 16 : i32
        %parallel_loop3A_930 = arith.muli %parallel_loop3A_365, %parallel_loop3A_929 : i32
        %parallel_loop3A_931 = arith.constant 8 : i32
        %parallel_loop3A_932 = arith.addi %parallel_loop3A_930, %parallel_loop3A_931 : i32
        %parallel_loop3A_933 = arith.constant 0 : i32
        %parallel_loop3A_934 = arith.index_cast %parallel_loop3A_933 : i32 to index
        %parallel_loop3A_935 = arith.index_cast %parallel_loop3A_932 : i32 to index
        %parallel_loop3A_936 = arith.constant 0 : index
        %parallel_loop3A_937 = tpu.vector_load %arg10[%parallel_loop3A_934, %parallel_loop3A_935, %parallel_loop3A_936] {strides = array<i32>} : memref<2x256x64xf32, #tpu.memory_space<vmem>>, vector<1x1x16xf32>,
        %parallel_loop3A_938 = vector.shape_cast %parallel_loop3A_937 : vector<1x1x16xf32> to vector<16xf32>
        %parallel_loop3A_939 = arith.constant 0 : i32
        %parallel_loop3A_940 = arith.index_cast %parallel_loop3A_939 : i32 to index
        %parallel_loop3A_941 = arith.index_cast %parallel_loop3A_932 : i32 to index
        %parallel_loop3A_942 = arith.constant 0 : index
        %parallel_loop3A_943 = tpu.vector_load %arg11[%parallel_loop3A_940, %parallel_loop3A_941, %parallel_loop3A_942] {strides = array<i32>} : memref<2x256x64xf32, #tpu.memory_space<vmem>>, vector<1x1x16xf32>,
        %parallel_loop3A_944 = vector.shape_cast %parallel_loop3A_943 : vector<1x1x16xf32> to vector<16xf32>
        %parallel_loop3A_945 = arith.mulf %parallel_loop3A_938, %parallel_loop3A_944 : vector<16xf32>
        %parallel_loop3A_946 = arith.constant 0 : i32
        %parallel_loop3A_947 = arith.index_cast %parallel_loop3A_946 : i32 to index
        %parallel_loop3A_948 = arith.index_cast %parallel_loop3A_932 : i32 to index
        %parallel_loop3A_949 = arith.constant 16 : index
        %parallel_loop3A_950 = tpu.vector_load %arg10[%parallel_loop3A_947, %parallel_loop3A_948, %parallel_loop3A_949] {strides = array<i32>} : memref<2x256x64xf32, #tpu.memory_space<vmem>>, vector<1x1x16xf32>,
        %parallel_loop3A_951 = vector.shape_cast %parallel_loop3A_950 : vector<1x1x16xf32> to vector<16xf32>
        %parallel_loop3A_952 = arith.constant 0 : i32
        %parallel_loop3A_953 = arith.index_cast %parallel_loop3A_952 : i32 to index
        %parallel_loop3A_954 = arith.index_cast %parallel_loop3A_932 : i32 to index
        %parallel_loop3A_955 = arith.constant 16 : index
        %parallel_loop3A_956 = tpu.vector_load %arg11[%parallel_loop3A_953, %parallel_loop3A_954, %parallel_loop3A_955] {strides = array<i32>} : memref<2x256x64xf32, #tpu.memory_space<vmem>>, vector<1x1x16xf32>,
        %parallel_loop3A_957 = vector.shape_cast %parallel_loop3A_956 : vector<1x1x16xf32> to vector<16xf32>
        %parallel_loop3A_958 = arith.mulf %parallel_loop3A_951, %parallel_loop3A_957 : vector<16xf32>
        %parallel_loop3A_959 = arith.addf %parallel_loop3A_945, %parallel_loop3A_958 : vector<16xf32>
        %parallel_loop3A_960 = arith.constant 0 : i32
        %parallel_loop3A_961 = arith.index_cast %parallel_loop3A_960 : i32 to index
        %parallel_loop3A_962 = arith.index_cast %parallel_loop3A_932 : i32 to index
        %parallel_loop3A_963 = arith.constant 32 : index
        %parallel_loop3A_964 = tpu.vector_load %arg10[%parallel_loop3A_961, %parallel_loop3A_962, %parallel_loop3A_963] {strides = array<i32>} : memref<2x256x64xf32, #tpu.memory_space<vmem>>, vector<1x1x16xf32>,
        %parallel_loop3A_965 = vector.shape_cast %parallel_loop3A_964 : vector<1x1x16xf32> to vector<16xf32>
        %parallel_loop3A_966 = arith.constant 0 : i32
        %parallel_loop3A_967 = arith.index_cast %parallel_loop3A_966 : i32 to index
        %parallel_loop3A_968 = arith.index_cast %parallel_loop3A_932 : i32 to index
        %parallel_loop3A_969 = arith.constant 32 : index
        %parallel_loop3A_970 = tpu.vector_load %arg11[%parallel_loop3A_967, %parallel_loop3A_968, %parallel_loop3A_969] {strides = array<i32>} : memref<2x256x64xf32, #tpu.memory_space<vmem>>, vector<1x1x16xf32>,
        %parallel_loop3A_971 = vector.shape_cast %parallel_loop3A_970 : vector<1x1x16xf32> to vector<16xf32>
        %parallel_loop3A_972 = arith.mulf %parallel_loop3A_965, %parallel_loop3A_971 : vector<16xf32>
        %parallel_loop3A_973 = arith.constant 0 : i32
        %parallel_loop3A_974 = arith.index_cast %parallel_loop3A_973 : i32 to index
        %parallel_loop3A_975 = arith.index_cast %parallel_loop3A_932 : i32 to index
        %parallel_loop3A_976 = arith.constant 48 : index
        %parallel_loop3A_977 = tpu.vector_load %arg10[%parallel_loop3A_974, %parallel_loop3A_975, %parallel_loop3A_976] {strides = array<i32>} : memref<2x256x64xf32, #tpu.memory_space<vmem>>, vector<1x1x16xf32>,
        %parallel_loop3A_978 = vector.shape_cast %parallel_loop3A_977 : vector<1x1x16xf32> to vector<16xf32>
        %parallel_loop3A_979 = arith.constant 0 : i32
        %parallel_loop3A_980 = arith.index_cast %parallel_loop3A_979 : i32 to index
        %parallel_loop3A_981 = arith.index_cast %parallel_loop3A_932 : i32 to index
        %parallel_loop3A_982 = arith.constant 48 : index
        %parallel_loop3A_983 = tpu.vector_load %arg11[%parallel_loop3A_980, %parallel_loop3A_981, %parallel_loop3A_982] {strides = array<i32>} : memref<2x256x64xf32, #tpu.memory_space<vmem>>, vector<1x1x16xf32>,
        %parallel_loop3A_984 = vector.shape_cast %parallel_loop3A_983 : vector<1x1x16xf32> to vector<16xf32>
        %parallel_loop3A_985 = arith.mulf %parallel_loop3A_978, %parallel_loop3A_984 : vector<16xf32>
        %parallel_loop3A_986 = arith.addf %parallel_loop3A_972, %parallel_loop3A_985 : vector<16xf32>
        %parallel_loop3A_987 = arith.addf %parallel_loop3A_959, %parallel_loop3A_986 : vector<16xf32>
        %parallel_loop3A_988 = arith.mulf %parallel_loop3A_987, %parallel_loop3A_412 : vector<16xf32>
        %parallel_loop3A_989 = arith.addf %parallel_loop3A_745, %parallel_loop3A_988 : vector<16xf32>
        %parallel_loop3A_990 = arith.constant 16 : i32
        %parallel_loop3A_991 = arith.muli %parallel_loop3A_365, %parallel_loop3A_990 : i32
        %parallel_loop3A_992 = arith.constant 9 : i32
        %parallel_loop3A_993 = arith.addi %parallel_loop3A_991, %parallel_loop3A_992 : i32
        %parallel_loop3A_994 = arith.constant 0 : i32
        %parallel_loop3A_995 = arith.index_cast %parallel_loop3A_994 : i32 to index
        %parallel_loop3A_996 = arith.index_cast %parallel_loop3A_993 : i32 to index
        %parallel_loop3A_997 = arith.constant 0 : index
        %parallel_loop3A_998 = tpu.vector_load %arg10[%parallel_loop3A_995, %parallel_loop3A_996, %parallel_loop3A_997] {strides = array<i32>} : memref<2x256x64xf32, #tpu.memory_space<vmem>>, vector<1x1x16xf32>,
        %parallel_loop3A_999 = vector.shape_cast %parallel_loop3A_998 : vector<1x1x16xf32> to vector<16xf32>
        %parallel_loop3A_1000 = arith.constant 0 : i32
        %parallel_loop3A_1001 = arith.index_cast %parallel_loop3A_1000 : i32 to index
        %parallel_loop3A_1002 = arith.index_cast %parallel_loop3A_993 : i32 to index
        %parallel_loop3A_1003 = arith.constant 0 : index
        %parallel_loop3A_1004 = tpu.vector_load %arg11[%parallel_loop3A_1001, %parallel_loop3A_1002, %parallel_loop3A_1003] {strides = array<i32>} : memref<2x256x64xf32, #tpu.memory_space<vmem>>, vector<1x1x16xf32>,
        %parallel_loop3A_1005 = vector.shape_cast %parallel_loop3A_1004 : vector<1x1x16xf32> to vector<16xf32>
        %parallel_loop3A_1006 = arith.mulf %parallel_loop3A_999, %parallel_loop3A_1005 : vector<16xf32>
        %parallel_loop3A_1007 = arith.constant 0 : i32
        %parallel_loop3A_1008 = arith.index_cast %parallel_loop3A_1007 : i32 to index
        %parallel_loop3A_1009 = arith.index_cast %parallel_loop3A_993 : i32 to index
        %parallel_loop3A_1010 = arith.constant 16 : index
        %parallel_loop3A_1011 = tpu.vector_load %arg10[%parallel_loop3A_1008, %parallel_loop3A_1009, %parallel_loop3A_1010] {strides = array<i32>} : memref<2x256x64xf32, #tpu.memory_space<vmem>>, vector<1x1x16xf32>,
        %parallel_loop3A_1012 = vector.shape_cast %parallel_loop3A_1011 : vector<1x1x16xf32> to vector<16xf32>
        %parallel_loop3A_1013 = arith.constant 0 : i32
        %parallel_loop3A_1014 = arith.index_cast %parallel_loop3A_1013 : i32 to index
        %parallel_loop3A_1015 = arith.index_cast %parallel_loop3A_993 : i32 to index
        %parallel_loop3A_1016 = arith.constant 16 : index
        %parallel_loop3A_1017 = tpu.vector_load %arg11[%parallel_loop3A_1014, %parallel_loop3A_1015, %parallel_loop3A_1016] {strides = array<i32>} : memref<2x256x64xf32, #tpu.memory_space<vmem>>, vector<1x1x16xf32>,
        %parallel_loop3A_1018 = vector.shape_cast %parallel_loop3A_1017 : vector<1x1x16xf32> to vector<16xf32>
        %parallel_loop3A_1019 = arith.mulf %parallel_loop3A_1012, %parallel_loop3A_1018 : vector<16xf32>
        %parallel_loop3A_1020 = arith.addf %parallel_loop3A_1006, %parallel_loop3A_1019 : vector<16xf32>
        %parallel_loop3A_1021 = arith.constant 0 : i32
        %parallel_loop3A_1022 = arith.index_cast %parallel_loop3A_1021 : i32 to index
        %parallel_loop3A_1023 = arith.index_cast %parallel_loop3A_993 : i32 to index
        %parallel_loop3A_1024 = arith.constant 32 : index
        %parallel_loop3A_1025 = tpu.vector_load %arg10[%parallel_loop3A_1022, %parallel_loop3A_1023, %parallel_loop3A_1024] {strides = array<i32>} : memref<2x256x64xf32, #tpu.memory_space<vmem>>, vector<1x1x16xf32>,
        %parallel_loop3A_1026 = vector.shape_cast %parallel_loop3A_1025 : vector<1x1x16xf32> to vector<16xf32>
        %parallel_loop3A_1027 = arith.constant 0 : i32
        %parallel_loop3A_1028 = arith.index_cast %parallel_loop3A_1027 : i32 to index
        %parallel_loop3A_1029 = arith.index_cast %parallel_loop3A_993 : i32 to index
        %parallel_loop3A_1030 = arith.constant 32 : index
        %parallel_loop3A_1031 = tpu.vector_load %arg11[%parallel_loop3A_1028, %parallel_loop3A_1029, %parallel_loop3A_1030] {strides = array<i32>} : memref<2x256x64xf32, #tpu.memory_space<vmem>>, vector<1x1x16xf32>,
        %parallel_loop3A_1032 = vector.shape_cast %parallel_loop3A_1031 : vector<1x1x16xf32> to vector<16xf32>
        %parallel_loop3A_1033 = arith.mulf %parallel_loop3A_1026, %parallel_loop3A_1032 : vector<16xf32>
        %parallel_loop3A_1034 = arith.constant 0 : i32
        %parallel_loop3A_1035 = arith.index_cast %parallel_loop3A_1034 : i32 to index
        %parallel_loop3A_1036 = arith.index_cast %parallel_loop3A_993 : i32 to index
        %parallel_loop3A_1037 = arith.constant 48 : index
        %parallel_loop3A_1038 = tpu.vector_load %arg10[%parallel_loop3A_1035, %parallel_loop3A_1036, %parallel_loop3A_1037] {strides = array<i32>} : memref<2x256x64xf32, #tpu.memory_space<vmem>>, vector<1x1x16xf32>,
        %parallel_loop3A_1039 = vector.shape_cast %parallel_loop3A_1038 : vector<1x1x16xf32> to vector<16xf32>
        %parallel_loop3A_1040 = arith.constant 0 : i32
        %parallel_loop3A_1041 = arith.index_cast %parallel_loop3A_1040 : i32 to index
        %parallel_loop3A_1042 = arith.index_cast %parallel_loop3A_993 : i32 to index
        %parallel_loop3A_1043 = arith.constant 48 : index
        %parallel_loop3A_1044 = tpu.vector_load %arg11[%parallel_loop3A_1041, %parallel_loop3A_1042, %parallel_loop3A_1043] {strides = array<i32>} : memref<2x256x64xf32, #tpu.memory_space<vmem>>, vector<1x1x16xf32>,
        %parallel_loop3A_1045 = vector.shape_cast %parallel_loop3A_1044 : vector<1x1x16xf32> to vector<16xf32>
        %parallel_loop3A_1046 = arith.mulf %parallel_loop3A_1039, %parallel_loop3A_1045 : vector<16xf32>
        %parallel_loop3A_1047 = arith.addf %parallel_loop3A_1033, %parallel_loop3A_1046 : vector<16xf32>
        %parallel_loop3A_1048 = arith.addf %parallel_loop3A_1020, %parallel_loop3A_1047 : vector<16xf32>
        %parallel_loop3A_1049 = arith.mulf %parallel_loop3A_1048, %parallel_loop3A_416 : vector<16xf32>
        %parallel_loop3A_1050 = arith.addf %parallel_loop3A_806, %parallel_loop3A_1049 : vector<16xf32>
        %parallel_loop3A_1051 = arith.constant 16 : i32
        %parallel_loop3A_1052 = arith.muli %parallel_loop3A_365, %parallel_loop3A_1051 : i32
        %parallel_loop3A_1053 = arith.constant 10 : i32
        %parallel_loop3A_1054 = arith.addi %parallel_loop3A_1052, %parallel_loop3A_1053 : i32
        %parallel_loop3A_1055 = arith.constant 0 : i32
        %parallel_loop3A_1056 = arith.index_cast %parallel_loop3A_1055 : i32 to index
        %parallel_loop3A_1057 = arith.index_cast %parallel_loop3A_1054 : i32 to index
        %parallel_loop3A_1058 = arith.constant 0 : index
        %parallel_loop3A_1059 = tpu.vector_load %arg10[%parallel_loop3A_1056, %parallel_loop3A_1057, %parallel_loop3A_1058] {strides = array<i32>} : memref<2x256x64xf32, #tpu.memory_space<vmem>>, vector<1x1x16xf32>,
        %parallel_loop3A_1060 = vector.shape_cast %parallel_loop3A_1059 : vector<1x1x16xf32> to vector<16xf32>
        %parallel_loop3A_1061 = arith.constant 0 : i32
        %parallel_loop3A_1062 = arith.index_cast %parallel_loop3A_1061 : i32 to index
        %parallel_loop3A_1063 = arith.index_cast %parallel_loop3A_1054 : i32 to index
        %parallel_loop3A_1064 = arith.constant 0 : index
        %parallel_loop3A_1065 = tpu.vector_load %arg11[%parallel_loop3A_1062, %parallel_loop3A_1063, %parallel_loop3A_1064] {strides = array<i32>} : memref<2x256x64xf32, #tpu.memory_space<vmem>>, vector<1x1x16xf32>,
        %parallel_loop3A_1066 = vector.shape_cast %parallel_loop3A_1065 : vector<1x1x16xf32> to vector<16xf32>
        %parallel_loop3A_1067 = arith.mulf %parallel_loop3A_1060, %parallel_loop3A_1066 : vector<16xf32>
        %parallel_loop3A_1068 = arith.constant 0 : i32
        %parallel_loop3A_1069 = arith.index_cast %parallel_loop3A_1068 : i32 to index
        %parallel_loop3A_1070 = arith.index_cast %parallel_loop3A_1054 : i32 to index
        %parallel_loop3A_1071 = arith.constant 16 : index
        %parallel_loop3A_1072 = tpu.vector_load %arg10[%parallel_loop3A_1069, %parallel_loop3A_1070, %parallel_loop3A_1071] {strides = array<i32>} : memref<2x256x64xf32, #tpu.memory_space<vmem>>, vector<1x1x16xf32>,
        %parallel_loop3A_1073 = vector.shape_cast %parallel_loop3A_1072 : vector<1x1x16xf32> to vector<16xf32>
        %parallel_loop3A_1074 = arith.constant 0 : i32
        %parallel_loop3A_1075 = arith.index_cast %parallel_loop3A_1074 : i32 to index
        %parallel_loop3A_1076 = arith.index_cast %parallel_loop3A_1054 : i32 to index
        %parallel_loop3A_1077 = arith.constant 16 : index
        %parallel_loop3A_1078 = tpu.vector_load %arg11[%parallel_loop3A_1075, %parallel_loop3A_1076, %parallel_loop3A_1077] {strides = array<i32>} : memref<2x256x64xf32, #tpu.memory_space<vmem>>, vector<1x1x16xf32>,
        %parallel_loop3A_1079 = vector.shape_cast %parallel_loop3A_1078 : vector<1x1x16xf32> to vector<16xf32>
        %parallel_loop3A_1080 = arith.mulf %parallel_loop3A_1073, %parallel_loop3A_1079 : vector<16xf32>
        %parallel_loop3A_1081 = arith.addf %parallel_loop3A_1067, %parallel_loop3A_1080 : vector<16xf32>
        %parallel_loop3A_1082 = arith.constant 0 : i32
        %parallel_loop3A_1083 = arith.index_cast %parallel_loop3A_1082 : i32 to index
        %parallel_loop3A_1084 = arith.index_cast %parallel_loop3A_1054 : i32 to index
        %parallel_loop3A_1085 = arith.constant 32 : index
        %parallel_loop3A_1086 = tpu.vector_load %arg10[%parallel_loop3A_1083, %parallel_loop3A_1084, %parallel_loop3A_1085] {strides = array<i32>} : memref<2x256x64xf32, #tpu.memory_space<vmem>>, vector<1x1x16xf32>,
        %parallel_loop3A_1087 = vector.shape_cast %parallel_loop3A_1086 : vector<1x1x16xf32> to vector<16xf32>
        %parallel_loop3A_1088 = arith.constant 0 : i32
        %parallel_loop3A_1089 = arith.index_cast %parallel_loop3A_1088 : i32 to index
        %parallel_loop3A_1090 = arith.index_cast %parallel_loop3A_1054 : i32 to index
        %parallel_loop3A_1091 = arith.constant 32 : index
        %parallel_loop3A_1092 = tpu.vector_load %arg11[%parallel_loop3A_1089, %parallel_loop3A_1090, %parallel_loop3A_1091] {strides = array<i32>} : memref<2x256x64xf32, #tpu.memory_space<vmem>>, vector<1x1x16xf32>,
        %parallel_loop3A_1093 = vector.shape_cast %parallel_loop3A_1092 : vector<1x1x16xf32> to vector<16xf32>
        %parallel_loop3A_1094 = arith.mulf %parallel_loop3A_1087, %parallel_loop3A_1093 : vector<16xf32>
        %parallel_loop3A_1095 = arith.constant 0 : i32
        %parallel_loop3A_1096 = arith.index_cast %parallel_loop3A_1095 : i32 to index
        %parallel_loop3A_1097 = arith.index_cast %parallel_loop3A_1054 : i32 to index
        %parallel_loop3A_1098 = arith.constant 48 : index
        %parallel_loop3A_1099 = tpu.vector_load %arg10[%parallel_loop3A_1096, %parallel_loop3A_1097, %parallel_loop3A_1098] {strides = array<i32>} : memref<2x256x64xf32, #tpu.memory_space<vmem>>, vector<1x1x16xf32>,
        %parallel_loop3A_1100 = vector.shape_cast %parallel_loop3A_1099 : vector<1x1x16xf32> to vector<16xf32>
        %parallel_loop3A_1101 = arith.constant 0 : i32
        %parallel_loop3A_1102 = arith.index_cast %parallel_loop3A_1101 : i32 to index
        %parallel_loop3A_1103 = arith.index_cast %parallel_loop3A_1054 : i32 to index
        %parallel_loop3A_1104 = arith.constant 48 : index
        %parallel_loop3A_1105 = tpu.vector_load %arg11[%parallel_loop3A_1102, %parallel_loop3A_1103, %parallel_loop3A_1104] {strides = array<i32>} : memref<2x256x64xf32, #tpu.memory_space<vmem>>, vector<1x1x16xf32>,
        %parallel_loop3A_1106 = vector.shape_cast %parallel_loop3A_1105 : vector<1x1x16xf32> to vector<16xf32>
        %parallel_loop3A_1107 = arith.mulf %parallel_loop3A_1100, %parallel_loop3A_1106 : vector<16xf32>
        %parallel_loop3A_1108 = arith.addf %parallel_loop3A_1094, %parallel_loop3A_1107 : vector<16xf32>
        %parallel_loop3A_1109 = arith.addf %parallel_loop3A_1081, %parallel_loop3A_1108 : vector<16xf32>
        %parallel_loop3A_1110 = arith.mulf %parallel_loop3A_1109, %parallel_loop3A_420 : vector<16xf32>
        %parallel_loop3A_1111 = arith.addf %parallel_loop3A_867, %parallel_loop3A_1110 : vector<16xf32>
        %parallel_loop3A_1112 = arith.constant 16 : i32
        %parallel_loop3A_1113 = arith.muli %parallel_loop3A_365, %parallel_loop3A_1112 : i32
        %parallel_loop3A_1114 = arith.constant 11 : i32
        %parallel_loop3A_1115 = arith.addi %parallel_loop3A_1113, %parallel_loop3A_1114 : i32
        %parallel_loop3A_1116 = arith.constant 0 : i32
        %parallel_loop3A_1117 = arith.index_cast %parallel_loop3A_1116 : i32 to index
        %parallel_loop3A_1118 = arith.index_cast %parallel_loop3A_1115 : i32 to index
        %parallel_loop3A_1119 = arith.constant 0 : index
        %parallel_loop3A_1120 = tpu.vector_load %arg10[%parallel_loop3A_1117, %parallel_loop3A_1118, %parallel_loop3A_1119] {strides = array<i32>} : memref<2x256x64xf32, #tpu.memory_space<vmem>>, vector<1x1x16xf32>,
        %parallel_loop3A_1121 = vector.shape_cast %parallel_loop3A_1120 : vector<1x1x16xf32> to vector<16xf32>
        %parallel_loop3A_1122 = arith.constant 0 : i32
        %parallel_loop3A_1123 = arith.index_cast %parallel_loop3A_1122 : i32 to index
        %parallel_loop3A_1124 = arith.index_cast %parallel_loop3A_1115 : i32 to index
        %parallel_loop3A_1125 = arith.constant 0 : index
        %parallel_loop3A_1126 = tpu.vector_load %arg11[%parallel_loop3A_1123, %parallel_loop3A_1124, %parallel_loop3A_1125] {strides = array<i32>} : memref<2x256x64xf32, #tpu.memory_space<vmem>>, vector<1x1x16xf32>,
        %parallel_loop3A_1127 = vector.shape_cast %parallel_loop3A_1126 : vector<1x1x16xf32> to vector<16xf32>
        %parallel_loop3A_1128 = arith.mulf %parallel_loop3A_1121, %parallel_loop3A_1127 : vector<16xf32>
        %parallel_loop3A_1129 = arith.constant 0 : i32
        %parallel_loop3A_1130 = arith.index_cast %parallel_loop3A_1129 : i32 to index
        %parallel_loop3A_1131 = arith.index_cast %parallel_loop3A_1115 : i32 to index
        %parallel_loop3A_1132 = arith.constant 16 : index
        %parallel_loop3A_1133 = tpu.vector_load %arg10[%parallel_loop3A_1130, %parallel_loop3A_1131, %parallel_loop3A_1132] {strides = array<i32>} : memref<2x256x64xf32, #tpu.memory_space<vmem>>, vector<1x1x16xf32>,
        %parallel_loop3A_1134 = vector.shape_cast %parallel_loop3A_1133 : vector<1x1x16xf32> to vector<16xf32>
        %parallel_loop3A_1135 = arith.constant 0 : i32
        %parallel_loop3A_1136 = arith.index_cast %parallel_loop3A_1135 : i32 to index
        %parallel_loop3A_1137 = arith.index_cast %parallel_loop3A_1115 : i32 to index
        %parallel_loop3A_1138 = arith.constant 16 : index
        %parallel_loop3A_1139 = tpu.vector_load %arg11[%parallel_loop3A_1136, %parallel_loop3A_1137, %parallel_loop3A_1138] {strides = array<i32>} : memref<2x256x64xf32, #tpu.memory_space<vmem>>, vector<1x1x16xf32>,
        %parallel_loop3A_1140 = vector.shape_cast %parallel_loop3A_1139 : vector<1x1x16xf32> to vector<16xf32>
        %parallel_loop3A_1141 = arith.mulf %parallel_loop3A_1134, %parallel_loop3A_1140 : vector<16xf32>
        %parallel_loop3A_1142 = arith.addf %parallel_loop3A_1128, %parallel_loop3A_1141 : vector<16xf32>
        %parallel_loop3A_1143 = arith.constant 0 : i32
        %parallel_loop3A_1144 = arith.index_cast %parallel_loop3A_1143 : i32 to index
        %parallel_loop3A_1145 = arith.index_cast %parallel_loop3A_1115 : i32 to index
        %parallel_loop3A_1146 = arith.constant 32 : index
        %parallel_loop3A_1147 = tpu.vector_load %arg10[%parallel_loop3A_1144, %parallel_loop3A_1145, %parallel_loop3A_1146] {strides = array<i32>} : memref<2x256x64xf32, #tpu.memory_space<vmem>>, vector<1x1x16xf32>,
        %parallel_loop3A_1148 = vector.shape_cast %parallel_loop3A_1147 : vector<1x1x16xf32> to vector<16xf32>
        %parallel_loop3A_1149 = arith.constant 0 : i32
        %parallel_loop3A_1150 = arith.index_cast %parallel_loop3A_1149 : i32 to index
        %parallel_loop3A_1151 = arith.index_cast %parallel_loop3A_1115 : i32 to index
        %parallel_loop3A_1152 = arith.constant 32 : index
        %parallel_loop3A_1153 = tpu.vector_load %arg11[%parallel_loop3A_1150, %parallel_loop3A_1151, %parallel_loop3A_1152] {strides = array<i32>} : memref<2x256x64xf32, #tpu.memory_space<vmem>>, vector<1x1x16xf32>,
        %parallel_loop3A_1154 = vector.shape_cast %parallel_loop3A_1153 : vector<1x1x16xf32> to vector<16xf32>
        %parallel_loop3A_1155 = arith.mulf %parallel_loop3A_1148, %parallel_loop3A_1154 : vector<16xf32>
        %parallel_loop3A_1156 = arith.constant 0 : i32
        %parallel_loop3A_1157 = arith.index_cast %parallel_loop3A_1156 : i32 to index
        %parallel_loop3A_1158 = arith.index_cast %parallel_loop3A_1115 : i32 to index
        %parallel_loop3A_1159 = arith.constant 48 : index
        %parallel_loop3A_1160 = tpu.vector_load %arg10[%parallel_loop3A_1157, %parallel_loop3A_1158, %parallel_loop3A_1159] {strides = array<i32>} : memref<2x256x64xf32, #tpu.memory_space<vmem>>, vector<1x1x16xf32>,
        %parallel_loop3A_1161 = vector.shape_cast %parallel_loop3A_1160 : vector<1x1x16xf32> to vector<16xf32>
        %parallel_loop3A_1162 = arith.constant 0 : i32
        %parallel_loop3A_1163 = arith.index_cast %parallel_loop3A_1162 : i32 to index
        %parallel_loop3A_1164 = arith.index_cast %parallel_loop3A_1115 : i32 to index
        %parallel_loop3A_1165 = arith.constant 48 : index
        %parallel_loop3A_1166 = tpu.vector_load %arg11[%parallel_loop3A_1163, %parallel_loop3A_1164, %parallel_loop3A_1165] {strides = array<i32>} : memref<2x256x64xf32, #tpu.memory_space<vmem>>, vector<1x1x16xf32>,
        %parallel_loop3A_1167 = vector.shape_cast %parallel_loop3A_1166 : vector<1x1x16xf32> to vector<16xf32>
        %parallel_loop3A_1168 = arith.mulf %parallel_loop3A_1161, %parallel_loop3A_1167 : vector<16xf32>
        %parallel_loop3A_1169 = arith.addf %parallel_loop3A_1155, %parallel_loop3A_1168 : vector<16xf32>
        %parallel_loop3A_1170 = arith.addf %parallel_loop3A_1142, %parallel_loop3A_1169 : vector<16xf32>
        %parallel_loop3A_1171 = arith.mulf %parallel_loop3A_1170, %parallel_loop3A_424 : vector<16xf32>
        %parallel_loop3A_1172 = arith.addf %parallel_loop3A_928, %parallel_loop3A_1171 : vector<16xf32>
        %parallel_loop3A_1173 = arith.constant 16 : i32
        %parallel_loop3A_1174 = arith.muli %parallel_loop3A_365, %parallel_loop3A_1173 : i32
        %parallel_loop3A_1175 = arith.constant 12 : i32
        %parallel_loop3A_1176 = arith.addi %parallel_loop3A_1174, %parallel_loop3A_1175 : i32
        %parallel_loop3A_1177 = arith.constant 0 : i32
        %parallel_loop3A_1178 = arith.index_cast %parallel_loop3A_1177 : i32 to index
        %parallel_loop3A_1179 = arith.index_cast %parallel_loop3A_1176 : i32 to index
        %parallel_loop3A_1180 = arith.constant 0 : index
        %parallel_loop3A_1181 = tpu.vector_load %arg10[%parallel_loop3A_1178, %parallel_loop3A_1179, %parallel_loop3A_1180] {strides = array<i32>} : memref<2x256x64xf32, #tpu.memory_space<vmem>>, vector<1x1x16xf32>,
        %parallel_loop3A_1182 = vector.shape_cast %parallel_loop3A_1181 : vector<1x1x16xf32> to vector<16xf32>
        %parallel_loop3A_1183 = arith.constant 0 : i32
        %parallel_loop3A_1184 = arith.index_cast %parallel_loop3A_1183 : i32 to index
        %parallel_loop3A_1185 = arith.index_cast %parallel_loop3A_1176 : i32 to index
        %parallel_loop3A_1186 = arith.constant 0 : index
        %parallel_loop3A_1187 = tpu.vector_load %arg11[%parallel_loop3A_1184, %parallel_loop3A_1185, %parallel_loop3A_1186] {strides = array<i32>} : memref<2x256x64xf32, #tpu.memory_space<vmem>>, vector<1x1x16xf32>,
        %parallel_loop3A_1188 = vector.shape_cast %parallel_loop3A_1187 : vector<1x1x16xf32> to vector<16xf32>
        %parallel_loop3A_1189 = arith.mulf %parallel_loop3A_1182, %parallel_loop3A_1188 : vector<16xf32>
        %parallel_loop3A_1190 = arith.constant 0 : i32
        %parallel_loop3A_1191 = arith.index_cast %parallel_loop3A_1190 : i32 to index
        %parallel_loop3A_1192 = arith.index_cast %parallel_loop3A_1176 : i32 to index
        %parallel_loop3A_1193 = arith.constant 16 : index
        %parallel_loop3A_1194 = tpu.vector_load %arg10[%parallel_loop3A_1191, %parallel_loop3A_1192, %parallel_loop3A_1193] {strides = array<i32>} : memref<2x256x64xf32, #tpu.memory_space<vmem>>, vector<1x1x16xf32>,
        %parallel_loop3A_1195 = vector.shape_cast %parallel_loop3A_1194 : vector<1x1x16xf32> to vector<16xf32>
        %parallel_loop3A_1196 = arith.constant 0 : i32
        %parallel_loop3A_1197 = arith.index_cast %parallel_loop3A_1196 : i32 to index
        %parallel_loop3A_1198 = arith.index_cast %parallel_loop3A_1176 : i32 to index
        %parallel_loop3A_1199 = arith.constant 16 : index
        %parallel_loop3A_1200 = tpu.vector_load %arg11[%parallel_loop3A_1197, %parallel_loop3A_1198, %parallel_loop3A_1199] {strides = array<i32>} : memref<2x256x64xf32, #tpu.memory_space<vmem>>, vector<1x1x16xf32>,
        %parallel_loop3A_1201 = vector.shape_cast %parallel_loop3A_1200 : vector<1x1x16xf32> to vector<16xf32>
        %parallel_loop3A_1202 = arith.mulf %parallel_loop3A_1195, %parallel_loop3A_1201 : vector<16xf32>
        %parallel_loop3A_1203 = arith.addf %parallel_loop3A_1189, %parallel_loop3A_1202 : vector<16xf32>
        %parallel_loop3A_1204 = arith.constant 0 : i32
        %parallel_loop3A_1205 = arith.index_cast %parallel_loop3A_1204 : i32 to index
        %parallel_loop3A_1206 = arith.index_cast %parallel_loop3A_1176 : i32 to index
        %parallel_loop3A_1207 = arith.constant 32 : index
        %parallel_loop3A_1208 = tpu.vector_load %arg10[%parallel_loop3A_1205, %parallel_loop3A_1206, %parallel_loop3A_1207] {strides = array<i32>} : memref<2x256x64xf32, #tpu.memory_space<vmem>>, vector<1x1x16xf32>,
        %parallel_loop3A_1209 = vector.shape_cast %parallel_loop3A_1208 : vector<1x1x16xf32> to vector<16xf32>
        %parallel_loop3A_1210 = arith.constant 0 : i32
        %parallel_loop3A_1211 = arith.index_cast %parallel_loop3A_1210 : i32 to index
        %parallel_loop3A_1212 = arith.index_cast %parallel_loop3A_1176 : i32 to index
        %parallel_loop3A_1213 = arith.constant 32 : index
        %parallel_loop3A_1214 = tpu.vector_load %arg11[%parallel_loop3A_1211, %parallel_loop3A_1212, %parallel_loop3A_1213] {strides = array<i32>} : memref<2x256x64xf32, #tpu.memory_space<vmem>>, vector<1x1x16xf32>,
        %parallel_loop3A_1215 = vector.shape_cast %parallel_loop3A_1214 : vector<1x1x16xf32> to vector<16xf32>
        %parallel_loop3A_1216 = arith.mulf %parallel_loop3A_1209, %parallel_loop3A_1215 : vector<16xf32>
        %parallel_loop3A_1217 = arith.constant 0 : i32
        %parallel_loop3A_1218 = arith.index_cast %parallel_loop3A_1217 : i32 to index
        %parallel_loop3A_1219 = arith.index_cast %parallel_loop3A_1176 : i32 to index
        %parallel_loop3A_1220 = arith.constant 48 : index
        %parallel_loop3A_1221 = tpu.vector_load %arg10[%parallel_loop3A_1218, %parallel_loop3A_1219, %parallel_loop3A_1220] {strides = array<i32>} : memref<2x256x64xf32, #tpu.memory_space<vmem>>, vector<1x1x16xf32>,
        %parallel_loop3A_1222 = vector.shape_cast %parallel_loop3A_1221 : vector<1x1x16xf32> to vector<16xf32>
        %parallel_loop3A_1223 = arith.constant 0 : i32
        %parallel_loop3A_1224 = arith.index_cast %parallel_loop3A_1223 : i32 to index
        %parallel_loop3A_1225 = arith.index_cast %parallel_loop3A_1176 : i32 to index
        %parallel_loop3A_1226 = arith.constant 48 : index
        %parallel_loop3A_1227 = tpu.vector_load %arg11[%parallel_loop3A_1224, %parallel_loop3A_1225, %parallel_loop3A_1226] {strides = array<i32>} : memref<2x256x64xf32, #tpu.memory_space<vmem>>, vector<1x1x16xf32>,
        %parallel_loop3A_1228 = vector.shape_cast %parallel_loop3A_1227 : vector<1x1x16xf32> to vector<16xf32>
        %parallel_loop3A_1229 = arith.mulf %parallel_loop3A_1222, %parallel_loop3A_1228 : vector<16xf32>
        %parallel_loop3A_1230 = arith.addf %parallel_loop3A_1216, %parallel_loop3A_1229 : vector<16xf32>
        %parallel_loop3A_1231 = arith.addf %parallel_loop3A_1203, %parallel_loop3A_1230 : vector<16xf32>
        %parallel_loop3A_1232 = arith.mulf %parallel_loop3A_1231, %parallel_loop3A_428 : vector<16xf32>
        %parallel_loop3A_1233 = arith.addf %parallel_loop3A_989, %parallel_loop3A_1232 : vector<16xf32>
        %parallel_loop3A_1234 = arith.constant 16 : i32
        %parallel_loop3A_1235 = arith.muli %parallel_loop3A_365, %parallel_loop3A_1234 : i32
        %parallel_loop3A_1236 = arith.constant 13 : i32
        %parallel_loop3A_1237 = arith.addi %parallel_loop3A_1235, %parallel_loop3A_1236 : i32
        %parallel_loop3A_1238 = arith.constant 0 : i32
        %parallel_loop3A_1239 = arith.index_cast %parallel_loop3A_1238 : i32 to index
        %parallel_loop3A_1240 = arith.index_cast %parallel_loop3A_1237 : i32 to index
        %parallel_loop3A_1241 = arith.constant 0 : index
        %parallel_loop3A_1242 = tpu.vector_load %arg10[%parallel_loop3A_1239, %parallel_loop3A_1240, %parallel_loop3A_1241] {strides = array<i32>} : memref<2x256x64xf32, #tpu.memory_space<vmem>>, vector<1x1x16xf32>,
        %parallel_loop3A_1243 = vector.shape_cast %parallel_loop3A_1242 : vector<1x1x16xf32> to vector<16xf32>
        %parallel_loop3A_1244 = arith.constant 0 : i32
        %parallel_loop3A_1245 = arith.index_cast %parallel_loop3A_1244 : i32 to index
        %parallel_loop3A_1246 = arith.index_cast %parallel_loop3A_1237 : i32 to index
        %parallel_loop3A_1247 = arith.constant 0 : index
        %parallel_loop3A_1248 = tpu.vector_load %arg11[%parallel_loop3A_1245, %parallel_loop3A_1246, %parallel_loop3A_1247] {strides = array<i32>} : memref<2x256x64xf32, #tpu.memory_space<vmem>>, vector<1x1x16xf32>,
        %parallel_loop3A_1249 = vector.shape_cast %parallel_loop3A_1248 : vector<1x1x16xf32> to vector<16xf32>
        %parallel_loop3A_1250 = arith.mulf %parallel_loop3A_1243, %parallel_loop3A_1249 : vector<16xf32>
        %parallel_loop3A_1251 = arith.constant 0 : i32
        %parallel_loop3A_1252 = arith.index_cast %parallel_loop3A_1251 : i32 to index
        %parallel_loop3A_1253 = arith.index_cast %parallel_loop3A_1237 : i32 to index
        %parallel_loop3A_1254 = arith.constant 16 : index
        %parallel_loop3A_1255 = tpu.vector_load %arg10[%parallel_loop3A_1252, %parallel_loop3A_1253, %parallel_loop3A_1254] {strides = array<i32>} : memref<2x256x64xf32, #tpu.memory_space<vmem>>, vector<1x1x16xf32>,
        %parallel_loop3A_1256 = vector.shape_cast %parallel_loop3A_1255 : vector<1x1x16xf32> to vector<16xf32>
        %parallel_loop3A_1257 = arith.constant 0 : i32
        %parallel_loop3A_1258 = arith.index_cast %parallel_loop3A_1257 : i32 to index
        %parallel_loop3A_1259 = arith.index_cast %parallel_loop3A_1237 : i32 to index
        %parallel_loop3A_1260 = arith.constant 16 : index
        %parallel_loop3A_1261 = tpu.vector_load %arg11[%parallel_loop3A_1258, %parallel_loop3A_1259, %parallel_loop3A_1260] {strides = array<i32>} : memref<2x256x64xf32, #tpu.memory_space<vmem>>, vector<1x1x16xf32>,
        %parallel_loop3A_1262 = vector.shape_cast %parallel_loop3A_1261 : vector<1x1x16xf32> to vector<16xf32>
        %parallel_loop3A_1263 = arith.mulf %parallel_loop3A_1256, %parallel_loop3A_1262 : vector<16xf32>
        %parallel_loop3A_1264 = arith.addf %parallel_loop3A_1250, %parallel_loop3A_1263 : vector<16xf32>
        %parallel_loop3A_1265 = arith.constant 0 : i32
        %parallel_loop3A_1266 = arith.index_cast %parallel_loop3A_1265 : i32 to index
        %parallel_loop3A_1267 = arith.index_cast %parallel_loop3A_1237 : i32 to index
        %parallel_loop3A_1268 = arith.constant 32 : index
        %parallel_loop3A_1269 = tpu.vector_load %arg10[%parallel_loop3A_1266, %parallel_loop3A_1267, %parallel_loop3A_1268] {strides = array<i32>} : memref<2x256x64xf32, #tpu.memory_space<vmem>>, vector<1x1x16xf32>,
        %parallel_loop3A_1270 = vector.shape_cast %parallel_loop3A_1269 : vector<1x1x16xf32> to vector<16xf32>
        %parallel_loop3A_1271 = arith.constant 0 : i32
        %parallel_loop3A_1272 = arith.index_cast %parallel_loop3A_1271 : i32 to index
        %parallel_loop3A_1273 = arith.index_cast %parallel_loop3A_1237 : i32 to index
        %parallel_loop3A_1274 = arith.constant 32 : index
        %parallel_loop3A_1275 = tpu.vector_load %arg11[%parallel_loop3A_1272, %parallel_loop3A_1273, %parallel_loop3A_1274] {strides = array<i32>} : memref<2x256x64xf32, #tpu.memory_space<vmem>>, vector<1x1x16xf32>,
        %parallel_loop3A_1276 = vector.shape_cast %parallel_loop3A_1275 : vector<1x1x16xf32> to vector<16xf32>
        %parallel_loop3A_1277 = arith.mulf %parallel_loop3A_1270, %parallel_loop3A_1276 : vector<16xf32>
        %parallel_loop3A_1278 = arith.constant 0 : i32
        %parallel_loop3A_1279 = arith.index_cast %parallel_loop3A_1278 : i32 to index
        %parallel_loop3A_1280 = arith.index_cast %parallel_loop3A_1237 : i32 to index
        %parallel_loop3A_1281 = arith.constant 48 : index
        %parallel_loop3A_1282 = tpu.vector_load %arg10[%parallel_loop3A_1279, %parallel_loop3A_1280, %parallel_loop3A_1281] {strides = array<i32>} : memref<2x256x64xf32, #tpu.memory_space<vmem>>, vector<1x1x16xf32>,
        %parallel_loop3A_1283 = vector.shape_cast %parallel_loop3A_1282 : vector<1x1x16xf32> to vector<16xf32>
        %parallel_loop3A_1284 = arith.constant 0 : i32
        %parallel_loop3A_1285 = arith.index_cast %parallel_loop3A_1284 : i32 to index
        %parallel_loop3A_1286 = arith.index_cast %parallel_loop3A_1237 : i32 to index
        %parallel_loop3A_1287 = arith.constant 48 : index
        %parallel_loop3A_1288 = tpu.vector_load %arg11[%parallel_loop3A_1285, %parallel_loop3A_1286, %parallel_loop3A_1287] {strides = array<i32>} : memref<2x256x64xf32, #tpu.memory_space<vmem>>, vector<1x1x16xf32>,
        %parallel_loop3A_1289 = vector.shape_cast %parallel_loop3A_1288 : vector<1x1x16xf32> to vector<16xf32>
        %parallel_loop3A_1290 = arith.mulf %parallel_loop3A_1283, %parallel_loop3A_1289 : vector<16xf32>
        %parallel_loop3A_1291 = arith.addf %parallel_loop3A_1277, %parallel_loop3A_1290 : vector<16xf32>
        %parallel_loop3A_1292 = arith.addf %parallel_loop3A_1264, %parallel_loop3A_1291 : vector<16xf32>
        %parallel_loop3A_1293 = arith.mulf %parallel_loop3A_1292, %parallel_loop3A_432 : vector<16xf32>
        %parallel_loop3A_1294 = arith.addf %parallel_loop3A_1050, %parallel_loop3A_1293 : vector<16xf32>
        %parallel_loop3A_1295 = arith.constant 16 : i32
        %parallel_loop3A_1296 = arith.muli %parallel_loop3A_365, %parallel_loop3A_1295 : i32
        %parallel_loop3A_1297 = arith.constant 14 : i32
        %parallel_loop3A_1298 = arith.addi %parallel_loop3A_1296, %parallel_loop3A_1297 : i32
        %parallel_loop3A_1299 = arith.constant 0 : i32
        %parallel_loop3A_1300 = arith.index_cast %parallel_loop3A_1299 : i32 to index
        %parallel_loop3A_1301 = arith.index_cast %parallel_loop3A_1298 : i32 to index
        %parallel_loop3A_1302 = arith.constant 0 : index
        %parallel_loop3A_1303 = tpu.vector_load %arg10[%parallel_loop3A_1300, %parallel_loop3A_1301, %parallel_loop3A_1302] {strides = array<i32>} : memref<2x256x64xf32, #tpu.memory_space<vmem>>, vector<1x1x16xf32>,
        %parallel_loop3A_1304 = vector.shape_cast %parallel_loop3A_1303 : vector<1x1x16xf32> to vector<16xf32>
        %parallel_loop3A_1305 = arith.constant 0 : i32
        %parallel_loop3A_1306 = arith.index_cast %parallel_loop3A_1305 : i32 to index
        %parallel_loop3A_1307 = arith.index_cast %parallel_loop3A_1298 : i32 to index
        %parallel_loop3A_1308 = arith.constant 0 : index
        %parallel_loop3A_1309 = tpu.vector_load %arg11[%parallel_loop3A_1306, %parallel_loop3A_1307, %parallel_loop3A_1308] {strides = array<i32>} : memref<2x256x64xf32, #tpu.memory_space<vmem>>, vector<1x1x16xf32>,
        %parallel_loop3A_1310 = vector.shape_cast %parallel_loop3A_1309 : vector<1x1x16xf32> to vector<16xf32>
        %parallel_loop3A_1311 = arith.mulf %parallel_loop3A_1304, %parallel_loop3A_1310 : vector<16xf32>
        %parallel_loop3A_1312 = arith.constant 0 : i32
        %parallel_loop3A_1313 = arith.index_cast %parallel_loop3A_1312 : i32 to index
        %parallel_loop3A_1314 = arith.index_cast %parallel_loop3A_1298 : i32 to index
        %parallel_loop3A_1315 = arith.constant 16 : index
        %parallel_loop3A_1316 = tpu.vector_load %arg10[%parallel_loop3A_1313, %parallel_loop3A_1314, %parallel_loop3A_1315] {strides = array<i32>} : memref<2x256x64xf32, #tpu.memory_space<vmem>>, vector<1x1x16xf32>,
        %parallel_loop3A_1317 = vector.shape_cast %parallel_loop3A_1316 : vector<1x1x16xf32> to vector<16xf32>
        %parallel_loop3A_1318 = arith.constant 0 : i32
        %parallel_loop3A_1319 = arith.index_cast %parallel_loop3A_1318 : i32 to index
        %parallel_loop3A_1320 = arith.index_cast %parallel_loop3A_1298 : i32 to index
        %parallel_loop3A_1321 = arith.constant 16 : index
        %parallel_loop3A_1322 = tpu.vector_load %arg11[%parallel_loop3A_1319, %parallel_loop3A_1320, %parallel_loop3A_1321] {strides = array<i32>} : memref<2x256x64xf32, #tpu.memory_space<vmem>>, vector<1x1x16xf32>,
        %parallel_loop3A_1323 = vector.shape_cast %parallel_loop3A_1322 : vector<1x1x16xf32> to vector<16xf32>
        %parallel_loop3A_1324 = arith.mulf %parallel_loop3A_1317, %parallel_loop3A_1323 : vector<16xf32>
        %parallel_loop3A_1325 = arith.addf %parallel_loop3A_1311, %parallel_loop3A_1324 : vector<16xf32>
        %parallel_loop3A_1326 = arith.constant 0 : i32
        %parallel_loop3A_1327 = arith.index_cast %parallel_loop3A_1326 : i32 to index
        %parallel_loop3A_1328 = arith.index_cast %parallel_loop3A_1298 : i32 to index
        %parallel_loop3A_1329 = arith.constant 32 : index
        %parallel_loop3A_1330 = tpu.vector_load %arg10[%parallel_loop3A_1327, %parallel_loop3A_1328, %parallel_loop3A_1329] {strides = array<i32>} : memref<2x256x64xf32, #tpu.memory_space<vmem>>, vector<1x1x16xf32>,
        %parallel_loop3A_1331 = vector.shape_cast %parallel_loop3A_1330 : vector<1x1x16xf32> to vector<16xf32>
        %parallel_loop3A_1332 = arith.constant 0 : i32
        %parallel_loop3A_1333 = arith.index_cast %parallel_loop3A_1332 : i32 to index
        %parallel_loop3A_1334 = arith.index_cast %parallel_loop3A_1298 : i32 to index
        %parallel_loop3A_1335 = arith.constant 32 : index
        %parallel_loop3A_1336 = tpu.vector_load %arg11[%parallel_loop3A_1333, %parallel_loop3A_1334, %parallel_loop3A_1335] {strides = array<i32>} : memref<2x256x64xf32, #tpu.memory_space<vmem>>, vector<1x1x16xf32>,
        %parallel_loop3A_1337 = vector.shape_cast %parallel_loop3A_1336 : vector<1x1x16xf32> to vector<16xf32>
        %parallel_loop3A_1338 = arith.mulf %parallel_loop3A_1331, %parallel_loop3A_1337 : vector<16xf32>
        %parallel_loop3A_1339 = arith.constant 0 : i32
        %parallel_loop3A_1340 = arith.index_cast %parallel_loop3A_1339 : i32 to index
        %parallel_loop3A_1341 = arith.index_cast %parallel_loop3A_1298 : i32 to index
        %parallel_loop3A_1342 = arith.constant 48 : index
        %parallel_loop3A_1343 = tpu.vector_load %arg10[%parallel_loop3A_1340, %parallel_loop3A_1341, %parallel_loop3A_1342] {strides = array<i32>} : memref<2x256x64xf32, #tpu.memory_space<vmem>>, vector<1x1x16xf32>,
        %parallel_loop3A_1344 = vector.shape_cast %parallel_loop3A_1343 : vector<1x1x16xf32> to vector<16xf32>
        %parallel_loop3A_1345 = arith.constant 0 : i32
        %parallel_loop3A_1346 = arith.index_cast %parallel_loop3A_1345 : i32 to index
        %parallel_loop3A_1347 = arith.index_cast %parallel_loop3A_1298 : i32 to index
        %parallel_loop3A_1348 = arith.constant 48 : index
        %parallel_loop3A_1349 = tpu.vector_load %arg11[%parallel_loop3A_1346, %parallel_loop3A_1347, %parallel_loop3A_1348] {strides = array<i32>} : memref<2x256x64xf32, #tpu.memory_space<vmem>>, vector<1x1x16xf32>,
        %parallel_loop3A_1350 = vector.shape_cast %parallel_loop3A_1349 : vector<1x1x16xf32> to vector<16xf32>
        %parallel_loop3A_1351 = arith.mulf %parallel_loop3A_1344, %parallel_loop3A_1350 : vector<16xf32>
        %parallel_loop3A_1352 = arith.addf %parallel_loop3A_1338, %parallel_loop3A_1351 : vector<16xf32>
        %parallel_loop3A_1353 = arith.addf %parallel_loop3A_1325, %parallel_loop3A_1352 : vector<16xf32>
        %parallel_loop3A_1354 = arith.mulf %parallel_loop3A_1353, %parallel_loop3A_436 : vector<16xf32>
        %parallel_loop3A_1355 = arith.addf %parallel_loop3A_1111, %parallel_loop3A_1354 : vector<16xf32>
        %parallel_loop3A_1356 = arith.constant 16 : i32
        %parallel_loop3A_1357 = arith.muli %parallel_loop3A_365, %parallel_loop3A_1356 : i32
        %parallel_loop3A_1358 = arith.constant 15 : i32
        %parallel_loop3A_1359 = arith.addi %parallel_loop3A_1357, %parallel_loop3A_1358 : i32
        %parallel_loop3A_1360 = arith.constant 0 : i32
        %parallel_loop3A_1361 = arith.index_cast %parallel_loop3A_1360 : i32 to index
        %parallel_loop3A_1362 = arith.index_cast %parallel_loop3A_1359 : i32 to index
        %parallel_loop3A_1363 = arith.constant 0 : index
        %parallel_loop3A_1364 = tpu.vector_load %arg10[%parallel_loop3A_1361, %parallel_loop3A_1362, %parallel_loop3A_1363] {strides = array<i32>} : memref<2x256x64xf32, #tpu.memory_space<vmem>>, vector<1x1x16xf32>,
        %parallel_loop3A_1365 = vector.shape_cast %parallel_loop3A_1364 : vector<1x1x16xf32> to vector<16xf32>
        %parallel_loop3A_1366 = arith.constant 0 : i32
        %parallel_loop3A_1367 = arith.index_cast %parallel_loop3A_1366 : i32 to index
        %parallel_loop3A_1368 = arith.index_cast %parallel_loop3A_1359 : i32 to index
        %parallel_loop3A_1369 = arith.constant 0 : index
        %parallel_loop3A_1370 = tpu.vector_load %arg11[%parallel_loop3A_1367, %parallel_loop3A_1368, %parallel_loop3A_1369] {strides = array<i32>} : memref<2x256x64xf32, #tpu.memory_space<vmem>>, vector<1x1x16xf32>,
        %parallel_loop3A_1371 = vector.shape_cast %parallel_loop3A_1370 : vector<1x1x16xf32> to vector<16xf32>
        %parallel_loop3A_1372 = arith.mulf %parallel_loop3A_1365, %parallel_loop3A_1371 : vector<16xf32>
        %parallel_loop3A_1373 = arith.constant 0 : i32
        %parallel_loop3A_1374 = arith.index_cast %parallel_loop3A_1373 : i32 to index
        %parallel_loop3A_1375 = arith.index_cast %parallel_loop3A_1359 : i32 to index
        %parallel_loop3A_1376 = arith.constant 16 : index
        %parallel_loop3A_1377 = tpu.vector_load %arg10[%parallel_loop3A_1374, %parallel_loop3A_1375, %parallel_loop3A_1376] {strides = array<i32>} : memref<2x256x64xf32, #tpu.memory_space<vmem>>, vector<1x1x16xf32>,
        %parallel_loop3A_1378 = vector.shape_cast %parallel_loop3A_1377 : vector<1x1x16xf32> to vector<16xf32>
        %parallel_loop3A_1379 = arith.constant 0 : i32
        %parallel_loop3A_1380 = arith.index_cast %parallel_loop3A_1379 : i32 to index
        %parallel_loop3A_1381 = arith.index_cast %parallel_loop3A_1359 : i32 to index
        %parallel_loop3A_1382 = arith.constant 16 : index
        %parallel_loop3A_1383 = tpu.vector_load %arg11[%parallel_loop3A_1380, %parallel_loop3A_1381, %parallel_loop3A_1382] {strides = array<i32>} : memref<2x256x64xf32, #tpu.memory_space<vmem>>, vector<1x1x16xf32>,
        %parallel_loop3A_1384 = vector.shape_cast %parallel_loop3A_1383 : vector<1x1x16xf32> to vector<16xf32>
        %parallel_loop3A_1385 = arith.mulf %parallel_loop3A_1378, %parallel_loop3A_1384 : vector<16xf32>
        %parallel_loop3A_1386 = arith.addf %parallel_loop3A_1372, %parallel_loop3A_1385 : vector<16xf32>
        %parallel_loop3A_1387 = arith.constant 0 : i32
        %parallel_loop3A_1388 = arith.index_cast %parallel_loop3A_1387 : i32 to index
        %parallel_loop3A_1389 = arith.index_cast %parallel_loop3A_1359 : i32 to index
        %parallel_loop3A_1390 = arith.constant 32 : index
        %parallel_loop3A_1391 = tpu.vector_load %arg10[%parallel_loop3A_1388, %parallel_loop3A_1389, %parallel_loop3A_1390] {strides = array<i32>} : memref<2x256x64xf32, #tpu.memory_space<vmem>>, vector<1x1x16xf32>,
        %parallel_loop3A_1392 = vector.shape_cast %parallel_loop3A_1391 : vector<1x1x16xf32> to vector<16xf32>
        %parallel_loop3A_1393 = arith.constant 0 : i32
        %parallel_loop3A_1394 = arith.index_cast %parallel_loop3A_1393 : i32 to index
        %parallel_loop3A_1395 = arith.index_cast %parallel_loop3A_1359 : i32 to index
        %parallel_loop3A_1396 = arith.constant 32 : index
        %parallel_loop3A_1397 = tpu.vector_load %arg11[%parallel_loop3A_1394, %parallel_loop3A_1395, %parallel_loop3A_1396] {strides = array<i32>} : memref<2x256x64xf32, #tpu.memory_space<vmem>>, vector<1x1x16xf32>,
        %parallel_loop3A_1398 = vector.shape_cast %parallel_loop3A_1397 : vector<1x1x16xf32> to vector<16xf32>
        %parallel_loop3A_1399 = arith.mulf %parallel_loop3A_1392, %parallel_loop3A_1398 : vector<16xf32>
        %parallel_loop3A_1400 = arith.constant 0 : i32
        %parallel_loop3A_1401 = arith.index_cast %parallel_loop3A_1400 : i32 to index
        %parallel_loop3A_1402 = arith.index_cast %parallel_loop3A_1359 : i32 to index
        %parallel_loop3A_1403 = arith.constant 48 : index
        %parallel_loop3A_1404 = tpu.vector_load %arg10[%parallel_loop3A_1401, %parallel_loop3A_1402, %parallel_loop3A_1403] {strides = array<i32>} : memref<2x256x64xf32, #tpu.memory_space<vmem>>, vector<1x1x16xf32>,
        %parallel_loop3A_1405 = vector.shape_cast %parallel_loop3A_1404 : vector<1x1x16xf32> to vector<16xf32>
        %parallel_loop3A_1406 = arith.constant 0 : i32
        %parallel_loop3A_1407 = arith.index_cast %parallel_loop3A_1406 : i32 to index
        %parallel_loop3A_1408 = arith.index_cast %parallel_loop3A_1359 : i32 to index
        %parallel_loop3A_1409 = arith.constant 48 : index
        %parallel_loop3A_1410 = tpu.vector_load %arg11[%parallel_loop3A_1407, %parallel_loop3A_1408, %parallel_loop3A_1409] {strides = array<i32>} : memref<2x256x64xf32, #tpu.memory_space<vmem>>, vector<1x1x16xf32>,
        %parallel_loop3A_1411 = vector.shape_cast %parallel_loop3A_1410 : vector<1x1x16xf32> to vector<16xf32>
        %parallel_loop3A_1412 = arith.mulf %parallel_loop3A_1405, %parallel_loop3A_1411 : vector<16xf32>
        %parallel_loop3A_1413 = arith.addf %parallel_loop3A_1399, %parallel_loop3A_1412 : vector<16xf32>
        %parallel_loop3A_1414 = arith.addf %parallel_loop3A_1386, %parallel_loop3A_1413 : vector<16xf32>
        %parallel_loop3A_1415 = arith.mulf %parallel_loop3A_1414, %parallel_loop3A_440 : vector<16xf32>
        %parallel_loop3A_1416 = arith.addf %parallel_loop3A_1172, %parallel_loop3A_1415 : vector<16xf32>
        scf.yield %parallel_loop3A_1233, %parallel_loop3A_1294, %parallel_loop3A_1355, %parallel_loop3A_1416 : vector<16xf32>, vector<16xf32>, vector<16xf32>, vector<16xf32>
      } {sc.loop_unroll_factor = 2 : i64, sc.parallel_access}
      %sub3A_257 = arith.subf %parallel_loop3A_256#0, %scan3A_102 : vector<16xf32>
      %add3A_258 = arith.addf %scan3A_98, %sub3A_257 : vector<16xf32>
      %sub3A_259 = arith.subf %add3A_258, %scan3A_98 : vector<16xf32>
      %sub3A_260 = arith.subf %sub3A_259, %sub3A_257 : vector<16xf32>
      %sub3A_261 = arith.subf %parallel_loop3A_256#1, %scan3A_103 : vector<16xf32>
      %add3A_262 = arith.addf %scan3A_99, %sub3A_261 : vector<16xf32>
      %sub3A_263 = arith.subf %add3A_262, %scan3A_99 : vector<16xf32>
      %sub3A_264 = arith.subf %sub3A_263, %sub3A_261 : vector<16xf32>
      %sub3A_265 = arith.subf %parallel_loop3A_256#2, %scan3A_104 : vector<16xf32>
      %add3A_266 = arith.addf %scan3A_100, %sub3A_265 : vector<16xf32>
      %sub3A_267 = arith.subf %add3A_266, %scan3A_100 : vector<16xf32>
      %sub3A_268 = arith.subf %sub3A_267, %sub3A_265 : vector<16xf32>
      %sub3A_269 = arith.subf %parallel_loop3A_256#3, %scan3A_105 : vector<16xf32>
      %add3A_270 = arith.addf %scan3A_101, %sub3A_269 : vector<16xf32>
      %sub3A_271 = arith.subf %add3A_270, %scan3A_101 : vector<16xf32>
      %sub3A_272 = arith.subf %sub3A_271, %sub3A_269 : vector<16xf32>
      %mul3A_273 = arith.constant 2 : i32
      %mul3A_274 = arith.muli %mul3A_273, %scan3A_97 : i32
      %add3A_275 = arith.constant 1 : i32
      %add3A_276 = arith.addi %mul3A_274, %add3A_275 : i32
      %convert_element_type3A_277 = arith.extui %lt3A_106 : i1 to i32
      %cond3A_278 = arith.constant 0 : i32
      %cond3A_279 = arith.cmpi ne, %convert_element_type3A_277, %cond3A_278 : i32
      scf.if %cond3A_279 {
        %dma_wait3A_365 = arith.constant 0 : i32
        %dma_wait3A_366 = arith.constant 0 : i32
        %dma_wait3A_367 = tpu.memref_slice %arg7[%dma_wait3A_365, %dma_wait3A_366] : memref<2x256xi32, #tpu.memory_space<vmem>> -> memref<1x256xi32, #tpu.memory_space<vmem>>
        %dma_wait3A_368 = tpu.memref_squeeze %dma_wait3A_367 : memref<1x256xi32, #tpu.memory_space<vmem>> -> memref<256xi32, #tpu.memory_space<vmem>>
        %dma_wait3A_369 = arith.constant 0 : i32
        %dma_wait3A_370 = tpu.memref_slice %arg4[%dma_wait3A_369] : memref<4194304xi32, #tpu.memory_space<hbm>> -> memref<256xi32, #tpu.memory_space<hbm>>
        %dma_wait3A_371 = arith.constant 0 : i32
        %dma_wait3A_372 = tpu.memref_slice %arg7[%dma_wait3A_365, %dma_wait3A_371] : memref<2x256xi32, #tpu.memory_space<vmem>> -> memref<1x256xi32, #tpu.memory_space<vmem>>
        %dma_wait3A_373 = tpu.memref_squeeze %dma_wait3A_372 : memref<1x256xi32, #tpu.memory_space<vmem>> -> memref<256xi32, #tpu.memory_space<vmem>>
        %dma_wait3A_374 = arith.constant 0 : i32
        %dma_wait3A_375 = tpu.memref_slice %arg4[%dma_wait3A_374] : memref<4194304xi32, #tpu.memory_space<hbm>> -> memref<256xi32, #tpu.memory_space<hbm>>
        tpu.wait_dma2 semaphore(%arg13 : memref<!tpu.dma_semaphore, #tpu.memory_space<semaphore_mem>>) src(%dma_wait3A_375 : memref<256xi32, #tpu.memory_space<hbm>>) dst(%dma_wait3A_373 : memref<256xi32, #tpu.memory_space<vmem>>)
        %dma_wait3A_376 = arith.constant 0 : i32
        %dma_wait3A_377 = arith.constant 0 : i32
        %dma_wait3A_378 = tpu.memref_slice %arg8[%dma_wait3A_376, %dma_wait3A_377] : memref<2x256xi32, #tpu.memory_space<vmem>> -> memref<1x256xi32, #tpu.memory_space<vmem>>
        %dma_wait3A_379 = tpu.memref_squeeze %dma_wait3A_378 : memref<1x256xi32, #tpu.memory_space<vmem>> -> memref<256xi32, #tpu.memory_space<vmem>>
        %dma_wait3A_380 = arith.constant 0 : i32
        %dma_wait3A_381 = tpu.memref_slice %arg5[%dma_wait3A_380] : memref<4194304xi32, #tpu.memory_space<hbm>> -> memref<256xi32, #tpu.memory_space<hbm>>
        %dma_wait3A_382 = arith.constant 0 : i32
        %dma_wait3A_383 = tpu.memref_slice %arg8[%dma_wait3A_376, %dma_wait3A_382] : memref<2x256xi32, #tpu.memory_space<vmem>> -> memref<1x256xi32, #tpu.memory_space<vmem>>
        %dma_wait3A_384 = tpu.memref_squeeze %dma_wait3A_383 : memref<1x256xi32, #tpu.memory_space<vmem>> -> memref<256xi32, #tpu.memory_space<vmem>>
        %dma_wait3A_385 = arith.constant 0 : i32
        %dma_wait3A_386 = tpu.memref_slice %arg5[%dma_wait3A_385] : memref<4194304xi32, #tpu.memory_space<hbm>> -> memref<256xi32, #tpu.memory_space<hbm>>
        tpu.wait_dma2 semaphore(%arg13 : memref<!tpu.dma_semaphore, #tpu.memory_space<semaphore_mem>>) src(%dma_wait3A_386 : memref<256xi32, #tpu.memory_space<hbm>>) dst(%dma_wait3A_384 : memref<256xi32, #tpu.memory_space<vmem>>)
        %dma_start3A_387 = arith.constant 0 : i32
        %dma_start3A_388 = arith.constant 0 : i32
        %dma_start3A_389 = arith.constant 0 : i32
        %dma_start3A_390 = arith.constant 0 : i32
        %dma_start3A_391 = tpu.memref_slice %arg10[%dma_start3A_388, %dma_start3A_389, %dma_start3A_390] : memref<2x256x64xf32, #tpu.memory_space<vmem>> -> memref<1x128x64xf32, #tpu.memory_space<vmem>>
        %dma_start3A_392 = tpu.memref_squeeze %dma_start3A_391 : memref<1x128x64xf32, #tpu.memory_space<vmem>> -> memref<128x64xf32, #tpu.memory_space<vmem>>
        %dma_start3A_393 = arith.constant 0 : i32
        %dma_start3A_394 = tpu.memref_slice %arg7[%dma_start3A_387, %dma_start3A_393] : memref<2x256xi32, #tpu.memory_space<vmem>> -> memref<1x128xi32, #tpu.memory_space<vmem>>
        %dma_start3A_395 = tpu.memref_squeeze %dma_start3A_394 : memref<1x128xi32, #tpu.memory_space<vmem>> -> memref<128xi32, #tpu.memory_space<vmem>>
        %dma_start3A_396 = arith.constant 0 : i32
        %dma_start3A_397 = arith.constant 0 : i32
        %dma_start3A_398 = tpu.memref_slice %arg2[%dma_start3A_396, %dma_start3A_397] : memref<65536x64xf32, #tpu.memory_space<hbm>> -> memref<65536x64xf32, #tpu.memory_space<hbm>>
        tpu.enqueue_indirect_dma source(%dma_start3A_398 : memref<65536x64xf32, #tpu.memory_space<hbm>>) target(%dma_start3A_392 : memref<128x64xf32, #tpu.memory_space<vmem>>) offsets(%dma_start3A_395 : memref<128xi32, #tpu.memory_space<vmem>>) semaphore(%arg15 : memref<!tpu.dma_semaphore, #tpu.memory_space<semaphore_mem>>)
        %dma_start3A_399 = arith.constant 0 : i32
        %dma_start3A_400 = arith.constant 0 : i32
        %dma_start3A_401 = arith.constant 0 : i32
        %dma_start3A_402 = arith.constant 0 : i32
        %dma_start3A_403 = tpu.memref_slice %arg11[%dma_start3A_400, %dma_start3A_401, %dma_start3A_402] : memref<2x256x64xf32, #tpu.memory_space<vmem>> -> memref<1x128x64xf32, #tpu.memory_space<vmem>>
        %dma_start3A_404 = tpu.memref_squeeze %dma_start3A_403 : memref<1x128x64xf32, #tpu.memory_space<vmem>> -> memref<128x64xf32, #tpu.memory_space<vmem>>
        %dma_start3A_405 = arith.constant 0 : i32
        %dma_start3A_406 = tpu.memref_slice %arg8[%dma_start3A_399, %dma_start3A_405] : memref<2x256xi32, #tpu.memory_space<vmem>> -> memref<1x128xi32, #tpu.memory_space<vmem>>
        %dma_start3A_407 = tpu.memref_squeeze %dma_start3A_406 : memref<1x128xi32, #tpu.memory_space<vmem>> -> memref<128xi32, #tpu.memory_space<vmem>>
        %dma_start3A_408 = arith.constant 0 : i32
        %dma_start3A_409 = arith.constant 0 : i32
        %dma_start3A_410 = tpu.memref_slice %arg2[%dma_start3A_408, %dma_start3A_409] : memref<65536x64xf32, #tpu.memory_space<hbm>> -> memref<65536x64xf32, #tpu.memory_space<hbm>>
        tpu.enqueue_indirect_dma source(%dma_start3A_410 : memref<65536x64xf32, #tpu.memory_space<hbm>>) target(%dma_start3A_404 : memref<128x64xf32, #tpu.memory_space<vmem>>) offsets(%dma_start3A_407 : memref<128xi32, #tpu.memory_space<vmem>>) semaphore(%arg15 : memref<!tpu.dma_semaphore, #tpu.memory_space<semaphore_mem>>)
        %dma_start3A_411 = arith.constant 0 : i32
        %dma_start3A_412 = arith.constant 0 : i32
        %dma_start3A_413 = arith.constant 128 : i32
        %dma_start3A_414 = arith.constant 0 : i32
        %dma_start3A_415 = tpu.memref_slice %arg10[%dma_start3A_412, %dma_start3A_413, %dma_start3A_414] : memref<2x256x64xf32, #tpu.memory_space<vmem>> -> memref<1x128x64xf32, #tpu.memory_space<vmem>>
        %dma_start3A_416 = tpu.memref_squeeze %dma_start3A_415 : memref<1x128x64xf32, #tpu.memory_space<vmem>> -> memref<128x64xf32, #tpu.memory_space<vmem>>
        %dma_start3A_417 = arith.constant 128 : i32
        %dma_start3A_418 = tpu.memref_slice %arg7[%dma_start3A_411, %dma_start3A_417] : memref<2x256xi32, #tpu.memory_space<vmem>> -> memref<1x128xi32, #tpu.memory_space<vmem>>
        %dma_start3A_419 = tpu.memref_squeeze %dma_start3A_418 : memref<1x128xi32, #tpu.memory_space<vmem>> -> memref<128xi32, #tpu.memory_space<vmem>>
        %dma_start3A_420 = arith.constant 0 : i32
        %dma_start3A_421 = arith.constant 0 : i32
        %dma_start3A_422 = tpu.memref_slice %arg2[%dma_start3A_420, %dma_start3A_421] : memref<65536x64xf32, #tpu.memory_space<hbm>> -> memref<65536x64xf32, #tpu.memory_space<hbm>>
        tpu.enqueue_indirect_dma source(%dma_start3A_422 : memref<65536x64xf32, #tpu.memory_space<hbm>>) target(%dma_start3A_416 : memref<128x64xf32, #tpu.memory_space<vmem>>) offsets(%dma_start3A_419 : memref<128xi32, #tpu.memory_space<vmem>>) semaphore(%arg15 : memref<!tpu.dma_semaphore, #tpu.memory_space<semaphore_mem>>)
        %dma_start3A_423 = arith.constant 0 : i32
        %dma_start3A_424 = arith.constant 0 : i32
        %dma_start3A_425 = arith.constant 128 : i32
        %dma_start3A_426 = arith.constant 0 : i32
        %dma_start3A_427 = tpu.memref_slice %arg11[%dma_start3A_424, %dma_start3A_425, %dma_start3A_426] : memref<2x256x64xf32, #tpu.memory_space<vmem>> -> memref<1x128x64xf32, #tpu.memory_space<vmem>>
        %dma_start3A_428 = tpu.memref_squeeze %dma_start3A_427 : memref<1x128x64xf32, #tpu.memory_space<vmem>> -> memref<128x64xf32, #tpu.memory_space<vmem>>
        %dma_start3A_429 = arith.constant 128 : i32
        %dma_start3A_430 = tpu.memref_slice %arg8[%dma_start3A_423, %dma_start3A_429] : memref<2x256xi32, #tpu.memory_space<vmem>> -> memref<1x128xi32, #tpu.memory_space<vmem>>
        %dma_start3A_431 = tpu.memref_squeeze %dma_start3A_430 : memref<1x128xi32, #tpu.memory_space<vmem>> -> memref<128xi32, #tpu.memory_space<vmem>>
        %dma_start3A_432 = arith.constant 0 : i32
        %dma_start3A_433 = arith.constant 0 : i32
        %dma_start3A_434 = tpu.memref_slice %arg2[%dma_start3A_432, %dma_start3A_433] : memref<65536x64xf32, #tpu.memory_space<hbm>> -> memref<65536x64xf32, #tpu.memory_space<hbm>>
        tpu.enqueue_indirect_dma source(%dma_start3A_434 : memref<65536x64xf32, #tpu.memory_space<hbm>>) target(%dma_start3A_428 : memref<128x64xf32, #tpu.memory_space<vmem>>) offsets(%dma_start3A_431 : memref<128xi32, #tpu.memory_space<vmem>>) semaphore(%arg15 : memref<!tpu.dma_semaphore, #tpu.memory_space<semaphore_mem>>)
      } else {
      }
      %dma_wait3A_280 = arith.constant 1 : i32
      %dma_wait3A_281 = arith.constant 1 : i32
      %dma_wait3A_282 = arith.constant 0 : i32
      %dma_wait3A_283 = arith.constant 0 : i32
      %dma_wait3A_284 = tpu.memref_slice %arg10[%dma_wait3A_281, %dma_wait3A_282, %dma_wait3A_283] : memref<2x256x64xf32, #tpu.memory_space<vmem>> -> memref<1x128x64xf32, #tpu.memory_space<vmem>>
      %dma_wait3A_285 = tpu.memref_squeeze %dma_wait3A_284 : memref<1x128x64xf32, #tpu.memory_space<vmem>> -> memref<128x64xf32, #tpu.memory_space<vmem>>
      %dma_wait3A_286 = arith.constant 0 : i32
      %dma_wait3A_287 = tpu.memref_slice %arg7[%dma_wait3A_280, %dma_wait3A_286] : memref<2x256xi32, #tpu.memory_space<vmem>> -> memref<1x128xi32, #tpu.memory_space<vmem>>
      %dma_wait3A_288 = tpu.memref_squeeze %dma_wait3A_287 : memref<1x128xi32, #tpu.memory_space<vmem>> -> memref<128xi32, #tpu.memory_space<vmem>>
      %dma_wait3A_289 = arith.constant 0 : i32
      %dma_wait3A_290 = arith.constant 0 : i32
      %dma_wait3A_291 = tpu.memref_slice %arg2[%dma_wait3A_289, %dma_wait3A_290] : memref<65536x64xf32, #tpu.memory_space<hbm>> -> memref<65536x64xf32, #tpu.memory_space<hbm>>
      tpu.wait_indirect_dma semaphore(%arg15 : memref<!tpu.dma_semaphore, #tpu.memory_space<semaphore_mem>>) src(%dma_wait3A_291 : memref<65536x64xf32, #tpu.memory_space<hbm>>) dst(%dma_wait3A_285 : memref<128x64xf32, #tpu.memory_space<vmem>>)
      %dma_wait3A_292 = arith.constant 1 : i32
      %dma_wait3A_293 = arith.constant 1 : i32
      %dma_wait3A_294 = arith.constant 0 : i32
      %dma_wait3A_295 = arith.constant 0 : i32
      %dma_wait3A_296 = tpu.memref_slice %arg11[%dma_wait3A_293, %dma_wait3A_294, %dma_wait3A_295] : memref<2x256x64xf32, #tpu.memory_space<vmem>> -> memref<1x128x64xf32, #tpu.memory_space<vmem>>
      %dma_wait3A_297 = tpu.memref_squeeze %dma_wait3A_296 : memref<1x128x64xf32, #tpu.memory_space<vmem>> -> memref<128x64xf32, #tpu.memory_space<vmem>>
      %dma_wait3A_298 = arith.constant 0 : i32
      %dma_wait3A_299 = tpu.memref_slice %arg8[%dma_wait3A_292, %dma_wait3A_298] : memref<2x256xi32, #tpu.memory_space<vmem>> -> memref<1x128xi32, #tpu.memory_space<vmem>>
      %dma_wait3A_300 = tpu.memref_squeeze %dma_wait3A_299 : memref<1x128xi32, #tpu.memory_space<vmem>> -> memref<128xi32, #tpu.memory_space<vmem>>
      %dma_wait3A_301 = arith.constant 0 : i32
      %dma_wait3A_302 = arith.constant 0 : i32
      %dma_wait3A_303 = tpu.memref_slice %arg2[%dma_wait3A_301, %dma_wait3A_302] : memref<65536x64xf32, #tpu.memory_space<hbm>> -> memref<65536x64xf32, #tpu.memory_space<hbm>>
      tpu.wait_indirect_dma semaphore(%arg15 : memref<!tpu.dma_semaphore, #tpu.memory_space<semaphore_mem>>) src(%dma_wait3A_303 : memref<65536x64xf32, #tpu.memory_space<hbm>>) dst(%dma_wait3A_297 : memref<128x64xf32, #tpu.memory_space<vmem>>)
      %dma_wait3A_304 = arith.constant 1 : i32
      %dma_wait3A_305 = arith.constant 1 : i32
      %dma_wait3A_306 = arith.constant 128 : i32
      %dma_wait3A_307 = arith.constant 0 : i32
      %dma_wait3A_308 = tpu.memref_slice %arg10[%dma_wait3A_305, %dma_wait3A_306, %dma_wait3A_307] : memref<2x256x64xf32, #tpu.memory_space<vmem>> -> memref<1x128x64xf32, #tpu.memory_space<vmem>>
      %dma_wait3A_309 = tpu.memref_squeeze %dma_wait3A_308 : memref<1x128x64xf32, #tpu.memory_space<vmem>> -> memref<128x64xf32, #tpu.memory_space<vmem>>
      %dma_wait3A_310 = arith.constant 128 : i32
      %dma_wait3A_311 = tpu.memref_slice %arg7[%dma_wait3A_304, %dma_wait3A_310] : memref<2x256xi32, #tpu.memory_space<vmem>> -> memref<1x128xi32, #tpu.memory_space<vmem>>
      %dma_wait3A_312 = tpu.memref_squeeze %dma_wait3A_311 : memref<1x128xi32, #tpu.memory_space<vmem>> -> memref<128xi32, #tpu.memory_space<vmem>>
      %dma_wait3A_313 = arith.constant 0 : i32
      %dma_wait3A_314 = arith.constant 0 : i32
      %dma_wait3A_315 = tpu.memref_slice %arg2[%dma_wait3A_313, %dma_wait3A_314] : memref<65536x64xf32, #tpu.memory_space<hbm>> -> memref<65536x64xf32, #tpu.memory_space<hbm>>
      tpu.wait_indirect_dma semaphore(%arg15 : memref<!tpu.dma_semaphore, #tpu.memory_space<semaphore_mem>>) src(%dma_wait3A_315 : memref<65536x64xf32, #tpu.memory_space<hbm>>) dst(%dma_wait3A_309 : memref<128x64xf32, #tpu.memory_space<vmem>>)
      %dma_wait3A_316 = arith.constant 1 : i32
      %dma_wait3A_317 = arith.constant 1 : i32
      %dma_wait3A_318 = arith.constant 128 : i32
      %dma_wait3A_319 = arith.constant 0 : i32
      %dma_wait3A_320 = tpu.memref_slice %arg11[%dma_wait3A_317, %dma_wait3A_318, %dma_wait3A_319] : memref<2x256x64xf32, #tpu.memory_space<vmem>> -> memref<1x128x64xf32, #tpu.memory_space<vmem>>
      %dma_wait3A_321 = tpu.memref_squeeze %dma_wait3A_320 : memref<1x128x64xf32, #tpu.memory_space<vmem>> -> memref<128x64xf32, #tpu.memory_space<vmem>>
      %dma_wait3A_322 = arith.constant 128 : i32
      %dma_wait3A_323 = tpu.memref_slice %arg8[%dma_wait3A_316, %dma_wait3A_322] : memref<2x256xi32, #tpu.memory_space<vmem>> -> memref<1x128xi32, #tpu.memory_space<vmem>>
      %dma_wait3A_324 = tpu.memref_squeeze %dma_wait3A_323 : memref<1x128xi32, #tpu.memory_space<vmem>> -> memref<128xi32, #tpu.memory_space<vmem>>
      %dma_wait3A_325 = arith.constant 0 : i32
      %dma_wait3A_326 = arith.constant 0 : i32
      %dma_wait3A_327 = tpu.memref_slice %arg2[%dma_wait3A_325, %dma_wait3A_326] : memref<65536x64xf32, #tpu.memory_space<hbm>> -> memref<65536x64xf32, #tpu.memory_space<hbm>>
      tpu.wait_indirect_dma semaphore(%arg15 : memref<!tpu.dma_semaphore, #tpu.memory_space<semaphore_mem>>) src(%dma_wait3A_327 : memref<65536x64xf32, #tpu.memory_space<hbm>>) dst(%dma_wait3A_321 : memref<128x64xf32, #tpu.memory_space<vmem>>)
      %convert_element_type3A_328 = arith.extui %lt3A_106 : i1 to i32
      %cond3A_329 = arith.constant 0 : i32
      %cond3A_330 = arith.cmpi ne, %convert_element_type3A_328, %cond3A_329 : i32
      scf.if %cond3A_330 {
        %add3A_365 = arith.constant 2 : i32
        %add3A_366 = arith.addi %add3A_276, %add3A_365 : i32
        %mul3A_367 = arith.constant 256 : i32
        %mul3A_368 = arith.muli %add3A_366, %mul3A_367 : i32
        %add3A_369 = arith.addi %mul3A_2, %mul3A_368 : i32
        %dma_start3A_370 = arith.constant 1 : i32
        %dma_start3A_371 = arith.constant 0 : i32
        %dma_start3A_372 = tpu.memref_slice %arg7[%dma_start3A_370, %dma_start3A_371] : memref<2x256xi32, #tpu.memory_space<vmem>> -> memref<1x256xi32, #tpu.memory_space<vmem>>
        %dma_start3A_373 = tpu.memref_squeeze %dma_start3A_372 : memref<1x256xi32, #tpu.memory_space<vmem>> -> memref<256xi32, #tpu.memory_space<vmem>>
        %dma_start3A_374 = tpu.memref_slice %arg4[%add3A_369] : memref<4194304xi32, #tpu.memory_space<hbm>> -> memref<256xi32, #tpu.memory_space<hbm>>
        %dma_start3A_375 = arith.constant 0 : i32
        %dma_start3A_376 = tpu.memref_slice %arg7[%dma_start3A_370, %dma_start3A_375] : memref<2x256xi32, #tpu.memory_space<vmem>> -> memref<1x256xi32, #tpu.memory_space<vmem>>
        %dma_start3A_377 = tpu.memref_squeeze %dma_start3A_376 : memref<1x256xi32, #tpu.memory_space<vmem>> -> memref<256xi32, #tpu.memory_space<vmem>>
        %dma_start3A_378 = tpu.memref_slice %arg4[%add3A_369] : memref<4194304xi32, #tpu.memory_space<hbm>> -> memref<256xi32, #tpu.memory_space<hbm>>
        tpu.enqueue_dma source(%dma_start3A_378 : memref<256xi32, #tpu.memory_space<hbm>>) target(%dma_start3A_377 : memref<256xi32, #tpu.memory_space<vmem>>) target_semaphore(%arg13 : memref<!tpu.dma_semaphore, #tpu.memory_space<semaphore_mem>>)
        %dma_start3A_379 = arith.constant 1 : i32
        %dma_start3A_380 = arith.constant 0 : i32
        %dma_start3A_381 = tpu.memref_slice %arg8[%dma_start3A_379, %dma_start3A_380] : memref<2x256xi32, #tpu.memory_space<vmem>> -> memref<1x256xi32, #tpu.memory_space<vmem>>
        %dma_start3A_382 = tpu.memref_squeeze %dma_start3A_381 : memref<1x256xi32, #tpu.memory_space<vmem>> -> memref<256xi32, #tpu.memory_space<vmem>>
        %dma_start3A_383 = tpu.memref_slice %arg5[%add3A_369] : memref<4194304xi32, #tpu.memory_space<hbm>> -> memref<256xi32, #tpu.memory_space<hbm>>
        %dma_start3A_384 = arith.constant 0 : i32
        %dma_start3A_385 = tpu.memref_slice %arg8[%dma_start3A_379, %dma_start3A_384] : memref<2x256xi32, #tpu.memory_space<vmem>> -> memref<1x256xi32, #tpu.memory_space<vmem>>
        %dma_start3A_386 = tpu.memref_squeeze %dma_start3A_385 : memref<1x256xi32, #tpu.memory_space<vmem>> -> memref<256xi32, #tpu.memory_space<vmem>>
        %dma_start3A_387 = tpu.memref_slice %arg5[%add3A_369] : memref<4194304xi32, #tpu.memory_space<hbm>> -> memref<256xi32, #tpu.memory_space<hbm>>
        tpu.enqueue_dma source(%dma_start3A_387 : memref<256xi32, #tpu.memory_space<hbm>>) target(%dma_start3A_386 : memref<256xi32, #tpu.memory_space<vmem>>) target_semaphore(%arg13 : memref<!tpu.dma_semaphore, #tpu.memory_space<semaphore_mem>>)
      } else {
      }
      %convert_element_type3A_331 = arith.extui %lt3A_106 : i1 to i32
      %cond3A_332 = arith.constant 0 : i32
      %cond3A_333 = arith.cmpi ne, %convert_element_type3A_331, %cond3A_332 : i32
      scf.if %cond3A_333 {
        %add3A_365 = arith.constant 1 : i32
        %add3A_366 = arith.addi %add3A_276, %add3A_365 : i32
        %mul3A_367 = arith.constant 256 : i32
        %mul3A_368 = arith.muli %add3A_366, %mul3A_367 : i32
        %add3A_369 = arith.addi %mul3A_2, %mul3A_368 : i32
        %dma_start3A_370 = arith.constant 0 : i32
        %dma_start3A_371 = arith.constant 0 : i32
        %dma_start3A_372 = tpu.memref_slice %arg9[%dma_start3A_370, %dma_start3A_371] : memref<2x272xf32, #tpu.memory_space<vmem>> -> memref<1x256xf32, #tpu.memory_space<vmem>>
        %dma_start3A_373 = tpu.memref_squeeze %dma_start3A_372 : memref<1x256xf32, #tpu.memory_space<vmem>> -> memref<256xf32, #tpu.memory_space<vmem>>
        %dma_start3A_374 = tpu.memref_slice %arg3[%add3A_369] : memref<4194304xf32, #tpu.memory_space<hbm>> -> memref<256xf32, #tpu.memory_space<hbm>>
        %dma_start3A_375 = arith.constant 0 : i32
        %dma_start3A_376 = tpu.memref_slice %arg9[%dma_start3A_370, %dma_start3A_375] : memref<2x272xf32, #tpu.memory_space<vmem>> -> memref<1x256xf32, #tpu.memory_space<vmem>>
        %dma_start3A_377 = tpu.memref_squeeze %dma_start3A_376 : memref<1x256xf32, #tpu.memory_space<vmem>> -> memref<256xf32, #tpu.memory_space<vmem>>
        %dma_start3A_378 = tpu.memref_slice %arg3[%add3A_369] : memref<4194304xf32, #tpu.memory_space<hbm>> -> memref<256xf32, #tpu.memory_space<hbm>>
        tpu.enqueue_dma source(%dma_start3A_378 : memref<256xf32, #tpu.memory_space<hbm>>) target(%dma_start3A_377 : memref<256xf32, #tpu.memory_space<vmem>>) target_semaphore(%arg14 : memref<!tpu.dma_semaphore, #tpu.memory_space<semaphore_mem>>)
      } else {
      }
      %dma_wait3A_334 = arith.constant 1 : i32
      %dma_wait3A_335 = arith.constant 0 : i32
      %dma_wait3A_336 = tpu.memref_slice %arg9[%dma_wait3A_334, %dma_wait3A_335] : memref<2x272xf32, #tpu.memory_space<vmem>> -> memref<1x256xf32, #tpu.memory_space<vmem>>
      %dma_wait3A_337 = tpu.memref_squeeze %dma_wait3A_336 : memref<1x256xf32, #tpu.memory_space<vmem>> -> memref<256xf32, #tpu.memory_space<vmem>>
      %dma_wait3A_338 = arith.constant 0 : i32
      %dma_wait3A_339 = tpu.memref_slice %arg3[%dma_wait3A_338] : memref<4194304xf32, #tpu.memory_space<hbm>> -> memref<256xf32, #tpu.memory_space<hbm>>
      %dma_wait3A_340 = arith.constant 0 : i32
      %dma_wait3A_341 = tpu.memref_slice %arg9[%dma_wait3A_334, %dma_wait3A_340] : memref<2x272xf32, #tpu.memory_space<vmem>> -> memref<1x256xf32, #tpu.memory_space<vmem>>
      %dma_wait3A_342 = tpu.memref_squeeze %dma_wait3A_341 : memref<1x256xf32, #tpu.memory_space<vmem>> -> memref<256xf32, #tpu.memory_space<vmem>>
      %dma_wait3A_343 = arith.constant 0 : i32
      %dma_wait3A_344 = tpu.memref_slice %arg3[%dma_wait3A_343] : memref<4194304xf32, #tpu.memory_space<hbm>> -> memref<256xf32, #tpu.memory_space<hbm>>
      tpu.wait_dma2 semaphore(%arg14 : memref<!tpu.dma_semaphore, #tpu.memory_space<semaphore_mem>>) src(%dma_wait3A_344 : memref<256xf32, #tpu.memory_space<hbm>>) dst(%dma_wait3A_342 : memref<256xf32, #tpu.memory_space<vmem>>)
      %parallel_loop3A_345 = arith.constant 0 : i32
      %parallel_loop3A_346 = arith.constant 16 : i32
      %parallel_loop3A_347 = arith.constant 1 : i32
      %parallel_loop3A_348:4 = scf.for %parallel_loop3A_365 = %parallel_loop3A_345 to %parallel_loop3A_346 step %parallel_loop3A_347 iter_args(%parallel_loop3A_366 = %broadcast_in_dim3A_82, %parallel_loop3A_367 = %broadcast_in_dim3A_82, %parallel_loop3A_368 = %broadcast_in_dim3A_82, %parallel_loop3A_369 = %broadcast_in_dim3A_82) -> (vector<16xf32>, vector<16xf32>, vector<16xf32>, vector<16xf32>)  : i32 {
        %parallel_loop3A_370 = arith.constant 16 : i32
        %parallel_loop3A_371 = arith.muli %parallel_loop3A_365, %parallel_loop3A_370 : i32
        %parallel_loop3A_372 = arith.constant 1 : i32
        %parallel_loop3A_373 = arith.index_cast %parallel_loop3A_372 : i32 to index
        %parallel_loop3A_374 = arith.index_cast %parallel_loop3A_371 : i32 to index
        %parallel_loop3A_375 = tpu.vector_load %arg9[%parallel_loop3A_373, %parallel_loop3A_374] {strides = array<i32>} : memref<2x272xf32, #tpu.memory_space<vmem>>, vector<1x16xf32>,
        %parallel_loop3A_376 = vector.shape_cast %parallel_loop3A_375 : vector<1x16xf32> to vector<16xf32>
        %parallel_loop3A_377 = arith.constant 0 : i32
        %parallel_loop3A_378 = vector.broadcast %parallel_loop3A_377 : i32 to vector<16x1xi32>
        %parallel_loop3A_379 = vector.shape_cast %parallel_loop3A_378 : vector<16x1xi32> to vector<16xi32>
        %parallel_loop3A_380 = tpu.dynamic_gather %parallel_loop3A_376[%parallel_loop3A_379] in [0] : vector<16xf32>, vector<16xi32> -> vector<16xf32>
        %parallel_loop3A_381 = arith.constant 1 : i32
        %parallel_loop3A_382 = vector.broadcast %parallel_loop3A_381 : i32 to vector<16x1xi32>
        %parallel_loop3A_383 = vector.shape_cast %parallel_loop3A_382 : vector<16x1xi32> to vector<16xi32>
        %parallel_loop3A_384 = tpu.dynamic_gather %parallel_loop3A_376[%parallel_loop3A_383] in [0] : vector<16xf32>, vector<16xi32> -> vector<16xf32>
        %parallel_loop3A_385 = arith.constant 2 : i32
        %parallel_loop3A_386 = vector.broadcast %parallel_loop3A_385 : i32 to vector<16x1xi32>
        %parallel_loop3A_387 = vector.shape_cast %parallel_loop3A_386 : vector<16x1xi32> to vector<16xi32>
        %parallel_loop3A_388 = tpu.dynamic_gather %parallel_loop3A_376[%parallel_loop3A_387] in [0] : vector<16xf32>, vector<16xi32> -> vector<16xf32>
        %parallel_loop3A_389 = arith.constant 3 : i32
        %parallel_loop3A_390 = vector.broadcast %parallel_loop3A_389 : i32 to vector<16x1xi32>
        %parallel_loop3A_391 = vector.shape_cast %parallel_loop3A_390 : vector<16x1xi32> to vector<16xi32>
        %parallel_loop3A_392 = tpu.dynamic_gather %parallel_loop3A_376[%parallel_loop3A_391] in [0] : vector<16xf32>, vector<16xi32> -> vector<16xf32>
        %parallel_loop3A_393 = arith.constant 4 : i32
        %parallel_loop3A_394 = vector.broadcast %parallel_loop3A_393 : i32 to vector<16x1xi32>
        %parallel_loop3A_395 = vector.shape_cast %parallel_loop3A_394 : vector<16x1xi32> to vector<16xi32>
        %parallel_loop3A_396 = tpu.dynamic_gather %parallel_loop3A_376[%parallel_loop3A_395] in [0] : vector<16xf32>, vector<16xi32> -> vector<16xf32>
        %parallel_loop3A_397 = arith.constant 5 : i32
        %parallel_loop3A_398 = vector.broadcast %parallel_loop3A_397 : i32 to vector<16x1xi32>
        %parallel_loop3A_399 = vector.shape_cast %parallel_loop3A_398 : vector<16x1xi32> to vector<16xi32>
        %parallel_loop3A_400 = tpu.dynamic_gather %parallel_loop3A_376[%parallel_loop3A_399] in [0] : vector<16xf32>, vector<16xi32> -> vector<16xf32>
        %parallel_loop3A_401 = arith.constant 6 : i32
        %parallel_loop3A_402 = vector.broadcast %parallel_loop3A_401 : i32 to vector<16x1xi32>
        %parallel_loop3A_403 = vector.shape_cast %parallel_loop3A_402 : vector<16x1xi32> to vector<16xi32>
        %parallel_loop3A_404 = tpu.dynamic_gather %parallel_loop3A_376[%parallel_loop3A_403] in [0] : vector<16xf32>, vector<16xi32> -> vector<16xf32>
        %parallel_loop3A_405 = arith.constant 7 : i32
        %parallel_loop3A_406 = vector.broadcast %parallel_loop3A_405 : i32 to vector<16x1xi32>
        %parallel_loop3A_407 = vector.shape_cast %parallel_loop3A_406 : vector<16x1xi32> to vector<16xi32>
        %parallel_loop3A_408 = tpu.dynamic_gather %parallel_loop3A_376[%parallel_loop3A_407] in [0] : vector<16xf32>, vector<16xi32> -> vector<16xf32>
        %parallel_loop3A_409 = arith.constant 8 : i32
        %parallel_loop3A_410 = vector.broadcast %parallel_loop3A_409 : i32 to vector<16x1xi32>
        %parallel_loop3A_411 = vector.shape_cast %parallel_loop3A_410 : vector<16x1xi32> to vector<16xi32>
        %parallel_loop3A_412 = tpu.dynamic_gather %parallel_loop3A_376[%parallel_loop3A_411] in [0] : vector<16xf32>, vector<16xi32> -> vector<16xf32>
        %parallel_loop3A_413 = arith.constant 9 : i32
        %parallel_loop3A_414 = vector.broadcast %parallel_loop3A_413 : i32 to vector<16x1xi32>
        %parallel_loop3A_415 = vector.shape_cast %parallel_loop3A_414 : vector<16x1xi32> to vector<16xi32>
        %parallel_loop3A_416 = tpu.dynamic_gather %parallel_loop3A_376[%parallel_loop3A_415] in [0] : vector<16xf32>, vector<16xi32> -> vector<16xf32>
        %parallel_loop3A_417 = arith.constant 10 : i32
        %parallel_loop3A_418 = vector.broadcast %parallel_loop3A_417 : i32 to vector<16x1xi32>
        %parallel_loop3A_419 = vector.shape_cast %parallel_loop3A_418 : vector<16x1xi32> to vector<16xi32>
        %parallel_loop3A_420 = tpu.dynamic_gather %parallel_loop3A_376[%parallel_loop3A_419] in [0] : vector<16xf32>, vector<16xi32> -> vector<16xf32>
        %parallel_loop3A_421 = arith.constant 11 : i32
        %parallel_loop3A_422 = vector.broadcast %parallel_loop3A_421 : i32 to vector<16x1xi32>
        %parallel_loop3A_423 = vector.shape_cast %parallel_loop3A_422 : vector<16x1xi32> to vector<16xi32>
        %parallel_loop3A_424 = tpu.dynamic_gather %parallel_loop3A_376[%parallel_loop3A_423] in [0] : vector<16xf32>, vector<16xi32> -> vector<16xf32>
        %parallel_loop3A_425 = arith.constant 12 : i32
        %parallel_loop3A_426 = vector.broadcast %parallel_loop3A_425 : i32 to vector<16x1xi32>
        %parallel_loop3A_427 = vector.shape_cast %parallel_loop3A_426 : vector<16x1xi32> to vector<16xi32>
        %parallel_loop3A_428 = tpu.dynamic_gather %parallel_loop3A_376[%parallel_loop3A_427] in [0] : vector<16xf32>, vector<16xi32> -> vector<16xf32>
        %parallel_loop3A_429 = arith.constant 13 : i32
        %parallel_loop3A_430 = vector.broadcast %parallel_loop3A_429 : i32 to vector<16x1xi32>
        %parallel_loop3A_431 = vector.shape_cast %parallel_loop3A_430 : vector<16x1xi32> to vector<16xi32>
        %parallel_loop3A_432 = tpu.dynamic_gather %parallel_loop3A_376[%parallel_loop3A_431] in [0] : vector<16xf32>, vector<16xi32> -> vector<16xf32>
        %parallel_loop3A_433 = arith.constant 14 : i32
        %parallel_loop3A_434 = vector.broadcast %parallel_loop3A_433 : i32 to vector<16x1xi32>
        %parallel_loop3A_435 = vector.shape_cast %parallel_loop3A_434 : vector<16x1xi32> to vector<16xi32>
        %parallel_loop3A_436 = tpu.dynamic_gather %parallel_loop3A_376[%parallel_loop3A_435] in [0] : vector<16xf32>, vector<16xi32> -> vector<16xf32>
        %parallel_loop3A_437 = arith.constant 15 : i32
        %parallel_loop3A_438 = vector.broadcast %parallel_loop3A_437 : i32 to vector<16x1xi32>
        %parallel_loop3A_439 = vector.shape_cast %parallel_loop3A_438 : vector<16x1xi32> to vector<16xi32>
        %parallel_loop3A_440 = tpu.dynamic_gather %parallel_loop3A_376[%parallel_loop3A_439] in [0] : vector<16xf32>, vector<16xi32> -> vector<16xf32>
        %parallel_loop3A_441 = arith.constant 16 : i32
        %parallel_loop3A_442 = arith.muli %parallel_loop3A_365, %parallel_loop3A_441 : i32
        %parallel_loop3A_443 = arith.constant 0 : i32
        %parallel_loop3A_444 = arith.addi %parallel_loop3A_442, %parallel_loop3A_443 : i32
        %parallel_loop3A_445 = arith.constant 1 : i32
        %parallel_loop3A_446 = arith.index_cast %parallel_loop3A_445 : i32 to index
        %parallel_loop3A_447 = arith.index_cast %parallel_loop3A_444 : i32 to index
        %parallel_loop3A_448 = arith.constant 0 : index
        %parallel_loop3A_449 = tpu.vector_load %arg10[%parallel_loop3A_446, %parallel_loop3A_447, %parallel_loop3A_448] {strides = array<i32>} : memref<2x256x64xf32, #tpu.memory_space<vmem>>, vector<1x1x16xf32>,
        %parallel_loop3A_450 = vector.shape_cast %parallel_loop3A_449 : vector<1x1x16xf32> to vector<16xf32>
        %parallel_loop3A_451 = arith.constant 1 : i32
        %parallel_loop3A_452 = arith.index_cast %parallel_loop3A_451 : i32 to index
        %parallel_loop3A_453 = arith.index_cast %parallel_loop3A_444 : i32 to index
        %parallel_loop3A_454 = arith.constant 0 : index
        %parallel_loop3A_455 = tpu.vector_load %arg11[%parallel_loop3A_452, %parallel_loop3A_453, %parallel_loop3A_454] {strides = array<i32>} : memref<2x256x64xf32, #tpu.memory_space<vmem>>, vector<1x1x16xf32>,
        %parallel_loop3A_456 = vector.shape_cast %parallel_loop3A_455 : vector<1x1x16xf32> to vector<16xf32>
        %parallel_loop3A_457 = arith.mulf %parallel_loop3A_450, %parallel_loop3A_456 : vector<16xf32>
        %parallel_loop3A_458 = arith.constant 1 : i32
        %parallel_loop3A_459 = arith.index_cast %parallel_loop3A_458 : i32 to index
        %parallel_loop3A_460 = arith.index_cast %parallel_loop3A_444 : i32 to index
        %parallel_loop3A_461 = arith.constant 16 : index
        %parallel_loop3A_462 = tpu.vector_load %arg10[%parallel_loop3A_459, %parallel_loop3A_460, %parallel_loop3A_461] {strides = array<i32>} : memref<2x256x64xf32, #tpu.memory_space<vmem>>, vector<1x1x16xf32>,
        %parallel_loop3A_463 = vector.shape_cast %parallel_loop3A_462 : vector<1x1x16xf32> to vector<16xf32>
        %parallel_loop3A_464 = arith.constant 1 : i32
        %parallel_loop3A_465 = arith.index_cast %parallel_loop3A_464 : i32 to index
        %parallel_loop3A_466 = arith.index_cast %parallel_loop3A_444 : i32 to index
        %parallel_loop3A_467 = arith.constant 16 : index
        %parallel_loop3A_468 = tpu.vector_load %arg11[%parallel_loop3A_465, %parallel_loop3A_466, %parallel_loop3A_467] {strides = array<i32>} : memref<2x256x64xf32, #tpu.memory_space<vmem>>, vector<1x1x16xf32>,
        %parallel_loop3A_469 = vector.shape_cast %parallel_loop3A_468 : vector<1x1x16xf32> to vector<16xf32>
        %parallel_loop3A_470 = arith.mulf %parallel_loop3A_463, %parallel_loop3A_469 : vector<16xf32>
        %parallel_loop3A_471 = arith.addf %parallel_loop3A_457, %parallel_loop3A_470 : vector<16xf32>
        %parallel_loop3A_472 = arith.constant 1 : i32
        %parallel_loop3A_473 = arith.index_cast %parallel_loop3A_472 : i32 to index
        %parallel_loop3A_474 = arith.index_cast %parallel_loop3A_444 : i32 to index
        %parallel_loop3A_475 = arith.constant 32 : index
        %parallel_loop3A_476 = tpu.vector_load %arg10[%parallel_loop3A_473, %parallel_loop3A_474, %parallel_loop3A_475] {strides = array<i32>} : memref<2x256x64xf32, #tpu.memory_space<vmem>>, vector<1x1x16xf32>,
        %parallel_loop3A_477 = vector.shape_cast %parallel_loop3A_476 : vector<1x1x16xf32> to vector<16xf32>
        %parallel_loop3A_478 = arith.constant 1 : i32
        %parallel_loop3A_479 = arith.index_cast %parallel_loop3A_478 : i32 to index
        %parallel_loop3A_480 = arith.index_cast %parallel_loop3A_444 : i32 to index
        %parallel_loop3A_481 = arith.constant 32 : index
        %parallel_loop3A_482 = tpu.vector_load %arg11[%parallel_loop3A_479, %parallel_loop3A_480, %parallel_loop3A_481] {strides = array<i32>} : memref<2x256x64xf32, #tpu.memory_space<vmem>>, vector<1x1x16xf32>,
        %parallel_loop3A_483 = vector.shape_cast %parallel_loop3A_482 : vector<1x1x16xf32> to vector<16xf32>
        %parallel_loop3A_484 = arith.mulf %parallel_loop3A_477, %parallel_loop3A_483 : vector<16xf32>
        %parallel_loop3A_485 = arith.constant 1 : i32
        %parallel_loop3A_486 = arith.index_cast %parallel_loop3A_485 : i32 to index
        %parallel_loop3A_487 = arith.index_cast %parallel_loop3A_444 : i32 to index
        %parallel_loop3A_488 = arith.constant 48 : index
        %parallel_loop3A_489 = tpu.vector_load %arg10[%parallel_loop3A_486, %parallel_loop3A_487, %parallel_loop3A_488] {strides = array<i32>} : memref<2x256x64xf32, #tpu.memory_space<vmem>>, vector<1x1x16xf32>,
        %parallel_loop3A_490 = vector.shape_cast %parallel_loop3A_489 : vector<1x1x16xf32> to vector<16xf32>
        %parallel_loop3A_491 = arith.constant 1 : i32
        %parallel_loop3A_492 = arith.index_cast %parallel_loop3A_491 : i32 to index
        %parallel_loop3A_493 = arith.index_cast %parallel_loop3A_444 : i32 to index
        %parallel_loop3A_494 = arith.constant 48 : index
        %parallel_loop3A_495 = tpu.vector_load %arg11[%parallel_loop3A_492, %parallel_loop3A_493, %parallel_loop3A_494] {strides = array<i32>} : memref<2x256x64xf32, #tpu.memory_space<vmem>>, vector<1x1x16xf32>,
        %parallel_loop3A_496 = vector.shape_cast %parallel_loop3A_495 : vector<1x1x16xf32> to vector<16xf32>
        %parallel_loop3A_497 = arith.mulf %parallel_loop3A_490, %parallel_loop3A_496 : vector<16xf32>
        %parallel_loop3A_498 = arith.addf %parallel_loop3A_484, %parallel_loop3A_497 : vector<16xf32>
        %parallel_loop3A_499 = arith.addf %parallel_loop3A_471, %parallel_loop3A_498 : vector<16xf32>
        %parallel_loop3A_500 = arith.mulf %parallel_loop3A_499, %parallel_loop3A_380 : vector<16xf32>
        %parallel_loop3A_501 = arith.addf %parallel_loop3A_366, %parallel_loop3A_500 : vector<16xf32>
        %parallel_loop3A_502 = arith.constant 16 : i32
        %parallel_loop3A_503 = arith.muli %parallel_loop3A_365, %parallel_loop3A_502 : i32
        %parallel_loop3A_504 = arith.constant 1 : i32
        %parallel_loop3A_505 = arith.addi %parallel_loop3A_503, %parallel_loop3A_504 : i32
        %parallel_loop3A_506 = arith.constant 1 : i32
        %parallel_loop3A_507 = arith.index_cast %parallel_loop3A_506 : i32 to index
        %parallel_loop3A_508 = arith.index_cast %parallel_loop3A_505 : i32 to index
        %parallel_loop3A_509 = arith.constant 0 : index
        %parallel_loop3A_510 = tpu.vector_load %arg10[%parallel_loop3A_507, %parallel_loop3A_508, %parallel_loop3A_509] {strides = array<i32>} : memref<2x256x64xf32, #tpu.memory_space<vmem>>, vector<1x1x16xf32>,
        %parallel_loop3A_511 = vector.shape_cast %parallel_loop3A_510 : vector<1x1x16xf32> to vector<16xf32>
        %parallel_loop3A_512 = arith.constant 1 : i32
        %parallel_loop3A_513 = arith.index_cast %parallel_loop3A_512 : i32 to index
        %parallel_loop3A_514 = arith.index_cast %parallel_loop3A_505 : i32 to index
        %parallel_loop3A_515 = arith.constant 0 : index
        %parallel_loop3A_516 = tpu.vector_load %arg11[%parallel_loop3A_513, %parallel_loop3A_514, %parallel_loop3A_515] {strides = array<i32>} : memref<2x256x64xf32, #tpu.memory_space<vmem>>, vector<1x1x16xf32>,
        %parallel_loop3A_517 = vector.shape_cast %parallel_loop3A_516 : vector<1x1x16xf32> to vector<16xf32>
        %parallel_loop3A_518 = arith.mulf %parallel_loop3A_511, %parallel_loop3A_517 : vector<16xf32>
        %parallel_loop3A_519 = arith.constant 1 : i32
        %parallel_loop3A_520 = arith.index_cast %parallel_loop3A_519 : i32 to index
        %parallel_loop3A_521 = arith.index_cast %parallel_loop3A_505 : i32 to index
        %parallel_loop3A_522 = arith.constant 16 : index
        %parallel_loop3A_523 = tpu.vector_load %arg10[%parallel_loop3A_520, %parallel_loop3A_521, %parallel_loop3A_522] {strides = array<i32>} : memref<2x256x64xf32, #tpu.memory_space<vmem>>, vector<1x1x16xf32>,
        %parallel_loop3A_524 = vector.shape_cast %parallel_loop3A_523 : vector<1x1x16xf32> to vector<16xf32>
        %parallel_loop3A_525 = arith.constant 1 : i32
        %parallel_loop3A_526 = arith.index_cast %parallel_loop3A_525 : i32 to index
        %parallel_loop3A_527 = arith.index_cast %parallel_loop3A_505 : i32 to index
        %parallel_loop3A_528 = arith.constant 16 : index
        %parallel_loop3A_529 = tpu.vector_load %arg11[%parallel_loop3A_526, %parallel_loop3A_527, %parallel_loop3A_528] {strides = array<i32>} : memref<2x256x64xf32, #tpu.memory_space<vmem>>, vector<1x1x16xf32>,
        %parallel_loop3A_530 = vector.shape_cast %parallel_loop3A_529 : vector<1x1x16xf32> to vector<16xf32>
        %parallel_loop3A_531 = arith.mulf %parallel_loop3A_524, %parallel_loop3A_530 : vector<16xf32>
        %parallel_loop3A_532 = arith.addf %parallel_loop3A_518, %parallel_loop3A_531 : vector<16xf32>
        %parallel_loop3A_533 = arith.constant 1 : i32
        %parallel_loop3A_534 = arith.index_cast %parallel_loop3A_533 : i32 to index
        %parallel_loop3A_535 = arith.index_cast %parallel_loop3A_505 : i32 to index
        %parallel_loop3A_536 = arith.constant 32 : index
        %parallel_loop3A_537 = tpu.vector_load %arg10[%parallel_loop3A_534, %parallel_loop3A_535, %parallel_loop3A_536] {strides = array<i32>} : memref<2x256x64xf32, #tpu.memory_space<vmem>>, vector<1x1x16xf32>,
        %parallel_loop3A_538 = vector.shape_cast %parallel_loop3A_537 : vector<1x1x16xf32> to vector<16xf32>
        %parallel_loop3A_539 = arith.constant 1 : i32
        %parallel_loop3A_540 = arith.index_cast %parallel_loop3A_539 : i32 to index
        %parallel_loop3A_541 = arith.index_cast %parallel_loop3A_505 : i32 to index
        %parallel_loop3A_542 = arith.constant 32 : index
        %parallel_loop3A_543 = tpu.vector_load %arg11[%parallel_loop3A_540, %parallel_loop3A_541, %parallel_loop3A_542] {strides = array<i32>} : memref<2x256x64xf32, #tpu.memory_space<vmem>>, vector<1x1x16xf32>,
        %parallel_loop3A_544 = vector.shape_cast %parallel_loop3A_543 : vector<1x1x16xf32> to vector<16xf32>
        %parallel_loop3A_545 = arith.mulf %parallel_loop3A_538, %parallel_loop3A_544 : vector<16xf32>
        %parallel_loop3A_546 = arith.constant 1 : i32
        %parallel_loop3A_547 = arith.index_cast %parallel_loop3A_546 : i32 to index
        %parallel_loop3A_548 = arith.index_cast %parallel_loop3A_505 : i32 to index
        %parallel_loop3A_549 = arith.constant 48 : index
        %parallel_loop3A_550 = tpu.vector_load %arg10[%parallel_loop3A_547, %parallel_loop3A_548, %parallel_loop3A_549] {strides = array<i32>} : memref<2x256x64xf32, #tpu.memory_space<vmem>>, vector<1x1x16xf32>,
        %parallel_loop3A_551 = vector.shape_cast %parallel_loop3A_550 : vector<1x1x16xf32> to vector<16xf32>
        %parallel_loop3A_552 = arith.constant 1 : i32
        %parallel_loop3A_553 = arith.index_cast %parallel_loop3A_552 : i32 to index
        %parallel_loop3A_554 = arith.index_cast %parallel_loop3A_505 : i32 to index
        %parallel_loop3A_555 = arith.constant 48 : index
        %parallel_loop3A_556 = tpu.vector_load %arg11[%parallel_loop3A_553, %parallel_loop3A_554, %parallel_loop3A_555] {strides = array<i32>} : memref<2x256x64xf32, #tpu.memory_space<vmem>>, vector<1x1x16xf32>,
        %parallel_loop3A_557 = vector.shape_cast %parallel_loop3A_556 : vector<1x1x16xf32> to vector<16xf32>
        %parallel_loop3A_558 = arith.mulf %parallel_loop3A_551, %parallel_loop3A_557 : vector<16xf32>
        %parallel_loop3A_559 = arith.addf %parallel_loop3A_545, %parallel_loop3A_558 : vector<16xf32>
        %parallel_loop3A_560 = arith.addf %parallel_loop3A_532, %parallel_loop3A_559 : vector<16xf32>
        %parallel_loop3A_561 = arith.mulf %parallel_loop3A_560, %parallel_loop3A_384 : vector<16xf32>
        %parallel_loop3A_562 = arith.addf %parallel_loop3A_367, %parallel_loop3A_561 : vector<16xf32>
        %parallel_loop3A_563 = arith.constant 16 : i32
        %parallel_loop3A_564 = arith.muli %parallel_loop3A_365, %parallel_loop3A_563 : i32
        %parallel_loop3A_565 = arith.constant 2 : i32
        %parallel_loop3A_566 = arith.addi %parallel_loop3A_564, %parallel_loop3A_565 : i32
        %parallel_loop3A_567 = arith.constant 1 : i32
        %parallel_loop3A_568 = arith.index_cast %parallel_loop3A_567 : i32 to index
        %parallel_loop3A_569 = arith.index_cast %parallel_loop3A_566 : i32 to index
        %parallel_loop3A_570 = arith.constant 0 : index
        %parallel_loop3A_571 = tpu.vector_load %arg10[%parallel_loop3A_568, %parallel_loop3A_569, %parallel_loop3A_570] {strides = array<i32>} : memref<2x256x64xf32, #tpu.memory_space<vmem>>, vector<1x1x16xf32>,
        %parallel_loop3A_572 = vector.shape_cast %parallel_loop3A_571 : vector<1x1x16xf32> to vector<16xf32>
        %parallel_loop3A_573 = arith.constant 1 : i32
        %parallel_loop3A_574 = arith.index_cast %parallel_loop3A_573 : i32 to index
        %parallel_loop3A_575 = arith.index_cast %parallel_loop3A_566 : i32 to index
        %parallel_loop3A_576 = arith.constant 0 : index
        %parallel_loop3A_577 = tpu.vector_load %arg11[%parallel_loop3A_574, %parallel_loop3A_575, %parallel_loop3A_576] {strides = array<i32>} : memref<2x256x64xf32, #tpu.memory_space<vmem>>, vector<1x1x16xf32>,
        %parallel_loop3A_578 = vector.shape_cast %parallel_loop3A_577 : vector<1x1x16xf32> to vector<16xf32>
        %parallel_loop3A_579 = arith.mulf %parallel_loop3A_572, %parallel_loop3A_578 : vector<16xf32>
        %parallel_loop3A_580 = arith.constant 1 : i32
        %parallel_loop3A_581 = arith.index_cast %parallel_loop3A_580 : i32 to index
        %parallel_loop3A_582 = arith.index_cast %parallel_loop3A_566 : i32 to index
        %parallel_loop3A_583 = arith.constant 16 : index
        %parallel_loop3A_584 = tpu.vector_load %arg10[%parallel_loop3A_581, %parallel_loop3A_582, %parallel_loop3A_583] {strides = array<i32>} : memref<2x256x64xf32, #tpu.memory_space<vmem>>, vector<1x1x16xf32>,
        %parallel_loop3A_585 = vector.shape_cast %parallel_loop3A_584 : vector<1x1x16xf32> to vector<16xf32>
        %parallel_loop3A_586 = arith.constant 1 : i32
        %parallel_loop3A_587 = arith.index_cast %parallel_loop3A_586 : i32 to index
        %parallel_loop3A_588 = arith.index_cast %parallel_loop3A_566 : i32 to index
        %parallel_loop3A_589 = arith.constant 16 : index
        %parallel_loop3A_590 = tpu.vector_load %arg11[%parallel_loop3A_587, %parallel_loop3A_588, %parallel_loop3A_589] {strides = array<i32>} : memref<2x256x64xf32, #tpu.memory_space<vmem>>, vector<1x1x16xf32>,
        %parallel_loop3A_591 = vector.shape_cast %parallel_loop3A_590 : vector<1x1x16xf32> to vector<16xf32>
        %parallel_loop3A_592 = arith.mulf %parallel_loop3A_585, %parallel_loop3A_591 : vector<16xf32>
        %parallel_loop3A_593 = arith.addf %parallel_loop3A_579, %parallel_loop3A_592 : vector<16xf32>
        %parallel_loop3A_594 = arith.constant 1 : i32
        %parallel_loop3A_595 = arith.index_cast %parallel_loop3A_594 : i32 to index
        %parallel_loop3A_596 = arith.index_cast %parallel_loop3A_566 : i32 to index
        %parallel_loop3A_597 = arith.constant 32 : index
        %parallel_loop3A_598 = tpu.vector_load %arg10[%parallel_loop3A_595, %parallel_loop3A_596, %parallel_loop3A_597] {strides = array<i32>} : memref<2x256x64xf32, #tpu.memory_space<vmem>>, vector<1x1x16xf32>,
        %parallel_loop3A_599 = vector.shape_cast %parallel_loop3A_598 : vector<1x1x16xf32> to vector<16xf32>
        %parallel_loop3A_600 = arith.constant 1 : i32
        %parallel_loop3A_601 = arith.index_cast %parallel_loop3A_600 : i32 to index
        %parallel_loop3A_602 = arith.index_cast %parallel_loop3A_566 : i32 to index
        %parallel_loop3A_603 = arith.constant 32 : index
        %parallel_loop3A_604 = tpu.vector_load %arg11[%parallel_loop3A_601, %parallel_loop3A_602, %parallel_loop3A_603] {strides = array<i32>} : memref<2x256x64xf32, #tpu.memory_space<vmem>>, vector<1x1x16xf32>,
        %parallel_loop3A_605 = vector.shape_cast %parallel_loop3A_604 : vector<1x1x16xf32> to vector<16xf32>
        %parallel_loop3A_606 = arith.mulf %parallel_loop3A_599, %parallel_loop3A_605 : vector<16xf32>
        %parallel_loop3A_607 = arith.constant 1 : i32
        %parallel_loop3A_608 = arith.index_cast %parallel_loop3A_607 : i32 to index
        %parallel_loop3A_609 = arith.index_cast %parallel_loop3A_566 : i32 to index
        %parallel_loop3A_610 = arith.constant 48 : index
        %parallel_loop3A_611 = tpu.vector_load %arg10[%parallel_loop3A_608, %parallel_loop3A_609, %parallel_loop3A_610] {strides = array<i32>} : memref<2x256x64xf32, #tpu.memory_space<vmem>>, vector<1x1x16xf32>,
        %parallel_loop3A_612 = vector.shape_cast %parallel_loop3A_611 : vector<1x1x16xf32> to vector<16xf32>
        %parallel_loop3A_613 = arith.constant 1 : i32
        %parallel_loop3A_614 = arith.index_cast %parallel_loop3A_613 : i32 to index
        %parallel_loop3A_615 = arith.index_cast %parallel_loop3A_566 : i32 to index
        %parallel_loop3A_616 = arith.constant 48 : index
        %parallel_loop3A_617 = tpu.vector_load %arg11[%parallel_loop3A_614, %parallel_loop3A_615, %parallel_loop3A_616] {strides = array<i32>} : memref<2x256x64xf32, #tpu.memory_space<vmem>>, vector<1x1x16xf32>,
        %parallel_loop3A_618 = vector.shape_cast %parallel_loop3A_617 : vector<1x1x16xf32> to vector<16xf32>
        %parallel_loop3A_619 = arith.mulf %parallel_loop3A_612, %parallel_loop3A_618 : vector<16xf32>
        %parallel_loop3A_620 = arith.addf %parallel_loop3A_606, %parallel_loop3A_619 : vector<16xf32>
        %parallel_loop3A_621 = arith.addf %parallel_loop3A_593, %parallel_loop3A_620 : vector<16xf32>
        %parallel_loop3A_622 = arith.mulf %parallel_loop3A_621, %parallel_loop3A_388 : vector<16xf32>
        %parallel_loop3A_623 = arith.addf %parallel_loop3A_368, %parallel_loop3A_622 : vector<16xf32>
        %parallel_loop3A_624 = arith.constant 16 : i32
        %parallel_loop3A_625 = arith.muli %parallel_loop3A_365, %parallel_loop3A_624 : i32
        %parallel_loop3A_626 = arith.constant 3 : i32
        %parallel_loop3A_627 = arith.addi %parallel_loop3A_625, %parallel_loop3A_626 : i32
        %parallel_loop3A_628 = arith.constant 1 : i32
        %parallel_loop3A_629 = arith.index_cast %parallel_loop3A_628 : i32 to index
        %parallel_loop3A_630 = arith.index_cast %parallel_loop3A_627 : i32 to index
        %parallel_loop3A_631 = arith.constant 0 : index
        %parallel_loop3A_632 = tpu.vector_load %arg10[%parallel_loop3A_629, %parallel_loop3A_630, %parallel_loop3A_631] {strides = array<i32>} : memref<2x256x64xf32, #tpu.memory_space<vmem>>, vector<1x1x16xf32>,
        %parallel_loop3A_633 = vector.shape_cast %parallel_loop3A_632 : vector<1x1x16xf32> to vector<16xf32>
        %parallel_loop3A_634 = arith.constant 1 : i32
        %parallel_loop3A_635 = arith.index_cast %parallel_loop3A_634 : i32 to index
        %parallel_loop3A_636 = arith.index_cast %parallel_loop3A_627 : i32 to index
        %parallel_loop3A_637 = arith.constant 0 : index
        %parallel_loop3A_638 = tpu.vector_load %arg11[%parallel_loop3A_635, %parallel_loop3A_636, %parallel_loop3A_637] {strides = array<i32>} : memref<2x256x64xf32, #tpu.memory_space<vmem>>, vector<1x1x16xf32>,
        %parallel_loop3A_639 = vector.shape_cast %parallel_loop3A_638 : vector<1x1x16xf32> to vector<16xf32>
        %parallel_loop3A_640 = arith.mulf %parallel_loop3A_633, %parallel_loop3A_639 : vector<16xf32>
        %parallel_loop3A_641 = arith.constant 1 : i32
        %parallel_loop3A_642 = arith.index_cast %parallel_loop3A_641 : i32 to index
        %parallel_loop3A_643 = arith.index_cast %parallel_loop3A_627 : i32 to index
        %parallel_loop3A_644 = arith.constant 16 : index
        %parallel_loop3A_645 = tpu.vector_load %arg10[%parallel_loop3A_642, %parallel_loop3A_643, %parallel_loop3A_644] {strides = array<i32>} : memref<2x256x64xf32, #tpu.memory_space<vmem>>, vector<1x1x16xf32>,
        %parallel_loop3A_646 = vector.shape_cast %parallel_loop3A_645 : vector<1x1x16xf32> to vector<16xf32>
        %parallel_loop3A_647 = arith.constant 1 : i32
        %parallel_loop3A_648 = arith.index_cast %parallel_loop3A_647 : i32 to index
        %parallel_loop3A_649 = arith.index_cast %parallel_loop3A_627 : i32 to index
        %parallel_loop3A_650 = arith.constant 16 : index
        %parallel_loop3A_651 = tpu.vector_load %arg11[%parallel_loop3A_648, %parallel_loop3A_649, %parallel_loop3A_650] {strides = array<i32>} : memref<2x256x64xf32, #tpu.memory_space<vmem>>, vector<1x1x16xf32>,
        %parallel_loop3A_652 = vector.shape_cast %parallel_loop3A_651 : vector<1x1x16xf32> to vector<16xf32>
        %parallel_loop3A_653 = arith.mulf %parallel_loop3A_646, %parallel_loop3A_652 : vector<16xf32>
        %parallel_loop3A_654 = arith.addf %parallel_loop3A_640, %parallel_loop3A_653 : vector<16xf32>
        %parallel_loop3A_655 = arith.constant 1 : i32
        %parallel_loop3A_656 = arith.index_cast %parallel_loop3A_655 : i32 to index
        %parallel_loop3A_657 = arith.index_cast %parallel_loop3A_627 : i32 to index
        %parallel_loop3A_658 = arith.constant 32 : index
        %parallel_loop3A_659 = tpu.vector_load %arg10[%parallel_loop3A_656, %parallel_loop3A_657, %parallel_loop3A_658] {strides = array<i32>} : memref<2x256x64xf32, #tpu.memory_space<vmem>>, vector<1x1x16xf32>,
        %parallel_loop3A_660 = vector.shape_cast %parallel_loop3A_659 : vector<1x1x16xf32> to vector<16xf32>
        %parallel_loop3A_661 = arith.constant 1 : i32
        %parallel_loop3A_662 = arith.index_cast %parallel_loop3A_661 : i32 to index
        %parallel_loop3A_663 = arith.index_cast %parallel_loop3A_627 : i32 to index
        %parallel_loop3A_664 = arith.constant 32 : index
        %parallel_loop3A_665 = tpu.vector_load %arg11[%parallel_loop3A_662, %parallel_loop3A_663, %parallel_loop3A_664] {strides = array<i32>} : memref<2x256x64xf32, #tpu.memory_space<vmem>>, vector<1x1x16xf32>,
        %parallel_loop3A_666 = vector.shape_cast %parallel_loop3A_665 : vector<1x1x16xf32> to vector<16xf32>
        %parallel_loop3A_667 = arith.mulf %parallel_loop3A_660, %parallel_loop3A_666 : vector<16xf32>
        %parallel_loop3A_668 = arith.constant 1 : i32
        %parallel_loop3A_669 = arith.index_cast %parallel_loop3A_668 : i32 to index
        %parallel_loop3A_670 = arith.index_cast %parallel_loop3A_627 : i32 to index
        %parallel_loop3A_671 = arith.constant 48 : index
        %parallel_loop3A_672 = tpu.vector_load %arg10[%parallel_loop3A_669, %parallel_loop3A_670, %parallel_loop3A_671] {strides = array<i32>} : memref<2x256x64xf32, #tpu.memory_space<vmem>>, vector<1x1x16xf32>,
        %parallel_loop3A_673 = vector.shape_cast %parallel_loop3A_672 : vector<1x1x16xf32> to vector<16xf32>
        %parallel_loop3A_674 = arith.constant 1 : i32
        %parallel_loop3A_675 = arith.index_cast %parallel_loop3A_674 : i32 to index
        %parallel_loop3A_676 = arith.index_cast %parallel_loop3A_627 : i32 to index
        %parallel_loop3A_677 = arith.constant 48 : index
        %parallel_loop3A_678 = tpu.vector_load %arg11[%parallel_loop3A_675, %parallel_loop3A_676, %parallel_loop3A_677] {strides = array<i32>} : memref<2x256x64xf32, #tpu.memory_space<vmem>>, vector<1x1x16xf32>,
        %parallel_loop3A_679 = vector.shape_cast %parallel_loop3A_678 : vector<1x1x16xf32> to vector<16xf32>
        %parallel_loop3A_680 = arith.mulf %parallel_loop3A_673, %parallel_loop3A_679 : vector<16xf32>
        %parallel_loop3A_681 = arith.addf %parallel_loop3A_667, %parallel_loop3A_680 : vector<16xf32>
        %parallel_loop3A_682 = arith.addf %parallel_loop3A_654, %parallel_loop3A_681 : vector<16xf32>
        %parallel_loop3A_683 = arith.mulf %parallel_loop3A_682, %parallel_loop3A_392 : vector<16xf32>
        %parallel_loop3A_684 = arith.addf %parallel_loop3A_369, %parallel_loop3A_683 : vector<16xf32>
        %parallel_loop3A_685 = arith.constant 16 : i32
        %parallel_loop3A_686 = arith.muli %parallel_loop3A_365, %parallel_loop3A_685 : i32
        %parallel_loop3A_687 = arith.constant 4 : i32
        %parallel_loop3A_688 = arith.addi %parallel_loop3A_686, %parallel_loop3A_687 : i32
        %parallel_loop3A_689 = arith.constant 1 : i32
        %parallel_loop3A_690 = arith.index_cast %parallel_loop3A_689 : i32 to index
        %parallel_loop3A_691 = arith.index_cast %parallel_loop3A_688 : i32 to index
        %parallel_loop3A_692 = arith.constant 0 : index
        %parallel_loop3A_693 = tpu.vector_load %arg10[%parallel_loop3A_690, %parallel_loop3A_691, %parallel_loop3A_692] {strides = array<i32>} : memref<2x256x64xf32, #tpu.memory_space<vmem>>, vector<1x1x16xf32>,
        %parallel_loop3A_694 = vector.shape_cast %parallel_loop3A_693 : vector<1x1x16xf32> to vector<16xf32>
        %parallel_loop3A_695 = arith.constant 1 : i32
        %parallel_loop3A_696 = arith.index_cast %parallel_loop3A_695 : i32 to index
        %parallel_loop3A_697 = arith.index_cast %parallel_loop3A_688 : i32 to index
        %parallel_loop3A_698 = arith.constant 0 : index
        %parallel_loop3A_699 = tpu.vector_load %arg11[%parallel_loop3A_696, %parallel_loop3A_697, %parallel_loop3A_698] {strides = array<i32>} : memref<2x256x64xf32, #tpu.memory_space<vmem>>, vector<1x1x16xf32>,
        %parallel_loop3A_700 = vector.shape_cast %parallel_loop3A_699 : vector<1x1x16xf32> to vector<16xf32>
        %parallel_loop3A_701 = arith.mulf %parallel_loop3A_694, %parallel_loop3A_700 : vector<16xf32>
        %parallel_loop3A_702 = arith.constant 1 : i32
        %parallel_loop3A_703 = arith.index_cast %parallel_loop3A_702 : i32 to index
        %parallel_loop3A_704 = arith.index_cast %parallel_loop3A_688 : i32 to index
        %parallel_loop3A_705 = arith.constant 16 : index
        %parallel_loop3A_706 = tpu.vector_load %arg10[%parallel_loop3A_703, %parallel_loop3A_704, %parallel_loop3A_705] {strides = array<i32>} : memref<2x256x64xf32, #tpu.memory_space<vmem>>, vector<1x1x16xf32>,
        %parallel_loop3A_707 = vector.shape_cast %parallel_loop3A_706 : vector<1x1x16xf32> to vector<16xf32>
        %parallel_loop3A_708 = arith.constant 1 : i32
        %parallel_loop3A_709 = arith.index_cast %parallel_loop3A_708 : i32 to index
        %parallel_loop3A_710 = arith.index_cast %parallel_loop3A_688 : i32 to index
        %parallel_loop3A_711 = arith.constant 16 : index
        %parallel_loop3A_712 = tpu.vector_load %arg11[%parallel_loop3A_709, %parallel_loop3A_710, %parallel_loop3A_711] {strides = array<i32>} : memref<2x256x64xf32, #tpu.memory_space<vmem>>, vector<1x1x16xf32>,
        %parallel_loop3A_713 = vector.shape_cast %parallel_loop3A_712 : vector<1x1x16xf32> to vector<16xf32>
        %parallel_loop3A_714 = arith.mulf %parallel_loop3A_707, %parallel_loop3A_713 : vector<16xf32>
        %parallel_loop3A_715 = arith.addf %parallel_loop3A_701, %parallel_loop3A_714 : vector<16xf32>
        %parallel_loop3A_716 = arith.constant 1 : i32
        %parallel_loop3A_717 = arith.index_cast %parallel_loop3A_716 : i32 to index
        %parallel_loop3A_718 = arith.index_cast %parallel_loop3A_688 : i32 to index
        %parallel_loop3A_719 = arith.constant 32 : index
        %parallel_loop3A_720 = tpu.vector_load %arg10[%parallel_loop3A_717, %parallel_loop3A_718, %parallel_loop3A_719] {strides = array<i32>} : memref<2x256x64xf32, #tpu.memory_space<vmem>>, vector<1x1x16xf32>,
        %parallel_loop3A_721 = vector.shape_cast %parallel_loop3A_720 : vector<1x1x16xf32> to vector<16xf32>
        %parallel_loop3A_722 = arith.constant 1 : i32
        %parallel_loop3A_723 = arith.index_cast %parallel_loop3A_722 : i32 to index
        %parallel_loop3A_724 = arith.index_cast %parallel_loop3A_688 : i32 to index
        %parallel_loop3A_725 = arith.constant 32 : index
        %parallel_loop3A_726 = tpu.vector_load %arg11[%parallel_loop3A_723, %parallel_loop3A_724, %parallel_loop3A_725] {strides = array<i32>} : memref<2x256x64xf32, #tpu.memory_space<vmem>>, vector<1x1x16xf32>,
        %parallel_loop3A_727 = vector.shape_cast %parallel_loop3A_726 : vector<1x1x16xf32> to vector<16xf32>
        %parallel_loop3A_728 = arith.mulf %parallel_loop3A_721, %parallel_loop3A_727 : vector<16xf32>
        %parallel_loop3A_729 = arith.constant 1 : i32
        %parallel_loop3A_730 = arith.index_cast %parallel_loop3A_729 : i32 to index
        %parallel_loop3A_731 = arith.index_cast %parallel_loop3A_688 : i32 to index
        %parallel_loop3A_732 = arith.constant 48 : index
        %parallel_loop3A_733 = tpu.vector_load %arg10[%parallel_loop3A_730, %parallel_loop3A_731, %parallel_loop3A_732] {strides = array<i32>} : memref<2x256x64xf32, #tpu.memory_space<vmem>>, vector<1x1x16xf32>,
        %parallel_loop3A_734 = vector.shape_cast %parallel_loop3A_733 : vector<1x1x16xf32> to vector<16xf32>
        %parallel_loop3A_735 = arith.constant 1 : i32
        %parallel_loop3A_736 = arith.index_cast %parallel_loop3A_735 : i32 to index
        %parallel_loop3A_737 = arith.index_cast %parallel_loop3A_688 : i32 to index
        %parallel_loop3A_738 = arith.constant 48 : index
        %parallel_loop3A_739 = tpu.vector_load %arg11[%parallel_loop3A_736, %parallel_loop3A_737, %parallel_loop3A_738] {strides = array<i32>} : memref<2x256x64xf32, #tpu.memory_space<vmem>>, vector<1x1x16xf32>,
        %parallel_loop3A_740 = vector.shape_cast %parallel_loop3A_739 : vector<1x1x16xf32> to vector<16xf32>
        %parallel_loop3A_741 = arith.mulf %parallel_loop3A_734, %parallel_loop3A_740 : vector<16xf32>
        %parallel_loop3A_742 = arith.addf %parallel_loop3A_728, %parallel_loop3A_741 : vector<16xf32>
        %parallel_loop3A_743 = arith.addf %parallel_loop3A_715, %parallel_loop3A_742 : vector<16xf32>
        %parallel_loop3A_744 = arith.mulf %parallel_loop3A_743, %parallel_loop3A_396 : vector<16xf32>
        %parallel_loop3A_745 = arith.addf %parallel_loop3A_501, %parallel_loop3A_744 : vector<16xf32>
        %parallel_loop3A_746 = arith.constant 16 : i32
        %parallel_loop3A_747 = arith.muli %parallel_loop3A_365, %parallel_loop3A_746 : i32
        %parallel_loop3A_748 = arith.constant 5 : i32
        %parallel_loop3A_749 = arith.addi %parallel_loop3A_747, %parallel_loop3A_748 : i32
        %parallel_loop3A_750 = arith.constant 1 : i32
        %parallel_loop3A_751 = arith.index_cast %parallel_loop3A_750 : i32 to index
        %parallel_loop3A_752 = arith.index_cast %parallel_loop3A_749 : i32 to index
        %parallel_loop3A_753 = arith.constant 0 : index
        %parallel_loop3A_754 = tpu.vector_load %arg10[%parallel_loop3A_751, %parallel_loop3A_752, %parallel_loop3A_753] {strides = array<i32>} : memref<2x256x64xf32, #tpu.memory_space<vmem>>, vector<1x1x16xf32>,
        %parallel_loop3A_755 = vector.shape_cast %parallel_loop3A_754 : vector<1x1x16xf32> to vector<16xf32>
        %parallel_loop3A_756 = arith.constant 1 : i32
        %parallel_loop3A_757 = arith.index_cast %parallel_loop3A_756 : i32 to index
        %parallel_loop3A_758 = arith.index_cast %parallel_loop3A_749 : i32 to index
        %parallel_loop3A_759 = arith.constant 0 : index
        %parallel_loop3A_760 = tpu.vector_load %arg11[%parallel_loop3A_757, %parallel_loop3A_758, %parallel_loop3A_759] {strides = array<i32>} : memref<2x256x64xf32, #tpu.memory_space<vmem>>, vector<1x1x16xf32>,
        %parallel_loop3A_761 = vector.shape_cast %parallel_loop3A_760 : vector<1x1x16xf32> to vector<16xf32>
        %parallel_loop3A_762 = arith.mulf %parallel_loop3A_755, %parallel_loop3A_761 : vector<16xf32>
        %parallel_loop3A_763 = arith.constant 1 : i32
        %parallel_loop3A_764 = arith.index_cast %parallel_loop3A_763 : i32 to index
        %parallel_loop3A_765 = arith.index_cast %parallel_loop3A_749 : i32 to index
        %parallel_loop3A_766 = arith.constant 16 : index
        %parallel_loop3A_767 = tpu.vector_load %arg10[%parallel_loop3A_764, %parallel_loop3A_765, %parallel_loop3A_766] {strides = array<i32>} : memref<2x256x64xf32, #tpu.memory_space<vmem>>, vector<1x1x16xf32>,
        %parallel_loop3A_768 = vector.shape_cast %parallel_loop3A_767 : vector<1x1x16xf32> to vector<16xf32>
        %parallel_loop3A_769 = arith.constant 1 : i32
        %parallel_loop3A_770 = arith.index_cast %parallel_loop3A_769 : i32 to index
        %parallel_loop3A_771 = arith.index_cast %parallel_loop3A_749 : i32 to index
        %parallel_loop3A_772 = arith.constant 16 : index
        %parallel_loop3A_773 = tpu.vector_load %arg11[%parallel_loop3A_770, %parallel_loop3A_771, %parallel_loop3A_772] {strides = array<i32>} : memref<2x256x64xf32, #tpu.memory_space<vmem>>, vector<1x1x16xf32>,
        %parallel_loop3A_774 = vector.shape_cast %parallel_loop3A_773 : vector<1x1x16xf32> to vector<16xf32>
        %parallel_loop3A_775 = arith.mulf %parallel_loop3A_768, %parallel_loop3A_774 : vector<16xf32>
        %parallel_loop3A_776 = arith.addf %parallel_loop3A_762, %parallel_loop3A_775 : vector<16xf32>
        %parallel_loop3A_777 = arith.constant 1 : i32
        %parallel_loop3A_778 = arith.index_cast %parallel_loop3A_777 : i32 to index
        %parallel_loop3A_779 = arith.index_cast %parallel_loop3A_749 : i32 to index
        %parallel_loop3A_780 = arith.constant 32 : index
        %parallel_loop3A_781 = tpu.vector_load %arg10[%parallel_loop3A_778, %parallel_loop3A_779, %parallel_loop3A_780] {strides = array<i32>} : memref<2x256x64xf32, #tpu.memory_space<vmem>>, vector<1x1x16xf32>,
        %parallel_loop3A_782 = vector.shape_cast %parallel_loop3A_781 : vector<1x1x16xf32> to vector<16xf32>
        %parallel_loop3A_783 = arith.constant 1 : i32
        %parallel_loop3A_784 = arith.index_cast %parallel_loop3A_783 : i32 to index
        %parallel_loop3A_785 = arith.index_cast %parallel_loop3A_749 : i32 to index
        %parallel_loop3A_786 = arith.constant 32 : index
        %parallel_loop3A_787 = tpu.vector_load %arg11[%parallel_loop3A_784, %parallel_loop3A_785, %parallel_loop3A_786] {strides = array<i32>} : memref<2x256x64xf32, #tpu.memory_space<vmem>>, vector<1x1x16xf32>,
        %parallel_loop3A_788 = vector.shape_cast %parallel_loop3A_787 : vector<1x1x16xf32> to vector<16xf32>
        %parallel_loop3A_789 = arith.mulf %parallel_loop3A_782, %parallel_loop3A_788 : vector<16xf32>
        %parallel_loop3A_790 = arith.constant 1 : i32
        %parallel_loop3A_791 = arith.index_cast %parallel_loop3A_790 : i32 to index
        %parallel_loop3A_792 = arith.index_cast %parallel_loop3A_749 : i32 to index
        %parallel_loop3A_793 = arith.constant 48 : index
        %parallel_loop3A_794 = tpu.vector_load %arg10[%parallel_loop3A_791, %parallel_loop3A_792, %parallel_loop3A_793] {strides = array<i32>} : memref<2x256x64xf32, #tpu.memory_space<vmem>>, vector<1x1x16xf32>,
        %parallel_loop3A_795 = vector.shape_cast %parallel_loop3A_794 : vector<1x1x16xf32> to vector<16xf32>
        %parallel_loop3A_796 = arith.constant 1 : i32
        %parallel_loop3A_797 = arith.index_cast %parallel_loop3A_796 : i32 to index
        %parallel_loop3A_798 = arith.index_cast %parallel_loop3A_749 : i32 to index
        %parallel_loop3A_799 = arith.constant 48 : index
        %parallel_loop3A_800 = tpu.vector_load %arg11[%parallel_loop3A_797, %parallel_loop3A_798, %parallel_loop3A_799] {strides = array<i32>} : memref<2x256x64xf32, #tpu.memory_space<vmem>>, vector<1x1x16xf32>,
        %parallel_loop3A_801 = vector.shape_cast %parallel_loop3A_800 : vector<1x1x16xf32> to vector<16xf32>
        %parallel_loop3A_802 = arith.mulf %parallel_loop3A_795, %parallel_loop3A_801 : vector<16xf32>
        %parallel_loop3A_803 = arith.addf %parallel_loop3A_789, %parallel_loop3A_802 : vector<16xf32>
        %parallel_loop3A_804 = arith.addf %parallel_loop3A_776, %parallel_loop3A_803 : vector<16xf32>
        %parallel_loop3A_805 = arith.mulf %parallel_loop3A_804, %parallel_loop3A_400 : vector<16xf32>
        %parallel_loop3A_806 = arith.addf %parallel_loop3A_562, %parallel_loop3A_805 : vector<16xf32>
        %parallel_loop3A_807 = arith.constant 16 : i32
        %parallel_loop3A_808 = arith.muli %parallel_loop3A_365, %parallel_loop3A_807 : i32
        %parallel_loop3A_809 = arith.constant 6 : i32
        %parallel_loop3A_810 = arith.addi %parallel_loop3A_808, %parallel_loop3A_809 : i32
        %parallel_loop3A_811 = arith.constant 1 : i32
        %parallel_loop3A_812 = arith.index_cast %parallel_loop3A_811 : i32 to index
        %parallel_loop3A_813 = arith.index_cast %parallel_loop3A_810 : i32 to index
        %parallel_loop3A_814 = arith.constant 0 : index
        %parallel_loop3A_815 = tpu.vector_load %arg10[%parallel_loop3A_812, %parallel_loop3A_813, %parallel_loop3A_814] {strides = array<i32>} : memref<2x256x64xf32, #tpu.memory_space<vmem>>, vector<1x1x16xf32>,
        %parallel_loop3A_816 = vector.shape_cast %parallel_loop3A_815 : vector<1x1x16xf32> to vector<16xf32>
        %parallel_loop3A_817 = arith.constant 1 : i32
        %parallel_loop3A_818 = arith.index_cast %parallel_loop3A_817 : i32 to index
        %parallel_loop3A_819 = arith.index_cast %parallel_loop3A_810 : i32 to index
        %parallel_loop3A_820 = arith.constant 0 : index
        %parallel_loop3A_821 = tpu.vector_load %arg11[%parallel_loop3A_818, %parallel_loop3A_819, %parallel_loop3A_820] {strides = array<i32>} : memref<2x256x64xf32, #tpu.memory_space<vmem>>, vector<1x1x16xf32>,
        %parallel_loop3A_822 = vector.shape_cast %parallel_loop3A_821 : vector<1x1x16xf32> to vector<16xf32>
        %parallel_loop3A_823 = arith.mulf %parallel_loop3A_816, %parallel_loop3A_822 : vector<16xf32>
        %parallel_loop3A_824 = arith.constant 1 : i32
        %parallel_loop3A_825 = arith.index_cast %parallel_loop3A_824 : i32 to index
        %parallel_loop3A_826 = arith.index_cast %parallel_loop3A_810 : i32 to index
        %parallel_loop3A_827 = arith.constant 16 : index
        %parallel_loop3A_828 = tpu.vector_load %arg10[%parallel_loop3A_825, %parallel_loop3A_826, %parallel_loop3A_827] {strides = array<i32>} : memref<2x256x64xf32, #tpu.memory_space<vmem>>, vector<1x1x16xf32>,
        %parallel_loop3A_829 = vector.shape_cast %parallel_loop3A_828 : vector<1x1x16xf32> to vector<16xf32>
        %parallel_loop3A_830 = arith.constant 1 : i32
        %parallel_loop3A_831 = arith.index_cast %parallel_loop3A_830 : i32 to index
        %parallel_loop3A_832 = arith.index_cast %parallel_loop3A_810 : i32 to index
        %parallel_loop3A_833 = arith.constant 16 : index
        %parallel_loop3A_834 = tpu.vector_load %arg11[%parallel_loop3A_831, %parallel_loop3A_832, %parallel_loop3A_833] {strides = array<i32>} : memref<2x256x64xf32, #tpu.memory_space<vmem>>, vector<1x1x16xf32>,
        %parallel_loop3A_835 = vector.shape_cast %parallel_loop3A_834 : vector<1x1x16xf32> to vector<16xf32>
        %parallel_loop3A_836 = arith.mulf %parallel_loop3A_829, %parallel_loop3A_835 : vector<16xf32>
        %parallel_loop3A_837 = arith.addf %parallel_loop3A_823, %parallel_loop3A_836 : vector<16xf32>
        %parallel_loop3A_838 = arith.constant 1 : i32
        %parallel_loop3A_839 = arith.index_cast %parallel_loop3A_838 : i32 to index
        %parallel_loop3A_840 = arith.index_cast %parallel_loop3A_810 : i32 to index
        %parallel_loop3A_841 = arith.constant 32 : index
        %parallel_loop3A_842 = tpu.vector_load %arg10[%parallel_loop3A_839, %parallel_loop3A_840, %parallel_loop3A_841] {strides = array<i32>} : memref<2x256x64xf32, #tpu.memory_space<vmem>>, vector<1x1x16xf32>,
        %parallel_loop3A_843 = vector.shape_cast %parallel_loop3A_842 : vector<1x1x16xf32> to vector<16xf32>
        %parallel_loop3A_844 = arith.constant 1 : i32
        %parallel_loop3A_845 = arith.index_cast %parallel_loop3A_844 : i32 to index
        %parallel_loop3A_846 = arith.index_cast %parallel_loop3A_810 : i32 to index
        %parallel_loop3A_847 = arith.constant 32 : index
        %parallel_loop3A_848 = tpu.vector_load %arg11[%parallel_loop3A_845, %parallel_loop3A_846, %parallel_loop3A_847] {strides = array<i32>} : memref<2x256x64xf32, #tpu.memory_space<vmem>>, vector<1x1x16xf32>,
        %parallel_loop3A_849 = vector.shape_cast %parallel_loop3A_848 : vector<1x1x16xf32> to vector<16xf32>
        %parallel_loop3A_850 = arith.mulf %parallel_loop3A_843, %parallel_loop3A_849 : vector<16xf32>
        %parallel_loop3A_851 = arith.constant 1 : i32
        %parallel_loop3A_852 = arith.index_cast %parallel_loop3A_851 : i32 to index
        %parallel_loop3A_853 = arith.index_cast %parallel_loop3A_810 : i32 to index
        %parallel_loop3A_854 = arith.constant 48 : index
        %parallel_loop3A_855 = tpu.vector_load %arg10[%parallel_loop3A_852, %parallel_loop3A_853, %parallel_loop3A_854] {strides = array<i32>} : memref<2x256x64xf32, #tpu.memory_space<vmem>>, vector<1x1x16xf32>,
        %parallel_loop3A_856 = vector.shape_cast %parallel_loop3A_855 : vector<1x1x16xf32> to vector<16xf32>
        %parallel_loop3A_857 = arith.constant 1 : i32
        %parallel_loop3A_858 = arith.index_cast %parallel_loop3A_857 : i32 to index
        %parallel_loop3A_859 = arith.index_cast %parallel_loop3A_810 : i32 to index
        %parallel_loop3A_860 = arith.constant 48 : index
        %parallel_loop3A_861 = tpu.vector_load %arg11[%parallel_loop3A_858, %parallel_loop3A_859, %parallel_loop3A_860] {strides = array<i32>} : memref<2x256x64xf32, #tpu.memory_space<vmem>>, vector<1x1x16xf32>,
        %parallel_loop3A_862 = vector.shape_cast %parallel_loop3A_861 : vector<1x1x16xf32> to vector<16xf32>
        %parallel_loop3A_863 = arith.mulf %parallel_loop3A_856, %parallel_loop3A_862 : vector<16xf32>
        %parallel_loop3A_864 = arith.addf %parallel_loop3A_850, %parallel_loop3A_863 : vector<16xf32>
        %parallel_loop3A_865 = arith.addf %parallel_loop3A_837, %parallel_loop3A_864 : vector<16xf32>
        %parallel_loop3A_866 = arith.mulf %parallel_loop3A_865, %parallel_loop3A_404 : vector<16xf32>
        %parallel_loop3A_867 = arith.addf %parallel_loop3A_623, %parallel_loop3A_866 : vector<16xf32>
        %parallel_loop3A_868 = arith.constant 16 : i32
        %parallel_loop3A_869 = arith.muli %parallel_loop3A_365, %parallel_loop3A_868 : i32
        %parallel_loop3A_870 = arith.constant 7 : i32
        %parallel_loop3A_871 = arith.addi %parallel_loop3A_869, %parallel_loop3A_870 : i32
        %parallel_loop3A_872 = arith.constant 1 : i32
        %parallel_loop3A_873 = arith.index_cast %parallel_loop3A_872 : i32 to index
        %parallel_loop3A_874 = arith.index_cast %parallel_loop3A_871 : i32 to index
        %parallel_loop3A_875 = arith.constant 0 : index
        %parallel_loop3A_876 = tpu.vector_load %arg10[%parallel_loop3A_873, %parallel_loop3A_874, %parallel_loop3A_875] {strides = array<i32>} : memref<2x256x64xf32, #tpu.memory_space<vmem>>, vector<1x1x16xf32>,
        %parallel_loop3A_877 = vector.shape_cast %parallel_loop3A_876 : vector<1x1x16xf32> to vector<16xf32>
        %parallel_loop3A_878 = arith.constant 1 : i32
        %parallel_loop3A_879 = arith.index_cast %parallel_loop3A_878 : i32 to index
        %parallel_loop3A_880 = arith.index_cast %parallel_loop3A_871 : i32 to index
        %parallel_loop3A_881 = arith.constant 0 : index
        %parallel_loop3A_882 = tpu.vector_load %arg11[%parallel_loop3A_879, %parallel_loop3A_880, %parallel_loop3A_881] {strides = array<i32>} : memref<2x256x64xf32, #tpu.memory_space<vmem>>, vector<1x1x16xf32>,
        %parallel_loop3A_883 = vector.shape_cast %parallel_loop3A_882 : vector<1x1x16xf32> to vector<16xf32>
        %parallel_loop3A_884 = arith.mulf %parallel_loop3A_877, %parallel_loop3A_883 : vector<16xf32>
        %parallel_loop3A_885 = arith.constant 1 : i32
        %parallel_loop3A_886 = arith.index_cast %parallel_loop3A_885 : i32 to index
        %parallel_loop3A_887 = arith.index_cast %parallel_loop3A_871 : i32 to index
        %parallel_loop3A_888 = arith.constant 16 : index
        %parallel_loop3A_889 = tpu.vector_load %arg10[%parallel_loop3A_886, %parallel_loop3A_887, %parallel_loop3A_888] {strides = array<i32>} : memref<2x256x64xf32, #tpu.memory_space<vmem>>, vector<1x1x16xf32>,
        %parallel_loop3A_890 = vector.shape_cast %parallel_loop3A_889 : vector<1x1x16xf32> to vector<16xf32>
        %parallel_loop3A_891 = arith.constant 1 : i32
        %parallel_loop3A_892 = arith.index_cast %parallel_loop3A_891 : i32 to index
        %parallel_loop3A_893 = arith.index_cast %parallel_loop3A_871 : i32 to index
        %parallel_loop3A_894 = arith.constant 16 : index
        %parallel_loop3A_895 = tpu.vector_load %arg11[%parallel_loop3A_892, %parallel_loop3A_893, %parallel_loop3A_894] {strides = array<i32>} : memref<2x256x64xf32, #tpu.memory_space<vmem>>, vector<1x1x16xf32>,
        %parallel_loop3A_896 = vector.shape_cast %parallel_loop3A_895 : vector<1x1x16xf32> to vector<16xf32>
        %parallel_loop3A_897 = arith.mulf %parallel_loop3A_890, %parallel_loop3A_896 : vector<16xf32>
        %parallel_loop3A_898 = arith.addf %parallel_loop3A_884, %parallel_loop3A_897 : vector<16xf32>
        %parallel_loop3A_899 = arith.constant 1 : i32
        %parallel_loop3A_900 = arith.index_cast %parallel_loop3A_899 : i32 to index
        %parallel_loop3A_901 = arith.index_cast %parallel_loop3A_871 : i32 to index
        %parallel_loop3A_902 = arith.constant 32 : index
        %parallel_loop3A_903 = tpu.vector_load %arg10[%parallel_loop3A_900, %parallel_loop3A_901, %parallel_loop3A_902] {strides = array<i32>} : memref<2x256x64xf32, #tpu.memory_space<vmem>>, vector<1x1x16xf32>,
        %parallel_loop3A_904 = vector.shape_cast %parallel_loop3A_903 : vector<1x1x16xf32> to vector<16xf32>
        %parallel_loop3A_905 = arith.constant 1 : i32
        %parallel_loop3A_906 = arith.index_cast %parallel_loop3A_905 : i32 to index
        %parallel_loop3A_907 = arith.index_cast %parallel_loop3A_871 : i32 to index
        %parallel_loop3A_908 = arith.constant 32 : index
        %parallel_loop3A_909 = tpu.vector_load %arg11[%parallel_loop3A_906, %parallel_loop3A_907, %parallel_loop3A_908] {strides = array<i32>} : memref<2x256x64xf32, #tpu.memory_space<vmem>>, vector<1x1x16xf32>,
        %parallel_loop3A_910 = vector.shape_cast %parallel_loop3A_909 : vector<1x1x16xf32> to vector<16xf32>
        %parallel_loop3A_911 = arith.mulf %parallel_loop3A_904, %parallel_loop3A_910 : vector<16xf32>
        %parallel_loop3A_912 = arith.constant 1 : i32
        %parallel_loop3A_913 = arith.index_cast %parallel_loop3A_912 : i32 to index
        %parallel_loop3A_914 = arith.index_cast %parallel_loop3A_871 : i32 to index
        %parallel_loop3A_915 = arith.constant 48 : index
        %parallel_loop3A_916 = tpu.vector_load %arg10[%parallel_loop3A_913, %parallel_loop3A_914, %parallel_loop3A_915] {strides = array<i32>} : memref<2x256x64xf32, #tpu.memory_space<vmem>>, vector<1x1x16xf32>,
        %parallel_loop3A_917 = vector.shape_cast %parallel_loop3A_916 : vector<1x1x16xf32> to vector<16xf32>
        %parallel_loop3A_918 = arith.constant 1 : i32
        %parallel_loop3A_919 = arith.index_cast %parallel_loop3A_918 : i32 to index
        %parallel_loop3A_920 = arith.index_cast %parallel_loop3A_871 : i32 to index
        %parallel_loop3A_921 = arith.constant 48 : index
        %parallel_loop3A_922 = tpu.vector_load %arg11[%parallel_loop3A_919, %parallel_loop3A_920, %parallel_loop3A_921] {strides = array<i32>} : memref<2x256x64xf32, #tpu.memory_space<vmem>>, vector<1x1x16xf32>,
        %parallel_loop3A_923 = vector.shape_cast %parallel_loop3A_922 : vector<1x1x16xf32> to vector<16xf32>
        %parallel_loop3A_924 = arith.mulf %parallel_loop3A_917, %parallel_loop3A_923 : vector<16xf32>
        %parallel_loop3A_925 = arith.addf %parallel_loop3A_911, %parallel_loop3A_924 : vector<16xf32>
        %parallel_loop3A_926 = arith.addf %parallel_loop3A_898, %parallel_loop3A_925 : vector<16xf32>
        %parallel_loop3A_927 = arith.mulf %parallel_loop3A_926, %parallel_loop3A_408 : vector<16xf32>
        %parallel_loop3A_928 = arith.addf %parallel_loop3A_684, %parallel_loop3A_927 : vector<16xf32>
        %parallel_loop3A_929 = arith.constant 16 : i32
        %parallel_loop3A_930 = arith.muli %parallel_loop3A_365, %parallel_loop3A_929 : i32
        %parallel_loop3A_931 = arith.constant 8 : i32
        %parallel_loop3A_932 = arith.addi %parallel_loop3A_930, %parallel_loop3A_931 : i32
        %parallel_loop3A_933 = arith.constant 1 : i32
        %parallel_loop3A_934 = arith.index_cast %parallel_loop3A_933 : i32 to index
        %parallel_loop3A_935 = arith.index_cast %parallel_loop3A_932 : i32 to index
        %parallel_loop3A_936 = arith.constant 0 : index
        %parallel_loop3A_937 = tpu.vector_load %arg10[%parallel_loop3A_934, %parallel_loop3A_935, %parallel_loop3A_936] {strides = array<i32>} : memref<2x256x64xf32, #tpu.memory_space<vmem>>, vector<1x1x16xf32>,
        %parallel_loop3A_938 = vector.shape_cast %parallel_loop3A_937 : vector<1x1x16xf32> to vector<16xf32>
        %parallel_loop3A_939 = arith.constant 1 : i32
        %parallel_loop3A_940 = arith.index_cast %parallel_loop3A_939 : i32 to index
        %parallel_loop3A_941 = arith.index_cast %parallel_loop3A_932 : i32 to index
        %parallel_loop3A_942 = arith.constant 0 : index
        %parallel_loop3A_943 = tpu.vector_load %arg11[%parallel_loop3A_940, %parallel_loop3A_941, %parallel_loop3A_942] {strides = array<i32>} : memref<2x256x64xf32, #tpu.memory_space<vmem>>, vector<1x1x16xf32>,
        %parallel_loop3A_944 = vector.shape_cast %parallel_loop3A_943 : vector<1x1x16xf32> to vector<16xf32>
        %parallel_loop3A_945 = arith.mulf %parallel_loop3A_938, %parallel_loop3A_944 : vector<16xf32>
        %parallel_loop3A_946 = arith.constant 1 : i32
        %parallel_loop3A_947 = arith.index_cast %parallel_loop3A_946 : i32 to index
        %parallel_loop3A_948 = arith.index_cast %parallel_loop3A_932 : i32 to index
        %parallel_loop3A_949 = arith.constant 16 : index
        %parallel_loop3A_950 = tpu.vector_load %arg10[%parallel_loop3A_947, %parallel_loop3A_948, %parallel_loop3A_949] {strides = array<i32>} : memref<2x256x64xf32, #tpu.memory_space<vmem>>, vector<1x1x16xf32>,
        %parallel_loop3A_951 = vector.shape_cast %parallel_loop3A_950 : vector<1x1x16xf32> to vector<16xf32>
        %parallel_loop3A_952 = arith.constant 1 : i32
        %parallel_loop3A_953 = arith.index_cast %parallel_loop3A_952 : i32 to index
        %parallel_loop3A_954 = arith.index_cast %parallel_loop3A_932 : i32 to index
        %parallel_loop3A_955 = arith.constant 16 : index
        %parallel_loop3A_956 = tpu.vector_load %arg11[%parallel_loop3A_953, %parallel_loop3A_954, %parallel_loop3A_955] {strides = array<i32>} : memref<2x256x64xf32, #tpu.memory_space<vmem>>, vector<1x1x16xf32>,
        %parallel_loop3A_957 = vector.shape_cast %parallel_loop3A_956 : vector<1x1x16xf32> to vector<16xf32>
        %parallel_loop3A_958 = arith.mulf %parallel_loop3A_951, %parallel_loop3A_957 : vector<16xf32>
        %parallel_loop3A_959 = arith.addf %parallel_loop3A_945, %parallel_loop3A_958 : vector<16xf32>
        %parallel_loop3A_960 = arith.constant 1 : i32
        %parallel_loop3A_961 = arith.index_cast %parallel_loop3A_960 : i32 to index
        %parallel_loop3A_962 = arith.index_cast %parallel_loop3A_932 : i32 to index
        %parallel_loop3A_963 = arith.constant 32 : index
        %parallel_loop3A_964 = tpu.vector_load %arg10[%parallel_loop3A_961, %parallel_loop3A_962, %parallel_loop3A_963] {strides = array<i32>} : memref<2x256x64xf32, #tpu.memory_space<vmem>>, vector<1x1x16xf32>,
        %parallel_loop3A_965 = vector.shape_cast %parallel_loop3A_964 : vector<1x1x16xf32> to vector<16xf32>
        %parallel_loop3A_966 = arith.constant 1 : i32
        %parallel_loop3A_967 = arith.index_cast %parallel_loop3A_966 : i32 to index
        %parallel_loop3A_968 = arith.index_cast %parallel_loop3A_932 : i32 to index
        %parallel_loop3A_969 = arith.constant 32 : index
        %parallel_loop3A_970 = tpu.vector_load %arg11[%parallel_loop3A_967, %parallel_loop3A_968, %parallel_loop3A_969] {strides = array<i32>} : memref<2x256x64xf32, #tpu.memory_space<vmem>>, vector<1x1x16xf32>,
        %parallel_loop3A_971 = vector.shape_cast %parallel_loop3A_970 : vector<1x1x16xf32> to vector<16xf32>
        %parallel_loop3A_972 = arith.mulf %parallel_loop3A_965, %parallel_loop3A_971 : vector<16xf32>
        %parallel_loop3A_973 = arith.constant 1 : i32
        %parallel_loop3A_974 = arith.index_cast %parallel_loop3A_973 : i32 to index
        %parallel_loop3A_975 = arith.index_cast %parallel_loop3A_932 : i32 to index
        %parallel_loop3A_976 = arith.constant 48 : index
        %parallel_loop3A_977 = tpu.vector_load %arg10[%parallel_loop3A_974, %parallel_loop3A_975, %parallel_loop3A_976] {strides = array<i32>} : memref<2x256x64xf32, #tpu.memory_space<vmem>>, vector<1x1x16xf32>,
        %parallel_loop3A_978 = vector.shape_cast %parallel_loop3A_977 : vector<1x1x16xf32> to vector<16xf32>
        %parallel_loop3A_979 = arith.constant 1 : i32
        %parallel_loop3A_980 = arith.index_cast %parallel_loop3A_979 : i32 to index
        %parallel_loop3A_981 = arith.index_cast %parallel_loop3A_932 : i32 to index
        %parallel_loop3A_982 = arith.constant 48 : index
        %parallel_loop3A_983 = tpu.vector_load %arg11[%parallel_loop3A_980, %parallel_loop3A_981, %parallel_loop3A_982] {strides = array<i32>} : memref<2x256x64xf32, #tpu.memory_space<vmem>>, vector<1x1x16xf32>,
        %parallel_loop3A_984 = vector.shape_cast %parallel_loop3A_983 : vector<1x1x16xf32> to vector<16xf32>
        %parallel_loop3A_985 = arith.mulf %parallel_loop3A_978, %parallel_loop3A_984 : vector<16xf32>
        %parallel_loop3A_986 = arith.addf %parallel_loop3A_972, %parallel_loop3A_985 : vector<16xf32>
        %parallel_loop3A_987 = arith.addf %parallel_loop3A_959, %parallel_loop3A_986 : vector<16xf32>
        %parallel_loop3A_988 = arith.mulf %parallel_loop3A_987, %parallel_loop3A_412 : vector<16xf32>
        %parallel_loop3A_989 = arith.addf %parallel_loop3A_745, %parallel_loop3A_988 : vector<16xf32>
        %parallel_loop3A_990 = arith.constant 16 : i32
        %parallel_loop3A_991 = arith.muli %parallel_loop3A_365, %parallel_loop3A_990 : i32
        %parallel_loop3A_992 = arith.constant 9 : i32
        %parallel_loop3A_993 = arith.addi %parallel_loop3A_991, %parallel_loop3A_992 : i32
        %parallel_loop3A_994 = arith.constant 1 : i32
        %parallel_loop3A_995 = arith.index_cast %parallel_loop3A_994 : i32 to index
        %parallel_loop3A_996 = arith.index_cast %parallel_loop3A_993 : i32 to index
        %parallel_loop3A_997 = arith.constant 0 : index
        %parallel_loop3A_998 = tpu.vector_load %arg10[%parallel_loop3A_995, %parallel_loop3A_996, %parallel_loop3A_997] {strides = array<i32>} : memref<2x256x64xf32, #tpu.memory_space<vmem>>, vector<1x1x16xf32>,
        %parallel_loop3A_999 = vector.shape_cast %parallel_loop3A_998 : vector<1x1x16xf32> to vector<16xf32>
        %parallel_loop3A_1000 = arith.constant 1 : i32
        %parallel_loop3A_1001 = arith.index_cast %parallel_loop3A_1000 : i32 to index
        %parallel_loop3A_1002 = arith.index_cast %parallel_loop3A_993 : i32 to index
        %parallel_loop3A_1003 = arith.constant 0 : index
        %parallel_loop3A_1004 = tpu.vector_load %arg11[%parallel_loop3A_1001, %parallel_loop3A_1002, %parallel_loop3A_1003] {strides = array<i32>} : memref<2x256x64xf32, #tpu.memory_space<vmem>>, vector<1x1x16xf32>,
        %parallel_loop3A_1005 = vector.shape_cast %parallel_loop3A_1004 : vector<1x1x16xf32> to vector<16xf32>
        %parallel_loop3A_1006 = arith.mulf %parallel_loop3A_999, %parallel_loop3A_1005 : vector<16xf32>
        %parallel_loop3A_1007 = arith.constant 1 : i32
        %parallel_loop3A_1008 = arith.index_cast %parallel_loop3A_1007 : i32 to index
        %parallel_loop3A_1009 = arith.index_cast %parallel_loop3A_993 : i32 to index
        %parallel_loop3A_1010 = arith.constant 16 : index
        %parallel_loop3A_1011 = tpu.vector_load %arg10[%parallel_loop3A_1008, %parallel_loop3A_1009, %parallel_loop3A_1010] {strides = array<i32>} : memref<2x256x64xf32, #tpu.memory_space<vmem>>, vector<1x1x16xf32>,
        %parallel_loop3A_1012 = vector.shape_cast %parallel_loop3A_1011 : vector<1x1x16xf32> to vector<16xf32>
        %parallel_loop3A_1013 = arith.constant 1 : i32
        %parallel_loop3A_1014 = arith.index_cast %parallel_loop3A_1013 : i32 to index
        %parallel_loop3A_1015 = arith.index_cast %parallel_loop3A_993 : i32 to index
        %parallel_loop3A_1016 = arith.constant 16 : index
        %parallel_loop3A_1017 = tpu.vector_load %arg11[%parallel_loop3A_1014, %parallel_loop3A_1015, %parallel_loop3A_1016] {strides = array<i32>} : memref<2x256x64xf32, #tpu.memory_space<vmem>>, vector<1x1x16xf32>,
        %parallel_loop3A_1018 = vector.shape_cast %parallel_loop3A_1017 : vector<1x1x16xf32> to vector<16xf32>
        %parallel_loop3A_1019 = arith.mulf %parallel_loop3A_1012, %parallel_loop3A_1018 : vector<16xf32>
        %parallel_loop3A_1020 = arith.addf %parallel_loop3A_1006, %parallel_loop3A_1019 : vector<16xf32>
        %parallel_loop3A_1021 = arith.constant 1 : i32
        %parallel_loop3A_1022 = arith.index_cast %parallel_loop3A_1021 : i32 to index
        %parallel_loop3A_1023 = arith.index_cast %parallel_loop3A_993 : i32 to index
        %parallel_loop3A_1024 = arith.constant 32 : index
        %parallel_loop3A_1025 = tpu.vector_load %arg10[%parallel_loop3A_1022, %parallel_loop3A_1023, %parallel_loop3A_1024] {strides = array<i32>} : memref<2x256x64xf32, #tpu.memory_space<vmem>>, vector<1x1x16xf32>,
        %parallel_loop3A_1026 = vector.shape_cast %parallel_loop3A_1025 : vector<1x1x16xf32> to vector<16xf32>
        %parallel_loop3A_1027 = arith.constant 1 : i32
        %parallel_loop3A_1028 = arith.index_cast %parallel_loop3A_1027 : i32 to index
        %parallel_loop3A_1029 = arith.index_cast %parallel_loop3A_993 : i32 to index
        %parallel_loop3A_1030 = arith.constant 32 : index
        %parallel_loop3A_1031 = tpu.vector_load %arg11[%parallel_loop3A_1028, %parallel_loop3A_1029, %parallel_loop3A_1030] {strides = array<i32>} : memref<2x256x64xf32, #tpu.memory_space<vmem>>, vector<1x1x16xf32>,
        %parallel_loop3A_1032 = vector.shape_cast %parallel_loop3A_1031 : vector<1x1x16xf32> to vector<16xf32>
        %parallel_loop3A_1033 = arith.mulf %parallel_loop3A_1026, %parallel_loop3A_1032 : vector<16xf32>
        %parallel_loop3A_1034 = arith.constant 1 : i32
        %parallel_loop3A_1035 = arith.index_cast %parallel_loop3A_1034 : i32 to index
        %parallel_loop3A_1036 = arith.index_cast %parallel_loop3A_993 : i32 to index
        %parallel_loop3A_1037 = arith.constant 48 : index
        %parallel_loop3A_1038 = tpu.vector_load %arg10[%parallel_loop3A_1035, %parallel_loop3A_1036, %parallel_loop3A_1037] {strides = array<i32>} : memref<2x256x64xf32, #tpu.memory_space<vmem>>, vector<1x1x16xf32>,
        %parallel_loop3A_1039 = vector.shape_cast %parallel_loop3A_1038 : vector<1x1x16xf32> to vector<16xf32>
        %parallel_loop3A_1040 = arith.constant 1 : i32
        %parallel_loop3A_1041 = arith.index_cast %parallel_loop3A_1040 : i32 to index
        %parallel_loop3A_1042 = arith.index_cast %parallel_loop3A_993 : i32 to index
        %parallel_loop3A_1043 = arith.constant 48 : index
        %parallel_loop3A_1044 = tpu.vector_load %arg11[%parallel_loop3A_1041, %parallel_loop3A_1042, %parallel_loop3A_1043] {strides = array<i32>} : memref<2x256x64xf32, #tpu.memory_space<vmem>>, vector<1x1x16xf32>,
        %parallel_loop3A_1045 = vector.shape_cast %parallel_loop3A_1044 : vector<1x1x16xf32> to vector<16xf32>
        %parallel_loop3A_1046 = arith.mulf %parallel_loop3A_1039, %parallel_loop3A_1045 : vector<16xf32>
        %parallel_loop3A_1047 = arith.addf %parallel_loop3A_1033, %parallel_loop3A_1046 : vector<16xf32>
        %parallel_loop3A_1048 = arith.addf %parallel_loop3A_1020, %parallel_loop3A_1047 : vector<16xf32>
        %parallel_loop3A_1049 = arith.mulf %parallel_loop3A_1048, %parallel_loop3A_416 : vector<16xf32>
        %parallel_loop3A_1050 = arith.addf %parallel_loop3A_806, %parallel_loop3A_1049 : vector<16xf32>
        %parallel_loop3A_1051 = arith.constant 16 : i32
        %parallel_loop3A_1052 = arith.muli %parallel_loop3A_365, %parallel_loop3A_1051 : i32
        %parallel_loop3A_1053 = arith.constant 10 : i32
        %parallel_loop3A_1054 = arith.addi %parallel_loop3A_1052, %parallel_loop3A_1053 : i32
        %parallel_loop3A_1055 = arith.constant 1 : i32
        %parallel_loop3A_1056 = arith.index_cast %parallel_loop3A_1055 : i32 to index
        %parallel_loop3A_1057 = arith.index_cast %parallel_loop3A_1054 : i32 to index
        %parallel_loop3A_1058 = arith.constant 0 : index
        %parallel_loop3A_1059 = tpu.vector_load %arg10[%parallel_loop3A_1056, %parallel_loop3A_1057, %parallel_loop3A_1058] {strides = array<i32>} : memref<2x256x64xf32, #tpu.memory_space<vmem>>, vector<1x1x16xf32>,
        %parallel_loop3A_1060 = vector.shape_cast %parallel_loop3A_1059 : vector<1x1x16xf32> to vector<16xf32>
        %parallel_loop3A_1061 = arith.constant 1 : i32
        %parallel_loop3A_1062 = arith.index_cast %parallel_loop3A_1061 : i32 to index
        %parallel_loop3A_1063 = arith.index_cast %parallel_loop3A_1054 : i32 to index
        %parallel_loop3A_1064 = arith.constant 0 : index
        %parallel_loop3A_1065 = tpu.vector_load %arg11[%parallel_loop3A_1062, %parallel_loop3A_1063, %parallel_loop3A_1064] {strides = array<i32>} : memref<2x256x64xf32, #tpu.memory_space<vmem>>, vector<1x1x16xf32>,
        %parallel_loop3A_1066 = vector.shape_cast %parallel_loop3A_1065 : vector<1x1x16xf32> to vector<16xf32>
        %parallel_loop3A_1067 = arith.mulf %parallel_loop3A_1060, %parallel_loop3A_1066 : vector<16xf32>
        %parallel_loop3A_1068 = arith.constant 1 : i32
        %parallel_loop3A_1069 = arith.index_cast %parallel_loop3A_1068 : i32 to index
        %parallel_loop3A_1070 = arith.index_cast %parallel_loop3A_1054 : i32 to index
        %parallel_loop3A_1071 = arith.constant 16 : index
        %parallel_loop3A_1072 = tpu.vector_load %arg10[%parallel_loop3A_1069, %parallel_loop3A_1070, %parallel_loop3A_1071] {strides = array<i32>} : memref<2x256x64xf32, #tpu.memory_space<vmem>>, vector<1x1x16xf32>,
        %parallel_loop3A_1073 = vector.shape_cast %parallel_loop3A_1072 : vector<1x1x16xf32> to vector<16xf32>
        %parallel_loop3A_1074 = arith.constant 1 : i32
        %parallel_loop3A_1075 = arith.index_cast %parallel_loop3A_1074 : i32 to index
        %parallel_loop3A_1076 = arith.index_cast %parallel_loop3A_1054 : i32 to index
        %parallel_loop3A_1077 = arith.constant 16 : index
        %parallel_loop3A_1078 = tpu.vector_load %arg11[%parallel_loop3A_1075, %parallel_loop3A_1076, %parallel_loop3A_1077] {strides = array<i32>} : memref<2x256x64xf32, #tpu.memory_space<vmem>>, vector<1x1x16xf32>,
        %parallel_loop3A_1079 = vector.shape_cast %parallel_loop3A_1078 : vector<1x1x16xf32> to vector<16xf32>
        %parallel_loop3A_1080 = arith.mulf %parallel_loop3A_1073, %parallel_loop3A_1079 : vector<16xf32>
        %parallel_loop3A_1081 = arith.addf %parallel_loop3A_1067, %parallel_loop3A_1080 : vector<16xf32>
        %parallel_loop3A_1082 = arith.constant 1 : i32
        %parallel_loop3A_1083 = arith.index_cast %parallel_loop3A_1082 : i32 to index
        %parallel_loop3A_1084 = arith.index_cast %parallel_loop3A_1054 : i32 to index
        %parallel_loop3A_1085 = arith.constant 32 : index
        %parallel_loop3A_1086 = tpu.vector_load %arg10[%parallel_loop3A_1083, %parallel_loop3A_1084, %parallel_loop3A_1085] {strides = array<i32>} : memref<2x256x64xf32, #tpu.memory_space<vmem>>, vector<1x1x16xf32>,
        %parallel_loop3A_1087 = vector.shape_cast %parallel_loop3A_1086 : vector<1x1x16xf32> to vector<16xf32>
        %parallel_loop3A_1088 = arith.constant 1 : i32
        %parallel_loop3A_1089 = arith.index_cast %parallel_loop3A_1088 : i32 to index
        %parallel_loop3A_1090 = arith.index_cast %parallel_loop3A_1054 : i32 to index
        %parallel_loop3A_1091 = arith.constant 32 : index
        %parallel_loop3A_1092 = tpu.vector_load %arg11[%parallel_loop3A_1089, %parallel_loop3A_1090, %parallel_loop3A_1091] {strides = array<i32>} : memref<2x256x64xf32, #tpu.memory_space<vmem>>, vector<1x1x16xf32>,
        %parallel_loop3A_1093 = vector.shape_cast %parallel_loop3A_1092 : vector<1x1x16xf32> to vector<16xf32>
        %parallel_loop3A_1094 = arith.mulf %parallel_loop3A_1087, %parallel_loop3A_1093 : vector<16xf32>
        %parallel_loop3A_1095 = arith.constant 1 : i32
        %parallel_loop3A_1096 = arith.index_cast %parallel_loop3A_1095 : i32 to index
        %parallel_loop3A_1097 = arith.index_cast %parallel_loop3A_1054 : i32 to index
        %parallel_loop3A_1098 = arith.constant 48 : index
        %parallel_loop3A_1099 = tpu.vector_load %arg10[%parallel_loop3A_1096, %parallel_loop3A_1097, %parallel_loop3A_1098] {strides = array<i32>} : memref<2x256x64xf32, #tpu.memory_space<vmem>>, vector<1x1x16xf32>,
        %parallel_loop3A_1100 = vector.shape_cast %parallel_loop3A_1099 : vector<1x1x16xf32> to vector<16xf32>
        %parallel_loop3A_1101 = arith.constant 1 : i32
        %parallel_loop3A_1102 = arith.index_cast %parallel_loop3A_1101 : i32 to index
        %parallel_loop3A_1103 = arith.index_cast %parallel_loop3A_1054 : i32 to index
        %parallel_loop3A_1104 = arith.constant 48 : index
        %parallel_loop3A_1105 = tpu.vector_load %arg11[%parallel_loop3A_1102, %parallel_loop3A_1103, %parallel_loop3A_1104] {strides = array<i32>} : memref<2x256x64xf32, #tpu.memory_space<vmem>>, vector<1x1x16xf32>,
        %parallel_loop3A_1106 = vector.shape_cast %parallel_loop3A_1105 : vector<1x1x16xf32> to vector<16xf32>
        %parallel_loop3A_1107 = arith.mulf %parallel_loop3A_1100, %parallel_loop3A_1106 : vector<16xf32>
        %parallel_loop3A_1108 = arith.addf %parallel_loop3A_1094, %parallel_loop3A_1107 : vector<16xf32>
        %parallel_loop3A_1109 = arith.addf %parallel_loop3A_1081, %parallel_loop3A_1108 : vector<16xf32>
        %parallel_loop3A_1110 = arith.mulf %parallel_loop3A_1109, %parallel_loop3A_420 : vector<16xf32>
        %parallel_loop3A_1111 = arith.addf %parallel_loop3A_867, %parallel_loop3A_1110 : vector<16xf32>
        %parallel_loop3A_1112 = arith.constant 16 : i32
        %parallel_loop3A_1113 = arith.muli %parallel_loop3A_365, %parallel_loop3A_1112 : i32
        %parallel_loop3A_1114 = arith.constant 11 : i32
        %parallel_loop3A_1115 = arith.addi %parallel_loop3A_1113, %parallel_loop3A_1114 : i32
        %parallel_loop3A_1116 = arith.constant 1 : i32
        %parallel_loop3A_1117 = arith.index_cast %parallel_loop3A_1116 : i32 to index
        %parallel_loop3A_1118 = arith.index_cast %parallel_loop3A_1115 : i32 to index
        %parallel_loop3A_1119 = arith.constant 0 : index
        %parallel_loop3A_1120 = tpu.vector_load %arg10[%parallel_loop3A_1117, %parallel_loop3A_1118, %parallel_loop3A_1119] {strides = array<i32>} : memref<2x256x64xf32, #tpu.memory_space<vmem>>, vector<1x1x16xf32>,
        %parallel_loop3A_1121 = vector.shape_cast %parallel_loop3A_1120 : vector<1x1x16xf32> to vector<16xf32>
        %parallel_loop3A_1122 = arith.constant 1 : i32
        %parallel_loop3A_1123 = arith.index_cast %parallel_loop3A_1122 : i32 to index
        %parallel_loop3A_1124 = arith.index_cast %parallel_loop3A_1115 : i32 to index
        %parallel_loop3A_1125 = arith.constant 0 : index
        %parallel_loop3A_1126 = tpu.vector_load %arg11[%parallel_loop3A_1123, %parallel_loop3A_1124, %parallel_loop3A_1125] {strides = array<i32>} : memref<2x256x64xf32, #tpu.memory_space<vmem>>, vector<1x1x16xf32>,
        %parallel_loop3A_1127 = vector.shape_cast %parallel_loop3A_1126 : vector<1x1x16xf32> to vector<16xf32>
        %parallel_loop3A_1128 = arith.mulf %parallel_loop3A_1121, %parallel_loop3A_1127 : vector<16xf32>
        %parallel_loop3A_1129 = arith.constant 1 : i32
        %parallel_loop3A_1130 = arith.index_cast %parallel_loop3A_1129 : i32 to index
        %parallel_loop3A_1131 = arith.index_cast %parallel_loop3A_1115 : i32 to index
        %parallel_loop3A_1132 = arith.constant 16 : index
        %parallel_loop3A_1133 = tpu.vector_load %arg10[%parallel_loop3A_1130, %parallel_loop3A_1131, %parallel_loop3A_1132] {strides = array<i32>} : memref<2x256x64xf32, #tpu.memory_space<vmem>>, vector<1x1x16xf32>,
        %parallel_loop3A_1134 = vector.shape_cast %parallel_loop3A_1133 : vector<1x1x16xf32> to vector<16xf32>
        %parallel_loop3A_1135 = arith.constant 1 : i32
        %parallel_loop3A_1136 = arith.index_cast %parallel_loop3A_1135 : i32 to index
        %parallel_loop3A_1137 = arith.index_cast %parallel_loop3A_1115 : i32 to index
        %parallel_loop3A_1138 = arith.constant 16 : index
        %parallel_loop3A_1139 = tpu.vector_load %arg11[%parallel_loop3A_1136, %parallel_loop3A_1137, %parallel_loop3A_1138] {strides = array<i32>} : memref<2x256x64xf32, #tpu.memory_space<vmem>>, vector<1x1x16xf32>,
        %parallel_loop3A_1140 = vector.shape_cast %parallel_loop3A_1139 : vector<1x1x16xf32> to vector<16xf32>
        %parallel_loop3A_1141 = arith.mulf %parallel_loop3A_1134, %parallel_loop3A_1140 : vector<16xf32>
        %parallel_loop3A_1142 = arith.addf %parallel_loop3A_1128, %parallel_loop3A_1141 : vector<16xf32>
        %parallel_loop3A_1143 = arith.constant 1 : i32
        %parallel_loop3A_1144 = arith.index_cast %parallel_loop3A_1143 : i32 to index
        %parallel_loop3A_1145 = arith.index_cast %parallel_loop3A_1115 : i32 to index
        %parallel_loop3A_1146 = arith.constant 32 : index
        %parallel_loop3A_1147 = tpu.vector_load %arg10[%parallel_loop3A_1144, %parallel_loop3A_1145, %parallel_loop3A_1146] {strides = array<i32>} : memref<2x256x64xf32, #tpu.memory_space<vmem>>, vector<1x1x16xf32>,
        %parallel_loop3A_1148 = vector.shape_cast %parallel_loop3A_1147 : vector<1x1x16xf32> to vector<16xf32>
        %parallel_loop3A_1149 = arith.constant 1 : i32
        %parallel_loop3A_1150 = arith.index_cast %parallel_loop3A_1149 : i32 to index
        %parallel_loop3A_1151 = arith.index_cast %parallel_loop3A_1115 : i32 to index
        %parallel_loop3A_1152 = arith.constant 32 : index
        %parallel_loop3A_1153 = tpu.vector_load %arg11[%parallel_loop3A_1150, %parallel_loop3A_1151, %parallel_loop3A_1152] {strides = array<i32>} : memref<2x256x64xf32, #tpu.memory_space<vmem>>, vector<1x1x16xf32>,
        %parallel_loop3A_1154 = vector.shape_cast %parallel_loop3A_1153 : vector<1x1x16xf32> to vector<16xf32>
        %parallel_loop3A_1155 = arith.mulf %parallel_loop3A_1148, %parallel_loop3A_1154 : vector<16xf32>
        %parallel_loop3A_1156 = arith.constant 1 : i32
        %parallel_loop3A_1157 = arith.index_cast %parallel_loop3A_1156 : i32 to index
        %parallel_loop3A_1158 = arith.index_cast %parallel_loop3A_1115 : i32 to index
        %parallel_loop3A_1159 = arith.constant 48 : index
        %parallel_loop3A_1160 = tpu.vector_load %arg10[%parallel_loop3A_1157, %parallel_loop3A_1158, %parallel_loop3A_1159] {strides = array<i32>} : memref<2x256x64xf32, #tpu.memory_space<vmem>>, vector<1x1x16xf32>,
        %parallel_loop3A_1161 = vector.shape_cast %parallel_loop3A_1160 : vector<1x1x16xf32> to vector<16xf32>
        %parallel_loop3A_1162 = arith.constant 1 : i32
        %parallel_loop3A_1163 = arith.index_cast %parallel_loop3A_1162 : i32 to index
        %parallel_loop3A_1164 = arith.index_cast %parallel_loop3A_1115 : i32 to index
        %parallel_loop3A_1165 = arith.constant 48 : index
        %parallel_loop3A_1166 = tpu.vector_load %arg11[%parallel_loop3A_1163, %parallel_loop3A_1164, %parallel_loop3A_1165] {strides = array<i32>} : memref<2x256x64xf32, #tpu.memory_space<vmem>>, vector<1x1x16xf32>,
        %parallel_loop3A_1167 = vector.shape_cast %parallel_loop3A_1166 : vector<1x1x16xf32> to vector<16xf32>
        %parallel_loop3A_1168 = arith.mulf %parallel_loop3A_1161, %parallel_loop3A_1167 : vector<16xf32>
        %parallel_loop3A_1169 = arith.addf %parallel_loop3A_1155, %parallel_loop3A_1168 : vector<16xf32>
        %parallel_loop3A_1170 = arith.addf %parallel_loop3A_1142, %parallel_loop3A_1169 : vector<16xf32>
        %parallel_loop3A_1171 = arith.mulf %parallel_loop3A_1170, %parallel_loop3A_424 : vector<16xf32>
        %parallel_loop3A_1172 = arith.addf %parallel_loop3A_928, %parallel_loop3A_1171 : vector<16xf32>
        %parallel_loop3A_1173 = arith.constant 16 : i32
        %parallel_loop3A_1174 = arith.muli %parallel_loop3A_365, %parallel_loop3A_1173 : i32
        %parallel_loop3A_1175 = arith.constant 12 : i32
        %parallel_loop3A_1176 = arith.addi %parallel_loop3A_1174, %parallel_loop3A_1175 : i32
        %parallel_loop3A_1177 = arith.constant 1 : i32
        %parallel_loop3A_1178 = arith.index_cast %parallel_loop3A_1177 : i32 to index
        %parallel_loop3A_1179 = arith.index_cast %parallel_loop3A_1176 : i32 to index
        %parallel_loop3A_1180 = arith.constant 0 : index
        %parallel_loop3A_1181 = tpu.vector_load %arg10[%parallel_loop3A_1178, %parallel_loop3A_1179, %parallel_loop3A_1180] {strides = array<i32>} : memref<2x256x64xf32, #tpu.memory_space<vmem>>, vector<1x1x16xf32>,
        %parallel_loop3A_1182 = vector.shape_cast %parallel_loop3A_1181 : vector<1x1x16xf32> to vector<16xf32>
        %parallel_loop3A_1183 = arith.constant 1 : i32
        %parallel_loop3A_1184 = arith.index_cast %parallel_loop3A_1183 : i32 to index
        %parallel_loop3A_1185 = arith.index_cast %parallel_loop3A_1176 : i32 to index
        %parallel_loop3A_1186 = arith.constant 0 : index
        %parallel_loop3A_1187 = tpu.vector_load %arg11[%parallel_loop3A_1184, %parallel_loop3A_1185, %parallel_loop3A_1186] {strides = array<i32>} : memref<2x256x64xf32, #tpu.memory_space<vmem>>, vector<1x1x16xf32>,
        %parallel_loop3A_1188 = vector.shape_cast %parallel_loop3A_1187 : vector<1x1x16xf32> to vector<16xf32>
        %parallel_loop3A_1189 = arith.mulf %parallel_loop3A_1182, %parallel_loop3A_1188 : vector<16xf32>
        %parallel_loop3A_1190 = arith.constant 1 : i32
        %parallel_loop3A_1191 = arith.index_cast %parallel_loop3A_1190 : i32 to index
        %parallel_loop3A_1192 = arith.index_cast %parallel_loop3A_1176 : i32 to index
        %parallel_loop3A_1193 = arith.constant 16 : index
        %parallel_loop3A_1194 = tpu.vector_load %arg10[%parallel_loop3A_1191, %parallel_loop3A_1192, %parallel_loop3A_1193] {strides = array<i32>} : memref<2x256x64xf32, #tpu.memory_space<vmem>>, vector<1x1x16xf32>,
        %parallel_loop3A_1195 = vector.shape_cast %parallel_loop3A_1194 : vector<1x1x16xf32> to vector<16xf32>
        %parallel_loop3A_1196 = arith.constant 1 : i32
        %parallel_loop3A_1197 = arith.index_cast %parallel_loop3A_1196 : i32 to index
        %parallel_loop3A_1198 = arith.index_cast %parallel_loop3A_1176 : i32 to index
        %parallel_loop3A_1199 = arith.constant 16 : index
        %parallel_loop3A_1200 = tpu.vector_load %arg11[%parallel_loop3A_1197, %parallel_loop3A_1198, %parallel_loop3A_1199] {strides = array<i32>} : memref<2x256x64xf32, #tpu.memory_space<vmem>>, vector<1x1x16xf32>,
        %parallel_loop3A_1201 = vector.shape_cast %parallel_loop3A_1200 : vector<1x1x16xf32> to vector<16xf32>
        %parallel_loop3A_1202 = arith.mulf %parallel_loop3A_1195, %parallel_loop3A_1201 : vector<16xf32>
        %parallel_loop3A_1203 = arith.addf %parallel_loop3A_1189, %parallel_loop3A_1202 : vector<16xf32>
        %parallel_loop3A_1204 = arith.constant 1 : i32
        %parallel_loop3A_1205 = arith.index_cast %parallel_loop3A_1204 : i32 to index
        %parallel_loop3A_1206 = arith.index_cast %parallel_loop3A_1176 : i32 to index
        %parallel_loop3A_1207 = arith.constant 32 : index
        %parallel_loop3A_1208 = tpu.vector_load %arg10[%parallel_loop3A_1205, %parallel_loop3A_1206, %parallel_loop3A_1207] {strides = array<i32>} : memref<2x256x64xf32, #tpu.memory_space<vmem>>, vector<1x1x16xf32>,
        %parallel_loop3A_1209 = vector.shape_cast %parallel_loop3A_1208 : vector<1x1x16xf32> to vector<16xf32>
        %parallel_loop3A_1210 = arith.constant 1 : i32
        %parallel_loop3A_1211 = arith.index_cast %parallel_loop3A_1210 : i32 to index
        %parallel_loop3A_1212 = arith.index_cast %parallel_loop3A_1176 : i32 to index
        %parallel_loop3A_1213 = arith.constant 32 : index
        %parallel_loop3A_1214 = tpu.vector_load %arg11[%parallel_loop3A_1211, %parallel_loop3A_1212, %parallel_loop3A_1213] {strides = array<i32>} : memref<2x256x64xf32, #tpu.memory_space<vmem>>, vector<1x1x16xf32>,
        %parallel_loop3A_1215 = vector.shape_cast %parallel_loop3A_1214 : vector<1x1x16xf32> to vector<16xf32>
        %parallel_loop3A_1216 = arith.mulf %parallel_loop3A_1209, %parallel_loop3A_1215 : vector<16xf32>
        %parallel_loop3A_1217 = arith.constant 1 : i32
        %parallel_loop3A_1218 = arith.index_cast %parallel_loop3A_1217 : i32 to index
        %parallel_loop3A_1219 = arith.index_cast %parallel_loop3A_1176 : i32 to index
        %parallel_loop3A_1220 = arith.constant 48 : index
        %parallel_loop3A_1221 = tpu.vector_load %arg10[%parallel_loop3A_1218, %parallel_loop3A_1219, %parallel_loop3A_1220] {strides = array<i32>} : memref<2x256x64xf32, #tpu.memory_space<vmem>>, vector<1x1x16xf32>,
        %parallel_loop3A_1222 = vector.shape_cast %parallel_loop3A_1221 : vector<1x1x16xf32> to vector<16xf32>
        %parallel_loop3A_1223 = arith.constant 1 : i32
        %parallel_loop3A_1224 = arith.index_cast %parallel_loop3A_1223 : i32 to index
        %parallel_loop3A_1225 = arith.index_cast %parallel_loop3A_1176 : i32 to index
        %parallel_loop3A_1226 = arith.constant 48 : index
        %parallel_loop3A_1227 = tpu.vector_load %arg11[%parallel_loop3A_1224, %parallel_loop3A_1225, %parallel_loop3A_1226] {strides = array<i32>} : memref<2x256x64xf32, #tpu.memory_space<vmem>>, vector<1x1x16xf32>,
        %parallel_loop3A_1228 = vector.shape_cast %parallel_loop3A_1227 : vector<1x1x16xf32> to vector<16xf32>
        %parallel_loop3A_1229 = arith.mulf %parallel_loop3A_1222, %parallel_loop3A_1228 : vector<16xf32>
        %parallel_loop3A_1230 = arith.addf %parallel_loop3A_1216, %parallel_loop3A_1229 : vector<16xf32>
        %parallel_loop3A_1231 = arith.addf %parallel_loop3A_1203, %parallel_loop3A_1230 : vector<16xf32>
        %parallel_loop3A_1232 = arith.mulf %parallel_loop3A_1231, %parallel_loop3A_428 : vector<16xf32>
        %parallel_loop3A_1233 = arith.addf %parallel_loop3A_989, %parallel_loop3A_1232 : vector<16xf32>
        %parallel_loop3A_1234 = arith.constant 16 : i32
        %parallel_loop3A_1235 = arith.muli %parallel_loop3A_365, %parallel_loop3A_1234 : i32
        %parallel_loop3A_1236 = arith.constant 13 : i32
        %parallel_loop3A_1237 = arith.addi %parallel_loop3A_1235, %parallel_loop3A_1236 : i32
        %parallel_loop3A_1238 = arith.constant 1 : i32
        %parallel_loop3A_1239 = arith.index_cast %parallel_loop3A_1238 : i32 to index
        %parallel_loop3A_1240 = arith.index_cast %parallel_loop3A_1237 : i32 to index
        %parallel_loop3A_1241 = arith.constant 0 : index
        %parallel_loop3A_1242 = tpu.vector_load %arg10[%parallel_loop3A_1239, %parallel_loop3A_1240, %parallel_loop3A_1241] {strides = array<i32>} : memref<2x256x64xf32, #tpu.memory_space<vmem>>, vector<1x1x16xf32>,
        %parallel_loop3A_1243 = vector.shape_cast %parallel_loop3A_1242 : vector<1x1x16xf32> to vector<16xf32>
        %parallel_loop3A_1244 = arith.constant 1 : i32
        %parallel_loop3A_1245 = arith.index_cast %parallel_loop3A_1244 : i32 to index
        %parallel_loop3A_1246 = arith.index_cast %parallel_loop3A_1237 : i32 to index
        %parallel_loop3A_1247 = arith.constant 0 : index
        %parallel_loop3A_1248 = tpu.vector_load %arg11[%parallel_loop3A_1245, %parallel_loop3A_1246, %parallel_loop3A_1247] {strides = array<i32>} : memref<2x256x64xf32, #tpu.memory_space<vmem>>, vector<1x1x16xf32>,
        %parallel_loop3A_1249 = vector.shape_cast %parallel_loop3A_1248 : vector<1x1x16xf32> to vector<16xf32>
        %parallel_loop3A_1250 = arith.mulf %parallel_loop3A_1243, %parallel_loop3A_1249 : vector<16xf32>
        %parallel_loop3A_1251 = arith.constant 1 : i32
        %parallel_loop3A_1252 = arith.index_cast %parallel_loop3A_1251 : i32 to index
        %parallel_loop3A_1253 = arith.index_cast %parallel_loop3A_1237 : i32 to index
        %parallel_loop3A_1254 = arith.constant 16 : index
        %parallel_loop3A_1255 = tpu.vector_load %arg10[%parallel_loop3A_1252, %parallel_loop3A_1253, %parallel_loop3A_1254] {strides = array<i32>} : memref<2x256x64xf32, #tpu.memory_space<vmem>>, vector<1x1x16xf32>,
        %parallel_loop3A_1256 = vector.shape_cast %parallel_loop3A_1255 : vector<1x1x16xf32> to vector<16xf32>
        %parallel_loop3A_1257 = arith.constant 1 : i32
        %parallel_loop3A_1258 = arith.index_cast %parallel_loop3A_1257 : i32 to index
        %parallel_loop3A_1259 = arith.index_cast %parallel_loop3A_1237 : i32 to index
        %parallel_loop3A_1260 = arith.constant 16 : index
        %parallel_loop3A_1261 = tpu.vector_load %arg11[%parallel_loop3A_1258, %parallel_loop3A_1259, %parallel_loop3A_1260] {strides = array<i32>} : memref<2x256x64xf32, #tpu.memory_space<vmem>>, vector<1x1x16xf32>,
        %parallel_loop3A_1262 = vector.shape_cast %parallel_loop3A_1261 : vector<1x1x16xf32> to vector<16xf32>
        %parallel_loop3A_1263 = arith.mulf %parallel_loop3A_1256, %parallel_loop3A_1262 : vector<16xf32>
        %parallel_loop3A_1264 = arith.addf %parallel_loop3A_1250, %parallel_loop3A_1263 : vector<16xf32>
        %parallel_loop3A_1265 = arith.constant 1 : i32
        %parallel_loop3A_1266 = arith.index_cast %parallel_loop3A_1265 : i32 to index
        %parallel_loop3A_1267 = arith.index_cast %parallel_loop3A_1237 : i32 to index
        %parallel_loop3A_1268 = arith.constant 32 : index
        %parallel_loop3A_1269 = tpu.vector_load %arg10[%parallel_loop3A_1266, %parallel_loop3A_1267, %parallel_loop3A_1268] {strides = array<i32>} : memref<2x256x64xf32, #tpu.memory_space<vmem>>, vector<1x1x16xf32>,
        %parallel_loop3A_1270 = vector.shape_cast %parallel_loop3A_1269 : vector<1x1x16xf32> to vector<16xf32>
        %parallel_loop3A_1271 = arith.constant 1 : i32
        %parallel_loop3A_1272 = arith.index_cast %parallel_loop3A_1271 : i32 to index
        %parallel_loop3A_1273 = arith.index_cast %parallel_loop3A_1237 : i32 to index
        %parallel_loop3A_1274 = arith.constant 32 : index
        %parallel_loop3A_1275 = tpu.vector_load %arg11[%parallel_loop3A_1272, %parallel_loop3A_1273, %parallel_loop3A_1274] {strides = array<i32>} : memref<2x256x64xf32, #tpu.memory_space<vmem>>, vector<1x1x16xf32>,
        %parallel_loop3A_1276 = vector.shape_cast %parallel_loop3A_1275 : vector<1x1x16xf32> to vector<16xf32>
        %parallel_loop3A_1277 = arith.mulf %parallel_loop3A_1270, %parallel_loop3A_1276 : vector<16xf32>
        %parallel_loop3A_1278 = arith.constant 1 : i32
        %parallel_loop3A_1279 = arith.index_cast %parallel_loop3A_1278 : i32 to index
        %parallel_loop3A_1280 = arith.index_cast %parallel_loop3A_1237 : i32 to index
        %parallel_loop3A_1281 = arith.constant 48 : index
        %parallel_loop3A_1282 = tpu.vector_load %arg10[%parallel_loop3A_1279, %parallel_loop3A_1280, %parallel_loop3A_1281] {strides = array<i32>} : memref<2x256x64xf32, #tpu.memory_space<vmem>>, vector<1x1x16xf32>,
        %parallel_loop3A_1283 = vector.shape_cast %parallel_loop3A_1282 : vector<1x1x16xf32> to vector<16xf32>
        %parallel_loop3A_1284 = arith.constant 1 : i32
        %parallel_loop3A_1285 = arith.index_cast %parallel_loop3A_1284 : i32 to index
        %parallel_loop3A_1286 = arith.index_cast %parallel_loop3A_1237 : i32 to index
        %parallel_loop3A_1287 = arith.constant 48 : index
        %parallel_loop3A_1288 = tpu.vector_load %arg11[%parallel_loop3A_1285, %parallel_loop3A_1286, %parallel_loop3A_1287] {strides = array<i32>} : memref<2x256x64xf32, #tpu.memory_space<vmem>>, vector<1x1x16xf32>,
        %parallel_loop3A_1289 = vector.shape_cast %parallel_loop3A_1288 : vector<1x1x16xf32> to vector<16xf32>
        %parallel_loop3A_1290 = arith.mulf %parallel_loop3A_1283, %parallel_loop3A_1289 : vector<16xf32>
        %parallel_loop3A_1291 = arith.addf %parallel_loop3A_1277, %parallel_loop3A_1290 : vector<16xf32>
        %parallel_loop3A_1292 = arith.addf %parallel_loop3A_1264, %parallel_loop3A_1291 : vector<16xf32>
        %parallel_loop3A_1293 = arith.mulf %parallel_loop3A_1292, %parallel_loop3A_432 : vector<16xf32>
        %parallel_loop3A_1294 = arith.addf %parallel_loop3A_1050, %parallel_loop3A_1293 : vector<16xf32>
        %parallel_loop3A_1295 = arith.constant 16 : i32
        %parallel_loop3A_1296 = arith.muli %parallel_loop3A_365, %parallel_loop3A_1295 : i32
        %parallel_loop3A_1297 = arith.constant 14 : i32
        %parallel_loop3A_1298 = arith.addi %parallel_loop3A_1296, %parallel_loop3A_1297 : i32
        %parallel_loop3A_1299 = arith.constant 1 : i32
        %parallel_loop3A_1300 = arith.index_cast %parallel_loop3A_1299 : i32 to index
        %parallel_loop3A_1301 = arith.index_cast %parallel_loop3A_1298 : i32 to index
        %parallel_loop3A_1302 = arith.constant 0 : index
        %parallel_loop3A_1303 = tpu.vector_load %arg10[%parallel_loop3A_1300, %parallel_loop3A_1301, %parallel_loop3A_1302] {strides = array<i32>} : memref<2x256x64xf32, #tpu.memory_space<vmem>>, vector<1x1x16xf32>,
        %parallel_loop3A_1304 = vector.shape_cast %parallel_loop3A_1303 : vector<1x1x16xf32> to vector<16xf32>
        %parallel_loop3A_1305 = arith.constant 1 : i32
        %parallel_loop3A_1306 = arith.index_cast %parallel_loop3A_1305 : i32 to index
        %parallel_loop3A_1307 = arith.index_cast %parallel_loop3A_1298 : i32 to index
        %parallel_loop3A_1308 = arith.constant 0 : index
        %parallel_loop3A_1309 = tpu.vector_load %arg11[%parallel_loop3A_1306, %parallel_loop3A_1307, %parallel_loop3A_1308] {strides = array<i32>} : memref<2x256x64xf32, #tpu.memory_space<vmem>>, vector<1x1x16xf32>,
        %parallel_loop3A_1310 = vector.shape_cast %parallel_loop3A_1309 : vector<1x1x16xf32> to vector<16xf32>
        %parallel_loop3A_1311 = arith.mulf %parallel_loop3A_1304, %parallel_loop3A_1310 : vector<16xf32>
        %parallel_loop3A_1312 = arith.constant 1 : i32
        %parallel_loop3A_1313 = arith.index_cast %parallel_loop3A_1312 : i32 to index
        %parallel_loop3A_1314 = arith.index_cast %parallel_loop3A_1298 : i32 to index
        %parallel_loop3A_1315 = arith.constant 16 : index
        %parallel_loop3A_1316 = tpu.vector_load %arg10[%parallel_loop3A_1313, %parallel_loop3A_1314, %parallel_loop3A_1315] {strides = array<i32>} : memref<2x256x64xf32, #tpu.memory_space<vmem>>, vector<1x1x16xf32>,
        %parallel_loop3A_1317 = vector.shape_cast %parallel_loop3A_1316 : vector<1x1x16xf32> to vector<16xf32>
        %parallel_loop3A_1318 = arith.constant 1 : i32
        %parallel_loop3A_1319 = arith.index_cast %parallel_loop3A_1318 : i32 to index
        %parallel_loop3A_1320 = arith.index_cast %parallel_loop3A_1298 : i32 to index
        %parallel_loop3A_1321 = arith.constant 16 : index
        %parallel_loop3A_1322 = tpu.vector_load %arg11[%parallel_loop3A_1319, %parallel_loop3A_1320, %parallel_loop3A_1321] {strides = array<i32>} : memref<2x256x64xf32, #tpu.memory_space<vmem>>, vector<1x1x16xf32>,
        %parallel_loop3A_1323 = vector.shape_cast %parallel_loop3A_1322 : vector<1x1x16xf32> to vector<16xf32>
        %parallel_loop3A_1324 = arith.mulf %parallel_loop3A_1317, %parallel_loop3A_1323 : vector<16xf32>
        %parallel_loop3A_1325 = arith.addf %parallel_loop3A_1311, %parallel_loop3A_1324 : vector<16xf32>
        %parallel_loop3A_1326 = arith.constant 1 : i32
        %parallel_loop3A_1327 = arith.index_cast %parallel_loop3A_1326 : i32 to index
        %parallel_loop3A_1328 = arith.index_cast %parallel_loop3A_1298 : i32 to index
        %parallel_loop3A_1329 = arith.constant 32 : index
        %parallel_loop3A_1330 = tpu.vector_load %arg10[%parallel_loop3A_1327, %parallel_loop3A_1328, %parallel_loop3A_1329] {strides = array<i32>} : memref<2x256x64xf32, #tpu.memory_space<vmem>>, vector<1x1x16xf32>,
        %parallel_loop3A_1331 = vector.shape_cast %parallel_loop3A_1330 : vector<1x1x16xf32> to vector<16xf32>
        %parallel_loop3A_1332 = arith.constant 1 : i32
        %parallel_loop3A_1333 = arith.index_cast %parallel_loop3A_1332 : i32 to index
        %parallel_loop3A_1334 = arith.index_cast %parallel_loop3A_1298 : i32 to index
        %parallel_loop3A_1335 = arith.constant 32 : index
        %parallel_loop3A_1336 = tpu.vector_load %arg11[%parallel_loop3A_1333, %parallel_loop3A_1334, %parallel_loop3A_1335] {strides = array<i32>} : memref<2x256x64xf32, #tpu.memory_space<vmem>>, vector<1x1x16xf32>,
        %parallel_loop3A_1337 = vector.shape_cast %parallel_loop3A_1336 : vector<1x1x16xf32> to vector<16xf32>
        %parallel_loop3A_1338 = arith.mulf %parallel_loop3A_1331, %parallel_loop3A_1337 : vector<16xf32>
        %parallel_loop3A_1339 = arith.constant 1 : i32
        %parallel_loop3A_1340 = arith.index_cast %parallel_loop3A_1339 : i32 to index
        %parallel_loop3A_1341 = arith.index_cast %parallel_loop3A_1298 : i32 to index
        %parallel_loop3A_1342 = arith.constant 48 : index
        %parallel_loop3A_1343 = tpu.vector_load %arg10[%parallel_loop3A_1340, %parallel_loop3A_1341, %parallel_loop3A_1342] {strides = array<i32>} : memref<2x256x64xf32, #tpu.memory_space<vmem>>, vector<1x1x16xf32>,
        %parallel_loop3A_1344 = vector.shape_cast %parallel_loop3A_1343 : vector<1x1x16xf32> to vector<16xf32>
        %parallel_loop3A_1345 = arith.constant 1 : i32
        %parallel_loop3A_1346 = arith.index_cast %parallel_loop3A_1345 : i32 to index
        %parallel_loop3A_1347 = arith.index_cast %parallel_loop3A_1298 : i32 to index
        %parallel_loop3A_1348 = arith.constant 48 : index
        %parallel_loop3A_1349 = tpu.vector_load %arg11[%parallel_loop3A_1346, %parallel_loop3A_1347, %parallel_loop3A_1348] {strides = array<i32>} : memref<2x256x64xf32, #tpu.memory_space<vmem>>, vector<1x1x16xf32>,
        %parallel_loop3A_1350 = vector.shape_cast %parallel_loop3A_1349 : vector<1x1x16xf32> to vector<16xf32>
        %parallel_loop3A_1351 = arith.mulf %parallel_loop3A_1344, %parallel_loop3A_1350 : vector<16xf32>
        %parallel_loop3A_1352 = arith.addf %parallel_loop3A_1338, %parallel_loop3A_1351 : vector<16xf32>
        %parallel_loop3A_1353 = arith.addf %parallel_loop3A_1325, %parallel_loop3A_1352 : vector<16xf32>
        %parallel_loop3A_1354 = arith.mulf %parallel_loop3A_1353, %parallel_loop3A_436 : vector<16xf32>
        %parallel_loop3A_1355 = arith.addf %parallel_loop3A_1111, %parallel_loop3A_1354 : vector<16xf32>
        %parallel_loop3A_1356 = arith.constant 16 : i32
        %parallel_loop3A_1357 = arith.muli %parallel_loop3A_365, %parallel_loop3A_1356 : i32
        %parallel_loop3A_1358 = arith.constant 15 : i32
        %parallel_loop3A_1359 = arith.addi %parallel_loop3A_1357, %parallel_loop3A_1358 : i32
        %parallel_loop3A_1360 = arith.constant 1 : i32
        %parallel_loop3A_1361 = arith.index_cast %parallel_loop3A_1360 : i32 to index
        %parallel_loop3A_1362 = arith.index_cast %parallel_loop3A_1359 : i32 to index
        %parallel_loop3A_1363 = arith.constant 0 : index
        %parallel_loop3A_1364 = tpu.vector_load %arg10[%parallel_loop3A_1361, %parallel_loop3A_1362, %parallel_loop3A_1363] {strides = array<i32>} : memref<2x256x64xf32, #tpu.memory_space<vmem>>, vector<1x1x16xf32>,
        %parallel_loop3A_1365 = vector.shape_cast %parallel_loop3A_1364 : vector<1x1x16xf32> to vector<16xf32>
        %parallel_loop3A_1366 = arith.constant 1 : i32
        %parallel_loop3A_1367 = arith.index_cast %parallel_loop3A_1366 : i32 to index
        %parallel_loop3A_1368 = arith.index_cast %parallel_loop3A_1359 : i32 to index
        %parallel_loop3A_1369 = arith.constant 0 : index
        %parallel_loop3A_1370 = tpu.vector_load %arg11[%parallel_loop3A_1367, %parallel_loop3A_1368, %parallel_loop3A_1369] {strides = array<i32>} : memref<2x256x64xf32, #tpu.memory_space<vmem>>, vector<1x1x16xf32>,
        %parallel_loop3A_1371 = vector.shape_cast %parallel_loop3A_1370 : vector<1x1x16xf32> to vector<16xf32>
        %parallel_loop3A_1372 = arith.mulf %parallel_loop3A_1365, %parallel_loop3A_1371 : vector<16xf32>
        %parallel_loop3A_1373 = arith.constant 1 : i32
        %parallel_loop3A_1374 = arith.index_cast %parallel_loop3A_1373 : i32 to index
        %parallel_loop3A_1375 = arith.index_cast %parallel_loop3A_1359 : i32 to index
        %parallel_loop3A_1376 = arith.constant 16 : index
        %parallel_loop3A_1377 = tpu.vector_load %arg10[%parallel_loop3A_1374, %parallel_loop3A_1375, %parallel_loop3A_1376] {strides = array<i32>} : memref<2x256x64xf32, #tpu.memory_space<vmem>>, vector<1x1x16xf32>,
        %parallel_loop3A_1378 = vector.shape_cast %parallel_loop3A_1377 : vector<1x1x16xf32> to vector<16xf32>
        %parallel_loop3A_1379 = arith.constant 1 : i32
        %parallel_loop3A_1380 = arith.index_cast %parallel_loop3A_1379 : i32 to index
        %parallel_loop3A_1381 = arith.index_cast %parallel_loop3A_1359 : i32 to index
        %parallel_loop3A_1382 = arith.constant 16 : index
        %parallel_loop3A_1383 = tpu.vector_load %arg11[%parallel_loop3A_1380, %parallel_loop3A_1381, %parallel_loop3A_1382] {strides = array<i32>} : memref<2x256x64xf32, #tpu.memory_space<vmem>>, vector<1x1x16xf32>,
        %parallel_loop3A_1384 = vector.shape_cast %parallel_loop3A_1383 : vector<1x1x16xf32> to vector<16xf32>
        %parallel_loop3A_1385 = arith.mulf %parallel_loop3A_1378, %parallel_loop3A_1384 : vector<16xf32>
        %parallel_loop3A_1386 = arith.addf %parallel_loop3A_1372, %parallel_loop3A_1385 : vector<16xf32>
        %parallel_loop3A_1387 = arith.constant 1 : i32
        %parallel_loop3A_1388 = arith.index_cast %parallel_loop3A_1387 : i32 to index
        %parallel_loop3A_1389 = arith.index_cast %parallel_loop3A_1359 : i32 to index
        %parallel_loop3A_1390 = arith.constant 32 : index
        %parallel_loop3A_1391 = tpu.vector_load %arg10[%parallel_loop3A_1388, %parallel_loop3A_1389, %parallel_loop3A_1390] {strides = array<i32>} : memref<2x256x64xf32, #tpu.memory_space<vmem>>, vector<1x1x16xf32>,
        %parallel_loop3A_1392 = vector.shape_cast %parallel_loop3A_1391 : vector<1x1x16xf32> to vector<16xf32>
        %parallel_loop3A_1393 = arith.constant 1 : i32
        %parallel_loop3A_1394 = arith.index_cast %parallel_loop3A_1393 : i32 to index
        %parallel_loop3A_1395 = arith.index_cast %parallel_loop3A_1359 : i32 to index
        %parallel_loop3A_1396 = arith.constant 32 : index
        %parallel_loop3A_1397 = tpu.vector_load %arg11[%parallel_loop3A_1394, %parallel_loop3A_1395, %parallel_loop3A_1396] {strides = array<i32>} : memref<2x256x64xf32, #tpu.memory_space<vmem>>, vector<1x1x16xf32>,
        %parallel_loop3A_1398 = vector.shape_cast %parallel_loop3A_1397 : vector<1x1x16xf32> to vector<16xf32>
        %parallel_loop3A_1399 = arith.mulf %parallel_loop3A_1392, %parallel_loop3A_1398 : vector<16xf32>
        %parallel_loop3A_1400 = arith.constant 1 : i32
        %parallel_loop3A_1401 = arith.index_cast %parallel_loop3A_1400 : i32 to index
        %parallel_loop3A_1402 = arith.index_cast %parallel_loop3A_1359 : i32 to index
        %parallel_loop3A_1403 = arith.constant 48 : index
        %parallel_loop3A_1404 = tpu.vector_load %arg10[%parallel_loop3A_1401, %parallel_loop3A_1402, %parallel_loop3A_1403] {strides = array<i32>} : memref<2x256x64xf32, #tpu.memory_space<vmem>>, vector<1x1x16xf32>,
        %parallel_loop3A_1405 = vector.shape_cast %parallel_loop3A_1404 : vector<1x1x16xf32> to vector<16xf32>
        %parallel_loop3A_1406 = arith.constant 1 : i32
        %parallel_loop3A_1407 = arith.index_cast %parallel_loop3A_1406 : i32 to index
        %parallel_loop3A_1408 = arith.index_cast %parallel_loop3A_1359 : i32 to index
        %parallel_loop3A_1409 = arith.constant 48 : index
        %parallel_loop3A_1410 = tpu.vector_load %arg11[%parallel_loop3A_1407, %parallel_loop3A_1408, %parallel_loop3A_1409] {strides = array<i32>} : memref<2x256x64xf32, #tpu.memory_space<vmem>>, vector<1x1x16xf32>,
        %parallel_loop3A_1411 = vector.shape_cast %parallel_loop3A_1410 : vector<1x1x16xf32> to vector<16xf32>
        %parallel_loop3A_1412 = arith.mulf %parallel_loop3A_1405, %parallel_loop3A_1411 : vector<16xf32>
        %parallel_loop3A_1413 = arith.addf %parallel_loop3A_1399, %parallel_loop3A_1412 : vector<16xf32>
        %parallel_loop3A_1414 = arith.addf %parallel_loop3A_1386, %parallel_loop3A_1413 : vector<16xf32>
        %parallel_loop3A_1415 = arith.mulf %parallel_loop3A_1414, %parallel_loop3A_440 : vector<16xf32>
        %parallel_loop3A_1416 = arith.addf %parallel_loop3A_1172, %parallel_loop3A_1415 : vector<16xf32>
        scf.yield %parallel_loop3A_1233, %parallel_loop3A_1294, %parallel_loop3A_1355, %parallel_loop3A_1416 : vector<16xf32>, vector<16xf32>, vector<16xf32>, vector<16xf32>
      } {sc.loop_unroll_factor = 2 : i64, sc.parallel_access}
      %sub3A_349 = arith.subf %parallel_loop3A_348#0, %sub3A_260 : vector<16xf32>
      %add3A_350 = arith.addf %add3A_258, %sub3A_349 : vector<16xf32>
      %sub3A_351 = arith.subf %add3A_350, %add3A_258 : vector<16xf32>
      %sub3A_352 = arith.subf %sub3A_351, %sub3A_349 : vector<16xf32>
      %sub3A_353 = arith.subf %parallel_loop3A_348#1, %sub3A_264 : vector<16xf32>
      %add3A_354 = arith.addf %add3A_262, %sub3A_353 : vector<16xf32>
      %sub3A_355 = arith.subf %add3A_354, %add3A_262 : vector<16xf32>
      %sub3A_356 = arith.subf %sub3A_355, %sub3A_353 : vector<16xf32>
      %sub3A_357 = arith.subf %parallel_loop3A_348#2, %sub3A_268 : vector<16xf32>
      %add3A_358 = arith.addf %add3A_266, %sub3A_357 : vector<16xf32>
      %sub3A_359 = arith.subf %add3A_358, %add3A_266 : vector<16xf32>
      %sub3A_360 = arith.subf %sub3A_359, %sub3A_357 : vector<16xf32>
      %sub3A_361 = arith.subf %parallel_loop3A_348#3, %sub3A_272 : vector<16xf32>
      %add3A_362 = arith.addf %add3A_270, %sub3A_361 : vector<16xf32>
      %sub3A_363 = arith.subf %add3A_362, %add3A_270 : vector<16xf32>
      %sub3A_364 = arith.subf %sub3A_363, %sub3A_361 : vector<16xf32>
      scf.yield %add3A_350, %add3A_354, %add3A_358, %add3A_362, %sub3A_352, %sub3A_356, %sub3A_360, %sub3A_364 : vector<16xf32>, vector<16xf32>, vector<16xf32>, vector<16xf32>, vector<16xf32>, vector<16xf32>, vector<16xf32>, vector<16xf32>
    }
    %scan3A_87 = arith.constant 256 : i32
    %sub3A = arith.subf %scan3A_86#0, %scan3A_86#4 : vector<16xf32>
    %sub3A_88 = arith.subf %scan3A_86#1, %scan3A_86#5 : vector<16xf32>
    %add3A_89 = arith.addf %sub3A, %sub3A_88 : vector<16xf32>
    %sub3A_90 = arith.subf %scan3A_86#2, %scan3A_86#6 : vector<16xf32>
    %sub3A_91 = arith.subf %scan3A_86#3, %scan3A_86#7 : vector<16xf32>
    %add3A_92 = arith.addf %sub3A_90, %sub3A_91 : vector<16xf32>
    %add3A_93 = arith.addf %add3A_89, %add3A_92 : vector<16xf32>
    %swap3A = arith.constant 0 : index
    %swap3A_94 = tpu.vector_load %arg12[%swap3A] {strides = array<i32>} : memref<16xf32, #tpu.memory_space<vmem>>, vector<16xf32>,
    %swap3A_95 = vector.shape_cast %swap3A_94 : vector<16xf32> to vector<16xf32>
    %swap3A_96 = vector.shape_cast %add3A_93 : vector<16xf32> to vector<16xf32>
    tpu.vector_store %arg12[%swap3A], %swap3A_96 {strides = array<i32>} : memref<16xf32, #tpu.memory_space<vmem>>, vector<16xf32>,
    "tpu.region"() ({
      %run_scoped3A_97 = tpu.sem_alloc : memref<!tpu.dma_semaphore, #tpu.memory_space<semaphore_mem>>
      %dma_start3A_98 = arith.constant 0 : i32
      %dma_start3A_99 = tpu.memref_slice %arg6[%add3A, %dma_start3A_98] : memref<32x16xf32, #tpu.memory_space<hbm>> -> memref<1x16xf32, #tpu.memory_space<hbm>>
      %dma_start3A_100 = tpu.memref_squeeze %dma_start3A_99 : memref<1x16xf32, #tpu.memory_space<hbm>> -> memref<16xf32, #tpu.memory_space<hbm>>
      %dma_start3A_101 = arith.constant 0 : i32
      %dma_start3A_102 = tpu.memref_slice %arg6[%add3A, %dma_start3A_101] : memref<32x16xf32, #tpu.memory_space<hbm>> -> memref<1x16xf32, #tpu.memory_space<hbm>>
      %dma_start3A_103 = tpu.memref_squeeze %dma_start3A_102 : memref<1x16xf32, #tpu.memory_space<hbm>> -> memref<16xf32, #tpu.memory_space<hbm>>
      tpu.enqueue_dma source(%arg12 : memref<16xf32, #tpu.memory_space<vmem>>) target(%dma_start3A_103 : memref<16xf32, #tpu.memory_space<hbm>>) target_semaphore(%run_scoped3A_97 : memref<!tpu.dma_semaphore, #tpu.memory_space<semaphore_mem>>)
      %dma_wait3A = arith.constant 0 : i32
      %dma_wait3A_104 = tpu.memref_slice %arg6[%add3A, %dma_wait3A] : memref<32x16xf32, #tpu.memory_space<hbm>> -> memref<1x16xf32, #tpu.memory_space<hbm>>
      %dma_wait3A_105 = tpu.memref_squeeze %dma_wait3A_104 : memref<1x16xf32, #tpu.memory_space<hbm>> -> memref<16xf32, #tpu.memory_space<hbm>>
      %dma_wait3A_106 = arith.constant 0 : i32
      %dma_wait3A_107 = tpu.memref_slice %arg6[%add3A, %dma_wait3A_106] : memref<32x16xf32, #tpu.memory_space<hbm>> -> memref<1x16xf32, #tpu.memory_space<hbm>>
      %dma_wait3A_108 = tpu.memref_squeeze %dma_wait3A_107 : memref<1x16xf32, #tpu.memory_space<hbm>> -> memref<16xf32, #tpu.memory_space<hbm>>
      tpu.wait_dma2 semaphore(%run_scoped3A_97 : memref<!tpu.dma_semaphore, #tpu.memory_space<semaphore_mem>>) src(%arg12 : memref<16xf32, #tpu.memory_space<vmem>>) dst(%dma_wait3A_108 : memref<16xf32, #tpu.memory_space<hbm>>)
      tpu.yield
    }) : () -> ()
    return
  }
}

</mosaic_0001>

<sc_bundles>
// kernel: kernel.3.cloned.1.call-start
scs
__scs_entry_jumppad:
0x0: {  	(pc) =	sbr.rel $0x88, $3  }
0x1: {  	(tag) =	ssettag $0x0;
	lr =	simm.s32 $0x1  }
0x2: {  	[smem:$0x3F9D] =	sst lr;
	_ =	strace $0xD0000000  }
0x3: {  	_ = 	snop  }
0x4: {  	_ = 	snop  }
0x5: {  	_ = 	snop  }
0x6: {  	_ = 	snop  }
0x7: {  	_ = 	snop  }
__scs_overlays_trampoline_lowered:
0x8: {  	[smem:$0x3FAC] =	sst s0  }
0x9: {  	[smem:$0x3FAD] =	sst s1  }
0xa: {  	[smem:$0x3FAE] =	sst s2  }
0xb: {  	[smem:$0x3FAF] =	sst s3  }
0xc: {  	[smem:$0x3FB0] =	sst s4  }
0xd: {  	[smem:$0x3FB1] =	sst s5  }
0xe: {  	[smem:$0x3FB2] =	sst s6  }
0xf: {  	[smem:$0x3FB3] =	sst s7  }
0x10: {  	[smem:$0x3FB4] =	sst s8  }
0x11: {  	[smem:$0x3FB5] =	sst s9;
	s0 =	simm.s32 @!p0 $0x0  }
0x12: {  	s1 =	sld [smem:$0x3F9B];
	s0 =	simm.s32 @p0 $0x1  }
0x13: {  	[smem:$0x3FB6] =	sst s0;
	s0 =	simm.s32 @!p1 $0x0  }
0x14: {  	s2 =	sld [smem:$0x3F9A];
	s0 =	simm.s32 @p1 $0x1  }
0x15: {  	[smem:$0x3FB7] =	sst s0;
	s0 =	simm.s32 @!p2 $0x0  }
0x16: {  	s3 =	sld [smem:$0x3FDB];
	s0 =	simm.s32 @p2 $0x1  }
0x17: {  	s4 =	simm.s32 $0x1BF5;
	[smem:$0x3FB9] =	sst s0  }
0x18: {  	s0 =	sld [smem:$0x3F9C];
	_ =	swait.ge [sflag:s4], $0x0  }
0x19: {  	s7 =	sld [smem:$0x3F9D]  }
0x1a: {  	s8 =	sadd.s32 $0xFFFFE003, lr  }
0x1b: {  	s9 =	sadd.s32 $0xFFFFFEF7, lr;
	s5 =	simm.s32 $0xFFFFFFFF;
	p2 =	slt.u32 s8, $0xFFFFF086  }
0x1c: {  	p1 =	slt.u32 s9, $0xF7A;
	s5 =	simm.s32 @!p2 $0x0  }
0x1d: {  	s5 =	simm.s32 @p1 $0x1;
	p0 =	seq.s32 s7, s2  }
0x1e: {  	s7 =	smul.u32 @!p0 $0xF7A, s2;
	p2 =	seq.s32 @!p0 s5, $0x0  }
0x1f: {  	s9 =	smul.u32 $0xF7A, s1;
	s8 =	simm.s32 @!p0 $0x1BF5;
	p2 =	por !p2, p0  }
0x20: {  	[sflag:s8] =	ssyncset.s32 @!p0 $0xFFFFF086;
	s6 =	sadd.s32 @!p0 s3, s7;
	s7 =	simm.s32 @!p0 $0x108  }
0x21: {  	s3 =	sadd.s32 s3, s9;
	s6 =	sadd.s32 @!p0 $0x88, s6;
	s7 =	simm.s32 @p2 $0x1082  }
0x22: {  	[simem:s7], [sflag:s8] =	dma.local @!p0 [hbm:s6], $0xF7A  }
0x23: {  	s9 =	sor.u32 $0xD0000000, s2;
	s6 =	simm.s32 $0x108;
	_ =	swait.ge @!p0 [sflag:s8], $0x0  }
0x24: {  	s3 =	sadd.s32 $0x88, s3;
	s6 =	simm.s32 @!p1 $0x1082;
	[sflag:s4] =	ssyncset.s32 $0xFFFFF086  }
0x25: {  	[simem:s6], [sflag:s4] =	dma.local [hbm:s3], $0xF7A  }
0x26: {  	[smem:$0x3F9D] =	sst s1;
	(tag) =	ssettag s2;
	_ =	strace s9  }
0x27: {  	s1 =	sld [smem:$0x3FAD]  }
0x28: {  	s2 =	sld [smem:$0x3FAE]  }
0x29: {  	s4 =	sld [smem:$0x3FB0]  }
0x2a: {  	p0 =	seq.s32 s5, $0x0;
	s5 =	sld [smem:$0x3FB1]  }
0x2b: {  	s6 =	sld [smem:$0x3FB2]  }
0x2c: {  	s7 =	sld [smem:$0x3FB3]  }
0x2d: {  	s3 =	simm.s32 $0x108;
	s8 =	sld [smem:$0x3FB4]  }
0x2e: {  	s3 =	simm.s32 @!p0 $0x1082;
	s9 =	sld [smem:$0x3FB5]  }
0x2f: {  	lr =	sadd.s32 s0, s3;
	s0 =	sld [smem:$0x3FAC]  }
0x30: {  	s3 =	sld [smem:$0x3FAF]  }
0x31: {  	[smem:$0x3FB8] =	sst s10  }
0x32: {  	s10 =	sld [smem:$0x3FB6];
	_ =	sdelay $0x3  }
0x33: {  	p0 =	seq.s32 s10, $0x1;
	s10 =	sld [smem:$0x3FB8];
	_ =	sdelay $0x3  }
0x34: {  	[smem:$0x3FB8] =	sst s10  }
0x35: {  	s10 =	sld [smem:$0x3FB7];
	_ =	sdelay $0x3  }
0x36: {  	p1 =	seq.s32 s10, $0x1;
	s10 =	sld [smem:$0x3FB8];
	_ =	sdelay $0x3  }
0x37: {  	[smem:$0x3FB8] =	sst s10  }
0x38: {  	s10 =	sld [smem:$0x3FB9]  }
0x39: {  	_ = 	snop;
	(pc) =	sbr.ind lr, $3  }
0x3a: {  	_ = 	snop  }
0x3b: {  	_ = 	snop  }
0x3c: {  	p2 =	seq.s32 s10, $0x1;
	s10 =	sld [smem:$0x3FB8]  }
0x3d: {  	_ =	shalt  }
0x3e: {  	_ =	shalt  }
0x3f: {  	_ =	shalt  }
0x40: {  	_ =	shalt  }
0x41: {  	_ =	shalt  }
0x42: {  	_ =	shalt  }
0x43: {  	_ =	shalt  }
0x44: {  	_ =	shalt  }
0x45: {  	_ =	shalt  }
0x46: {  	_ =	shalt  }
0x47: {  	_ =	shalt  }
0x48: {  	_ =	shalt  }
0x49: {  	_ =	shalt  }
0x4a: {  	_ =	shalt  }
0x4b: {  	_ =	shalt  }
0x4c: {  	_ =	shalt  }
0x4d: {  	_ =	shalt  }
0x4e: {  	_ =	shalt  }
0x4f: {  	_ =	shalt  }
0x50: {  	_ =	shalt  }
0x51: {  	_ =	shalt  }
0x52: {  	_ =	shalt  }
0x53: {  	_ =	shalt  }
0x54: {  	_ =	shalt  }
0x55: {  	_ =	shalt  }
0x56: {  	_ =	shalt  }
0x57: {  	_ =	shalt  }
0x58: {  	_ =	shalt  }
0x59: {  	_ =	shalt  }
0x5a: {  	_ =	shalt  }
0x5b: {  	_ =	shalt  }
0x5c: {  	_ =	shalt  }
0x5d: {  	_ =	shalt  }
0x5e: {  	_ =	shalt  }
0x5f: {  	_ =	shalt  }
0x60: {  	_ =	shalt  }
0x61: {  	_ =	shalt  }
0x62: {  	_ =	shalt  }
0x63: {  	_ =	shalt  }
0x64: {  	_ =	shalt  }
0x65: {  	_ =	shalt  }
0x66: {  	_ =	shalt  }
0x67: {  	_ =	shalt  }
0x68: {  	_ =	shalt  }
0x69: {  	_ =	shalt  }
0x6a: {  	_ =	shalt  }
0x6b: {  	_ =	shalt  }
0x6c: {  	_ =	shalt  }
0x6d: {  	_ =	shalt  }
0x6e: {  	_ =	shalt  }
0x6f: {  	_ =	shalt  }
0x70: {  	_ =	shalt  }
0x71: {  	_ =	shalt  }
0x72: {  	_ =	shalt  }
0x73: {  	_ =	shalt  }
0x74: {  	_ =	shalt  }
0x75: {  	_ =	shalt  }
0x76: {  	_ =	shalt  }
0x77: {  	_ =	shalt  }
0x78: {  	_ =	shalt  }
0x79: {  	_ =	shalt  }
0x7a: {  	_ =	shalt  }
0x7b: {  	_ =	shalt  }
0x7c: {  	_ =	shalt  }
0x7d: {  	_ =	shalt  }
0x7e: {  	_ =	shalt  }
0x7f: {  	_ =	shalt  }
0x80: {  	_ =	shalt  }
0x81: {  	_ =	shalt  }
0x82: {  	_ =	shalt  }
0x83: {  	_ =	shalt  }
0x84: {  	_ =	shalt  }
0x85: {  	_ =	shalt  }
0x86: {  	_ =	shalt  }
0x87: {  	_ =	shalt  }
.Lfunc_end0:
.L_simem_size_0:
called_computation_lowered:
.L_overlay_start_0:
0x88: {  	s2 =	sld [smem:$0x3FD9]  }
0x89: {  	s3 =	sld [smem:$0x3FFE];
	_ =	sdelay $0x1  }
0x8a: {  	s1 =	srdreg.scid  }
0x8b: {  	s0 =	sand.u32 $0x1, s1  }
0x8c: {  	s17 =	sshll.u32 s0, $0xA;
	s2 =	sadd.s32 s3, s2  }
0x8d: {  	s2 =	sadd.s32 s2, s17  }
0x8e: {  	[smem:$0x3FC4] =	sst s2  }
0x8f: {  	_ = 	snop  }
0x90: {  	s2 =	sld [smem:$0x3FC8]  }
0x91: {  	s18 =	sld [smem:$0x3FC7]  }
0x92: {  	s4 =	sld [smem:$0x3FC6];
	(tm) =	ssettm $0x1  }
0x93: {  	s5 =	sld [smem:$0x3FFB];
	_ =	sdelay $0x3  }
0x94: {  	_ =	strace s5  }
0x95: {  	s5 =	sld [smem:$0x3FFC];
	_ =	sdelay $0x3  }
0x96: {  	_ =	strace s5  }
0x97: {  	s5 =	sld [smem:$0x3FFD];
	_ =	sdelay $0x3  }
0x98: {  	_ =	strace s5  }
0x99: {  	_ =	strace $0x8FFFFFFF  }
0x9a: {  	s19 =	sld [smem:$0x3FDB];
	_ =	sdelay $0x1  }
0x9b: {  	s6 =	simm.s32 $_scs_section_size  }
0x9c: {  	s7 =	simm.s32 $_size__tile_overlayer_lowered;
	s8 =	simm.s32 $_tile_overlayer_lowered  }
0x9d: {  	s22 =	simm.s32 $0x1BFF;
	s21 =	sshll.u32 s8, $0x1;
	s5 =	sadd.s32 s6, s19  }
0x9e: {  	s9 =	simm.s32 $0x0;
	s20 =	sshll.u32 s7, $0x1;
	s7 =	sadd.s32 s21, s5  }
0x9f: {  	[timem:s9], [sflag:s22] =	dma.local [hbm:s7], s20  }
0xa0: {  	_ =	swait.ge [sflag:s22], s20  }
0xa1: {  	s6 =	ssub.s32 $0x0, s20;
	[sflag:s22] =	ssyncset.done $0x0  }
0xa2: {  	[sflag:s22] =	ssyncadd.s32 s6;
	_ =	sdelay $0x1  }
0xa3: {  	s23 =	simm.s32 $0x1B8B  }
0xa4: {  	_ =	swait.ge [sflag:s23], $0x1  }
0xa5: {  	[sflag:s23] =	ssyncset.done $0x0  }
0xa6: {  	s25 =	simm.s32 $0x1B8E;
	s24 =	sld [smem:$0x3FFE];
	[sflag:s23] =	ssyncadd.s32 $0xFFFFFFFF  }
0xa7: {  	s26 =	simm.s32 $execute0_lowered;
	[smem:$0x3FD2] =	sst s25  }
0xa8: {  	s7 =	sshll.u32 s26, $0x1;
	_ =	strace $0x80000046;
	[dreg:$0x1] =	wrdreg $0xFFFFFFFF  }
0xa9: {  	s28 =	simm.s32 $_size_execute0_lowered;
	s5 =	sadd.s32 s5, s7;
	[dreg:$0x0] =	wrdreg $0x0  }
0xaa: {  	s7 =	sshll.u32 s28, $0x1;
	[dreg:$0x2] =	wrdreg s5  }
0xab: {  	[dreg:$0x3] =	wrdreg s7  }
0xac: {  	[dreg:$0x4] =	wrdreg $0xC0  }
0xad: {  	_ =	task [dreg:s9], $0x5FFFF  }
0xae: {  	[dreg:$0x1] =	wrdreg $0xFFFFFFFF  }
0xaf: {  	[dreg:$0x0] =	wrdreg $0x60  }
0xb0: {  	[dreg:$0x2] =	wrdreg s24  }
0xb1: {  	[dreg:$0x3] =	wrdreg s2  }
0xb2: {  	[dreg:$0x4] =	wrdreg s18  }
0xb3: {  	[dreg:$0x5] =	wrdreg s4  }
0xb4: {  	[dreg:$0x6] =	wrdreg $0x9  }
0xb5: {  	_ =	task.clear_ibuf [dreg:s9], $0x7FFFF;
	_ =	strace $0x90000046  }
0xb6: {  	s29 =	simm.s32 $0x9;
	_ =	strace $0x80000048  }
0xb7: {  	_ =	swait.ge [sflag:s29], $0x1  }
0xb8: {  	[sflag:s29] =	ssyncadd.s32 $0xFFFFFFFF  }
0xb9: {  	_ =	strace $0x90000048  }
0xba: {  	_ =	sfence  }
0xbb: {  	s30 =	sld [smem:$0x0];
	_ =	sdelay $0x2  }
0xbc: {  	s31 =	sshll.u32 s1, $0xD;
	s1 =	sshrl.u32 s1, $0x2  }
0xbd: {  	s3 =	sand.u32 $0x4000, s31;
	s1 =	sadd.s32 s1, s30  }
0xbe: {  	s0 =	sor.u32 s3, s0;
	s1 =	sshll.u32 s1, $0x11  }
0xbf: {  	s0 =	sor.u32 s1, s0  }
0xc0: {  	s0 =	sadd.s32 $0x8F2B, s0  }
0xc1: {  	[sflag:s0] =	ssyncadd.remote.s32 $0x1  }
0xc2: {  	_ =	sfence.sel $0xFFFF  }
0xc3: {  	[dreg:$0x0] =	wrdreg $0xFFFFFFFF;
	(pc) =	sbr.abs _section_cstart, $3  }
0xc4: {  	[dreg:$0x1] =	wrdreg $0xFFFFFFFF  }
0xc5: {  	_ =	task.clear_ibuf [dreg:s9], $0x2FFFF;
	_ =	strace $0x9FFFFFFF  }
0xc6: {  	(tm) =	ssettm $0x7FFFFFFF  }
0xc7: {  	_ =	shalt  }
tec
execute0_lowered:
.L_overlay_start_1:
0x0: {  	(tag) =	ssettag $0x1  }
0x1: {  	s0 =	rddreg [dreg:$0x0]  }
0x2: {  	s1 =	rddreg [dreg:$0x1]  }
0x3: {  	s2 =	rddreg [dreg:$0x2]  }
0x4: {  	s4 =	rddreg [dreg:$0x3];
	s5 =	simm.s32 $0x0  }
0x5: {  	s3 =	srdreg.scid;
	s6 =	stileid.u32;
	s17 =	simm.s32 $0x4  }
0x6: {  	s19 =	simm.s32 $0x80;
	s29 =	simm.s32 $0x1;
	s30 =	simm.s32 $0x4620  }
0x7: {  	s31 =	simm.s32 $0xC620;
	s20 =	simm.s32 $0x380;
	s21 =	simm.s32 $0xE620  }
0x8: {  	s22 =	simm.s32 $0x3;
	s23 =	simm.s32 $0x510;
	s24 =	simm.s32 $0x2  }
0x9: {  	s28 =	simm.s32 $0x0;
	[smem:$0x7FF] =	sst s5;
	s3 =	sand.u32 $0x1, s3  }
0xa: {  	s6 =	sshll.u32 s6, $0x1;
	_ =	strace $0x80000047;
	s7 =	ssub.s32 $0x2, s3  }
0xb: {  	s3 =	sor.u32 s3, s6;
	s6 =	sadd.s32 $0x100000, s0;
	s8 =	sshrl.u32 s7, $0x1  }
0xc: {  	s9 =	sshll.u32 s3, $0xE;
	s8 =	ssub.s32 s7, s8;
	s7 =	sshll.u32 s3, $0x11  }
0xd: {  	s10 =	sor.u32 $0x20, s9;
	s11 =	sadd.s32 s2, s9;
	s25 =	sadd.s32 s4, s9  }
0xe: {  	s9 =	sadd.s32 s1, s9;
	s3 =	sshll.u32 s3, $0x1;
	[dreg:$0x5] =	wrdreg s11  }
0xf: {  	[dreg:$0x6] =	wrdreg s25;
	s26 =	sadd.s32 s2, s10;
	s10 =	sadd.s32 s4, s10  }
0x10: {  	[dreg:$0x9] =	wrdreg s9;
	s13 =	sor.u32 $0x200, s7;
	s14 =	sor.u32 $0x300, s7  }
0x11: {  	s0 =	sadd.s32 s0, s3;
	s16 =	smax.u32 s8, $0x1;
	[dreg:$0x7] =	wrdreg s26  }
0x12: {  	s25 =	simm.s32 $0x100;
	s3 =	simm.s32 $0x6620;
	[dreg:$0x8] =	wrdreg s10  }
0x13: {  	v33 =	vimm.s32 $0x4;
	[dreg:$0xa] =	wrdreg s0;
	s26 =	simm.s32 $0x300;
	s0 =	simm.s32 $0x180  }
.LBB2_1:
0x14: {  	s8 =	rddreg [dreg:$0x5]  }
0x15: {  	[tilespmem:s5], [sflag:$0x4] =	stream.linear.gather [hbm4b:s8+s5], $0x100, $0x38;
	[tilespmem:$0x10630] =	vst v63  }
0x16: {  	_ =	swait.ge [sflag:s17], $0x100  }
0x17: {  	[sflag:s17] =	ssyncset.done $0x0  }
0x18: {  	s9 =	simm.s32 $0x200;
	s11 =	rddreg [dreg:$0x6];
	[sflag:s17] =	ssyncadd.s32 $0xFFFFFF00  }
0x19: {  	[tilespmem:s9], [sflag:$0x4] =	stream.linear.gather [hbm4b:s11+s5], $0x100, $0x38;
	[tilespmem:$0x10630] =	vst v63  }
0x1a: {  	_ =	swait.ge [sflag:s17], $0x100  }
0x1b: {  	[sflag:s17] =	ssyncset.done $0x0  }
0x1c: {  	s12 =	simm.s32 $0x620;
	[sflag:s17] =	ssyncadd.s32 $0xFFFFFF00  }
0x1d: {  	[tilespmem:s12], [sflag:$0x3] =	stream.indirect.gather [hbm4b:s6+s19], $0x40, s5, s19, $0xb8;
	[tilespmem:$0x10630] =	vst v63  }
0x1e: {  	s15 =	simm.s32 $0x8620  }
0x1f: {  	[tilespmem:s15], [sflag:$0x3] =	stream.indirect.gather [hbm4b:s6+s19], $0x40, s9, s19, $0xb8;
	[tilespmem:$0x10630] =	vst v63  }
0x20: {  	s18 =	simm.s32 $0x2620  }
0x21: {  	[tilespmem:s18], [sflag:$0x3] =	stream.indirect.gather [hbm4b:s6+s19], $0x40, s19, s19, $0xb8;
	[tilespmem:$0x10630] =	vst v63  }
0x22: {  	s10 =	simm.s32 $0xA620;
	s9 =	simm.s32 $0x280  }
0x23: {  	[tilespmem:s10], [sflag:$0x3] =	stream.indirect.gather [hbm4b:s6+s19], $0x40, s9, s19, $0xb8;
	[tilespmem:$0x10630] =	vst v63  }
0x24: {  	s11 =	rddreg [dreg:$0x7]  }
0x25: {  	[tilespmem:s25], [sflag:$0x1] =	stream.linear.gather [hbm4b:s11+s5], $0x100, $0x38;
	[tilespmem:$0x10630] =	vst v63  }
0x26: {  	s12 =	rddreg [dreg:$0x8]  }
0x27: {  	[tilespmem:s26], [sflag:$0x1] =	stream.linear.gather [hbm4b:s12+s5], $0x100, $0x38;
	[tilespmem:$0x10630] =	vst v63  }
0x28: {  	v3 =	vimm.f32 $0.0e+00;
	v2 =	vimm.f32 $0.0e+00;
	s15 =	rddreg [dreg:$0x9];
	s18 =	simm.s32 $0x400  }
0x29: {  	v4 =	vimm.f32 $0.0e+00;
	v12 =	vimm.f32 $0.0e+00;
	v8 =	vimm.f32 $0.0e+00;
	[tilespmem:s18], [sflag:$0x2] =	stream.linear.gather [hbm4b:s15+s5], $0x100, $0x38;
	[tilespmem:$0x10630] =	vst v63  }
0x2a: {  	v9 =	vimm.f32 $0.0e+00;
	v10 =	vimm.f32 $0.0e+00;
	v11 =	vimm.f32 $0.0e+00;
	s18 =	simm.s32 $0x0  }
.LBB2_2:
0x2b: {  	[tilespmem:$0x1FC40] =	vst v12  }
0x2c: {  	[tilespmem:$0x1FC50] =	vst v4  }
0x2d: {  	[tilespmem:$0x1FC60] =	vst v11  }
0x2e: {  	[tilespmem:$0x1FC70] =	vst v10  }
0x2f: {  	[tilespmem:$0x1FC80] =	vst v2  }
0x30: {  	[tilespmem:$0x1FC90] =	vst v3  }
0x31: {  	[tilespmem:$0x1FCA0] =	vst v9  }
0x32: {  	[tilespmem:$0x1FCB0] =	vst v8  }
0x33: {  	_ =	swait.ge [sflag:s29], $0x100  }
0x34: {  	[sflag:s29] =	ssyncset.done $0x0  }
0x35: {  	[sflag:s29] =	ssyncadd.s32 $0xFFFFFF00  }
0x36: {  	_ =	swait.ge [sflag:s29], $0x100  }
0x37: {  	[sflag:s29] =	ssyncset.done $0x0  }
0x38: {  	[sflag:s29] =	ssyncadd.s32 $0xFFFFFF00  }
0x39: {  	[tilespmem:s30], [sflag:$0x3] =	stream.indirect.gather [hbm4b:s6+s19], $0x40, s25, s19, $0xb8;
	[tilespmem:$0x10630] =	vst v63  }
0x3a: {  	_ = 	snop  }
0x3b: {  	[tilespmem:s31], [sflag:$0x3] =	stream.indirect.gather [hbm4b:s6+s19], $0x40, s26, s19, $0xb8;
	[tilespmem:$0x10630] =	vst v63  }
0x3c: {  	_ = 	snop  }
0x3d: {  	[tilespmem:s3], [sflag:$0x3] =	stream.indirect.gather [hbm4b:s6+s19], $0x40, s0, s19, $0xb8;
	[tilespmem:$0x10630] =	vst v63  }
0x3e: {  	_ = 	snop  }
0x3f: {  	[tilespmem:s21], [sflag:$0x3] =	stream.indirect.gather [hbm4b:s6+s19], $0x40, s20, s19, $0xb8;
	[tilespmem:$0x10630] =	vst v63  }
0x40: {  	_ =	swait.ge [sflag:s22], $0x2000  }
0x41: {  	[sflag:s22] =	ssyncset.done $0x0  }
0x42: {  	[sflag:s22] =	ssyncadd.s32 $0xFFFFE000  }
0x43: {  	_ =	swait.ge [sflag:s22], $0x2000  }
0x44: {  	[sflag:s22] =	ssyncset.done $0x0  }
0x45: {  	[sflag:s22] =	ssyncadd.s32 $0xFFFFE000  }
0x46: {  	_ =	swait.ge [sflag:s22], $0x2000  }
0x47: {  	[sflag:s22] =	ssyncset.done $0x0  }
0x48: {  	p0 =	seq.s32 s18, $0xFF;
	s9 =	sshll.u32 s18, $0x9;
	[sflag:s22] =	ssyncadd.s32 $0xFFFFE000  }
0x49: {  	s8 =	sadd.s32 @!p0 s9, s13;
	_ =	swait.ge [sflag:s22], $0x2000  }
0x4a: {  	s8 =	sshrl.u32 @!p0 s8, $0x3;
	[sflag:s22] =	ssyncset.done $0x0  }
0x4b: {  	s11 =	simm.s32 @!p0 $0x0;
	s10 =	sadd.s32 @!p0 s2, s8;
	[sflag:s22] =	ssyncadd.s32 $0xFFFFE000  }
0x4c: {  	[tilespmem:s11], [sflag:$0x1] =	stream.linear.gather @!p0 [hbm4b:s10+s11], $0x100, $0x38;
	[tilespmem:$0x10630] =	vst v63  }
0x4d: {  	s12 =	simm.s32 @!p0 $0x200;
	s10 =	sadd.s32 @!p0 s4, s8  }
0x4e: {  	[tilespmem:s12], [sflag:$0x1] =	stream.linear.gather @!p0 [hbm4b:s10+s11], $0x100, $0x38;
	[tilespmem:$0x10630] =	vst v63  }
0x4f: {  	s11 =	sor.u32 s9, s7  }
0x50: {  	s10 =	sshrl.u32 s11, $0x3  }
0x51: {  	s10 =	sadd.s32 s10, s1  }
0x52: {  	s12 =	simm.s32 $0x0;
	s10 =	sadd.s32 $0x20, s10  }
0x53: {  	[tilespmem:s23], [sflag:$0x2] =	stream.linear.gather [hbm4b:s10+s12], $0x100, $0x38;
	[tilespmem:$0x10630] =	vst v63  }
0x54: {  	_ =	swait.ge [sflag:s24], $0x100  }
0x55: {  	[sflag:s24] =	ssyncset.done $0x0  }
0x56: {  	s15 =	simm.s32 $0x0;
	[sflag:s24] =	ssyncadd.s32 $0xFFFFFF00  }
0x57: {  	v0 =	vld [tilespmem:s15+$0x8850];
	_ =	sdelay $0x4  }
0x58: {  	[tilespmem:$0x1FCC0] =	vst v0;
	v0 =	vld [tilespmem:s15+$0x860];
	_ =	sdelay $0x4  }
0x59: {  	[tilespmem:$0x1FCD0] =	vst v0;
	v0 =	vld [tilespmem:s15+$0x8860];
	_ =	sdelay $0x4  }
0x5a: {  	[tilespmem:$0x1FCE0] =	vst v0;
	v0 =	vld [tilespmem:s15+$0x870];
	_ =	sdelay $0x4  }
0x5b: {  	[tilespmem:$0x1FCF0] =	vst v0;
	v0 =	vld [tilespmem:s15+$0x8870];
	_ =	sdelay $0x4  }
0x5c: {  	[tilespmem:$0x1FD00] =	vst v0;
	v0 =	vld [tilespmem:s15+$0x880];
	_ =	sdelay $0x4  }
0x5d: {  	[tilespmem:$0x1FD10] =	vst v0;
	v0 =	vld [tilespmem:s15+$0x8880];
	_ =	sdelay $0x4  }
0x5e: {  	[tilespmem:$0x1FD20] =	vst v0;
	v0 =	vld [tilespmem:s15+$0x890];
	_ =	sdelay $0x3  }
0x5f: {  	v4 =	vld [tilespmem:s15+$0x920]  }
0x60: {  	[tilespmem:$0x1FD30] =	vst v0;
	v0 =	vld [tilespmem:s15+$0x8890]  }
0x61: {  	v6 =	vld [tilespmem:s15+$0x8920]  }
0x62: {  	v5 =	vld [tilespmem:s15+$0x930]  }
0x63: {  	v7 =	vld [tilespmem:s15+$0x8930]  }
0x64: {  	v8 =	vld [tilespmem:s15+$0x940]  }
0x65: {  	[tilespmem:$0x1FD40] =	vst v0;
	v0 =	vld [tilespmem:s15+$0x8A0]  }
0x66: {  	v10 =	vld [tilespmem:s15+$0x8940]  }
0x67: {  	v9 =	vld [tilespmem:s15+$0x950]  }
0x68: {  	v11 =	vld [tilespmem:s15+$0x8950]  }
0x69: {  	v12 =	vld [tilespmem:s15+$0x960]  }
0x6a: {  	[tilespmem:$0x1FD50] =	vst v0;
	v0 =	vld [tilespmem:s15+$0x88A0]  }
0x6b: {  	v14 =	vld [tilespmem:s15+$0x8960]  }
0x6c: {  	v13 =	vld [tilespmem:s15+$0x970]  }
0x6d: {  	v15 =	vld [tilespmem:s15+$0x8970]  }
0x6e: {  	v16 =	vld [tilespmem:s15+$0x980]  }
0x6f: {  	[tilespmem:$0x1FD60] =	vst v0;
	v0 =	vld [tilespmem:s15+$0x8B0]  }
0x70: {  	v22 =	vld [tilespmem:s15+$0x8980]  }
0x71: {  	v17 =	vld [tilespmem:s15+$0x990]  }
0x72: {  	v24 =	vld [tilespmem:s15+$0x8990]  }
0x73: {  	v27 =	vld [tilespmem:s15+$0x9A0]  }
0x74: {  	[tilespmem:$0x1FD70] =	vst v0;
	v0 =	vld [tilespmem:s15+$0x88B0]  }
0x75: {  	v31 =	vld [tilespmem:s15+$0x89A0]  }
0x76: {  	v30 =	vld [tilespmem:s15+$0x9B0]  }
0x77: {  	v32 =	vld [tilespmem:s15+$0x89B0]  }
0x78: {  	v34 =	vld [tilespmem:s15+$0x9C0]  }
0x79: {  	[tilespmem:$0x1FD80] =	vst v0;
	v0 =	vld [tilespmem:s15+$0x8C0]  }
0x7a: {  	v39 =	vld [tilespmem:s15+$0x89C0]  }
0x7b: {  	v38 =	vld [tilespmem:s15+$0x9D0]  }
0x7c: {  	v40 =	vld [tilespmem:s15+$0x89D0]  }
0x7d: {  	v41 =	vld [tilespmem:s15+$0x9E0]  }
0x7e: {  	[tilespmem:$0x1FD90] =	vst v0;
	v0 =	vld [tilespmem:s15+$0x88C0]  }
0x7f: {  	v43 =	vld [tilespmem:s15+$0x89E0]  }
0x80: {  	v42 =	vld [tilespmem:s15+$0x9F0]  }
0x81: {  	v44 =	vld [tilespmem:s15+$0x89F0]  }
0x82: {  	v45 =	vld [tilespmem:s15+$0xA00]  }
0x83: {  	[tilespmem:$0x1FDA0] =	vst v0;
	v0 =	vld [tilespmem:s15+$0x8D0]  }
0x84: {  	v48 =	vld [tilespmem:s15+$0x8A00]  }
0x85: {  	v47 =	vld [tilespmem:s15+$0xA10]  }
0x86: {  	s10 =	simm.s32 $0x400;
	v49 =	vld [tilespmem:s15+$0x8A10]  }
0x87: {  	v61 =	vld [tilespmem:s10+$0x0]  }
0x88: {  	[tilespmem:$0x1FDB0] =	vst v0;
	v0 =	vld [tilespmem:s15+$0x88D0]  }
0x89: {  	v50 =	vld [tilespmem:s15+$0x820]  }
0x8a: {  	v52 =	vld [tilespmem:s15+$0x8820]  }
0x8b: {  	v51 =	vld [tilespmem:s15+$0x830]  }
0x8c: {  	v55 =	vld [tilespmem:s15+$0x8830]  }
0x8d: {  	[tilespmem:$0x1FDC0] =	vst v0;
	v0 =	vld [tilespmem:s15+$0x8E0]  }
0x8e: {  	v57 =	vld [tilespmem:s15+$0x840]  }
0x8f: {  	v59 =	vld [tilespmem:s15+$0x8840]  }
0x90: {  	v58 =	vld [tilespmem:s15+$0x850]  }
0x91: {  	v63 =	vld [tilespmem:s15+$0x8720]  }
0x92: {  	[tilespmem:$0x1FDD0] =	vst v0;
	v0 =	vld [tilespmem:s15+$0x88E0]  }
0x93: {  	v3 =	vld [tilespmem:s15+$0x8740]  }
0x94: {  	v1 =	vld [tilespmem:s15+$0x8760]  }
0x95: {  	v25 =	vld [tilespmem:s15+$0x8770]  }
0x96: {  	v20 =	vld [tilespmem:s15+$0x780]  }
0x97: {  	[tilespmem:$0x1FDE0] =	vst v0;
	v0 =	vld [tilespmem:s15+$0x8F0]  }
0x98: {  	v54 =	vld [tilespmem:s15+$0x8780]  }
0x99: {  	v18 =	vld [tilespmem:s15+$0x8790]  }
0x9a: {  	v2 =	vld [tilespmem:s15+$0x87A0]  }
0x9b: {  	v23 =	vld [tilespmem:s15+$0x7B0]  }
0x9c: {  	[tilespmem:$0x1FDF0] =	vst v0;
	v0 =	vld [tilespmem:s15+$0x88F0]  }
0x9d: {  	v26 =	vld [tilespmem:s15+$0x87B0]  }
0x9e: {  	v19 =	vld [tilespmem:s15+$0x7C0]  }
0x9f: {  	v29 =	vld [tilespmem:s15+$0x87C0]  }
0xa0: {  	v21 =	vld [tilespmem:s15+$0x7D0]  }
0xa1: {  	[tilespmem:$0x1FE00] =	vst v0;
	v0 =	vld [tilespmem:s15+$0x900]  }
0xa2: {  	v35 =	vld [tilespmem:s15+$0x87D0]  }
0xa3: {  	v28 =	vld [tilespmem:s15+$0x7E0]  }
0xa4: {  	v37 =	vld [tilespmem:s15+$0x87E0]  }
0xa5: {  	v36 =	vld [tilespmem:s15+$0x7F0]  }
0xa6: {  	[tilespmem:$0x1FE10] =	vst v0;
	v0 =	vld [tilespmem:s15+$0x8900]  }
0xa7: {  	v60 =	vmul.f32 v11, v9;
	v9 =	vmul.f32 v22, v16;
	v22 =	vld [tilespmem:s15+$0x810]  }
0xa8: {  	v62 =	vmul.f32 v14, v12;
	v14 =	vld [tilespmem:s15+$0x8810]  }
0xa9: {  	v56 =	vmul.f32 v10, v8;
	v8 =	vmul.f32 v15, v13;
	v13 =	vld [tilespmem:s15+$0x620]  }
0xaa: {  	v16 =	vmul.f32 v40, v38;
	v40 =	vld [tilespmem:$0x1FCC0]  }
0xab: {  	[tilespmem:$0x1FE20] =	vst v0;
	v0 =	vld [tilespmem:s15+$0x910]  }
0xac: {  	v34 =	vmul.f32 v39, v34;
	v39 =	vmul.f32 v43, v41;
	v41 =	vld [tilespmem:$0x1FCD0]  }
0xad: {  	v46 =	vmul.f32 v44, v42;
	v42 =	vld [tilespmem:$0x1FCE0]  }
0xae: {  	v44 =	vld [tilespmem:$0x1FCF0]  }
0xaf: {  	v38 =	vmul.f32 v48, v45;
	v45 =	vld [tilespmem:$0x1FD00]  }
0xb0: {  	[tilespmem:$0x1FE30] =	vst v0;
	v0 =	vld [tilespmem:s15+$0x8910]  }
0xb1: {  	[tilespmem:$0x1FF10] =	vst v60;
	v60 =	vmul.f32 v49, v47;
	v47 =	vld [tilespmem:$0x1FD10]  }
0xb2: {  	v49 =	vmul.f32 v55, v51;
	v51 =	vld [tilespmem:$0x1FD20]  }
0xb3: {  	v43 =	vmul.f32 v52, v50;
	v52 =	vld [tilespmem:$0x1FD30]  }
0xb4: {  	v55 =	vld [tilespmem:$0x1FD40]  }
0xb5: {  	[tilespmem:$0x1FE40] =	vst v0;
	v0 =	vld [tilespmem:s15+$0x720]  }
0xb6: {  	v50 =	vmul.f32 v59, v57;
	v57 =	vld [tilespmem:$0x1FD50]  }
0xb7: {  	[tilespmem:$0x1FFC0] =	vst v39;
	v39 =	vmul.f32 v40, v58;
	v58 =	vld [tilespmem:$0x1FD60]  }
0xb8: {  	v59 =	vld [tilespmem:$0x1FD70]  }
0xb9: {  	v32 =	vmul.f32 v32, v30;
	v30 =	vmul.f32 v55, v52;
	v55 =	vld [tilespmem:$0x1FDF0]  }
0xba: {  	[tilespmem:$0x1FE50] =	vst v0;
	v0 =	vld [tilespmem:s15+$0x730]  }
0xbb: {  	v15 =	vld [tilespmem:$0x1FE00]  }
0xbc: {  	[tilespmem:$0x1FF90] =	vst v32;
	v32 =	vld [tilespmem:$0x1FD80]  }
0xbd: {  	[tilespmem:$0x1FFB0] =	vst v34;
	v34 =	vld [tilespmem:$0x1FD90]  }
0xbe: {  	v48 =	vmul.f32 v42, v41;
	v42 =	vmul.f32 v58, v57;
	v58 =	vld [tilespmem:$0x1FE10]  }
0xbf: {  	[tilespmem:$0x1FE60] =	vst v0;
	v0 =	vld [tilespmem:s15+$0x8730]  }
0xc0: {  	v55 =	vmul.f32 v15, v55;
	v15 =	vld [tilespmem:$0x1FE20]  }
0xc1: {  	v57 =	vmul.f32 v32, v59;
	v59 =	vld [tilespmem:$0x1FE30]  }
0xc2: {  	v10 =	vmul.f32 v24, v17;
	v17 =	vld [tilespmem:$0x1FE40]  }
0xc3: {  	v40 =	vld [tilespmem:$0x1FDA0]  }
0xc4: {  	[tilespmem:$0x1FE70] =	vst v0;
	v0 =	vld [tilespmem:s15+$0x740]  }
0xc5: {  	v41 =	vmul.f32 v45, v44;
	v45 =	vld [tilespmem:$0x1FDB0]  }
0xc6: {  	v44 =	vmul.f32 v51, v47;
	v47 =	vld [tilespmem:$0x1FDC0]  }
0xc7: {  	v15 =	vmul.f32 v15, v58;
	v58 =	vmul.f32 v17, v59;
	v17 =	vld [tilespmem:$0x1FE60]  }
0xc8: {  	v24 =	vld [tilespmem:$0x1FE70]  }
0xc9: {  	[tilespmem:$0x1FE80] =	vst v0;
	v0 =	vld [tilespmem:s15+$0x750]  }
0xca: {  	v12 =	vld [tilespmem:s15+$0x8620]  }
0xcb: {  	v53 =	vmul.f32 v7, v5;
	v7 =	vld [tilespmem:s15+$0x8640]  }
0xcc: {  	v11 =	vmul.f32 v31, v27;
	v5 =	vld [tilespmem:s15+$0x8650];
	v31 =	vmul.f32 v40, v34  }
0xcd: {  	v34 =	vmul.f32 v47, v45;
	v45 =	vmul.f32 v24, v17;
	v17 =	vld [tilespmem:$0x1FE80]  }
0xce: {  	[tilespmem:$0x1FE90] =	vst v0;
	v0 =	vld [tilespmem:s15+$0x8750]  }
0xcf: {  	v4 =	vmul.f32 v6, v4;
	v6 =	vld [tilespmem:s15+$0x660]  }
0xd0: {  	v27 =	vmul.f32 v54, v20;
	v54 =	vld [tilespmem:s15+$0x8680]  }
0xd1: {  	[tilespmem:$0x1FF00] =	vst v56;
	v56 =	vld [tilespmem:s15+$0x87F0]  }
0xd2: {  	v24 =	vmul.f32 v3, v17;
	v3 =	vld [tilespmem:$0x1FE90]  }
0xd3: {  	[tilespmem:$0x1FEA0] =	vst v0;
	v0 =	vld [tilespmem:s15+$0x760]  }
0xd4: {  	v17 =	vld [tilespmem:$0x1FEA0]  }
0xd5: {  	[tilespmem:$0x1FEF0] =	vst v53;
	v53 =	vld [tilespmem:s15+$0x800]  }
0xd6: {  	[tilespmem:$0x1FF30] =	vst v62;
	v62 =	vld [tilespmem:s15+$0x8800]  }
0xd7: {  	[tilespmem:$0x1FF80] =	vst v11;
	v11 =	vld [tilespmem:s15+$0x630]  }
0xd8: {  	[tilespmem:$0x1FEB0] =	vst v0;
	v0 =	vld [tilespmem:s15+$0x770]  }
0xd9: {  	v17 =	vmul.f32 v17, v3;
	v3 =	vld [tilespmem:$0x1FEB0]  }
0xda: {  	[tilespmem:$0x1FF60] =	vst v10;
	v10 =	vld [tilespmem:s15+$0x8630]  }
0xdb: {  	[tilespmem:$0x1FF50] =	vst v9;
	v9 =	vld [tilespmem:s15+$0x640]  }
0xdc: {  	v32 =	vld [tilespmem:$0x1FE50]  }
0xdd: {  	[tilespmem:$0x1FEC0] =	vst v0;
	v0 =	vld [tilespmem:s15+$0x790]  }
0xde: {  	v59 =	vmul.f32 v1, v3;
	v1 =	vld [tilespmem:$0x1FEC0]  }
0xdf: {  	[tilespmem:$0x1FF40] =	vst v8;
	v8 =	vld [tilespmem:s15+$0x650]  }
0xe0: {  	[tilespmem:$0x1FEE0] =	vst v4;
	v4 =	vld [tilespmem:s15+$0x670]  }
0xe1: {  	v49 =	vadd.f32 v49, v43;
	v43 =	vld [tilespmem:s15+$0x86D0]  }
0xe2: {  	v14 =	vmul.f32 v14, v22;
	v22 =	vld [tilespmem:s15+$0x6D0];
	[tilespmem:$0x1FED0] =	vst v0  }
0xe3: {  	v63 =	vmul.f32 v63, v32;
	v32 =	vmul.f32 v25, v1;
	v1 =	vld [tilespmem:$0x1FED0]  }
0xe4: {  	v51 =	vld [tilespmem:$0x1FDD0]  }
0xe5: {  	v52 =	vld [tilespmem:$0x1FDE0]  }
0xe6: {  	v29 =	vmul.f32 v29, v19;
	v19 =	vmul.f32 v56, v36;
	v36 =	vld [tilespmem:$0x1FEE0]  }
0xe7: {  	v56 =	vld [tilespmem:$0x1FF30]  }
0xe8: {  	v47 =	vld [tilespmem:s15+$0x8660];
	v20 =	vmul.f32 v18, v1  }
0xe9: {  	v18 =	vmul.f32 v26, v23;
	v23 =	vmul.f32 v37, v28;
	v37 =	vld [tilespmem:$0x1FEF0]  }
0xea: {  	v40 =	vmul.f32 v52, v51;
	v52 =	vld [tilespmem:s15+$0x8670]  }
0xeb: {  	v0 =	vld [tilespmem:s15+$0x7A0]  }
0xec: {  	v51 =	vld [tilespmem:$0x1FF00]  }
0xed: {  	v28 =	vmul.f32 v62, v53;
	v53 =	vld [tilespmem:$0x1FF10]  }
0xee: {  	v21 =	vmul.f32 v35, v21;
	v35 =	vmul.f32 v12, v13;
	v13 =	vadd.f32 v37, v36;
	v37 =	vld [tilespmem:$0x1FF40]  }
0xef: {  	v3 =	vld [tilespmem:s15+$0x680]  }
0xf0: {  	v25 =	vmul.f32 v2, v0;
	v2 =	vld [tilespmem:s15+$0x690]  }
0xf1: {  	v0 =	vld [tilespmem:s15+$0x8690]  }
0xf2: {  	v36 =	vmul.f32 v7, v9;
	v7 =	vadd.f32 v53, v51;
	v51 =	vld [tilespmem:$0x1FF50]  }
0xf3: {  	v53 =	vadd.f32 v37, v56;
	v56 =	vld [tilespmem:$0x1FF60]  }
0xf4: {  	v1 =	vld [tilespmem:s15+$0x6A0]  }
0xf5: {  	v62 =	vld [tilespmem:s15+$0x86A0]  }
0xf6: {  	v26 =	vld [tilespmem:s15+$0x6B0]  }
0xf7: {  	v37 =	vld [tilespmem:$0x1FF80]  }
0xf8: {  	v12 =	vmul.f32 v10, v11;
	v5 =	vmul.f32 v5, v8;
	[tilespmem:$0x1FF20] =	vst v7;
	v7 =	vadd.f32 v56, v51;
	v51 =	vld [tilespmem:$0x1FF90]  }
0xf9: {  	v6 =	vmul.f32 v47, v6;
	v4 =	vmul.f32 v52, v4;
	v52 =	vadd.f32 v41, v48;
	v9 =	vld [tilespmem:s15+$0x86B0]  }
0xfa: {  	v41 =	vadd.f32 v34, v31;
	v55 =	vadd.f32 v55, v40;
	v40 =	vmul.f32 v43, v22;
	v56 =	vld [tilespmem:$0x1FFB0]  }
0xfb: {  	v10 =	vld [tilespmem:s15+$0x6C0];
	v58 =	vadd.f32 v58, v15;
	v3 =	vmul.f32 v54, v3;
	v54 =	vadd.f32 v57, v42  }
0xfc: {  	v11 =	vld [tilespmem:s15+$0x86C0];
	v57 =	vimm.s32 $0xC;
	v42 =	vadd.f32 v21, v29;
	v29 =	vimm.f32 $0.0e+00  }
0xfd: {  	v59 =	vadd.f32 v32, v59;
	v2 =	vmul.f32 v0, v2;
	[tilespmem:$0x1FF70] =	vst v7;
	v7 =	vadd.f32 v51, v37;
	v37 =	vld [tilespmem:$0x1FFC0]  }
0xfe: {  	v0 =	vld [tilespmem:s15+$0x6E0];
	v22 =	vadd.f32 v5, v36;
	v9 =	vmul.f32 v9, v26;
	v26 =	vimm.f32 $0.0e+00  }
0xff: {  	v16 =	vadd.f32 v16, v56;
	v51 =	vadd.f32 v39, v50;
	[tilespmem:$0x1FFA0] =	vst v7;
	v7 =	vmul.f32 v62, v1;
	v1 =	vld [tilespmem:s15+$0x86E0]  }
0x100: {  	v56 =	vadd.f32 v30, v44;
	v39 =	vperm.xlane v61, v57;
	v44 =	vadd.f32 v19, v23  }
0x101: {  	v15 =	vld [tilespmem:s15+$0x86F0];
	v19 =	vadd.f32 v4, v6;
	v23 =	vadd.f32 v2, v3;
	v62 =	vimm.s32 $0xD  }
0x102: {  	v21 =	vld [tilespmem:s15+$0x8710];
	v57 =	vperm.xlane v61, v62;
	v47 =	vadd.f32 v46, v37;
	v46 =	vadd.f32 v60, v38  }
0x103: {  	v50 =	vld [tilespmem:s15+$0x6F0];
	v60 =	vadd.f32 v45, v63;
	v45 =	vmul.f32 v11, v10;
	v38 =	vadd.f32 v17, v24  }
0x104: {  	v11 =	vld [tilespmem:s15+$0x700];
	v24 =	vadd.f32 v20, v27;
	v20 =	vmul.f32 v1, v0;
	v1 =	vimm.s32 $0x9  }
0x105: {  	v37 =	vadd.f32 v18, v25;
	v63 =	vimm.s32 $0xE;
	v25 =	vld [tilespmem:s15+$0x710];
	v1 =	vperm.xlane v61, v1  }
0x106: {  	v27 =	vld [tilespmem:s15+$0x8700];
	v18 =	vadd.f32 v9, v7;
	v30 =	vperm.xlane v61, v63;
	v0 =	vimm.s32 $0x8  }
0x107: {  	v63 =	vadd.f32 v12, v35;
	v43 =	vperm.xlane v61, v0;
	[tilespmem:$0x1FFE0] =	vst v1;
	v1 =	vimm.s32 $0xA  }
0x108: {  	v0 =	vimm.s32 $0xF;
	v35 =	vperm.xlane v61, v1;
	v1 =	vperm.xlane v61, v33  }
0x109: {  	[tilespmem:$0x1FFD0] =	vst v46;
	v46 =	vimm.f32 $0.0e+00;
	v32 =	vperm.xlane v61, v0;
	v0 =	vmul.f32 v15, v50  }
0x10a: {  	v50 =	vadd.f32 v14, v28;
	v2 =	vmul.f32 v21, v25;
	[tilespmem:$0x1FFF0] =	vst v1;
	v1 =	vimm.s32 $0xB  }
0x10b: {  	s11 =	simm.s32 $0x1000;
	v28 =	vimm.f32 $0.0e+00;
	v36 =	vperm.xlane v61, v1;
	v1 =	vmul.f32 v27, v11  }
.LBB2_3:
0x10c: {  	v4 =	vadd.f32 v40, v45  }
0x10d: {  	v15 =	vimm.s32 $0x2;
	v0 =	vadd.f32 v0, v20;
	v1 =	vadd.f32 v2, v1  }
0x10e: {  	v6 =	vimm.s32 $0x7;
	v15 =	vperm.xlane v61, v15;
	v20 =	vimm.s32 $0x3  }
0x10f: {  	v20 =	vperm.xlane v61, v20;
	v4 =	vadd.f32 v4, v18;
	v0 =	vadd.f32 v1, v0  }
0x110: {  	v11 =	vld [tilespmem:$0x1FFD0];
	v6 =	vperm.xlane v61, v6  }
0x111: {  	v4 =	vmul.f32 v4, v15;
	v0 =	vmul.f32 v0, v20;
	v15 =	vadd.f32 v50, v44  }
0x112: {  	v3 =	vimm.s32 $0x5;
	v5 =	vimm.s32 $0x6;
	v9 =	vimm.s32 $0x0  }
0x113: {  	v17 =	vadd.f32 v58, v55;
	v0 =	vadd.f32 v0, v46;
	v6 =	vmul.f32 v15, v6  }
0x114: {  	v3 =	vperm.xlane v61, v3;
	v21 =	vadd.f32 v22, v63;
	v22 =	vadd.f32 v24, v59  }
0x115: {  	v59 =	vmul.f32 v17, v36;
	v11 =	vadd.f32 v11, v47;
	v0 =	vadd.f32 v6, v0  }
0x116: {  	v12 =	vimm.s32 $0x1;
	v5 =	vperm.xlane v61, v5;
	v9 =	vperm.xlane v61, v9  }
0x117: {  	v12 =	vperm.xlane v61, v12;
	v61 =	vmul.f32 v11, v32;
	v0 =	vadd.f32 v59, v0;
	_ =	sdelay $0x1  }
0x118: {  	v0 =	vadd.f32 v61, v0  }
0x119: {  	s12 =	sshra.s32 s11, $0x2  }
0x11a: {  	[tilespmem:$0x1FBC0] =	vst v0;
	v0 =	vld [tilespmem:s12+$0x8880];
	_ =	sdelay $0x4  }
0x11b: {  	[tilespmem:$0x1F7E0] =	vst v0;
	v0 =	vld [tilespmem:s12+$0x890];
	_ =	sdelay $0x4  }
0x11c: {  	[tilespmem:$0x1F7F0] =	vst v0;
	v0 =	vld [tilespmem:s12+$0x8890];
	_ =	sdelay $0x4  }
0x11d: {  	[tilespmem:$0x1F800] =	vst v0;
	v0 =	vld [tilespmem:s12+$0x8A0];
	_ =	sdelay $0x4  }
0x11e: {  	[tilespmem:$0x1F810] =	vst v0;
	v0 =	vld [tilespmem:s12+$0x88A0];
	_ =	sdelay $0x4  }
0x11f: {  	[tilespmem:$0x1F820] =	vst v0;
	v0 =	vld [tilespmem:s12+$0x8B0];
	_ =	sdelay $0x4  }
0x120: {  	[tilespmem:$0x1F830] =	vst v0;
	v0 =	vld [tilespmem:s12+$0x88B0];
	_ =	sdelay $0x4  }
0x121: {  	[tilespmem:$0x1F840] =	vst v0;
	v0 =	vld [tilespmem:s12+$0x8C0];
	_ =	sdelay $0x4  }
0x122: {  	[tilespmem:$0x1F850] =	vst v0;
	v0 =	vld [tilespmem:s12+$0x88C0];
	_ =	sdelay $0x4  }
0x123: {  	[tilespmem:$0x1F860] =	vst v0;
	v0 =	vld [tilespmem:s12+$0x8D0];
	_ =	sdelay $0x4  }
0x124: {  	[tilespmem:$0x1F870] =	vst v0;
	v0 =	vld [tilespmem:s12+$0x88D0];
	_ =	sdelay $0x4  }
0x125: {  	[tilespmem:$0x1F880] =	vst v0;
	v0 =	vld [tilespmem:s12+$0x8E0];
	_ =	sdelay $0x4  }
0x126: {  	[tilespmem:$0x1F890] =	vst v0;
	v0 =	vld [tilespmem:s12+$0x88E0];
	_ =	sdelay $0x4  }
0x127: {  	[tilespmem:$0x1F8A0] =	vst v0;
	v0 =	vld [tilespmem:s12+$0x8F0];
	_ =	sdelay $0x4  }
0x128: {  	[tilespmem:$0x1F8B0] =	vst v0;
	v0 =	vld [tilespmem:s12+$0x88F0];
	_ =	sdelay $0x4  }
0x129: {  	[tilespmem:$0x1F8C0] =	vst v0;
	v0 =	vld [tilespmem:s12+$0x900];
	_ =	sdelay $0x4  }
0x12a: {  	[tilespmem:$0x1F8D0] =	vst v0;
	v0 =	vld [tilespmem:s12+$0x8900];
	_ =	sdelay $0x4  }
0x12b: {  	[tilespmem:$0x1F8E0] =	vst v0;
	v0 =	vld [tilespmem:s12+$0x910];
	_ =	sdelay $0x4  }
0x12c: {  	[tilespmem:$0x1F8F0] =	vst v0;
	v0 =	vld [tilespmem:s12+$0x8910];
	_ =	sdelay $0x4  }
0x12d: {  	[tilespmem:$0x1F900] =	vst v0;
	v0 =	vld [tilespmem:s12+$0x720];
	_ =	sdelay $0x4  }
0x12e: {  	[tilespmem:$0x1F910] =	vst v0;
	v0 =	vld [tilespmem:s12+$0x8720];
	_ =	sdelay $0x4  }
0x12f: {  	[tilespmem:$0x1F920] =	vst v0;
	v0 =	vld [tilespmem:s12+$0x730];
	_ =	sdelay $0x4  }
0x130: {  	[tilespmem:$0x1F930] =	vst v0;
	v0 =	vld [tilespmem:s12+$0x8730];
	_ =	sdelay $0x4  }
0x131: {  	[tilespmem:$0x1F940] =	vst v0;
	v0 =	vld [tilespmem:s12+$0x740];
	_ =	sdelay $0x4  }
0x132: {  	[tilespmem:$0x1F950] =	vst v0;
	v0 =	vld [tilespmem:s12+$0x8740];
	_ =	sdelay $0x4  }
0x133: {  	[tilespmem:$0x1F960] =	vst v0;
	v0 =	vld [tilespmem:s12+$0x750];
	_ =	sdelay $0x4  }
0x134: {  	[tilespmem:$0x1F970] =	vst v0;
	v0 =	vld [tilespmem:s12+$0x8750];
	_ =	sdelay $0x4  }
0x135: {  	[tilespmem:$0x1F980] =	vst v0;
	v0 =	vld [tilespmem:s12+$0x760];
	_ =	sdelay $0x4  }
0x136: {  	[tilespmem:$0x1F990] =	vst v0;
	v0 =	vld [tilespmem:s12+$0x8760];
	_ =	sdelay $0x4  }
0x137: {  	[tilespmem:$0x1F9A0] =	vst v0;
	v0 =	vld [tilespmem:s12+$0x770];
	_ =	sdelay $0x4  }
0x138: {  	[tilespmem:$0x1F9B0] =	vst v0;
	v0 =	vld [tilespmem:s12+$0x8770];
	_ =	sdelay $0x4  }
0x139: {  	[tilespmem:$0x1F9C0] =	vst v0;
	v0 =	vld [tilespmem:s12+$0x780];
	_ =	sdelay $0x4  }
0x13a: {  	[tilespmem:$0x1F9D0] =	vst v0;
	v0 =	vld [tilespmem:s12+$0x8780];
	_ =	sdelay $0x4  }
0x13b: {  	[tilespmem:$0x1F9E0] =	vst v0;
	v0 =	vld [tilespmem:s12+$0x790];
	_ =	sdelay $0x4  }
0x13c: {  	[tilespmem:$0x1F9F0] =	vst v0;
	v0 =	vld [tilespmem:s12+$0x8790];
	_ =	sdelay $0x4  }
0x13d: {  	[tilespmem:$0x1FA00] =	vst v0;
	v0 =	vld [tilespmem:s12+$0x7A0];
	_ =	sdelay $0x4  }
0x13e: {  	[tilespmem:$0x1FA10] =	vst v0;
	v0 =	vld [tilespmem:s12+$0x87A0];
	_ =	sdelay $0x4  }
0x13f: {  	[tilespmem:$0x1FA20] =	vst v0;
	v0 =	vld [tilespmem:s12+$0x7B0];
	_ =	sdelay $0x4  }
0x140: {  	[tilespmem:$0x1FA30] =	vst v0;
	v0 =	vld [tilespmem:s12+$0x87B0];
	_ =	sdelay $0x4  }
0x141: {  	[tilespmem:$0x1FA40] =	vst v0;
	v0 =	vld [tilespmem:s12+$0x7C0];
	_ =	sdelay $0x4  }
0x142: {  	[tilespmem:$0x1FA50] =	vst v0;
	v0 =	vld [tilespmem:s12+$0x87C0];
	_ =	sdelay $0x4  }
0x143: {  	[tilespmem:$0x1FA60] =	vst v0;
	v0 =	vld [tilespmem:s12+$0x7D0];
	_ =	sdelay $0x4  }
0x144: {  	[tilespmem:$0x1FA70] =	vst v0;
	v0 =	vld [tilespmem:s12+$0x87D0];
	_ =	sdelay $0x4  }
0x145: {  	s10 =	sadd.s32 $0x10, s10;
	[tilespmem:$0x1FA80] =	vst v0;
	v0 =	vld [tilespmem:s12+$0x7E0]  }
0x146: {  	v61 =	vld [tilespmem:s10+$0x0];
	_ =	sdelay $0x3  }
0x147: {  	[tilespmem:$0x1FA90] =	vst v0;
	v0 =	vimm.s32 $0xC  }
0x148: {  	v0 =	vperm.xlane v61, v0;
	_ =	sdelay $0x1  }
0x149: {  	[tilespmem:$0x1FBA0] =	vst v0;
	v0 =	vld [tilespmem:s12+$0x87E0];
	_ =	sdelay $0x4  }
0x14a: {  	[tilespmem:$0x1FAA0] =	vst v0;
	v0 =	vimm.s32 $0xD  }
0x14b: {  	v0 =	vperm.xlane v61, v0;
	_ =	sdelay $0x1  }
0x14c: {  	[tilespmem:$0x1FC00] =	vst v0;
	v0 =	vimm.s32 $0xE  }
0x14d: {  	v0 =	vperm.xlane v61, v0;
	_ =	sdelay $0x1  }
0x14e: {  	[tilespmem:$0x1FBD0] =	vst v0;
	v0 =	vld [tilespmem:s12+$0x7F0];
	_ =	sdelay $0x4  }
0x14f: {  	[tilespmem:$0x1FAB0] =	vst v0;
	v0 =	vimm.s32 $0x8  }
0x150: {  	v0 =	vperm.xlane v61, v0;
	_ =	sdelay $0x1  }
0x151: {  	[tilespmem:$0x1FB90] =	vst v0;
	v0 =	vimm.s32 $0xF  }
0x152: {  	v0 =	vperm.xlane v61, v0;
	_ =	sdelay $0x1  }
0x153: {  	[tilespmem:$0x1FC20] =	vst v0;
	v0 =	vld [tilespmem:s12+$0x87F0];
	_ =	sdelay $0x4  }
0x154: {  	[tilespmem:$0x1FAC0] =	vst v0;
	v0 =	vimm.s32 $0x9  }
0x155: {  	v0 =	vperm.xlane v61, v0;
	_ =	sdelay $0x1  }
0x156: {  	v18 =	vld [tilespmem:$0x1FFE0];
	[tilespmem:$0x1FFE0] =	vst v0;
	v0 =	vimm.s32 $0xA  }
0x157: {  	v0 =	vperm.xlane v61, v0;
	_ =	sdelay $0x1  }
0x158: {  	[tilespmem:$0x1FBB0] =	vst v0;
	v0 =	vld [tilespmem:s12+$0x800];
	_ =	sdelay $0x4  }
0x159: {  	v7 =	vld [tilespmem:$0x1FF70];
	[tilespmem:$0x1FAD0] =	vst v0;
	v0 =	vimm.s32 $0x4  }
0x15a: {  	v8 =	vld [tilespmem:$0x1FFA0];
	v0 =	vperm.xlane v61, v0  }
0x15b: {  	v25 =	vld [tilespmem:s12+$0x920]  }
0x15c: {  	v1 =	vld [tilespmem:$0x1FFF0];
	[tilespmem:$0x1FFF0] =	vst v0;
	v0 =	vimm.s32 $0xB  }
0x15d: {  	v2 =	vld [tilespmem:$0x1FF20];
	v0 =	vperm.xlane v61, v0  }
0x15e: {  	v27 =	vld [tilespmem:s12+$0x8920]  }
0x15f: {  	[tilespmem:$0x1FBF0] =	vst v0;
	v0 =	vld [tilespmem:s12+$0x810]  }
0x160: {  	v31 =	vld [tilespmem:s12+$0x930]  }
0x161: {  	v10 =	vadd.f32 v51, v49;
	v33 =	vld [tilespmem:s12+$0x8930];
	v19 =	vadd.f32 v23, v19  }
0x162: {  	v14 =	vadd.f32 v41, v54;
	v34 =	vld [tilespmem:s12+$0x940];
	v3 =	vmul.f32 v22, v3;
	v9 =	vmul.f32 v21, v9  }
0x163: {  	v49 =	vld [tilespmem:s12+$0x8940];
	v12 =	vmul.f32 v19, v12;
	v8 =	vadd.f32 v16, v8;
	v16 =	vadd.f32 v38, v60  }
0x164: {  	v24 =	vld [tilespmem:s12+$0x950];
	v10 =	vmul.f32 v10, v43;
	v9 =	vadd.f32 v9, v28;
	[tilespmem:$0x1FAE0] =	vst v0;
	v0 =	vmul.f32 v27, v25  }
0x165: {  	v23 =	vld [tilespmem:s12+$0x8950];
	v2 =	vadd.f32 v2, v13;
	v13 =	vadd.f32 v56, v52;
	v1 =	vmul.f32 v16, v1  }
0x166: {  	v22 =	vld [tilespmem:s12+$0x8960];
	v7 =	vadd.f32 v7, v53;
	v12 =	vadd.f32 v12, v29;
	[tilespmem:$0x1FAF0] =	vst v0;
	v0 =	vmul.f32 v33, v31  }
0x167: {  	v13 =	vmul.f32 v13, v18;
	v18 =	vld [tilespmem:s12+$0x960];
	v16 =	vadd.f32 v42, v37;
	v1 =	vadd.f32 v1, v9  }
0x168: {  	v19 =	vld [tilespmem:s12+$0x970];
	v4 =	vadd.f32 v4, v26;
	v3 =	vadd.f32 v3, v12;
	[tilespmem:$0x1FB00] =	vst v0;
	v0 =	vmul.f32 v49, v34  }
0x169: {  	v20 =	vld [tilespmem:s12+$0x8970];
	v2 =	vmul.f32 v2, v39;
	v5 =	vmul.f32 v16, v5;
	v1 =	vadd.f32 v10, v1  }
0x16a: {  	v58 =	vmul.f32 v14, v35;
	v15 =	vld [tilespmem:s12+$0x8980];
	v3 =	vadd.f32 v13, v3;
	[tilespmem:$0x1FB10] =	vst v0;
	v0 =	vmul.f32 v23, v24  }
0x16b: {  	v7 =	vmul.f32 v7, v57;
	v16 =	vld [tilespmem:s12+$0x980];
	v4 =	vadd.f32 v5, v4;
	v1 =	vadd.f32 v2, v1  }
0x16c: {  	v14 =	vld [tilespmem:s12+$0x8990];
	[tilespmem:$0x1FB20] =	vst v0;
	v0 =	vmul.f32 v22, v18  }
0x16d: {  	v12 =	vld [tilespmem:s12+$0x990];
	v60 =	vmul.f32 v8, v30;
	v4 =	vadd.f32 v58, v4;
	[tilespmem:$0x1FBE0] =	vst v1;
	v1 =	vadd.f32 v7, v3  }
0x16e: {  	v8 =	vld [tilespmem:s12+$0x9A0];
	[tilespmem:$0x1FB30] =	vst v0;
	v0 =	vmul.f32 v20, v19  }
0x16f: {  	v9 =	vld [tilespmem:s12+$0x89A0];
	[tilespmem:$0x1FC10] =	vst v1;
	v1 =	vadd.f32 v60, v4  }
0x170: {  	v4 =	vld [tilespmem:s12+$0x89C0];
	[tilespmem:$0x1FB40] =	vst v0;
	v0 =	vmul.f32 v15, v16  }
0x171: {  	[tilespmem:$0x1FC30] =	vst v1;
	v1 =	vld [tilespmem:s12+$0x9C0]  }
0x172: {  	[tilespmem:$0x1FB50] =	vst v0;
	v0 =	vmul.f32 v14, v12  }
0x173: {  	v45 =	vld [tilespmem:s12+$0x8850]  }
0x174: {  	v62 =	vld [tilespmem:s12+$0x8870];
	[tilespmem:$0x1FB60] =	vst v0;
	v0 =	vmul.f32 v9, v8  }
0x175: {  	v43 =	vld [tilespmem:s12+$0x850]  }
0x176: {  	v47 =	vld [tilespmem:s12+$0x870];
	[tilespmem:$0x1FB70] =	vst v0;
	v0 =	vmul.f32 v4, v1  }
0x177: {  	v53 =	vld [tilespmem:s12+$0x880]  }
0x178: {  	[tilespmem:$0x1FB80] =	vst v0;
	v0 =	vld [tilespmem:$0x1F7E0];
	_ =	sdelay $0x1  }
0x179: {  	v44 =	vld [tilespmem:s12+$0x860]  }
0x17a: {  	v46 =	vld [tilespmem:s12+$0x8860]  }
0x17b: {  	v50 =	vmul.f32 v45, v43;
	v1 =	vld [tilespmem:$0x1F800]  }
0x17c: {  	v45 =	vmul.f32 v62, v47;
	v47 =	vmul.f32 v0, v53;
	v0 =	vld [tilespmem:$0x1F7F0];
	_ =	sdelay $0x4  }
0x17d: {  	v46 =	vmul.f32 v46, v44;
	v44 =	vmul.f32 v1, v0;
	v0 =	vld [tilespmem:$0x1F810]  }
0x17e: {  	v1 =	vld [tilespmem:$0x1F820];
	_ =	sdelay $0x2  }
0x17f: {  	v40 =	vld [tilespmem:s12+$0x8830]  }
0x180: {  	v37 =	vld [tilespmem:s12+$0x830]  }
0x181: {  	v43 =	vmul.f32 v1, v0;
	v0 =	vld [tilespmem:$0x1F830]  }
0x182: {  	v1 =	vld [tilespmem:$0x1F840];
	_ =	sdelay $0x2  }
0x183: {  	v41 =	vld [tilespmem:s12+$0x8840]  }
0x184: {  	v39 =	vld [tilespmem:s12+$0x840]  }
0x185: {  	v49 =	vmul.f32 v40, v37;
	v40 =	vmul.f32 v1, v0;
	v0 =	vld [tilespmem:$0x1F850]  }
0x186: {  	v1 =	vld [tilespmem:$0x1F860];
	_ =	sdelay $0x4  }
0x187: {  	v52 =	vmul.f32 v41, v39;
	v41 =	vmul.f32 v1, v0;
	v0 =	vld [tilespmem:$0x1F870]  }
0x188: {  	v1 =	vld [tilespmem:$0x1F880];
	_ =	sdelay $0x2  }
0x189: {  	v35 =	vld [tilespmem:s12+$0x8820]  }
0x18a: {  	v32 =	vld [tilespmem:s12+$0x820]  }
0x18b: {  	v39 =	vmul.f32 v1, v0;
	v0 =	vld [tilespmem:$0x1F890]  }
0x18c: {  	v1 =	vld [tilespmem:$0x1F8A0];
	_ =	sdelay $0x4  }
0x18d: {  	v51 =	vmul.f32 v35, v32;
	v35 =	vmul.f32 v1, v0;
	v0 =	vld [tilespmem:$0x1F8B0]  }
0x18e: {  	v1 =	vld [tilespmem:$0x1F8C0];
	_ =	sdelay $0x4  }
0x18f: {  	v32 =	vmul.f32 v1, v0;
	v0 =	vld [tilespmem:$0x1F8D0]  }
0x190: {  	v1 =	vld [tilespmem:$0x1F8E0];
	_ =	sdelay $0x4  }
0x191: {  	v38 =	vmul.f32 v1, v0;
	v0 =	vld [tilespmem:$0x1F8F0]  }
0x192: {  	v1 =	vld [tilespmem:$0x1F900];
	_ =	sdelay $0x2  }
0x193: {  	v28 =	vld [tilespmem:s12+$0xA10]  }
0x194: {  	v30 =	vld [tilespmem:s12+$0x8A10]  }
0x195: {  	v37 =	vmul.f32 v1, v0;
	v0 =	vld [tilespmem:$0x1F910]  }
0x196: {  	v1 =	vld [tilespmem:$0x1F920];
	_ =	sdelay $0x2  }
0x197: {  	v17 =	vld [tilespmem:s12+$0xA00]  }
0x198: {  	v26 =	vld [tilespmem:s12+$0x8A00]  }
0x199: {  	v55 =	vmul.f32 v30, v28;
	v30 =	vmul.f32 v1, v0;
	v0 =	vld [tilespmem:$0x1F930]  }
0x19a: {  	v1 =	vld [tilespmem:$0x1F940];
	_ =	sdelay $0x4  }
0x19b: {  	v58 =	vmul.f32 v26, v17;
	v26 =	vmul.f32 v1, v0;
	v0 =	vld [tilespmem:$0x1F950]  }
0x19c: {  	v1 =	vld [tilespmem:$0x1F960];
	_ =	sdelay $0x4  }
0x19d: {  	v34 =	vmul.f32 v1, v0;
	v0 =	vld [tilespmem:$0x1F970]  }
0x19e: {  	v1 =	vld [tilespmem:$0x1F980];
	_ =	sdelay $0x4  }
0x19f: {  	v28 =	vmul.f32 v1, v0;
	v0 =	vld [tilespmem:$0x1F990]  }
0x1a0: {  	v1 =	vld [tilespmem:$0x1F9A0];
	_ =	sdelay $0x2  }
0x1a1: {  	v21 =	vld [tilespmem:s12+$0x89F0]  }
0x1a2: {  	v11 =	vld [tilespmem:s12+$0x9F0]  }
0x1a3: {  	v27 =	vmul.f32 v1, v0;
	v0 =	vld [tilespmem:$0x1F9B0]  }
0x1a4: {  	v1 =	vld [tilespmem:$0x1F9C0];
	_ =	sdelay $0x4  }
0x1a5: {  	v54 =	vmul.f32 v21, v11;
	v21 =	vmul.f32 v1, v0;
	v0 =	vld [tilespmem:$0x1F9D0]  }
0x1a6: {  	v1 =	vld [tilespmem:$0x1F9E0];
	_ =	sdelay $0x4  }
0x1a7: {  	v25 =	vmul.f32 v1, v0;
	v0 =	vld [tilespmem:$0x1F9F0]  }
0x1a8: {  	v1 =	vld [tilespmem:$0x1FA00];
	_ =	sdelay $0x4  }
0x1a9: {  	v20 =	vmul.f32 v1, v0;
	v0 =	vld [tilespmem:$0x1FA10]  }
0x1aa: {  	v1 =	vld [tilespmem:$0x1FA20];
	_ =	sdelay $0x4  }
0x1ab: {  	v17 =	vmul.f32 v1, v0;
	v0 =	vld [tilespmem:$0x1FA30]  }
0x1ac: {  	v1 =	vld [tilespmem:$0x1FA40]  }
0x1ad: {  	v63 =	vld [tilespmem:s12+$0x8800]  }
0x1ae: {  	v48 =	vld [tilespmem:s12+$0x8620]  }
0x1af: {  	v36 =	vld [tilespmem:s12+$0x8630]  }
0x1b0: {  	v62 =	vld [tilespmem:$0x1FA60]  }
0x1b1: {  	v15 =	vmul.f32 v1, v0;
	v1 =	vld [tilespmem:$0x1FA50]  }
0x1b2: {  	v29 =	vld [tilespmem:s12+$0x8640]  }
0x1b3: {  	v57 =	vld [tilespmem:s12+$0x8810]  }
0x1b4: {  	v42 =	vld [tilespmem:s12+$0x630]  }
0x1b5: {  	v53 =	vld [tilespmem:$0x1FA80]  }
0x1b6: {  	v62 =	vmul.f32 v62, v1;
	v1 =	vld [tilespmem:$0x1FA70]  }
0x1b7: {  	v6 =	vld [tilespmem:s12+$0x9E0]  }
0x1b8: {  	v13 =	vld [tilespmem:s12+$0x620]  }
0x1b9: {  	v5 =	vld [tilespmem:s12+$0x9D0]  }
0x1ba: {  	v8 =	vld [tilespmem:$0x1FA90]  }
0x1bb: {  	v14 =	vmul.f32 v53, v1;
	v53 =	vld [tilespmem:$0x1FAA0]  }
0x1bc: {  	v10 =	vld [tilespmem:s12+$0x89E0]  }
0x1bd: {  	v2 =	vld [tilespmem:s12+$0x9B0]  }
0x1be: {  	v3 =	vld [tilespmem:s12+$0x89B0]  }
0x1bf: {  	v7 =	vld [tilespmem:s12+$0x89D0]  }
0x1c0: {  	v9 =	vmul.f32 v53, v8;
	v8 =	vld [tilespmem:$0x1FAB0]  }
0x1c1: {  	v53 =	vld [tilespmem:$0x1FAC0]  }
0x1c2: {  	v11 =	vld [tilespmem:s12+$0x8670]  }
0x1c3: {  	v36 =	vmul.f32 v36, v42;
	v42 =	vld [tilespmem:s12+$0x6D0]  }
0x1c4: {  	v59 =	vmul.f32 v7, v5;
	v5 =	vld [tilespmem:s12+$0x6A0]  }
0x1c5: {  	v60 =	vmul.f32 v3, v2;
	v2 =	vld [tilespmem:s12+$0x86A0]  }
0x1c6: {  	v8 =	vmul.f32 v53, v8;
	v53 =	vld [tilespmem:$0x1FAD0]  }
0x1c7: {  	v56 =	vmul.f32 v10, v6;
	v6 =	vld [tilespmem:s12+$0x8680]  }
0x1c8: {  	v7 =	vld [tilespmem:s12+$0x690]  }
0x1c9: {  	v3 =	vld [tilespmem:s12+$0x6B0]  }
0x1ca: {  	v2 =	vmul.f32 v2, v5;
	v5 =	vld [tilespmem:s12+$0x8700]  }
0x1cb: {  	v10 =	vmul.f32 v63, v53;
	v63 =	vld [tilespmem:$0x1FAE0]  }
0x1cc: {  	v33 =	vld [tilespmem:s12+$0x640]  }
0x1cd: {  	v31 =	vld [tilespmem:s12+$0x650]  }
0x1ce: {  	v48 =	vmul.f32 v48, v13;
	v13 =	vld [tilespmem:$0x1FAF0]  }
0x1cf: {  	v23 =	vld [tilespmem:s12+$0x660]  }
0x1d0: {  	v57 =	vmul.f32 v57, v63;
	v63 =	vld [tilespmem:$0x1FB00]  }
0x1d1: {  	v24 =	vld [tilespmem:s12+$0x86C0]  }
0x1d2: {  	v22 =	vld [tilespmem:s12+$0x8650]  }
0x1d3: {  	v18 =	vld [tilespmem:s12+$0x8660]  }
0x1d4: {  	v53 =	vld [tilespmem:$0x1FB10]  }
0x1d5: {  	v49 =	vadd.f32 v49, v51;
	v13 =	vadd.f32 v63, v13;
	v63 =	vld [tilespmem:$0x1FB20]  }
0x1d6: {  	v51 =	vadd.f32 v50, v52;
	v52 =	vadd.f32 v45, v46;
	v46 =	vld [tilespmem:$0x1FBC0]  }
0x1d7: {  	v29 =	vmul.f32 v29, v33;
	v33 =	vld [tilespmem:s12+$0x86D0]  }
0x1d8: {  	v19 =	vld [tilespmem:s12+$0x670]  }
0x1d9: {  	v22 =	vmul.f32 v22, v31;
	v31 =	vld [tilespmem:s12+$0x6E0]  }
0x1da: {  	v23 =	vmul.f32 v18, v23;
	v18 =	vld [tilespmem:s12+$0x6F0];
	v53 =	vadd.f32 v63, v53  }
0x1db: {  	v63 =	vld [tilespmem:$0x1FB40]  }
0x1dc: {  	[tilespmem:$0x1FF20] =	vst v53;
	v53 =	vld [tilespmem:$0x1FB30]  }
0x1dd: {  	v12 =	vld [tilespmem:s12+$0x680]  }
0x1de: {  	v4 =	vld [tilespmem:s12+$0x8690]  }
0x1df: {  	v22 =	vadd.f32 v22, v29;
	v29 =	vld [tilespmem:$0x1FC10]  }
0x1e0: {  	v16 =	vld [tilespmem:$0x1FB60]  }
0x1e1: {  	v53 =	vadd.f32 v63, v53;
	v63 =	vld [tilespmem:$0x1FB50]  }
0x1e2: {  	v54 =	vadd.f32 v54, v56;
	v6 =	vmul.f32 v6, v12;
	v12 =	vld [tilespmem:s12+$0x86F0]  }
0x1e3: {  	v4 =	vmul.f32 v4, v7;
	v7 =	vld [tilespmem:s12+$0x700]  }
0x1e4: {  	v56 =	vadd.f32 v44, v47;
	v47 =	vmov v54;
	v54 =	vadd.f32 v40, v43;
	v43 =	vld [tilespmem:$0x1FB90]  }
0x1e5: {  	v41 =	vadd.f32 v39, v41;
	v39 =	vld [tilespmem:$0x1FBA0]  }
0x1e6: {  	v63 =	vadd.f32 v16, v63;
	v16 =	vld [tilespmem:$0x1FB70]  }
0x1e7: {  	v11 =	vmul.f32 v11, v19;
	v19 =	vadd.f32 v55, v58;
	v55 =	vadd.f32 v32, v35;
	v35 =	vld [tilespmem:$0x1FBB0]  }
0x1e8: {  	v32 =	vld [tilespmem:s12+$0x710]  }
0x1e9: {  	v0 =	vld [tilespmem:s12+$0x86B0]  }
0x1ea: {  	v58 =	vadd.f32 v37, v38;
	v38 =	vadd.f32 v28, v34;
	v28 =	vld [tilespmem:$0x1FBE0]  }
0x1eb: {  	v1 =	vld [tilespmem:s12+$0x6C0];
	v60 =	vadd.f32 v60, v16  }
0x1ec: {  	[tilespmem:$0x1FF70] =	vst v63;
	v63 =	vld [tilespmem:s12+$0x86E0]  }
0x1ed: {  	[tilespmem:$0x1FFA0] =	vst v60;
	v60 =	vadd.f32 v26, v30;
	v26 =	vld [tilespmem:s12+$0x8710]  }
0x1ee: {  	p1 =	sne.s32 s11, $0xF000;
	[tilespmem:$0x1FFD0] =	vst v19;
	v19 =	vadd.f32 v11, v23;
	v23 =	vadd.f32 v4, v6;
	v3 =	vmul.f32 v0, v3;
	v16 =	vld [tilespmem:$0x1FB80]  }
.Ltmp0:
0x1ef: {  	v40 =	vmul.f32 v33, v42;
	v37 =	vadd.f32 v15, v17;
	v50 =	vadd.f32 v57, v10;
	v57 =	vld [tilespmem:$0x1FC00];
	(pc) =	sbr.rel @p1 .LBB2_3-.Ltmp0, $4  }
0x1f0: {  	v0 =	vmul.f32 v12, v18;
	v18 =	vadd.f32 v3, v2;
	v45 =	vmul.f32 v24, v1;
	v30 =	vld [tilespmem:$0x1FBD0]  }
0x1f1: {  	v24 =	vadd.f32 v20, v25;
	v20 =	vmul.f32 v63, v31;
	v63 =	vadd.f32 v36, v48;
	v36 =	vld [tilespmem:$0x1FBF0]  }
0x1f2: {  	v42 =	vadd.f32 v14, v62;
	v44 =	vadd.f32 v8, v9;
	v2 =	vmul.f32 v26, v32;
	v32 =	vld [tilespmem:$0x1FC20]  }
0x1f3: {  	s11 =	sadd.s32 $0x1000, s11;
	v1 =	vmul.f32 v5, v7;
	v16 =	vadd.f32 v59, v16;
	v59 =	vadd.f32 v21, v27;
	v26 =	vld [tilespmem:$0x1FC30]  }
0x1f4: {  	s10 =	simm.s32 @!p0 $0x1  }
0x1f5: {  	_ =	swait.ge @!p0 [sflag:s10], $0x100  }
0x1f6: {  	[sflag:s10] =	ssyncset.done @!p0 $0x0  }
0x1f7: {  	[sflag:s10] =	ssyncadd.s32 @!p0 $0xFFFFFF00  }
0x1f8: {  	_ =	swait.ge @!p0 [sflag:s10], $0x100  }
0x1f9: {  	s11 =	simm.s32 @!p0 $0x0;
	[sflag:s10] =	ssyncset.done @!p0 $0x0  }
0x1fa: {  	s12 =	simm.s32 @!p0 $0x620;
	[sflag:s10] =	ssyncadd.s32 @!p0 $0xFFFFFF00;
	s10 =	simm.s32 @!p0 $0x80  }
0x1fb: {  	[tilespmem:s12], [sflag:$0x3] =	stream.indirect.gather @!p0 [hbm4b:s6+s10], $0x40, s11, s10, $0xb8;
	[tilespmem:$0x10630] =	vst v63  }
0x1fc: {  	s15 =	simm.s32 @!p0 $0x8620;
	s12 =	simm.s32 @!p0 $0x200  }
0x1fd: {  	[tilespmem:s15], [sflag:$0x3] =	stream.indirect.gather @!p0 [hbm4b:s6+s10], $0x40, s12, s10, $0xb8;
	[tilespmem:$0x10630] =	vst v63  }
0x1fe: {  	s12 =	simm.s32 @!p0 $0x2620  }
0x1ff: {  	[tilespmem:s12], [sflag:$0x3] =	stream.indirect.gather @!p0 [hbm4b:s6+s10], $0x40, s10, s10, $0xb8;
	[tilespmem:$0x10630] =	vst v63  }
0x200: {  	s15 =	simm.s32 @!p0 $0xA620;
	s12 =	simm.s32 @!p0 $0x280  }
0x201: {  	[tilespmem:s15], [sflag:$0x3] =	stream.indirect.gather @!p0 [hbm4b:s6+s10], $0x40, s12, s10, $0xb8;
	[tilespmem:$0x10630] =	vst v63  }
0x202: {  	_ =	swait.ge [sflag:s22], $0x2000  }
0x203: {  	[sflag:s22] =	ssyncset.done $0x0  }
0x204: {  	[sflag:s22] =	ssyncadd.s32 $0xFFFFE000  }
0x205: {  	_ =	swait.ge [sflag:s22], $0x2000  }
0x206: {  	[sflag:s22] =	ssyncset.done $0x0  }
0x207: {  	[sflag:s22] =	ssyncadd.s32 $0xFFFFE000  }
0x208: {  	_ =	swait.ge [sflag:s22], $0x2000  }
0x209: {  	[sflag:s22] =	ssyncset.done $0x0  }
0x20a: {  	[sflag:s22] =	ssyncadd.s32 $0xFFFFE000  }
0x20b: {  	s9 =	sadd.s32 @!p0 s9, s14;
	_ =	swait.ge [sflag:s22], $0x2000  }
0x20c: {  	s9 =	sshrl.u32 @!p0 s9, $0x3;
	[sflag:s22] =	ssyncset.done $0x0  }
0x20d: {  	s10 =	sadd.s32 @!p0 s2, s9;
	s12 =	simm.s32 @!p0 $0x100;
	[sflag:s22] =	ssyncadd.s32 $0xFFFFE000  }
0x20e: {  	[tilespmem:s12], [sflag:$0x1] =	stream.linear.gather @!p0 [hbm4b:s10+s11], $0x100, $0x38;
	[tilespmem:$0x10630] =	vst v63  }
0x20f: {  	s9 =	sadd.s32 @!p0 s4, s9;
	s10 =	simm.s32 @!p0 $0x300  }
0x210: {  	[tilespmem:s10], [sflag:$0x1] =	stream.linear.gather @!p0 [hbm4b:s9+s11], $0x100, $0x38;
	[tilespmem:$0x10630] =	vst v63  }
0x211: {  	s8 =	sadd.s32 @!p0 s1, s8;
	s9 =	simm.s32 @!p0 $0x400  }
0x212: {  	[tilespmem:s9], [sflag:$0x2] =	stream.linear.gather @!p0 [hbm4b:s8+s11], $0x100, $0x38;
	[tilespmem:$0x10630] =	vst v63  }
0x213: {  	_ =	swait.ge [sflag:s24], $0x100  }
0x214: {  	[sflag:s24] =	ssyncset.done $0x0  }
0x215: {  	s15 =	simm.s32 $0x0;
	[sflag:s24] =	ssyncadd.s32 $0xFFFFFF00  }
0x216: {  	v3 =	vld [tilespmem:s15+$0xC920];
	_ =	sdelay $0x4  }
0x217: {  	[tilespmem:$0x1F210] =	vst v3;
	v3 =	vld [tilespmem:s15+$0xC930];
	_ =	sdelay $0x4  }
0x218: {  	[tilespmem:$0x1F220] =	vst v3;
	v3 =	vld [tilespmem:s15+$0x4940];
	_ =	sdelay $0x4  }
0x219: {  	[tilespmem:$0x1F230] =	vst v3;
	v3 =	vld [tilespmem:s15+$0xC940];
	_ =	sdelay $0x4  }
0x21a: {  	[tilespmem:$0x1F240] =	vst v3;
	v3 =	vld [tilespmem:s15+$0xC950];
	_ =	sdelay $0x4  }
0x21b: {  	[tilespmem:$0x1F250] =	vst v3;
	v3 =	vld [tilespmem:s15+$0x4960];
	_ =	sdelay $0x2  }
0x21c: {  	v34 =	vld [tilespmem:$0x1FF20]  }
0x21d: {  	v31 =	vadd.f32 v40, v45;
	v40 =	vld [tilespmem:$0x1FF70]  }
0x21e: {  	[tilespmem:$0x1F260] =	vst v3;
	v3 =	vld [tilespmem:s15+$0xC960]  }
0x21f: {  	v22 =	vadd.f32 v22, v63;
	v63 =	vld [tilespmem:$0x1FFF0]  }
0x220: {  	v27 =	vld [tilespmem:s15+$0x4920]  }
0x221: {  	v8 =	vld [tilespmem:s15+$0x4930]  }
0x222: {  	v10 =	vld [tilespmem:s15+$0x4950]  }
0x223: {  	[tilespmem:$0x1F270] =	vst v3;
	v3 =	vld [tilespmem:s15+$0xC970]  }
0x224: {  	v11 =	vld [tilespmem:s15+$0x4970]  }
0x225: {  	v12 =	vld [tilespmem:s15+$0x4990]  }
0x226: {  	v15 =	vld [tilespmem:s15+$0x49B0]  }
0x227: {  	v21 =	vld [tilespmem:s15+$0x49D0]  }
0x228: {  	[tilespmem:$0x1F280] =	vst v3;
	v3 =	vld [tilespmem:s15+$0x4980]  }
0x229: {  	s8 =	simm.s32 $0x510;
	v62 =	vld [tilespmem:s15+$0x49F0]  }
0x22a: {  	v25 =	vld [tilespmem:s8+$0x0]  }
0x22b: {  	v14 =	vld [tilespmem:s15+$0xC820]  }
0x22c: {  	v4 =	vld [tilespmem:s15+$0xC860]  }
0x22d: {  	[tilespmem:$0x1F290] =	vst v3;
	v3 =	vld [tilespmem:s15+$0xC980]  }
0x22e: {  	v5 =	vld [tilespmem:s15+$0x4890]  }
0x22f: {  	v6 =	vld [tilespmem:s15+$0xC890]  }
0x230: {  	v9 =	vld [tilespmem:s15+$0x48A0]  }
0x231: {  	v7 =	vld [tilespmem:s15+$0x48B0]  }
0x232: {  	[tilespmem:$0x1F2A0] =	vst v3;
	v3 =	vld [tilespmem:s15+$0xC990]  }
0x233: {  	v17 =	vld [tilespmem:s15+$0x48D0]  }
0x234: {  	v48 =	vld [tilespmem:s15+$0xC760]  }
0x235: {  	v45 =	vld [tilespmem:s15+$0x4770]  }
0x236: {  	v41 =	vadd.f32 v41, v54;
	v54 =	vld [tilespmem:s15+$0x4790]  }
0x237: {  	[tilespmem:$0x1F2B0] =	vst v3;
	v3 =	vld [tilespmem:s15+$0x49A0]  }
0x238: {  	v40 =	vadd.f32 v40, v53;
	v53 =	vld [tilespmem:$0x1FFD0]  }
0x239: {  	v34 =	vadd.f32 v34, v13;
	v13 =	vld [tilespmem:s15+$0x4640]  }
0x23a: {  	[tilespmem:$0x1F440] =	vst v5;
	v5 =	vld [tilespmem:s15+$0xC8A0]  }
0x23b: {  	[tilespmem:$0x1F450] =	vst v7;
	v7 =	vld [tilespmem:s15+$0xC8B0]  }
0x23c: {  	[tilespmem:$0x1F2C0] =	vst v3;
	v3 =	vld [tilespmem:s15+$0xC9A0]  }
0x23d: {  	[tilespmem:$0x1F490] =	vst v17;
	v17 =	vld [tilespmem:s15+$0xC8D0]  }
0x23e: {  	[tilespmem:$0x1F5F0] =	vst v48;
	v48 =	vld [tilespmem:$0x1FFA0]  }
0x23f: {  	[tilespmem:$0x1F600] =	vst v45;
	v45 =	vadd.f32 v51, v49;
	v49 =	vld [tilespmem:s15+$0xC770]  }
0x240: {  	v51 =	vadd.f32 v58, v55;
	v58 =	vld [tilespmem:$0x1FFE0]  }
0x241: {  	[tilespmem:$0x1F2D0] =	vst v3;
	v3 =	vld [tilespmem:s15+$0xC9B0]  }
0x242: {  	v40 =	vmul.f32 v40, v57;
	v57 =	vld [tilespmem:s15+$0x47A0]  }
0x243: {  	v55 =	vld [tilespmem:s15+$0x47C0]  }
0x244: {  	v33 =	vadd.f32 v2, v1;
	v34 =	vmul.f32 v34, v39;
	[tilespmem:$0x1F4A0] =	vst v17;
	v17 =	vld [tilespmem:s15+$0x48E0]  }
0x245: {  	v39 =	vimm.s32 $0x0;
	v1 =	vadd.f32 v53, v47;
	v47 =	vadd.f32 v56, v52;
	v52 =	vld [tilespmem:s15+$0x4780]  }
0x246: {  	v45 =	vmul.f32 v45, v43;
	v43 =	vperm.xlane v61, v39;
	[tilespmem:$0x1F2E0] =	vst v3;
	v3 =	vld [tilespmem:s15+$0x49C0]  }
0x247: {  	v56 =	vld [tilespmem:s15+$0xC790]  }
0x248: {  	v22 =	vmul.f32 v22, v43;
	v43 =	vld [tilespmem:s15+$0xC7B0]  }
0x249: {  	[tilespmem:$0x1F4B0] =	vst v17;
	v17 =	vld [tilespmem:s15+$0xC8E0]  }
0x24a: {  	[tilespmem:$0x1F460] =	vst v7;
	v7 =	vld [tilespmem:s15+$0x48C0]  }
0x24b: {  	v24 =	vadd.f32 v24, v59;
	[tilespmem:$0x1F2F0] =	vst v3;
	v3 =	vld [tilespmem:s15+$0xC9C0]  }
0x24c: {  	v59 =	vimm.s32 $0x5;
	v16 =	vadd.f32 v16, v48;
	v48 =	vadd.f32 v38, v60;
	v38 =	vld [tilespmem:s15+$0xC780]  }
0x24d: {  	v60 =	vperm.xlane v61, v59;
	v59 =	vld [tilespmem:s15+$0xC7A0]  }
0x24e: {  	[tilespmem:$0x1F4C0] =	vst v17;
	v17 =	vld [tilespmem:s15+$0x48F0]  }
0x24f: {  	v22 =	vadd.f32 v22, v28;
	v28 =	vld [tilespmem:s15+$0x4800]  }
0x250: {  	v19 =	vadd.f32 v23, v19;
	[tilespmem:$0x1F300] =	vst v3;
	v3 =	vld [tilespmem:s15+$0xC9D0]  }
0x251: {  	v48 =	vmul.f32 v48, v63;
	v23 =	vmul.f32 v24, v60;
	v60 =	vimm.s32 $0x2;
	v63 =	vld [tilespmem:s15+$0x47B0]  }
0x252: {  	v18 =	vadd.f32 v31, v18;
	[tilespmem:$0x1F610] =	vst v57;
	v31 =	vperm.xlane v61, v60;
	v60 =	vld [tilespmem:s15+$0xC7D0]  }
0x253: {  	v47 =	vmul.f32 v47, v58;
	v58 =	vimm.s32 $0x1;
	[tilespmem:$0x1F4F0] =	vst v17;
	v17 =	vld [tilespmem:s15+$0xC8F0]  }
0x254: {  	v57 =	vimm.s32 $0x7;
	v24 =	vperm.xlane v61, v58;
	[tilespmem:$0x1F470] =	vst v7;
	v7 =	vld [tilespmem:s15+$0xC8C0]  }
0x255: {  	v20 =	vadd.f32 v0, v20;
	v39 =	vimm.s32 $0x3;
	v58 =	vperm.xlane v61, v57;
	[tilespmem:$0x1F310] =	vst v3;
	v3 =	vld [tilespmem:s15+$0x49E0]  }
0x256: {  	v53 =	vimm.s32 $0x6;
	v19 =	vmul.f32 v19, v24;
	v24 =	vperm.xlane v61, v39;
	[tilespmem:$0x1F620] =	vst v59;
	v59 =	vld [tilespmem:s15+$0x47D0]  }
0x257: {  	v20 =	vadd.f32 v33, v20;
	v18 =	vmul.f32 v18, v31;
	v31 =	vperm.xlane v61, v53;
	v61 =	vld [tilespmem:s15+$0x47E0]  }
0x258: {  	[tilespmem:$0x1F500] =	vst v17;
	v17 =	vld [tilespmem:s15+$0x4900]  }
0x259: {  	v20 =	vmul.f32 v20, v24;
	v24 =	vadd.f32 v50, v44;
	v50 =	vld [tilespmem:s15+$0xC7C0]  }
0x25a: {  	[tilespmem:$0x1F320] =	vst v3;
	v3 =	vld [tilespmem:s15+$0xC9E0]  }
0x25b: {  	v33 =	vld [tilespmem:$0x1F230]  }
0x25c: {  	v19 =	vadd.f32 v19, v29;
	v29 =	vld [tilespmem:s15+$0x4810]  }
0x25d: {  	v22 =	vadd.f32 v48, v22;
	[tilespmem:$0x1F510] =	vst v17;
	v17 =	vld [tilespmem:s15+$0xC900]  }
0x25e: {  	[tilespmem:$0x1F630] =	vst v63;
	v63 =	vld [tilespmem:$0x1F210]  }
0x25f: {  	v22 =	vadd.f32 v45, v22;
	[tilespmem:$0x1F330] =	vst v3;
	v3 =	vld [tilespmem:s15+$0xC9F0]  }
0x260: {  	v18 =	vadd.f32 v18, v26;
	v26 =	vld [tilespmem:s15+$0xC620]  }
0x261: {  	v22 =	vadd.f32 v34, v22;
	v34 =	vld [tilespmem:s15+$0x4620]  }
0x262: {  	v42 =	vadd.f32 v42, v37;
	[tilespmem:$0x1F520] =	vst v17;
	v17 =	vld [tilespmem:s15+$0x4910]  }
0x263: {  	v20 =	vadd.f32 v20, v46;
	v24 =	vmul.f32 v24, v58;
	[tilespmem:$0x1F690] =	vst v61;
	v61 =	vld [tilespmem:s15+$0x47F0]  }
0x264: {  	v31 =	vmul.f32 v42, v31;
	[tilespmem:$0x1F340] =	vst v3;
	v3 =	vld [tilespmem:s15+$0x4A00]  }
0x265: {  	v20 =	vadd.f32 v24, v20;
	v24 =	vmul.f32 v1, v32;
	v32 =	vld [tilespmem:$0x1F220]  }
0x266: {  	v19 =	vadd.f32 v23, v19;
	v23 =	vmul.f32 v41, v35;
	v18 =	vadd.f32 v31, v18;
	v35 =	vld [tilespmem:$0x1F240]  }
0x267: {  	v31 =	vmul.f32 v51, v36;
	[tilespmem:$0x1F540] =	vst v17;
	v17 =	vld [tilespmem:s15+$0xC910]  }
0x268: {  	v16 =	vmul.f32 v16, v30;
	v18 =	vadd.f32 v23, v18;
	v51 =	vmul.f32 v63, v27;
	v27 =	vld [tilespmem:s15+$0xC7F0]  }
0x269: {  	v20 =	vadd.f32 v31, v20;
	[tilespmem:$0x1F350] =	vst v3;
	v3 =	vld [tilespmem:s15+$0xCA00]  }
0x26a: {  	[tilespmem:$0x1F640] =	vst v43;
	v16 =	vadd.f32 v16, v18;
	v18 =	vld [tilespmem:$0x1F630]  }
0x26b: {  	v20 =	vadd.f32 v24, v20;
	v24 =	vld [tilespmem:$0x1F640]  }
0x26c: {  	[tilespmem:$0x1F550] =	vst v17;
	v17 =	vld [tilespmem:s15+$0x4720]  }
0x26d: {  	v0 =	vmul.f32 v32, v8;
	v8 =	vld [tilespmem:s15+$0x4630]  }
0x26e: {  	[tilespmem:$0x1F360] =	vst v3;
	v3 =	vld [tilespmem:s15+$0x4A10]  }
0x26f: {  	[tilespmem:$0x1F650] =	vst v55;
	v36 =	vld [tilespmem:$0x1F250]  }
0x270: {  	[tilespmem:$0x1F6D0] =	vst v0;
	v0 =	vmul.f32 v35, v33;
	v33 =	vld [tilespmem:s15+$0xC800]  }
0x271: {  	[tilespmem:$0x1F560] =	vst v17;
	v17 =	vld [tilespmem:s15+$0xC720]  }
0x272: {  	[tilespmem:$0x1F680] =	vst v60;
	v30 =	vmul.f32 v24, v18;
	v18 =	vld [tilespmem:$0x1F650]  }
0x273: {  	[tilespmem:$0x1F370] =	vst v3;
	v3 =	vld [tilespmem:s15+$0xCA10]  }
0x274: {  	v24 =	vld [tilespmem:$0x1F680]  }
0x275: {  	v37 =	vld [tilespmem:$0x1F260]  }
0x276: {  	[tilespmem:$0x1F570] =	vst v17;
	v17 =	vld [tilespmem:s15+$0x4730]  }
0x277: {  	v39 =	vld [tilespmem:$0x1F270]  }
0x278: {  	[tilespmem:$0x1F380] =	vst v3;
	v3 =	vld [tilespmem:s15+$0x4820]  }
0x279: {  	[tilespmem:$0x1F6E0] =	vst v0;
	v0 =	vmul.f32 v36, v10;
	v10 =	vld [tilespmem:s15+$0xC640]  }
0x27a: {  	v41 =	vld [tilespmem:$0x1F280]  }
0x27b: {  	[tilespmem:$0x1F580] =	vst v17;
	v17 =	vld [tilespmem:s15+$0xC730]  }
0x27c: {  	[tilespmem:$0x1F6F0] =	vst v0;
	v0 =	vmul.f32 v39, v37;
	v37 =	vld [tilespmem:$0x1FC40]  }
0x27d: {  	[tilespmem:$0x1F390] =	vst v3;
	v3 =	vld [tilespmem:s15+$0x4830]  }
0x27e: {  	v42 =	vld [tilespmem:$0x1F290]  }
0x27f: {  	[tilespmem:$0x1F700] =	vst v0;
	v0 =	vmul.f32 v41, v11;
	v41 =	vld [tilespmem:s15+$0xC810]  }
0x280: {  	[tilespmem:$0x1F590] =	vst v17;
	v17 =	vld [tilespmem:s15+$0x4740]  }
0x281: {  	v43 =	vld [tilespmem:$0x1F2A0]  }
0x282: {  	[tilespmem:$0x1F3A0] =	vst v3;
	v3 =	vld [tilespmem:s15+$0xC830]  }
0x283: {  	v22 =	vsub.f32 v22, v37;
	v37 =	vld [tilespmem:s15+$0x4650]  }
0x284: {  	v44 =	vld [tilespmem:$0x1F2B0]  }
0x285: {  	[tilespmem:$0x1F5A0] =	vst v17;
	v17 =	vld [tilespmem:s15+$0xC740]  }
0x286: {  	v11 =	vld [tilespmem:s15+$0xC680];
	[tilespmem:$0x1F710] =	vst v0  }
0x287: {  	v0 =	vmul.f32 v43, v42;
	[tilespmem:$0x1F3B0] =	vst v3;
	v3 =	vld [tilespmem:s15+$0x4840]  }
0x288: {  	v45 =	vld [tilespmem:$0x1F2C0]  }
0x289: {  	[tilespmem:$0x1F720] =	vst v0;
	v0 =	vmul.f32 v44, v12;
	v44 =	vld [tilespmem:$0x1FC50]  }
0x28a: {  	[tilespmem:$0x1F5B0] =	vst v17;
	v17 =	vld [tilespmem:s15+$0x4750]  }
0x28b: {  	v12 =	vld [tilespmem:$0x1F620]  }
0x28c: {  	[tilespmem:$0x1F3C0] =	vst v3;
	v3 =	vld [tilespmem:s15+$0xC840]  }
0x28d: {  	v46 =	vld [tilespmem:$0x1F2D0]  }
0x28e: {  	v19 =	vadd.f32 v47, v19;
	v47 =	vld [tilespmem:$0x1F2E0]  }
0x28f: {  	[tilespmem:$0x1F5C0] =	vst v17;
	v17 =	vld [tilespmem:s15+$0xC750]  }
0x290: {  	v48 =	vld [tilespmem:$0x1F2F0]  }
0x291: {  	[tilespmem:$0x1F3D0] =	vst v3;
	v3 =	vld [tilespmem:s15+$0x4850]  }
0x292: {  	v53 =	vld [tilespmem:$0x1F300]  }
0x293: {  	[tilespmem:$0x1F730] =	vst v0;
	v0 =	vmul.f32 v46, v45;
	v55 =	vld [tilespmem:$0x1F310]  }
0x294: {  	[tilespmem:$0x1F5D0] =	vst v17;
	v17 =	vld [tilespmem:s15+$0x4760]  }
0x295: {  	[tilespmem:$0x1F740] =	vst v0;
	v57 =	vld [tilespmem:$0x1F320]  }
0x296: {  	v0 =	vmul.f32 v47, v15;
	[tilespmem:$0x1F3E0] =	vst v3;
	v3 =	vld [tilespmem:s15+$0xC850]  }
0x297: {  	[tilespmem:$0x1F670] =	vst v59;
	v58 =	vld [tilespmem:$0x1F330]  }
0x298: {  	v15 =	vld [tilespmem:s15+$0xC630];
	[tilespmem:$0x1F750] =	vst v0;
	v0 =	vmul.f32 v53, v48  }
0x299: {  	[tilespmem:$0x1F5E0] =	vst v17;
	v17 =	vld [tilespmem:s15+$0xC7E0]  }
0x29a: {  	[tilespmem:$0x1F760] =	vst v0;
	v0 =	vmul.f32 v55, v21;
	v59 =	vld [tilespmem:$0x1F340]  }
0x29b: {  	[tilespmem:$0x1F3F0] =	vst v3;
	v3 =	vld [tilespmem:s15+$0x4860]  }
0x29c: {  	[tilespmem:$0x1F770] =	vst v0;
	v0 =	vmul.f32 v58, v57;
	v58 =	vld [tilespmem:$0x1FC60]  }
0x29d: {  	v60 =	vld [tilespmem:$0x1F350]  }
0x29e: {  	v63 =	vld [tilespmem:$0x1F360]  }
0x29f: {  	v32 =	vld [tilespmem:$0x1F370]  }
0x2a0: {  	[tilespmem:$0x1F400] =	vst v3;
	v3 =	vld [tilespmem:s15+$0x4870]  }
0x2a1: {  	v35 =	vld [tilespmem:$0x1F380]  }
0x2a2: {  	v36 =	vld [tilespmem:$0x1F390]  }
0x2a3: {  	v42 =	vld [tilespmem:$0x1F3C0]  }
0x2a4: {  	[tilespmem:$0x1F780] =	vst v0;
	v43 =	vld [tilespmem:$0x1F3D0]  }
0x2a5: {  	v0 =	vmul.f32 v63, v60;
	[tilespmem:$0x1F410] =	vst v3;
	v3 =	vld [tilespmem:s15+$0xC870]  }
0x2a6: {  	v45 =	vld [tilespmem:$0x1F3E0]  }
0x2a7: {  	[tilespmem:$0x1F790] =	vst v0;
	v0 =	vmul.f32 v35, v32;
	v46 =	vld [tilespmem:$0x1F3F0]  }
0x2a8: {  	v32 =	vld [tilespmem:$0x1F440]  }
0x2a9: {  	[tilespmem:$0x1F7A0] =	vst v0;
	v47 =	vld [tilespmem:$0x1F400]  }
0x2aa: {  	v0 =	vmul.f32 v43, v42;
	[tilespmem:$0x1F420] =	vst v3;
	v3 =	vld [tilespmem:s15+$0x4880]  }
0x2ab: {  	v35 =	vld [tilespmem:$0x1FC70]  }
0x2ac: {  	v39 =	vld [tilespmem:$0x1F3A0];
	[tilespmem:$0x1F7B0] =	vst v0;
	v0 =	vmul.f32 v46, v45  }
0x2ad: {  	v46 =	vmul.f32 v5, v9;
	v5 =	vld [tilespmem:$0x1F460]  }
0x2ae: {  	[tilespmem:$0x1F7C0] =	vst v0;
	v0 =	vmul.f32 v4, v47;
	v4 =	vld [tilespmem:$0x1F450]  }
0x2af: {  	[tilespmem:$0x1F430] =	vst v3;
	v3 =	vld [tilespmem:s15+$0xC880]  }
0x2b0: {  	v57 =	vld [tilespmem:$0x1F430]  }
0x2b1: {  	v19 =	vadd.f32 v40, v19;
	v40 =	vld [tilespmem:$0x1F3B0]  }
0x2b2: {  	v48 =	vld [tilespmem:$0x1F410]  }
0x2b3: {  	v53 =	vld [tilespmem:$0x1F420]  }
0x2b4: {  	v60 =	vadd.f32 v22, v58;
	v43 =	vmul.f32 v5, v4;
	v5 =	vld [tilespmem:$0x1F4A0]  }
0x2b5: {  	v62 =	vmul.f32 v59, v62;
	v59 =	vmul.f32 v3, v57;
	v57 =	vld [tilespmem:$0x1F490]  }
0x2b6: {  	[tilespmem:$0x1F480] =	vst v60;
	v55 =	vmul.f32 v40, v39;
	v39 =	vld [tilespmem:$0x1F520]  }
0x2b7: {  	[tilespmem:$0x1F7D0] =	vst v0;
	v0 =	vsub.f32 v60, v58;
	v60 =	vld [tilespmem:$0x1F4F0]  }
0x2b8: {  	v19 =	vsub.f32 v19, v44;
	v53 =	vmul.f32 v53, v48;
	v48 =	vmul.f32 v6, v32;
	v32 =	vld [tilespmem:$0x1F500]  }
0x2b9: {  	v58 =	vld [tilespmem:$0x1F4B0]  }
0x2ba: {  	v3 =	vadd.f32 v19, v35;
	v40 =	vmul.f32 v5, v57;
	v5 =	vld [tilespmem:$0x1F4C0]  }
0x2bb: {  	v47 =	vld [tilespmem:$0x1F540]  }
0x2bc: {  	v1 =	vsub.f32 v3, v35;
	v35 =	vld [tilespmem:$0x1F510]  }
0x2bd: {  	v63 =	vmul.f32 v14, v36;
	v36 =	vmul.f32 v32, v60;
	v32 =	vld [tilespmem:$0x1F570]  }
0x2be: {  	v57 =	vld [tilespmem:$0x1F550]  }
0x2bf: {  	v42 =	vmul.f32 v5, v58;
	v58 =	vld [tilespmem:$0x1F560]  }
0x2c0: {  	v0 =	vsub.f32 v0, v22;
	v22 =	vmul.f32 v56, v54;
	v54 =	vld [tilespmem:$0x1F610];
	v45 =	vsub.f32 v1, v19  }
0x2c1: {  	v39 =	vmul.f32 v39, v35;
	v35 =	vld [tilespmem:$0x1FC80]  }
0x2c2: {  	[tilespmem:$0x1F530] =	vst v45;
	v45 =	vld [tilespmem:$0x1F580]  }
0x2c3: {  	v60 =	vmul.f32 v57, v47;
	v47 =	vld [tilespmem:$0x1F590]  }
0x2c4: {  	v57 =	vmul.f32 v32, v58;
	v58 =	vld [tilespmem:$0x1F5A0]  }
0x2c5: {  	v32 =	vld [tilespmem:$0x1F5B0]  }
0x2c6: {  	v2 =	vsub.f32 v16, v35;
	v35 =	vld [tilespmem:$0x1FC90]  }
0x2c7: {  	v56 =	vld [tilespmem:$0x1FCB0]  }
0x2c8: {  	v4 =	vld [tilespmem:$0x1F470]  }
0x2c9: {  	v19 =	vmul.f32 v47, v45;
	v47 =	vld [tilespmem:$0x1F5C0]  }
0x2ca: {  	v45 =	vmul.f32 v32, v58;
	v58 =	vld [tilespmem:$0x1F5D0]  }
0x2cb: {  	[tilespmem:$0x1F4D0] =	vst v3;
	v3 =	vsub.f32 v20, v35;
	v35 =	vld [tilespmem:$0x1F5F0]  }
0x2cc: {  	v32 =	vld [tilespmem:$0x1F5E0]  }
0x2cd: {  	v9 =	vld [tilespmem:s15+$0x4670]  }
0x2ce: {  	v54 =	vmul.f32 v12, v54;
	v12 =	vld [tilespmem:s15+$0x4690]  }
0x2cf: {  	v23 =	vmul.f32 v58, v47;
	v47 =	vld [tilespmem:$0x1F600]  }
0x2d0: {  	v44 =	vmul.f32 v7, v4;
	v4 =	vld [tilespmem:s15+$0xC650];
	v14 =	vadd.f32 v3, v56  }
0x2d1: {  	v58 =	vmul.f32 v35, v32;
	v35 =	vmul.f32 v50, v18;
	v50 =	vld [tilespmem:$0x1F6D0]  }
0x2d2: {  	v6 =	vld [tilespmem:s15+$0x4660];
	v1 =	vsub.f32 v14, v56  }
0x2d3: {  	v5 =	vld [tilespmem:s15+$0xC660]  }
0x2d4: {  	v16 =	vld [tilespmem:s15+$0xC670];
	v21 =	vmul.f32 v49, v47;
	v47 =	vsub.f32 v1, v3  }
0x2d5: {  	v32 =	vmul.f32 v38, v52;
	v52 =	vld [tilespmem:$0x1F6F0]  }
0x2d6: {  	[tilespmem:$0x1F6C0] =	vst v47;
	v47 =	vadd.f32 v50, v51;
	v51 =	vld [tilespmem:$0x1F6E0]  }
0x2d7: {  	v20 =	vld [tilespmem:s15+$0x4680]  }
0x2d8: {  	[tilespmem:$0x1F6A0] =	vst v14;
	v14 =	vmul.f32 v15, v8;
	v8 =	vld [tilespmem:s15+$0xC6B0]  }
0x2d9: {  	v49 =	vld [tilespmem:$0x1FCA0]  }
0x2da: {  	v56 =	vld [tilespmem:$0x1F700]  }
0x2db: {  	v50 =	vadd.f32 v52, v51;
	v51 =	vld [tilespmem:$0x1F710]  }
0x2dc: {  	v15 =	vadd.f32 v48, v59;
	v59 =	vld [tilespmem:s15+$0xC6E0]  }
0x2dd: {  	v18 =	vld [tilespmem:s15+$0xC690]  }
0x2de: {  	v1 =	vld [tilespmem:$0x1F770];
	v7 =	vadd.f32 v2, v49  }
0x2df: {  	v52 =	vld [tilespmem:$0x1F720]  }
0x2e0: {  	[tilespmem:$0x1F4E0] =	vst v0;
	v0 =	vsub.f32 v7, v49;
	v56 =	vadd.f32 v51, v56;
	v51 =	vld [tilespmem:$0x1F730]  }
0x2e1: {  	v3 =	vld [tilespmem:$0x1F7C0]  }
0x2e2: {  	[tilespmem:$0x1F660] =	vst v7;
	v7 =	vld [tilespmem:$0x1F670];
	v49 =	vmul.f32 v33, v28;
	v0 =	vsub.f32 v0, v2  }
0x2e3: {  	v33 =	vmul.f32 v41, v29;
	v41 =	vmul.f32 v26, v34;
	v34 =	vld [tilespmem:s15+$0x46B0]  }
0x2e4: {  	[tilespmem:$0x1F6B0] =	vst v0;
	v0 =	vld [tilespmem:$0x1F740]  }
0x2e5: {  	v51 =	vadd.f32 v51, v52;
	v52 =	vld [tilespmem:$0x1F750]  }
0x2e6: {  	v28 =	vmul.f32 v4, v37;
	v37 =	vld [tilespmem:s15+$0x46C0]  }
0x2e7: {  	v26 =	vmul.f32 v16, v9;
	v9 =	vadd.f32 v55, v63;
	v63 =	vld [tilespmem:$0x1F790]  }
0x2e8: {  	v55 =	vld [tilespmem:$0x1F7A0]  }
0x2e9: {  	v31 =	vmul.f32 v24, v7;
	v7 =	vld [tilespmem:$0x1F690]  }
0x2ea: {  	v52 =	vadd.f32 v52, v0;
	v0 =	vld [tilespmem:$0x1F760]  }
0x2eb: {  	v2 =	vmul.f32 v18, v12;
	v12 =	vld [tilespmem:s15+$0x46E0]  }
0x2ec: {  	v24 =	vmul.f32 v27, v61;
	v61 =	vld [tilespmem:s15+$0xC6A0]  }
0x2ed: {  	v23 =	vadd.f32 v23, v45;
	v29 =	vmul.f32 v10, v13;
	v10 =	vadd.f32 v55, v63;
	v63 =	vld [tilespmem:s15+$0xC6D0]  }
0x2ee: {  	v22 =	vadd.f32 v22, v32;
	v21 =	vadd.f32 v21, v58;
	v38 =	vmul.f32 v17, v7;
	v17 =	vld [tilespmem:s15+$0x46A0]  }
0x2ef: {  	v58 =	vimm.s32 $0x8;
	v27 =	vmul.f32 v5, v6;
	v6 =	vadd.f32 v1, v0;
	v0 =	vld [tilespmem:$0x1F780]  }
0x2f0: {  	v32 =	vimm.f32 $0.0e+00;
	v16 =	vadd.f32 v43, v46;
	v46 =	vperm.xlane v25, v58;
	v55 =	vld [tilespmem:$0x1F7D0]  }
0x2f1: {  	v18 =	vadd.f32 v40, v44;
	v40 =	vmul.f32 v59, v12;
	v12 =	vadd.f32 v31, v35;
	v31 =	vld [tilespmem:s15+$0xC710]  }
0x2f2: {  	v28 =	vadd.f32 v28, v29;
	v44 =	vmul.f32 v8, v34;
	v34 =	vimm.f32 $0.0e+00;
	v7 =	vld [tilespmem:s15+$0xC6C0]  }
0x2f3: {  	v26 =	vadd.f32 v26, v27;
	v43 =	vmul.f32 v61, v17;
	v17 =	vadd.f32 v36, v42;
	v42 =	vld [tilespmem:s15+$0x46F0]  }
0x2f4: {  	v59 =	vimm.s32 $0xF;
	v8 =	vadd.f32 v24, v38;
	v5 =	vadd.f32 v62, v0;
	v0 =	vld [tilespmem:s15+$0x46D0]  }
0x2f5: {  	v35 =	vperm.xlane v25, v59;
	v24 =	vadd.f32 v14, v41;
	v14 =	vadd.f32 v33, v49;
	v61 =	vld [tilespmem:s15+$0xC6F0]  }
0x2f6: {  	v33 =	vimm.s32 $0x4;
	v1 =	vmul.f32 v11, v20;
	v20 =	vadd.f32 v19, v57;
	v57 =	vld [tilespmem:s15+$0x4710]  }
0x2f7: {  	v36 =	vmul.f32 v7, v37;
	v7 =	vadd.f32 v30, v54;
	v54 =	vimm.s32 $0xE;
	v62 =	vld [tilespmem:$0x1F7B0]  }
0x2f8: {  	v45 =	vld [tilespmem:s15+$0x4700];
	v30 =	vimm.f32 $0.0e+00;
	v48 =	vperm.xlane v25, v54;
	v27 =	vadd.f32 v44, v43  }
0x2f9: {  	v19 =	vadd.f32 v60, v39;
	v60 =	vimm.s32 $0x9;
	v39 =	vmul.f32 v63, v0;
	v63 =	vld [tilespmem:s15+$0xC700]  }
0x2fa: {  	v41 =	vmul.f32 v61, v42;
	v61 =	vimm.s32 $0xA;
	v54 =	vperm.xlane v25, v60  }
0x2fb: {  	v11 =	vadd.f32 v53, v55;
	v37 =	vperm.xlane v25, v61;
	v43 =	vmul.f32 v31, v57  }
0x2fc: {  	v13 =	vadd.f32 v3, v62;
	v3 =	vimm.s32 $0xC;
	v62 =	vimm.s32 $0xD  }
0x2fd: {  	v29 =	vadd.f32 v2, v1;
	v53 =	vperm.xlane v25, v3;
	v55 =	vperm.xlane v25, v62  }
0x2fe: {  	v62 =	vimm.s32 $0x4;
	v42 =	vmul.f32 v63, v45;
	v63 =	vimm.s32 $0xB  }
0x2ff: {  	s9 =	simm.s32 $0x1000;
	v31 =	vimm.f32 $0.0e+00;
	v49 =	vperm.xlane v25, v62;
	v38 =	vperm.xlane v25, v63  }
.LBB2_5:
0x300: {  	s10 =	sshra.s32 s9, $0x2  }
0x301: {  	v45 =	vld [tilespmem:s10+$0x4920]  }
0x302: {  	v61 =	vadd.f32 v43, v42;
	v42 =	vld [tilespmem:s10+$0xC920]  }
0x303: {  	v43 =	vld [tilespmem:s10+$0x4930]  }
0x304: {  	v62 =	vadd.f32 v50, v47;
	v47 =	vld [tilespmem:s10+$0xC930]  }
0x305: {  	v5 =	vadd.f32 v10, v5;
	v50 =	vld [tilespmem:s10+$0x4940]  }
0x306: {  	v10 =	vadd.f32 v15, v11;
	v15 =	vadd.f32 v23, v20;
	v23 =	vld [tilespmem:s10+$0xC940]  }
0x307: {  	v11 =	vadd.f32 v18, v16;
	v18 =	vadd.f32 v28, v24;
	v24 =	vld [tilespmem:s10+$0x4950]  }
0x308: {  	v20 =	vadd.f32 v29, v26;
	v26 =	vld [tilespmem:s10+$0xC950]  }
0x309: {  	v28 =	vld [tilespmem:s10+$0xC960]  }
0x30a: {  	v8 =	vadd.f32 v14, v8;
	v14 =	vld [tilespmem:s10+$0xC970]  }
0x30b: {  	v29 =	vld [tilespmem:s10+$0x4820]  }
0x30c: {  	v36 =	vadd.f32 v39, v36;
	v39 =	vld [tilespmem:s10+$0xC860]  }
0x30d: {  	v58 =	vadd.f32 v41, v40;
	v40 =	vld [tilespmem:s10+$0x4870]  }
0x30e: {  	v59 =	vimm.s32 $0x6;
	v41 =	vld [tilespmem:s10+$0x4880]  }
0x30f: {  	v0 =	vimm.s32 $0x5;
	v1 =	vimm.s32 $0x7;
	v60 =	vperm.xlane v25, v59;
	v59 =	vld [tilespmem:s10+$0xC8A0]  }
0x310: {  	v63 =	vadd.f32 v51, v56;
	v3 =	vadd.f32 v6, v52;
	v4 =	vimm.s32 $0x0;
	v56 =	vld [tilespmem:s10+$0xC8B0]  }
0x311: {  	v6 =	vadd.f32 v13, v9;
	v9 =	vimm.s32 $0x1;
	v44 =	vperm.xlane v25, v0;
	v57 =	vld [tilespmem:s10+$0xC8C0]  }
0x312: {  	v13 =	vimm.s32 $0x2;
	v2 =	vperm.xlane v25, v1;
	v4 =	vperm.xlane v25, v4;
	v51 =	vld [tilespmem:s10+$0xC8F0]  }
0x313: {  	s8 =	sadd.s32 $0x10, s8;
	v9 =	vperm.xlane v25, v9;
	v16 =	vadd.f32 v19, v17;
	v17 =	vimm.s32 $0x3;
	v52 =	vld [tilespmem:s10+$0x4900]  }
0x314: {  	v13 =	vperm.xlane v25, v13;
	v17 =	vperm.xlane v25, v17;
	v25 =	vld [tilespmem:s8+$0x0]  }
0x315: {  	v19 =	vadd.f32 v22, v21;
	v21 =	vadd.f32 v36, v27;
	v27 =	vld [tilespmem:s10+$0x4960]  }
0x316: {  	v4 =	vmul.f32 v18, v4;
	v18 =	vld [tilespmem:s10+$0x4970]  }
0x317: {  	v9 =	vmul.f32 v20, v9;
	v20 =	vld [tilespmem:s10+$0xC980]  }
0x318: {  	v7 =	vadd.f32 v12, v7;
	v36 =	vld [tilespmem:s10+$0x4850]  }
0x319: {  	v19 =	vmul.f32 v19, v44;
	v44 =	vld [tilespmem:s10+$0xC870]  }
0x31a: {  	v7 =	vmul.f32 v7, v60;
	v60 =	vld [tilespmem:s10+$0x48B0]  }
0x31b: {  	v22 =	vadd.f32 v61, v58;
	v58 =	vld [tilespmem:s10+$0x48D0]  }
0x31c: {  	v61 =	vld [tilespmem:s10+$0xC8D0]  }
0x31d: {  	v5 =	vmul.f32 v5, v35;
	v35 =	vld [tilespmem:s10+$0xC840]  }
0x31e: {  	v15 =	vmul.f32 v15, v49;
	v49 =	vld [tilespmem:s10+$0xC880]  }
0x31f: {  	v0 =	vmul.f32 v62, v53;
	v62 =	vld [tilespmem:s10+$0x48C0]  }
0x320: {  	v1 =	vmul.f32 v63, v55;
	v63 =	vld [tilespmem:s10+$0x48E0]  }
0x321: {  	v6 =	vmul.f32 v6, v46;
	v46 =	vld [tilespmem:s10+$0xC8E0]  }
0x322: {  	v3 =	vmul.f32 v3, v48;
	v48 =	vld [tilespmem:s10+$0x48F0]  }
0x323: {  	v12 =	vmul.f32 v21, v13;
	v13 =	vmul.f32 v22, v17;
	v17 =	vld [tilespmem:s10+$0x4980]  }
0x324: {  	v21 =	vld [tilespmem:s10+$0x4A10]  }
0x325: {  	v22 =	vld [tilespmem:s10+$0xCA10]  }
0x326: {  	v4 =	vadd.f32 v4, v30;
	v30 =	vld [tilespmem:s10+$0xC820]  }
0x327: {  	v9 =	vadd.f32 v9, v34;
	v34 =	vld [tilespmem:s10+$0xC830]  }
0x328: {  	[tilespmem:$0x1ED90] =	vst v56;
	v56 =	vld [tilespmem:s10+$0xC900]  }
0x329: {  	[tilespmem:$0x1EDA0] =	vst v57;
	v57 =	vld [tilespmem:s10+$0x4910]  }
0x32a: {  	[tilespmem:$0x1EE00] =	vst v51;
	v51 =	vld [tilespmem:s10+$0x4740]  }
0x32b: {  	[tilespmem:$0x1EE10] =	vst v52;
	v52 =	vld [tilespmem:s10+$0xC740]  }
0x32c: {  	v2 =	vmul.f32 v8, v2;
	v4 =	vadd.f32 v15, v4;
	v15 =	vld [tilespmem:s10+$0x4990]  }
0x32d: {  	v8 =	vadd.f32 v19, v9;
	v9 =	vmul.f32 v11, v37;
	v11 =	vmul.f32 v16, v38;
	v16 =	vld [tilespmem:s10+$0xC9F0]  }
0x32e: {  	v19 =	vld [tilespmem:s10+$0xCA00]  }
0x32f: {  	v12 =	vadd.f32 v12, v31;
	v31 =	vld [tilespmem:s10+$0x4830]  }
0x330: {  	v13 =	vadd.f32 v13, v32;
	v32 =	vld [tilespmem:s10+$0x4840]  }
0x331: {  	v38 =	vld [tilespmem:s10+$0xC850]  }
0x332: {  	v37 =	vld [tilespmem:s10+$0x4860]  }
0x333: {  	[tilespmem:$0x1EDB0] =	vst v58;
	v58 =	vld [tilespmem:s10+$0xC910]  }
0x334: {  	v10 =	vmul.f32 v10, v54;
	[tilespmem:$0x1EDC0] =	vst v61;
	v61 =	vld [tilespmem:s10+$0x4720]  }
0x335: {  	v7 =	vadd.f32 v7, v12;
	v12 =	vld [tilespmem:s10+$0xC990]  }
0x336: {  	v4 =	vadd.f32 v6, v4;
	v6 =	vadd.f32 v10, v8;
	v8 =	vld [tilespmem:s10+$0x49A0]  }
0x337: {  	v10 =	vld [tilespmem:s10+$0xC9E0]  }
0x338: {  	v2 =	vadd.f32 v2, v13;
	v13 =	vld [tilespmem:s10+$0x4A00]  }
0x339: {  	[tilespmem:$0x1EDD0] =	vst v63;
	v63 =	vld [tilespmem:s10+$0xC720]  }
0x33a: {  	[tilespmem:$0x1EDE0] =	vst v46;
	v46 =	vld [tilespmem:s10+$0x4730]  }
0x33b: {  	[tilespmem:$0x1EDF0] =	vst v48;
	v48 =	vld [tilespmem:s10+$0xC730]  }
0x33c: {  	v7 =	vadd.f32 v9, v7;
	v9 =	vld [tilespmem:s10+$0xC9A0]  }
0x33d: {  	v53 =	vadd.f32 v1, v6;
	v1 =	vld [tilespmem:s10+$0x49B0]  }
0x33e: {  	v0 =	vadd.f32 v0, v4;
	v4 =	vld [tilespmem:s10+$0xC9C0]  }
0x33f: {  	v6 =	vld [tilespmem:s10+$0x49E0];
	[tilespmem:$0x1EE20] =	vst v56  }
0x340: {  	v2 =	vadd.f32 v11, v2;
	v11 =	vld [tilespmem:s10+$0x49F0];
	[tilespmem:$0x1EE30] =	vst v57  }
0x341: {  	[tilespmem:$0x1EE90] =	vst v51;
	v56 =	vld [tilespmem:s10+$0x4750]  }
0x342: {  	[tilespmem:$0x1EEA0] =	vst v52;
	v57 =	vld [tilespmem:s10+$0xC750]  }
0x343: {  	v51 =	vld [tilespmem:s10+$0xC780];
	[tilespmem:$0x1F1A0] =	vst v0  }
0x344: {  	v52 =	vld [tilespmem:s10+$0x4790];
	[tilespmem:$0x1F170] =	vst v53  }
0x345: {  	v32 =	vmul.f32 v35, v32;
	v35 =	vld [tilespmem:$0x1EDA0];
	[tilespmem:$0x1EE40] =	vst v58  }
0x346: {  	v54 =	vadd.f32 v3, v7;
	v3 =	vld [tilespmem:s10+$0xC9B0];
	[tilespmem:$0x1EE50] =	vst v61  }
0x347: {  	v55 =	vadd.f32 v5, v2;
	v2 =	vld [tilespmem:s10+$0x49C0];
	[tilespmem:$0x1EE60] =	vst v63  }
0x348: {  	v5 =	vld [tilespmem:s10+$0x49D0];
	[tilespmem:$0x1EE70] =	vst v46  }
0x349: {  	v7 =	vld [tilespmem:s10+$0xC9D0];
	[tilespmem:$0x1EE80] =	vst v48  }
0x34a: {  	v53 =	vld [tilespmem:s10+$0x4890];
	[tilespmem:$0x1F120] =	vst v32  }
0x34b: {  	v58 =	vld [tilespmem:s10+$0x4760];
	[tilespmem:$0x1F190] =	vst v54  }
0x34c: {  	v61 =	vld [tilespmem:s10+$0xC760];
	[tilespmem:$0x1F180] =	vst v55  }
0x34d: {  	v63 =	vld [tilespmem:s10+$0x4770];
	[tilespmem:$0x1EEB0] =	vst v56  }
0x34e: {  	v46 =	vld [tilespmem:s10+$0xC770];
	[tilespmem:$0x1EEC0] =	vst v57  }
0x34f: {  	v48 =	vld [tilespmem:s10+$0x4780];
	[tilespmem:$0x1EF20] =	vst v51  }
0x350: {  	v55 =	vld [tilespmem:s10+$0xC890];
	[tilespmem:$0x1EF30] =	vst v52  }
0x351: {  	v56 =	vld [tilespmem:s10+$0xC790];
	[tilespmem:$0x1EED0] =	vst v58  }
0x352: {  	v57 =	vld [tilespmem:s10+$0x47A0];
	[tilespmem:$0x1EEE0] =	vst v61  }
0x353: {  	v52 =	vld [tilespmem:s10+$0xC7D0];
	[tilespmem:$0x1EEF0] =	vst v63  }
0x354: {  	v58 =	vld [tilespmem:s10+$0xC7A0];
	[tilespmem:$0x1EF00] =	vst v46  }
0x355: {  	v61 =	vld [tilespmem:s10+$0x47B0];
	[tilespmem:$0x1EF10] =	vst v48  }
0x356: {  	v63 =	vld [tilespmem:s10+$0xC7B0];
	[tilespmem:$0x1EF40] =	vst v56  }
0x357: {  	v46 =	vld [tilespmem:s10+$0x47C0];
	[tilespmem:$0x1EF50] =	vst v57  }
0x358: {  	v54 =	vld [tilespmem:s10+$0x48A0];
	[tilespmem:$0x1EFC0] =	vst v52  }
0x359: {  	v48 =	vld [tilespmem:s10+$0xC7C0];
	[tilespmem:$0x1EF60] =	vst v58  }
0x35a: {  	v32 =	vld [tilespmem:$0x1EE60];
	v57 =	vimm.s32 $0xC;
	[tilespmem:$0x1EF70] =	vst v61  }
0x35b: {  	v52 =	vld [tilespmem:s10+$0xC7F0];
	v0 =	vperm.xlane v25, v57;
	[tilespmem:$0x1EF80] =	vst v63  }
0x35c: {  	v51 =	vld [tilespmem:s10+$0x47D0];
	v61 =	vimm.s32 $0xD;
	[tilespmem:$0x1EF90] =	vst v46  }
0x35d: {  	v58 =	vld [tilespmem:s10+$0xC7E0];
	[tilespmem:$0x1F1F0] =	vst v0;
	v0 =	vperm.xlane v25, v61  }
0x35e: {  	v56 =	vld [tilespmem:s10+$0x47E0];
	[tilespmem:$0x1EFA0] =	vst v48  }
0x35f: {  	v46 =	vld [tilespmem:s10+$0x47F0];
	v61 =	vperm.xlane v25, v33;
	[tilespmem:$0x1F1B0] =	vst v0  }
0x360: {  	v63 =	vimm.s32 $0xE;
	v33 =	vld [tilespmem:s10+$0xC800];
	[tilespmem:$0x1F000] =	vst v52  }
0x361: {  	v0 =	vperm.xlane v25, v63;
	[tilespmem:$0x1F1C0] =	vst v61;
	v52 =	vmul.f32 v23, v50;
	v50 =	vld [tilespmem:s10+$0x4640]  }
0x362: {  	v61 =	vmul.f32 v20, v17;
	v17 =	vld [tilespmem:s10+$0x4650];
	[tilespmem:$0x1EFE0] =	vst v58  }
0x363: {  	v48 =	vimm.s32 $0x8;
	[tilespmem:$0x1F1D0] =	vst v0;
	v58 =	vld [tilespmem:s10+$0x4800]  }
0x364: {  	v0 =	vperm.xlane v25, v48;
	[tilespmem:$0x1F090] =	vst v61;
	v61 =	vld [tilespmem:s10+$0x4630]  }
0x365: {  	v48 =	vmul.f32 v42, v45;
	v45 =	vmul.f32 v10, v6;
	v6 =	vld [tilespmem:s10+$0xC650]  }
0x366: {  	v10 =	vld [tilespmem:s10+$0x4670]  }
0x367: {  	[tilespmem:$0x1F060] =	vst v52;
	v52 =	vmul.f32 v3, v1;
	v3 =	vld [tilespmem:s10+$0xC6A0]  }
0x368: {  	v42 =	vmul.f32 v4, v2;
	v4 =	vld [tilespmem:s10+$0x46B0]  }
0x369: {  	v1 =	vld [tilespmem:s10+$0xC6B0]  }
0x36a: {  	[tilespmem:$0x1EFB0] =	vst v51;
	v2 =	vld [tilespmem:s10+$0x46C0]  }
0x36b: {  	[tilespmem:$0x1EFF0] =	vst v46;
	v46 =	vld [tilespmem:s10+$0x4810]  }
0x36c: {  	v51 =	vimm.s32 $0xF;
	[tilespmem:$0x1F020] =	vst v33;
	v33 =	vmul.f32 v9, v8;
	v9 =	vld [tilespmem:s10+$0xC670]  }
0x36d: {  	v8 =	vld [tilespmem:s10+$0x46A0];
	[tilespmem:$0x1F200] =	vst v0;
	v0 =	vperm.xlane v25, v51  }
0x36e: {  	v51 =	vmul.f32 v47, v43;
	v43 =	vmul.f32 v7, v5;
	v5 =	vld [tilespmem:s10+$0xC660]  }
0x36f: {  	[tilespmem:$0x1F0E0] =	vst v45;
	v45 =	vmul.f32 v39, v37;
	v37 =	vld [tilespmem:$0x1EDC0]  }
0x370: {  	v47 =	vmul.f32 v19, v13;
	v13 =	vld [tilespmem:s10+$0x4680]  }
0x371: {  	[tilespmem:$0x1F0C0] =	vst v42;
	v42 =	vmul.f32 v44, v40;
	v44 =	vmul.f32 v49, v41;
	v49 =	vld [tilespmem:$0x1EDF0]  }
0x372: {  	v40 =	vmul.f32 v59, v54;
	v54 =	vld [tilespmem:$0x1EE10]  }
0x373: {  	v59 =	vld [tilespmem:$0x1EE30]  }
0x374: {  	v41 =	vmul.f32 v35, v62;
	v62 =	vld [tilespmem:$0x1EE50]  }
0x375: {  	v7 =	vld [tilespmem:s10+$0xC690]  }
0x376: {  	[tilespmem:$0x1F0B0] =	vst v33;
	v33 =	vmul.f32 v38, v36;
	v36 =	vld [tilespmem:$0x1EDB0]  }
0x377: {  	[tilespmem:$0x1EFD0] =	vst v56;
	v56 =	vimm.s32 $0x9;
	v38 =	vld [tilespmem:$0x1EDD0]  }
0x378: {  	[tilespmem:$0x1F150] =	vst v0;
	v0 =	vperm.xlane v25, v56;
	v56 =	vld [tilespmem:s10+$0xC810]  }
0x379: {  	[tilespmem:$0x1F100] =	vst v47;
	v47 =	vld [tilespmem:$0x1EDE0]  }
0x37a: {  	[tilespmem:$0x1F0D0] =	vst v43;
	v43 =	vmul.f32 v55, v53;
	v53 =	vld [tilespmem:$0x1EE00]  }
0x37b: {  	v55 =	vld [tilespmem:$0x1EE20]  }
0x37c: {  	[tilespmem:$0x1F050] =	vst v51;
	v51 =	vmul.f32 v14, v18;
	v14 =	vld [tilespmem:$0x1EFE0]  }
0x37d: {  	[tilespmem:$0x1F130] =	vst v33;
	v33 =	vld [tilespmem:$0x1EE70]  }
0x37e: {  	[tilespmem:$0x1F010] =	vst v58;
	v58 =	vmul.f32 v28, v27;
	v27 =	vld [tilespmem:$0x1F020]  }
0x37f: {  	v1 =	vmul.f32 v1, v4;
	v4 =	vld [tilespmem:s10+$0x4710]  }
0x380: {  	[tilespmem:$0x1F030] =	vst v46;
	v46 =	vmul.f32 v16, v11;
	v16 =	vld [tilespmem:s10+$0xC640]  }
0x381: {  	v57 =	vimm.s32 $0xA;
	v11 =	vld [tilespmem:s10+$0xC680]  }
0x382: {  	[tilespmem:$0x1F1E0] =	vst v0;
	v0 =	vperm.xlane v25, v57;
	v57 =	vmul.f32 v26, v24;
	v26 =	vld [tilespmem:$0x1F010]  }
0x383: {  	[tilespmem:$0x1F080] =	vst v58;
	v58 =	vld [tilespmem:s10+$0xC620]  }
0x384: {  	v20 =	vmul.f32 v32, v62;
	v62 =	vld [tilespmem:$0x1EF00]  }
0x385: {  	v32 =	vld [tilespmem:$0x1EF10]  }
0x386: {  	v63 =	vimm.s32 $0xB;
	[tilespmem:$0x1F070] =	vst v57;
	v57 =	vld [tilespmem:s10+$0x4620]  }
0x387: {  	[tilespmem:$0x1F140] =	vst v0;
	v0 =	vperm.xlane v25, v63;
	v63 =	vmul.f32 v12, v15;
	v15 =	vld [tilespmem:s10+$0x4660]  }
0x388: {  	[tilespmem:$0x1F0F0] =	vst v46;
	v46 =	vmul.f32 v34, v31;
	v34 =	vld [tilespmem:$0x1ED90]  }
0x389: {  	v12 =	vld [tilespmem:s10+$0x4690]  }
0x38a: {  	v18 =	vmul.f32 v37, v36;
	v37 =	vmul.f32 v47, v38;
	v47 =	vld [tilespmem:$0x1EE90]  }
0x38b: {  	v35 =	vmul.f32 v53, v49;
	v49 =	vld [tilespmem:$0x1EEA0]  }
0x38c: {  	v53 =	vld [tilespmem:$0x1EEB0]  }
0x38d: {  	v38 =	vmul.f32 v55, v54;
	v54 =	vld [tilespmem:$0x1EEC0]  }
0x38e: {  	v55 =	vld [tilespmem:$0x1EED0]  }
0x38f: {  	[tilespmem:$0x1F0A0] =	vst v63;
	v63 =	vld [tilespmem:s10+$0xC630]  }
0x390: {  	[tilespmem:$0x1F160] =	vst v0;
	v0 =	vld [tilespmem:s10+$0xC6C0]  }
0x391: {  	v39 =	vmul.f32 v34, v60;
	v60 =	vld [tilespmem:$0x1EE40]  }
0x392: {  	v34 =	vld [tilespmem:$0x1EE80]  }
0x393: {  	v27 =	vmul.f32 v27, v26;
	v26 =	vld [tilespmem:$0x1F030]  }
0x394: {  	v58 =	vmul.f32 v58, v57;
	v57 =	vmul.f32 v16, v50;
	v16 =	vld [tilespmem:$0x1F060]  }
0x395: {  	v23 =	vmul.f32 v54, v53;
	v53 =	vld [tilespmem:$0x1EF40]  }
0x396: {  	v36 =	vmul.f32 v60, v59;
	v60 =	vld [tilespmem:$0x1EEF0]  }
0x397: {  	v19 =	vmul.f32 v34, v33;
	v34 =	vmul.f32 v49, v47;
	v47 =	vld [tilespmem:$0x1EF20]  }
0x398: {  	v54 =	vld [tilespmem:$0x1EF50]  }
0x399: {  	v61 =	vmul.f32 v63, v61;
	v63 =	vld [tilespmem:s10+$0x46D0]  }
0x39a: {  	v59 =	vld [tilespmem:$0x1EEE0]  }
0x39b: {  	[tilespmem:$0x1F040] =	vst v48;
	v48 =	vmul.f32 v22, v21;
	v21 =	vmul.f32 v62, v60;
	v62 =	vld [tilespmem:$0x1EF90]  }
0x39c: {  	v32 =	vmul.f32 v47, v32;
	v47 =	vld [tilespmem:$0x1EFA0]  }
0x39d: {  	v49 =	vld [tilespmem:$0x1EF30]  }
0x39e: {  	v20 =	vadd.f32 v19, v20;
	v19 =	vadd.f32 v36, v38;
	v38 =	vld [tilespmem:$0x1F160]  }
0x39f: {  	v36 =	vmul.f32 v0, v2;
	v0 =	vld [tilespmem:s10+$0xC710]  }
0x3a0: {  	v23 =	vadd.f32 v23, v34;
	v34 =	vld [tilespmem:$0x1F170]  }
0x3a1: {  	[tilespmem:$0x1F110] =	vst v48;
	v48 =	vmul.f32 v30, v29;
	v29 =	vmul.f32 v47, v62;
	v62 =	vld [tilespmem:$0x1F070]  }
0x3a2: {  	v33 =	vmul.f32 v59, v55;
	v55 =	vld [tilespmem:$0x1EF60]  }
0x3a3: {  	v59 =	vld [tilespmem:$0x1EF70]  }
0x3a4: {  	v60 =	vld [tilespmem:$0x1EF80]  }
0x3a5: {  	v22 =	vmul.f32 v53, v49;
	v49 =	vld [tilespmem:$0x1EFB0]  }
0x3a6: {  	v50 =	vadd.f32 v62, v16;
	v16 =	vld [tilespmem:$0x1F080]  }
0x3a7: {  	v53 =	vld [tilespmem:$0x1EFC0]  }
0x3a8: {  	v22 =	vadd.f32 v22, v32;
	v32 =	vld [tilespmem:$0x1F180]  }
0x3a9: {  	v31 =	vmul.f32 v55, v54;
	v54 =	vld [tilespmem:$0x1EFD0]  }
0x3aa: {  	v62 =	vmul.f32 v6, v17;
	v6 =	vld [tilespmem:$0x1F090]  }
0x3ab: {  	v26 =	vmul.f32 v56, v26;
	v56 =	vadd.f32 v51, v16;
	v16 =	vld [tilespmem:$0x1F0A0]  }
0x3ac: {  	v55 =	vld [tilespmem:$0x1EFF0]  }
0x3ad: {  	v30 =	vmul.f32 v60, v59;
	v59 =	vld [tilespmem:$0x1F040]  }
0x3ae: {  	v60 =	vld [tilespmem:$0x1F050]  }
0x3af: {  	v28 =	vmul.f32 v53, v49;
	v49 =	vld [tilespmem:s10+$0x46F0]  }
0x3b0: {  	v51 =	vadd.f32 v16, v6;
	v6 =	vld [tilespmem:$0x1F0B0]  }
0x3b1: {  	v53 =	vmul.f32 v9, v10;
	v10 =	vld [tilespmem:$0x1F100]  }
0x3b2: {  	v9 =	vadd.f32 v46, v48;
	v48 =	vld [tilespmem:s10+$0xC6F0]  }
0x3b3: {  	v46 =	vmul.f32 v11, v13;
	v11 =	vld [tilespmem:$0x1F120]  }
0x3b4: {  	v24 =	vmul.f32 v14, v54;
	v54 =	vmul.f32 v5, v15;
	v5 =	vld [tilespmem:$0x1F0C0]  }
0x3b5: {  	v52 =	vadd.f32 v52, v6;
	v6 =	vld [tilespmem:$0x1F0D0]  }
0x3b6: {  	v13 =	vld [tilespmem:$0x1F130]  }
0x3b7: {  	v14 =	vld [tilespmem:$0x1F000]  }
0x3b8: {  	v47 =	vadd.f32 v60, v59;
	v60 =	vld [tilespmem:s10+$0xC6D0]  }
0x3b9: {  	v15 =	vld [tilespmem:$0x1F0F0]  }
0x3ba: {  	v6 =	vadd.f32 v6, v5;
	v5 =	vld [tilespmem:$0x1F0E0]  }
0x3bb: {  	v59 =	vld [tilespmem:s10+$0x46E0]  }
0x3bc: {  	v13 =	vadd.f32 v13, v11;
	v11 =	vadd.f32 v42, v45;
	v42 =	vld [tilespmem:s10+$0x4700]  }
0x3bd: {  	v17 =	vadd.f32 v35, v37;
	v37 =	vld [tilespmem:$0x1F140]  }
0x3be: {  	v35 =	vld [tilespmem:$0x1F150]  }
0x3bf: {  	v5 =	vadd.f32 v15, v5;
	v15 =	vld [tilespmem:$0x1F110]  }
0x3c0: {  	v45 =	vmul.f32 v7, v12;
	v7 =	vadd.f32 v30, v31;
	v31 =	vld [tilespmem:$0x1F190]  }
0x3c1: {  	v30 =	vld [tilespmem:$0x1F1A0]  }
0x3c2: {  	v18 =	vadd.f32 v18, v41;
	v41 =	vmul.f32 v48, v49;
	v49 =	vld [tilespmem:$0x1F1C0]  }
0x3c3: {  	v21 =	vadd.f32 v21, v33;
	v12 =	vadd.f32 v28, v29;
	v14 =	vmul.f32 v14, v55;
	v55 =	vld [tilespmem:s10+$0xC6E0]  }
0x3c4: {  	p0 =	sne.s32 s9, $0xF000;
	v10 =	vadd.f32 v15, v10;
	v15 =	vadd.f32 v43, v44;
	v43 =	vld [tilespmem:s10+$0xC700]  }
.Ltmp1:
0x3c5: {  	v48 =	vld [tilespmem:$0x1F1D0];
	v28 =	vadd.f32 v62, v57;
	v29 =	vadd.f32 v45, v46;
	(pc) =	sbr.rel @p0 .LBB2_5-.Ltmp1, $4  }
0x3c6: {  	v3 =	vmul.f32 v3, v8;
	v46 =	vld [tilespmem:$0x1F200];
	v8 =	vadd.f32 v14, v24;
	v24 =	vadd.f32 v61, v58  }
0x3c7: {  	v33 =	vimm.s32 $0x4;
	v14 =	vadd.f32 v26, v27;
	v26 =	vadd.f32 v53, v54;
	v54 =	vld [tilespmem:$0x1F1E0]  }
0x3c8: {  	v53 =	vld [tilespmem:$0x1F1F0];
	v16 =	vadd.f32 v39, v40;
	v39 =	vmul.f32 v60, v63;
	v40 =	vmul.f32 v55, v59  }
0x3c9: {  	s9 =	sadd.s32 $0x1000, s9;
	v27 =	vadd.f32 v1, v3;
	v55 =	vld [tilespmem:$0x1F1B0];
	v42 =	vmul.f32 v43, v42;
	v43 =	vmul.f32 v0, v4  }
0x3ca: {  	v1 =	vadd.f32 v41, v40  }
0x3cb: {  	v3 =	vadd.f32 v50, v47;
	v4 =	vadd.f32 v51, v56  }
0x3cc: {  	v9 =	vadd.f32 v13, v9;
	v5 =	vadd.f32 v10, v5  }
0x3cd: {  	v10 =	vadd.f32 v15, v11;
	v15 =	vadd.f32 v19, v17;
	v56 =	vimm.s32 $0x5  }
0x3ce: {  	v17 =	vperm.xlane v25, v56;
	v4 =	vmul.f32 v4, v55;
	v55 =	vadd.f32 v22, v21  }
0x3cf: {  	v11 =	vadd.f32 v18, v16;
	v59 =	vadd.f32 v29, v26;
	v60 =	vimm.s32 $0x1  }
0x3d0: {  	v2 =	vadd.f32 v43, v42;
	v16 =	vmul.f32 v55, v17;
	v17 =	vperm.xlane v25, v60  }
0x3d1: {  	v13 =	vadd.f32 v23, v20;
	v57 =	vadd.f32 v28, v24;
	v58 =	vimm.s32 $0x0  }
0x3d2: {  	v62 =	vimm.s32 $0x3;
	v1 =	vadd.f32 v2, v1;
	v2 =	vmul.f32 v59, v17  }
0x3d3: {  	v7 =	vadd.f32 v12, v7;
	v12 =	vimm.s32 $0x6;
	v19 =	vperm.xlane v25, v58  }
0x3d4: {  	v8 =	vadd.f32 v14, v8;
	v12 =	vperm.xlane v25, v12;
	v2 =	vadd.f32 v2, v34  }
0x3d5: {  	v14 =	vimm.s32 $0x7;
	v18 =	vmul.f32 v57, v19;
	v17 =	vperm.xlane v25, v62  }
0x3d6: {  	v14 =	vperm.xlane v25, v14;
	v10 =	vmul.f32 v10, v54;
	v2 =	vadd.f32 v16, v2  }
0x3d7: {  	v13 =	vmul.f32 v13, v49;
	v63 =	vadd.f32 v18, v30;
	v1 =	vmul.f32 v1, v17  }
0x3d8: {  	v9 =	vmul.f32 v9, v46;
	v7 =	vmul.f32 v7, v12;
	v2 =	vadd.f32 v10, v2  }
0x3d9: {  	v8 =	vmul.f32 v8, v14;
	v12 =	vadd.f32 v13, v63;
	v1 =	vadd.f32 v1, v32  }
0x3da: {  	v0 =	vadd.f32 v39, v36;
	v2 =	vadd.f32 v4, v2;
	v4 =	vld [tilespmem:$0x1F4E0]  }
0x3db: {  	v3 =	vmul.f32 v3, v53;
	v1 =	vadd.f32 v8, v1;
	v8 =	vadd.f32 v9, v12  }
0x3dc: {  	v61 =	vimm.s32 $0x2  }
0x3dd: {  	v0 =	vadd.f32 v0, v27;
	v19 =	vperm.xlane v25, v61;
	v3 =	vadd.f32 v3, v8;
	_ =	sdelay $0x1  }
0x3de: {  	v0 =	vmul.f32 v0, v19;
	v3 =	vsub.f32 v3, v4;
	v4 =	vld [tilespmem:$0x1F530];
	_ =	sdelay $0x1  }
0x3df: {  	v0 =	vadd.f32 v0, v31;
	_ =	sdelay $0x1  }
0x3e0: {  	v6 =	vadd.f32 v6, v52;
	v11 =	vmul.f32 v11, v37;
	v0 =	vadd.f32 v7, v0  }
0x3e1: {  	v2 =	vsub.f32 v2, v4;
	v4 =	vld [tilespmem:$0x1F6B0]  }
0x3e2: {  	v6 =	vmul.f32 v6, v48;
	v0 =	vadd.f32 v11, v0;
	_ =	sdelay $0x1  }
0x3e3: {  	v0 =	vadd.f32 v6, v0  }
0x3e4: {  	v7 =	vmul.f32 v15, v38  }
0x3e5: {  	v0 =	vsub.f32 v0, v4;
	v4 =	vld [tilespmem:$0x1F6C0]  }
0x3e6: {  	v5 =	vmul.f32 v5, v35;
	v1 =	vadd.f32 v7, v1;
	_ =	sdelay $0x1  }
0x3e7: {  	v6 =	vld [tilespmem:$0x1F660];
	v1 =	vadd.f32 v5, v1  }
0x3e8: {  	v5 =	vld [tilespmem:$0x1F4D0]  }
0x3e9: {  	v1 =	vsub.f32 v1, v4;
	v4 =	vld [tilespmem:$0x1F480]  }
0x3ea: {  	v7 =	vld [tilespmem:$0x1F6A0];
	_ =	sdelay $0x2  }
0x3eb: {  	s18 =	sadd.s32 $0x1, s18  }
0x3ec: {  	p0 =	sne.s32 s18, $0x100;
	v10 =	vadd.f32 v2, v5;
	v11 =	vadd.f32 v3, v4  }
.Ltmp2:
0x3ed: {  	v9 =	vadd.f32 v0, v6;
	v8 =	vadd.f32 v1, v7;
	(pc) =	sbr.rel @p0 .LBB2_2-.Ltmp2, $4  }
0x3ee: {  	v5 =	vsub.f32 v10, v5;
	v4 =	vsub.f32 v11, v4  }
0x3ef: {  	v6 =	vsub.f32 v9, v6;
	v7 =	vsub.f32 v8, v7  }
0x3f0: {  	v12 =	vsub.f32 v4, v3;
	v4 =	vsub.f32 v5, v2  }
0x3f1: {  	v2 =	vsub.f32 v6, v0;
	v3 =	vsub.f32 v7, v1  }
0x3f2: {  	v0 =	vsub.f32 v11, v12;
	v1 =	vsub.f32 v10, v4  }
0x3f3: {  	v2 =	vsub.f32 v9, v2;
	v3 =	vsub.f32 v8, v3;
	_ =	sdelay $0x1  }
0x3f4: {  	v0 =	vadd.f32 v1, v0;
	v63 =	vadd.f32 v3, v2;
	_ =	sdelay $0x1  }
0x3f5: {  	s28 =	sadd.s32 $0x1, s28;
	v0 =	vadd.f32 v63, v0  }
0x3f6: {  	p0 =	sne.s32 s28, s16  }
.Ltmp3:
0x3f7: {  	s8 =	rddreg [dreg:$0xa];
	s9 =	simm.s32 $0x10620;
	[tilespmem:$0x10620] =	vst v0;
	(pc) =	sbr.rel @p0 .LBB2_1-.Ltmp3, $4  }
0x3f8: {  	[hbm4b:s8+s5] =	stream.linear.scatter [tilespmem:s9], [sflag:$0x4], $0x10, $0x38;
	[tilespmem:$0x10630] =	vst v63  }
0x3f9: {  	_ =	swait.ge [sflag:s17], $0x10  }
0x3fa: {  	[sflag:s17] =	ssyncset.done $0x0  }
0x3fb: {  	[sflag:s17] =	ssyncadd.s32 $0xFFFFFFF0  }
0x3fc: {  	_ =	sfence.sel $0x180000  }
0x3fd: {  	[bflag:$0x0] =	sbarrier.arrive $0xFFFF  }
0x3fe: {  	_ =	strace $0x90000047  }
0x3ff: {  	s0 =	stileid.u32;
	[bflag:$0x2] =	sbarrier.arrive $0xFFFF  }
0x400: {  	p0 =	sne.s32 s0, $0x0;
	s0 =	rddreg [dreg:$0x4]  }
0x401: {  	s0 =	sadd.s32 @!p0 $0x100000, s0  }
0x402: {  	[sflag:s0] =	ssyncadd.tile.s32 @!p0 $0x1;
	_ =	shalt  }
.Lfunc_end2:
_tile_overlayer_lowered:
.L_overlay_start_2:
0x403: {  	(tag) =	ssettag $0x2  }
0x404: {  	s0 =	rddreg [dreg:$0x0];
	s2 =	stileid.u32  }
0x405: {  	s1 =	rddreg [dreg:$0x1];
	p0 =	sne.s32 s2, $0x0  }
0x406: {  	s3 =	rddreg [dreg:$0x2];
	[bflag:$0x3] =	sbarrier.arrive $0xFFFF;
	s2 =	simm.s32 @!p0 $0x1C04  }
0x407: {  	[timem:s3], [sflag:s2] =	dma.local @!p0 [hbm:s0], s1  }
0x408: {  	s0 =	simm.s32 @!p0 $0x4  }
0x409: {  	_ =	swait.ge @!p0 [sflag:s0], s1  }
0x40a: {  	s1 =	ssub.s32 @!p0 $0x0, s1;
	[sflag:s0] =	ssyncset.done @!p0 $0x0  }
0x40b: {  	[sflag:s0] =	ssyncadd.s32 @!p0 s1  }
0x40c: {  	[bflag:$0x3] =	sbarrier.arrive $0xFFFF  }
0x40d: {  	_ =	shalt  }

</sc_bundles>
